<compile_context>
chip_gen: v7x
topology: tpu7x:2x2x1
jax: 0.10.2.dev20260603
libtpu: 0.0.44.dev20260713+nightly
codegen_flags: <defaults>
</compile_context>

<pallas_src>
import functools

import jax
import jax.numpy as jnp
from jax import lax
from jax.experimental import pallas as pl
from jax.experimental.pallas import tpu as pltpu
from jax.experimental.pallas import tpu_sc as plsc

_CHUNK = 128
_NW = 32
_LANES = 16


def _sig(x):
    return 1.0 / (1.0 + jnp.exp(-x))



_DN = (((1,), (1,)), ((), ()))


def _proj_kernel(nf_ref, w1s_ref, w1d_ref, ps_ref, pd_ref):
    nfb = nf_ref[...]
    ps_ref[...] = lax.dot_general(nfb, w1s_ref[...], _DN,
                                  preferred_element_type=jnp.float32)
    pd_ref[...] = lax.dot_general(nfb, w1d_ref[...], _DN,
                                  preferred_element_type=jnp.float32)


def _proj(nf, w1s, w1d):
    n, d = nf.shape
    nb = 2000 if n % 2000 == 0 else n
    return pl.pallas_call(
        _proj_kernel,
        grid=(n // nb,),
        in_specs=[pl.BlockSpec((nb, d), lambda i: (i, 0)),
                  pl.BlockSpec((d, d), lambda i: (0, 0)),
                  pl.BlockSpec((d, d), lambda i: (0, 0))],
        out_specs=[pl.BlockSpec((nb, d), lambda i: (i, 0)),
                   pl.BlockSpec((nb, d), lambda i: (i, 0))],
        out_shape=[jax.ShapeDtypeStruct((n, d), jnp.float32)] * 2,
    )(nf, w1s, w1d)


def _edge_kernel(h0_ref, ef_ref, w1e_ref, b1_ref, lng_ref, lnb_ref,
                 gw_ref, gb_ref, c0_ref, g_ref):
    ef = ef_ref[...]
    h = (h0_ref[...]
         + lax.dot_general(ef, w1e_ref[...], _DN,
                           preferred_element_type=jnp.float32)
         + b1_ref[...])
    mu = jnp.mean(h, axis=1, keepdims=True)
    hc = h - mu
    var = jnp.mean(hc * hc, axis=1, keepdims=True)
    hn = hc * lax.rsqrt(var + 1e-5) * lng_ref[...] + lnb_ref[...]
    hr = jnp.maximum(hn, 0.0)
    gate = _sig(jnp.sum(ef * gw_ref[...], axis=1, keepdims=True) + gb_ref[...])
    g_ref[...] = (hr + c0_ref[...]) * gate


def _edge_mlp(h0, efp, lo, w1e, b1, ln_g, ln_b, gate_w, gate_b, c0):
    eh, d = h0.shape
    de = efp.shape[1]
    be = 2048
    ob = lo // be
    return pl.pallas_call(
        _edge_kernel,
        grid=(eh // be,),
        in_specs=[pl.BlockSpec((be, d), lambda i: (i, 0)),
                  pl.BlockSpec((be, de), lambda i: (i + ob, 0)),
                  pl.BlockSpec((d, de), lambda i: (0, 0)),
                  pl.BlockSpec((1, d), lambda i: (0, 0)),
                  pl.BlockSpec((1, d), lambda i: (0, 0)),
                  pl.BlockSpec((1, d), lambda i: (0, 0)),
                  pl.BlockSpec((1, de), lambda i: (0, 0)),
                  pl.BlockSpec((1, 1), lambda i: (0, 0)),
                  pl.BlockSpec((1, d), lambda i: (0, 0))],
        out_specs=pl.BlockSpec((be, d), lambda i: (i, 0)),
        out_shape=jax.ShapeDtypeStruct((eh, d), jnp.float32),
    )(h0, efp, w1e, b1, ln_g, ln_b, gate_w, gate_b, c0)


def _update_kernel(nf_ref, gpa_ref, gpb_ref, w2_ref, wih_ref, whh_ref,
                   bih_ref, bhh_ref, out_ref):
    nfb = nf_ref[...]
    d = nfb.shape[1]
    g = (gpa_ref[0] + gpa_ref[1]) + (gpb_ref[0] + gpb_ref[1])
    agg = lax.dot_general(g, w2_ref[...], _DN,
                          preferred_element_type=jnp.float32)
    gi = lax.dot_general(agg, wih_ref[...], _DN,
                         preferred_element_type=jnp.float32) + bih_ref[...]
    gh = lax.dot_general(nfb, whh_ref[...], _DN,
                         preferred_element_type=jnp.float32) + bhh_ref[...]
    r = _sig(gi[:, :d] + gh[:, :d])
    z = _sig(gi[:, d:2 * d] + gh[:, d:2 * d])
    n = jnp.tanh(gi[:, 2 * d:] + r * gh[:, 2 * d:])
    out_ref[...] = (1.0 - z) * n + z * nfb


def _gru_update(nf, gpa, gpb, w2, wih, whh, bih, bhh):
    n, d = nf.shape
    nb = 2000 if n % 2000 == 0 else n
    return pl.pallas_call(
        _update_kernel,
        grid=(n // nb,),
        in_specs=[pl.BlockSpec((nb, d), lambda i: (i, 0)),
                  pl.BlockSpec((2, nb, d), lambda i: (0, i, 0)),
                  pl.BlockSpec((2, nb, d), lambda i: (0, i, 0)),
                  pl.BlockSpec((d, d), lambda i: (0, 0)),
                  pl.BlockSpec((3 * d, d), lambda i: (0, 0)),
                  pl.BlockSpec((3 * d, d), lambda i: (0, 0)),
                  pl.BlockSpec((1, 3 * d), lambda i: (0, 0)),
                  pl.BlockSpec((1, 3 * d), lambda i: (0, 0))],
        out_specs=pl.BlockSpec((nb, d), lambda i: (i, 0)),
        out_shape=jax.ShapeDtypeStruct((n, d), jnp.float32),
    )(nf, gpa, gpb, w2, wih, whh, bih, bhh)




@functools.lru_cache(maxsize=None)
def _make_gather(n_nodes, d, eh, part_off):
    ch_per_w = eh // (_NW * _CHUNK)
    epw = ch_per_w * _CHUNK
    assert ch_per_w % 2 == 0 and ch_per_w >= 2
    mesh = plsc.VectorSubcoreMesh(core_axis_name="c", subcore_axis_name="s",
                                  num_cores=2, num_subcores=16)

    @functools.partial(
        pl.kernel,
        out_type=jax.ShapeDtypeStruct((eh, d), jnp.float32),
        mesh=mesh,
        scratch_types=[
            pltpu.VMEM((2, _CHUNK), jnp.int32),
            pltpu.VMEM((2, _CHUNK), jnp.int32),
            pltpu.VMEM((_CHUNK, d), jnp.float32),
            pltpu.VMEM((_CHUNK, d), jnp.float32),
            pltpu.VMEM((_CHUNK, d), jnp.float32),
            pltpu.VMEM((_CHUNK, d), jnp.float32),
            pltpu.SemaphoreType.DMA,
            pltpu.SemaphoreType.DMA,
        ],
    )
    def gather(ps_hbm, pd_hbm, src_hbm, dst_hbm, h0_hbm,
               sidx, didx, bufs_a, bufd_a, bufs_b, bufd_b, sem_a, sem_b):
        wid = lax.axis_index("s") * 2 + lax.axis_index("c")
        base = wid * epw
        nch = ch_per_w

        def load_idx(ci, b):
            e0 = part_off + base + ci * _CHUNK
            pltpu.sync_copy(src_hbm.at[pl.ds(e0, _CHUNK)], sidx.at[b])
            pltpu.sync_copy(dst_hbm.at[pl.ds(e0, _CHUNK)], didx.at[b])

        def fire(b, bs, bd, sem):
            pltpu.async_copy(ps_hbm.at[sidx.at[b]], bs, sem)
            pltpu.async_copy(pd_hbm.at[didx.at[b]], bd, sem)

        def drain(b, bs, bd, sem):
            pltpu.make_async_copy(ps_hbm.at[sidx.at[b]], bs, sem).wait()
            pltpu.make_async_copy(pd_hbm.at[didx.at[b]], bd, sem).wait()

        def add_and_store(ci, bs, bd):
            def row(i, c2):
                for j in range(d // _LANES):
                    sl = pl.ds(j * _LANES, _LANES)
                    bs[i, sl] = bs[i, sl] + bd[i, sl]
                return c2

            lax.fori_loop(0, _CHUNK, row, 0)
            pltpu.sync_copy(bs, h0_hbm.at[pl.ds(base + ci * _CHUNK, _CHUNK)])

        load_idx(0, 0)
        fire(0, bufs_a, bufd_a, sem_a)

        def pair(ci2, carry):
            ca = 2 * ci2
            load_idx(ca + 1, 1)
            fire(1, bufs_b, bufd_b, sem_b)
            drain(0, bufs_a, bufd_a, sem_a)
            add_and_store(ca, bufs_a, bufd_a)
            load_idx(jnp.minimum(ca + 2, nch - 2), 0)
            fire(0, bufs_a, bufd_a, sem_a)
            drain(1, bufs_b, bufd_b, sem_b)
            add_and_store(ca + 1, bufs_b, bufd_b)
            return carry

        lax.fori_loop(0, nch // 2, pair, 0)
        drain(0, bufs_a, bufd_a, sem_a)

    return gather


@functools.lru_cache(maxsize=None)
def _make_scatter(tbl, d, eh, part_off):
    ch_per_w = eh // (_NW * _CHUNK)
    epw = ch_per_w * _CHUNK
    rows_per_sub = tbl // 16
    zch = rows_per_sub // _CHUNK
    mesh = plsc.VectorSubcoreMesh(core_axis_name="c", subcore_axis_name="s",
                                  num_cores=2, num_subcores=16)

    assert ch_per_w % 2 == 0 and ch_per_w >= 2

    @functools.partial(
        pl.kernel,
        out_type=jax.ShapeDtypeStruct((2, tbl, d), jnp.float32),
        mesh=mesh,
        scratch_types=[
            pltpu.VMEM((2, _CHUNK), jnp.int32),
            pltpu.VMEM((_CHUNK, d), jnp.float32),
            pltpu.VMEM((_CHUNK, d), jnp.float32),
            pltpu.VMEM_SHARED((tbl, d), jnp.float32),
            pltpu.SemaphoreType.DMA,
            pltpu.SemaphoreType.DMA,
        ],
    )
    def scatter(g_hbm, dst_hbm, outg_hbm,
                idx, buf_a, buf_b, gtab, sem_a, sem_b):
        cid = lax.axis_index("c")
        sid = lax.axis_index("s")
        wid = sid * 2 + cid
        base = wid * epw
        r0 = sid * rows_per_sub
        nch = ch_per_w

        def zrow(i, c2):
            for j in range(d // _LANES):
                buf_a[i, pl.ds(j * _LANES, _LANES)] = jnp.zeros((_LANES,),
                                                                jnp.float32)
            return c2

        lax.fori_loop(0, _CHUNK, zrow, 0)

        def zchunk(k, c2):
            pltpu.sync_copy(buf_a, gtab.at[pl.ds(r0 + k * _CHUNK, _CHUNK)])
            return c2

        lax.fori_loop(0, zch, zchunk, 0)
        plsc.subcore_barrier()

        def fire(ci, b, buf, sem):
            e0 = base + ci * _CHUNK
            pltpu.async_copy(dst_hbm.at[pl.ds(part_off + e0, _CHUNK)],
                             idx.at[b], sem)
            pltpu.async_copy(g_hbm.at[pl.ds(e0, _CHUNK)], buf, sem)

        def drain(b, buf, sem):
            pltpu.make_async_copy(dst_hbm.at[pl.ds(part_off + base, _CHUNK)],
                                  idx.at[b], sem).wait()
            pltpu.make_async_copy(g_hbm.at[pl.ds(base, _CHUNK)],
                                  buf, sem).wait()

        fire(0, 0, buf_a, sem_a)

        def pair(ci2, carry):
            ca = 2 * ci2
            fire(ca + 1, 1, buf_b, sem_b)
            drain(0, buf_a, sem_a)
            pltpu.sync_copy(buf_a, gtab.at[idx.at[0]], add=True)
            fire(jnp.minimum(ca + 2, nch - 2), 0, buf_a, sem_a)
            drain(1, buf_b, sem_b)
            pltpu.sync_copy(buf_b, gtab.at[idx.at[1]], add=True)
            return carry

        lax.fori_loop(0, nch // 2, pair, 0)
        drain(0, buf_a, sem_a)
        plsc.subcore_barrier()

        def wchunk(k, c2):
            rr = r0 + k * _CHUNK
            pltpu.sync_copy(gtab.at[pl.ds(rr, _CHUNK)], buf_a)
            pltpu.sync_copy(buf_a, outg_hbm.at[cid, pl.ds(rr, _CHUNK)])
            return c2

        lax.fori_loop(0, zch, wchunk, 0)

    return scatter




def kernel(node_features, edge_indices, edge_features, W1, b1, ln_g, ln_b,
           W2, b2, gru_wih, gru_whh, gru_bih, gru_bhh, gate_w, gate_b):
    n, d = node_features.shape
    e, de = edge_features.shape

    chunks = -(-e // _CHUNK)
    chunks_pad = -(-chunks // (4 * _NW)) * (4 * _NW)
    e_pad = chunks_pad * _CHUNK
    eh = e_pad // 2
    pad = e_pad - e
    tbl = -(-(n + 1) // (16 * _CHUNK)) * (16 * _CHUNK)

    src = edge_indices[0]
    dst = edge_indices[1]
    gpad = jnp.arange(pad, dtype=jnp.int32) % n
    srcp = jnp.concatenate([src, gpad])
    dstg = jnp.concatenate([dst, gpad])
    pad_rows = n + jnp.arange(pad, dtype=jnp.int32) % (tbl - n)
    dsts = jnp.concatenate([dst, pad_rows])
    efp = jnp.concatenate([edge_features, jnp.zeros((pad, de), jnp.float32)],
                          axis=0)

    w1s = W1[:, :d]
    w1d = W1[:, d:2 * d]
    w1e = W1[:, 2 * d:]
    c0 = jnp.linalg.solve(W2, b2.astype(jnp.float32))

    ps, pd = _proj(node_features, w1s, w1d)

    mlp_args = (w1e, b1.reshape(1, d), ln_g.reshape(1, d),
                ln_b.reshape(1, d), gate_w.reshape(1, de),
                gate_b.reshape(1, 1), c0.reshape(1, d))
    h0a = _make_gather(n, d, eh, 0)(ps, pd, srcp, dstg)
    h0b = _make_gather(n, d, eh, eh)(ps, pd, srcp, dstg)
    ga = _edge_mlp(h0a, efp, 0, *mlp_args)
    gb = _edge_mlp(h0b, efp, eh, *mlp_args)
    gpa = _make_scatter(tbl, d, eh, 0)(ga, dsts)
    gpb = _make_scatter(tbl, d, eh, eh)(gb, dsts)
    out = _gru_update(node_features, gpa, gpb, W2, gru_wih, gru_whh,
                      gru_bih.reshape(1, 3 * d), gru_bhh.reshape(1, 3 * d))
    return out

# --- scband reference (transcript-rebuilt; emitter-appended) ---
"""Pipeline reference for scband-message-passing-layer-28295244546255 (READ-ONLY COPY).

The authoritative reference and input builder live on the scoring server;
editing this copy changes nothing except your own understanding.
"""

import jax, jax.numpy as jnp
import numpy as np

N, D, E, DE = 10000, 128, 320000, 16


def setup_inputs(seed: int = 0) -> dict:
    key = jax.random.key(seed)
    ks = jax.random.split(key, 12)
    inp = {}
    inp["node_features"] = jax.random.normal(ks[0], (N, D), dtype=jnp.float32)
    inp["edge_indices"] = jax.random.randint(ks[1], (2, E), 0, N, dtype=jnp.int32)
    inp["edge_features"] = jax.random.normal(ks[2], (E, DE), dtype=jnp.float32)
    # message_mlp: Linear(2D+DE, D) -> LayerNorm(D) -> ReLU -> Linear(D, D)
    inp["W1"] = 0.02 * jax.random.normal(ks[3], (D, 2 * D + DE), dtype=jnp.float32)
    inp["b1"] = jnp.zeros((D,), dtype=jnp.float32)
    inp["ln_g"] = jnp.ones((D,), dtype=jnp.float32)
    inp["ln_b"] = jnp.zeros((D,), dtype=jnp.float32)
    inp["W2"] = 0.02 * jax.random.normal(ks[4], (D, D), dtype=jnp.float32)
    inp["b2"] = jnp.zeros((D,), dtype=jnp.float32)
    # GRUCell(D, D)
    inp["gru_wih"] = 0.02 * jax.random.normal(ks[5], (3 * D, D), dtype=jnp.float32)
    inp["gru_whh"] = 0.02 * jax.random.normal(ks[6], (3 * D, D), dtype=jnp.float32)
    inp["gru_bih"] = jnp.zeros((3 * D,), dtype=jnp.float32)
    inp["gru_bhh"] = jnp.zeros((3 * D,), dtype=jnp.float32)
    # edge_gate: Linear(DE, 1) -> Sigmoid
    inp["gate_w"] = 0.02 * jax.random.normal(ks[7], (1, DE), dtype=jnp.float32)
    inp["gate_b"] = jnp.zeros((1,), dtype=jnp.float32)
    return inp


def reference(node_features, edge_indices, edge_features, W1, b1, ln_g, ln_b, W2, b2,
              gru_wih, gru_whh, gru_bih, gru_bhh, gate_w, gate_b):
    src_idx = edge_indices[0]
    dst_idx = edge_indices[1]
    src = jnp.take(node_features, src_idx, axis=0)
    dst = jnp.take(node_features, dst_idx, axis=0)
    x = jnp.concatenate([src, dst, edge_features], axis=1)
    h = x @ W1.T + b1
    mu = jnp.mean(h, axis=-1, keepdims=True)
    var = jnp.var(h, axis=-1, keepdims=True)
    h = (h - mu) / jnp.sqrt(var + 1e-5) * ln_g + ln_b
    h = jax.nn.relu(h)
    messages = h @ W2.T + b2
    gate = jax.nn.sigmoid(edge_features @ gate_w.T + gate_b)
    messages = messages * gate
    agg = jnp.zeros_like(node_features).at[dst_idx].add(messages)
    # GRUCell: input=agg, hidden=node_features
    gi = agg @ gru_wih.T + gru_bih
    gh = node_features @ gru_whh.T + gru_bhh
    i_r, i_z, i_n = jnp.split(gi, 3, axis=1)
    h_r, h_z, h_n = jnp.split(gh, 3, axis=1)
    r = jax.nn.sigmoid(i_r + h_r)
    z = jax.nn.sigmoid(i_z + h_z)
    n = jnp.tanh(i_n + r * h_n)
    out = (1.0 - z) * n + z * node_features
    return out

if __name__ == "__main__":
    import jax
    _d = setup_inputs()
    print(jax.jit(kernel)(*tuple(_d.values())))

</pallas_src>

<mosaic_0001>
#map = affine_map<(d0, d1) -> (0, 0)>
#map1 = affine_map<(d0, d1) -> (0)>
#map2 = affine_map<(d0, d1) -> (0, 0, 0)>
module attributes {stable_mosaic.version = 14 : i64} {
  func.func @scatter(%arg0: i32, %arg1: i32, %arg2: memref<163840x128xf32, #tpu.memory_space<hbm>>, %arg3: memref<327680xi32, #tpu.memory_space<hbm>>, %arg4: memref<2x10240x128xf32, #tpu.memory_space<hbm>>, %arg5: memref<2x128xi32, #tpu.memory_space<vmem>>, %arg6: memref<128x128xf32, #tpu.memory_space<vmem>>, %arg7: memref<128x128xf32, #tpu.memory_space<vmem>>, %arg8: memref<10240x128xf32, #tpu.memory_space<vmem_shared>>, %arg9: memref<!tpu.dma_semaphore, #tpu.memory_space<semaphore_mem>>, %arg10: memref<!tpu.dma_semaphore, #tpu.memory_space<semaphore_mem>>) attributes {dimension_semantics = [#tpu.dimension_semantics<core_parallel>, #tpu.dimension_semantics<subcore_parallel>], iteration_bounds = array<i64: 2, 16>, scalar_prefetch = 0 : i64, scratch_operands = 6 : i64, tpu.core_type = #tpu.core_type<sc_vector_subcore>, window_params = [{transform_indices = #map}, {transform_indices = #map1}, {transform_indices = #map2}]} {
    %mul3A = arith.constant 2 : i32
    %mul3A_0 = arith.muli %arg1, %mul3A : i32
    %add3A = arith.addi %mul3A_0, %arg0 : i32
    %mul3A_1 = arith.constant 5120 : i32
    %mul3A_2 = arith.muli %add3A, %mul3A_1 : i32
    %mul3A_3 = arith.constant 640 : i32
    %mul3A_4 = arith.muli %arg1, %mul3A_3 : i32
    %scan3A = arith.constant 0 : i32
    %scan3A_5 = arith.constant 0 : i32
    %scan3A_6 = arith.constant 128 : i32
    %scan3A_7 = arith.addi %scan3A_5, %scan3A_6 : i32
    %scan3A_8 = arith.constant 1 : i32
    scf.for %scan3A_59 = %scan3A_5 to %scan3A_7 step %scan3A_8  : i32 {
      %broadcast_in_dim3A = arith.constant 0.000000e+00 : f32
      %broadcast_in_dim3A_60 = vector.broadcast %broadcast_in_dim3A : f32 to vector<16xf32>
      %swap3A = arith.index_cast %scan3A_59 : i32 to index
      %swap3A_61 = arith.constant 0 : index
      %swap3A_62 = tpu.vector_load %arg6[%swap3A, %swap3A_61] {strides = array<i32>} : memref<128x128xf32, #tpu.memory_space<vmem>>, vector<1x16xf32>,
      %swap3A_63 = vector.shape_cast %swap3A_62 : vector<1x16xf32> to vector<16xf32>
      %swap3A_64 = vector.shape_cast %broadcast_in_dim3A_60 : vector<16xf32> to vector<1x16xf32>
      tpu.vector_store %arg6[%swap3A, %swap3A_61], %swap3A_64 {strides = array<i32>} : memref<128x128xf32, #tpu.memory_space<vmem>>, vector<1x16xf32>,
      %broadcast_in_dim3A_65 = arith.constant 0.000000e+00 : f32
      %broadcast_in_dim3A_66 = vector.broadcast %broadcast_in_dim3A_65 : f32 to vector<16xf32>
      %swap3A_67 = arith.index_cast %scan3A_59 : i32 to index
      %swap3A_68 = arith.constant 16 : index
      %swap3A_69 = tpu.vector_load %arg6[%swap3A_67, %swap3A_68] {strides = array<i32>} : memref<128x128xf32, #tpu.memory_space<vmem>>, vector<1x16xf32>,
      %swap3A_70 = vector.shape_cast %swap3A_69 : vector<1x16xf32> to vector<16xf32>
      %swap3A_71 = vector.shape_cast %broadcast_in_dim3A_66 : vector<16xf32> to vector<1x16xf32>
      tpu.vector_store %arg6[%swap3A_67, %swap3A_68], %swap3A_71 {strides = array<i32>} : memref<128x128xf32, #tpu.memory_space<vmem>>, vector<1x16xf32>,
      %broadcast_in_dim3A_72 = arith.constant 0.000000e+00 : f32
      %broadcast_in_dim3A_73 = vector.broadcast %broadcast_in_dim3A_72 : f32 to vector<16xf32>
      %swap3A_74 = arith.index_cast %scan3A_59 : i32 to index
      %swap3A_75 = arith.constant 32 : index
      %swap3A_76 = tpu.vector_load %arg6[%swap3A_74, %swap3A_75] {strides = array<i32>} : memref<128x128xf32, #tpu.memory_space<vmem>>, vector<1x16xf32>,
      %swap3A_77 = vector.shape_cast %swap3A_76 : vector<1x16xf32> to vector<16xf32>
      %swap3A_78 = vector.shape_cast %broadcast_in_dim3A_73 : vector<16xf32> to vector<1x16xf32>
      tpu.vector_store %arg6[%swap3A_74, %swap3A_75], %swap3A_78 {strides = array<i32>} : memref<128x128xf32, #tpu.memory_space<vmem>>, vector<1x16xf32>,
      %broadcast_in_dim3A_79 = arith.constant 0.000000e+00 : f32
      %broadcast_in_dim3A_80 = vector.broadcast %broadcast_in_dim3A_79 : f32 to vector<16xf32>
      %swap3A_81 = arith.index_cast %scan3A_59 : i32 to index
      %swap3A_82 = arith.constant 48 : index
      %swap3A_83 = tpu.vector_load %arg6[%swap3A_81, %swap3A_82] {strides = array<i32>} : memref<128x128xf32, #tpu.memory_space<vmem>>, vector<1x16xf32>,
      %swap3A_84 = vector.shape_cast %swap3A_83 : vector<1x16xf32> to vector<16xf32>
      %swap3A_85 = vector.shape_cast %broadcast_in_dim3A_80 : vector<16xf32> to vector<1x16xf32>
      tpu.vector_store %arg6[%swap3A_81, %swap3A_82], %swap3A_85 {strides = array<i32>} : memref<128x128xf32, #tpu.memory_space<vmem>>, vector<1x16xf32>,
      %broadcast_in_dim3A_86 = arith.constant 0.000000e+00 : f32
      %broadcast_in_dim3A_87 = vector.broadcast %broadcast_in_dim3A_86 : f32 to vector<16xf32>
      %swap3A_88 = arith.index_cast %scan3A_59 : i32 to index
      %swap3A_89 = arith.constant 64 : index
      %swap3A_90 = tpu.vector_load %arg6[%swap3A_88, %swap3A_89] {strides = array<i32>} : memref<128x128xf32, #tpu.memory_space<vmem>>, vector<1x16xf32>,
      %swap3A_91 = vector.shape_cast %swap3A_90 : vector<1x16xf32> to vector<16xf32>
      %swap3A_92 = vector.shape_cast %broadcast_in_dim3A_87 : vector<16xf32> to vector<1x16xf32>
      tpu.vector_store %arg6[%swap3A_88, %swap3A_89], %swap3A_92 {strides = array<i32>} : memref<128x128xf32, #tpu.memory_space<vmem>>, vector<1x16xf32>,
      %broadcast_in_dim3A_93 = arith.constant 0.000000e+00 : f32
      %broadcast_in_dim3A_94 = vector.broadcast %broadcast_in_dim3A_93 : f32 to vector<16xf32>
      %swap3A_95 = arith.index_cast %scan3A_59 : i32 to index
      %swap3A_96 = arith.constant 80 : index
      %swap3A_97 = tpu.vector_load %arg6[%swap3A_95, %swap3A_96] {strides = array<i32>} : memref<128x128xf32, #tpu.memory_space<vmem>>, vector<1x16xf32>,
      %swap3A_98 = vector.shape_cast %swap3A_97 : vector<1x16xf32> to vector<16xf32>
      %swap3A_99 = vector.shape_cast %broadcast_in_dim3A_94 : vector<16xf32> to vector<1x16xf32>
      tpu.vector_store %arg6[%swap3A_95, %swap3A_96], %swap3A_99 {strides = array<i32>} : memref<128x128xf32, #tpu.memory_space<vmem>>, vector<1x16xf32>,
      %broadcast_in_dim3A_100 = arith.constant 0.000000e+00 : f32
      %broadcast_in_dim3A_101 = vector.broadcast %broadcast_in_dim3A_100 : f32 to vector<16xf32>
      %swap3A_102 = arith.index_cast %scan3A_59 : i32 to index
      %swap3A_103 = arith.constant 96 : index
      %swap3A_104 = tpu.vector_load %arg6[%swap3A_102, %swap3A_103] {strides = array<i32>} : memref<128x128xf32, #tpu.memory_space<vmem>>, vector<1x16xf32>,
      %swap3A_105 = vector.shape_cast %swap3A_104 : vector<1x16xf32> to vector<16xf32>
      %swap3A_106 = vector.shape_cast %broadcast_in_dim3A_101 : vector<16xf32> to vector<1x16xf32>
      tpu.vector_store %arg6[%swap3A_102, %swap3A_103], %swap3A_106 {strides = array<i32>} : memref<128x128xf32, #tpu.memory_space<vmem>>, vector<1x16xf32>,
      %broadcast_in_dim3A_107 = arith.constant 0.000000e+00 : f32
      %broadcast_in_dim3A_108 = vector.broadcast %broadcast_in_dim3A_107 : f32 to vector<16xf32>
      %swap3A_109 = arith.index_cast %scan3A_59 : i32 to index
      %swap3A_110 = arith.constant 112 : index
      %swap3A_111 = tpu.vector_load %arg6[%swap3A_109, %swap3A_110] {strides = array<i32>} : memref<128x128xf32, #tpu.memory_space<vmem>>, vector<1x16xf32>,
      %swap3A_112 = vector.shape_cast %swap3A_111 : vector<1x16xf32> to vector<16xf32>
      %swap3A_113 = vector.shape_cast %broadcast_in_dim3A_108 : vector<16xf32> to vector<1x16xf32>
      tpu.vector_store %arg6[%swap3A_109, %swap3A_110], %swap3A_113 {strides = array<i32>} : memref<128x128xf32, #tpu.memory_space<vmem>>, vector<1x16xf32>,
    }
    %scan3A_9 = arith.constant 128 : i32
    %scan3A_10 = arith.constant 0 : i32
    %scan3A_11 = arith.constant 0 : i32
    %scan3A_12 = arith.constant 5 : i32
    %scan3A_13 = arith.addi %scan3A_11, %scan3A_12 : i32
    %scan3A_14 = arith.constant 1 : i32
    scf.for %scan3A_59 = %scan3A_11 to %scan3A_13 step %scan3A_14  : i32 {
      %mul3A_60 = arith.constant 128 : i32
      %mul3A_61 = arith.muli %scan3A_59, %mul3A_60 : i32
      %add3A_62 = arith.addi %mul3A_4, %mul3A_61 : i32
      "tpu.region"() ({
        %run_scoped3A = tpu.sem_alloc : memref<!tpu.dma_semaphore, #tpu.memory_space<semaphore_mem>>
        %dma_start3A_63 = arith.constant 0 : i32
        %dma_start3A_64 = tpu.memref_slice %arg8[%add3A_62, %dma_start3A_63] : memref<10240x128xf32, #tpu.memory_space<vmem_shared>> -> memref<128x128xf32, #tpu.memory_space<vmem_shared>>
        %dma_start3A_65 = arith.constant 0 : i32
        %dma_start3A_66 = tpu.memref_slice %arg8[%add3A_62, %dma_start3A_65] : memref<10240x128xf32, #tpu.memory_space<vmem_shared>> -> memref<128x128xf32, #tpu.memory_space<vmem_shared>>
        tpu.enqueue_dma source(%arg6 : memref<128x128xf32, #tpu.memory_space<vmem>>) target(%dma_start3A_66 : memref<128x128xf32, #tpu.memory_space<vmem_shared>>) target_semaphore(%run_scoped3A : memref<!tpu.dma_semaphore, #tpu.memory_space<semaphore_mem>>)
        %dma_wait3A_67 = arith.constant 0 : i32
        %dma_wait3A_68 = tpu.memref_slice %arg8[%add3A_62, %dma_wait3A_67] : memref<10240x128xf32, #tpu.memory_space<vmem_shared>> -> memref<128x128xf32, #tpu.memory_space<vmem_shared>>
        %dma_wait3A_69 = arith.constant 0 : i32
        %dma_wait3A_70 = tpu.memref_slice %arg8[%add3A_62, %dma_wait3A_69] : memref<10240x128xf32, #tpu.memory_space<vmem_shared>> -> memref<128x128xf32, #tpu.memory_space<vmem_shared>>
        tpu.wait_dma2 semaphore(%run_scoped3A : memref<!tpu.dma_semaphore, #tpu.memory_space<semaphore_mem>>) src(%arg6 : memref<128x128xf32, #tpu.memory_space<vmem>>) dst(%dma_wait3A_70 : memref<128x128xf32, #tpu.memory_space<vmem_shared>>)
        tpu.yield
      }) : () -> ()
    }
    %scan3A_15 = arith.constant 5 : i32
    %barrier3A = arith.constant 0 : index
    tpu.barrier barrier_id(%barrier3A)
    %add3A_16 = arith.constant 0 : i32
    %add3A_17 = arith.addi %mul3A_2, %add3A_16 : i32
    %add3A_18 = arith.constant 163840 : i32
    %add3A_19 = arith.addi %add3A_18, %add3A_17 : i32
    %dma_start3A = arith.constant 0 : i32
    %dma_start3A_20 = arith.constant 0 : i32
    %dma_start3A_21 = tpu.memref_slice %arg5[%dma_start3A, %dma_start3A_20] : memref<2x128xi32, #tpu.memory_space<vmem>> -> memref<1x128xi32, #tpu.memory_space<vmem>>
    %dma_start3A_22 = tpu.memref_squeeze %dma_start3A_21 : memref<1x128xi32, #tpu.memory_space<vmem>> -> memref<128xi32, #tpu.memory_space<vmem>>
    %dma_start3A_23 = tpu.memref_slice %arg3[%add3A_19] : memref<327680xi32, #tpu.memory_space<hbm>> -> memref<128xi32, #tpu.memory_space<hbm>>
    %dma_start3A_24 = arith.constant 0 : i32
    %dma_start3A_25 = tpu.memref_slice %arg5[%dma_start3A, %dma_start3A_24] : memref<2x128xi32, #tpu.memory_space<vmem>> -> memref<1x128xi32, #tpu.memory_space<vmem>>
    %dma_start3A_26 = tpu.memref_squeeze %dma_start3A_25 : memref<1x128xi32, #tpu.memory_space<vmem>> -> memref<128xi32, #tpu.memory_space<vmem>>
    %dma_start3A_27 = tpu.memref_slice %arg3[%add3A_19] : memref<327680xi32, #tpu.memory_space<hbm>> -> memref<128xi32, #tpu.memory_space<hbm>>
    tpu.enqueue_dma source(%dma_start3A_27 : memref<128xi32, #tpu.memory_space<hbm>>) target(%dma_start3A_26 : memref<128xi32, #tpu.memory_space<vmem>>) target_semaphore(%arg9 : memref<!tpu.dma_semaphore, #tpu.memory_space<semaphore_mem>>)
    %dma_start3A_28 = arith.constant 0 : i32
    %dma_start3A_29 = tpu.memref_slice %arg2[%add3A_17, %dma_start3A_28] : memref<163840x128xf32, #tpu.memory_space<hbm>> -> memref<128x128xf32, #tpu.memory_space<hbm>>
    %dma_start3A_30 = arith.constant 0 : i32
    %dma_start3A_31 = tpu.memref_slice %arg2[%add3A_17, %dma_start3A_30] : memref<163840x128xf32, #tpu.memory_space<hbm>> -> memref<128x128xf32, #tpu.memory_space<hbm>>
    tpu.enqueue_dma source(%dma_start3A_31 : memref<128x128xf32, #tpu.memory_space<hbm>>) target(%arg6 : memref<128x128xf32, #tpu.memory_space<vmem>>) target_semaphore(%arg9 : memref<!tpu.dma_semaphore, #tpu.memory_space<semaphore_mem>>)
    %scan3A_32 = arith.constant 0 : i32
    %scan3A_33 = arith.constant 0 : i32
    %scan3A_34 = arith.constant 20 : i32
    %scan3A_35 = arith.addi %scan3A_33, %scan3A_34 : i32
    %scan3A_36 = arith.constant 1 : i32
    scf.for %scan3A_59 = %scan3A_33 to %scan3A_35 step %scan3A_36  : i32 {
      %mul3A_60 = arith.constant 2 : i32
      %mul3A_61 = arith.muli %mul3A_60, %scan3A_59 : i32
      %add3A_62 = arith.constant 1 : i32
      %add3A_63 = arith.addi %mul3A_61, %add3A_62 : i32
      %mul3A_64 = arith.constant 128 : i32
      %mul3A_65 = arith.muli %add3A_63, %mul3A_64 : i32
      %add3A_66 = arith.addi %mul3A_2, %mul3A_65 : i32
      %add3A_67 = arith.constant 163840 : i32
      %add3A_68 = arith.addi %add3A_67, %add3A_66 : i32
      %dma_start3A_69 = arith.constant 1 : i32
      %dma_start3A_70 = arith.constant 0 : i32
      %dma_start3A_71 = tpu.memref_slice %arg5[%dma_start3A_69, %dma_start3A_70] : memref<2x128xi32, #tpu.memory_space<vmem>> -> memref<1x128xi32, #tpu.memory_space<vmem>>
      %dma_start3A_72 = tpu.memref_squeeze %dma_start3A_71 : memref<1x128xi32, #tpu.memory_space<vmem>> -> memref<128xi32, #tpu.memory_space<vmem>>
      %dma_start3A_73 = tpu.memref_slice %arg3[%add3A_68] : memref<327680xi32, #tpu.memory_space<hbm>> -> memref<128xi32, #tpu.memory_space<hbm>>
      %dma_start3A_74 = arith.constant 0 : i32
      %dma_start3A_75 = tpu.memref_slice %arg5[%dma_start3A_69, %dma_start3A_74] : memref<2x128xi32, #tpu.memory_space<vmem>> -> memref<1x128xi32, #tpu.memory_space<vmem>>
      %dma_start3A_76 = tpu.memref_squeeze %dma_start3A_75 : memref<1x128xi32, #tpu.memory_space<vmem>> -> memref<128xi32, #tpu.memory_space<vmem>>
      %dma_start3A_77 = tpu.memref_slice %arg3[%add3A_68] : memref<327680xi32, #tpu.memory_space<hbm>> -> memref<128xi32, #tpu.memory_space<hbm>>
      tpu.enqueue_dma source(%dma_start3A_77 : memref<128xi32, #tpu.memory_space<hbm>>) target(%dma_start3A_76 : memref<128xi32, #tpu.memory_space<vmem>>) target_semaphore(%arg10 : memref<!tpu.dma_semaphore, #tpu.memory_space<semaphore_mem>>)
      %dma_start3A_78 = arith.constant 0 : i32
      %dma_start3A_79 = tpu.memref_slice %arg2[%add3A_66, %dma_start3A_78] : memref<163840x128xf32, #tpu.memory_space<hbm>> -> memref<128x128xf32, #tpu.memory_space<hbm>>
      %dma_start3A_80 = arith.constant 0 : i32
      %dma_start3A_81 = tpu.memref_slice %arg2[%add3A_66, %dma_start3A_80] : memref<163840x128xf32, #tpu.memory_space<hbm>> -> memref<128x128xf32, #tpu.memory_space<hbm>>
      tpu.enqueue_dma source(%dma_start3A_81 : memref<128x128xf32, #tpu.memory_space<hbm>>) target(%arg7 : memref<128x128xf32, #tpu.memory_space<vmem>>) target_semaphore(%arg10 : memref<!tpu.dma_semaphore, #tpu.memory_space<semaphore_mem>>)
      %add3A_82 = arith.constant 163840 : i32
      %add3A_83 = arith.addi %add3A_82, %mul3A_2 : i32
      %dma_wait3A_84 = arith.constant 0 : i32
      %dma_wait3A_85 = arith.constant 0 : i32
      %dma_wait3A_86 = tpu.memref_slice %arg5[%dma_wait3A_84, %dma_wait3A_85] : memref<2x128xi32, #tpu.memory_space<vmem>> -> memref<1x128xi32, #tpu.memory_space<vmem>>
      %dma_wait3A_87 = tpu.memref_squeeze %dma_wait3A_86 : memref<1x128xi32, #tpu.memory_space<vmem>> -> memref<128xi32, #tpu.memory_space<vmem>>
      %dma_wait3A_88 = tpu.memref_slice %arg3[%add3A_83] : memref<327680xi32, #tpu.memory_space<hbm>> -> memref<128xi32, #tpu.memory_space<hbm>>
      %dma_wait3A_89 = arith.constant 0 : i32
      %dma_wait3A_90 = tpu.memref_slice %arg5[%dma_wait3A_84, %dma_wait3A_89] : memref<2x128xi32, #tpu.memory_space<vmem>> -> memref<1x128xi32, #tpu.memory_space<vmem>>
      %dma_wait3A_91 = tpu.memref_squeeze %dma_wait3A_90 : memref<1x128xi32, #tpu.memory_space<vmem>> -> memref<128xi32, #tpu.memory_space<vmem>>
      %dma_wait3A_92 = tpu.memref_slice %arg3[%add3A_83] : memref<327680xi32, #tpu.memory_space<hbm>> -> memref<128xi32, #tpu.memory_space<hbm>>
      tpu.wait_dma2 semaphore(%arg9 : memref<!tpu.dma_semaphore, #tpu.memory_space<semaphore_mem>>) src(%dma_wait3A_92 : memref<128xi32, #tpu.memory_space<hbm>>) dst(%dma_wait3A_91 : memref<128xi32, #tpu.memory_space<vmem>>)
      %dma_wait3A_93 = arith.constant 0 : i32
      %dma_wait3A_94 = tpu.memref_slice %arg2[%mul3A_2, %dma_wait3A_93] : memref<163840x128xf32, #tpu.memory_space<hbm>> -> memref<128x128xf32, #tpu.memory_space<hbm>>
      %dma_wait3A_95 = arith.constant 0 : i32
      %dma_wait3A_96 = tpu.memref_slice %arg2[%mul3A_2, %dma_wait3A_95] : memref<163840x128xf32, #tpu.memory_space<hbm>> -> memref<128x128xf32, #tpu.memory_space<hbm>>
      tpu.wait_dma2 semaphore(%arg9 : memref<!tpu.dma_semaphore, #tpu.memory_space<semaphore_mem>>) src(%dma_wait3A_96 : memref<128x128xf32, #tpu.memory_space<hbm>>) dst(%arg6 : memref<128x128xf32, #tpu.memory_space<vmem>>)
      %run_scoped3A = arith.constant 0 : i32
      "tpu.region"() ({
        %run_scoped3A_134 = tpu.sem_alloc : memref<!tpu.dma_semaphore, #tpu.memory_space<semaphore_mem>>
        %dma_start3A_135 = arith.constant 0 : i32
        %dma_start3A_136 = tpu.memref_slice %arg5[%run_scoped3A, %dma_start3A_135] : memref<2x128xi32, #tpu.memory_space<vmem>> -> memref<1x128xi32, #tpu.memory_space<vmem>>
        %dma_start3A_137 = tpu.memref_squeeze %dma_start3A_136 : memref<1x128xi32, #tpu.memory_space<vmem>> -> memref<128xi32, #tpu.memory_space<vmem>>
        %dma_start3A_138 = arith.constant 0 : i32
        %dma_start3A_139 = arith.constant 0 : i32
        %dma_start3A_140 = tpu.memref_slice %arg8[%dma_start3A_138, %dma_start3A_139] : memref<10240x128xf32, #tpu.memory_space<vmem_shared>> -> memref<10240x128xf32, #tpu.memory_space<vmem_shared>>
        tpu.enqueue_indirect_dma source(%arg6 : memref<128x128xf32, #tpu.memory_space<vmem>>) target(%dma_start3A_140 : memref<10240x128xf32, #tpu.memory_space<vmem_shared>>) offsets(%dma_start3A_137 : memref<128xi32, #tpu.memory_space<vmem>>) semaphore(%run_scoped3A_134 : memref<!tpu.dma_semaphore, #tpu.memory_space<semaphore_mem>>) {add = true}
        %dma_wait3A_141 = arith.constant 0 : i32
        %dma_wait3A_142 = tpu.memref_slice %arg5[%run_scoped3A, %dma_wait3A_141] : memref<2x128xi32, #tpu.memory_space<vmem>> -> memref<1x128xi32, #tpu.memory_space<vmem>>
        %dma_wait3A_143 = tpu.memref_squeeze %dma_wait3A_142 : memref<1x128xi32, #tpu.memory_space<vmem>> -> memref<128xi32, #tpu.memory_space<vmem>>
        %dma_wait3A_144 = arith.constant 0 : i32
        %dma_wait3A_145 = arith.constant 0 : i32
        %dma_wait3A_146 = tpu.memref_slice %arg8[%dma_wait3A_144, %dma_wait3A_145] : memref<10240x128xf32, #tpu.memory_space<vmem_shared>> -> memref<10240x128xf32, #tpu.memory_space<vmem_shared>>
        tpu.wait_indirect_dma semaphore(%run_scoped3A_134 : memref<!tpu.dma_semaphore, #tpu.memory_space<semaphore_mem>>) src(%arg6 : memref<128x128xf32, #tpu.memory_space<vmem>>) dst(%dma_wait3A_146 : memref<10240x128xf32, #tpu.memory_space<vmem_shared>>)
        tpu.yield
      }) : () -> ()
      %add3A_97 = arith.constant 2 : i32
      %add3A_98 = arith.addi %mul3A_61, %add3A_97 : i32
      %min3A = arith.constant 38 : i32
      %min3A_99 = arith.minsi %add3A_98, %min3A : i32
      %mul3A_100 = arith.constant 128 : i32
      %mul3A_101 = arith.muli %min3A_99, %mul3A_100 : i32
      %add3A_102 = arith.addi %mul3A_2, %mul3A_101 : i32
      %add3A_103 = arith.constant 163840 : i32
      %add3A_104 = arith.addi %add3A_103, %add3A_102 : i32
      %dma_start3A_105 = arith.constant 0 : i32
      %dma_start3A_106 = arith.constant 0 : i32
      %dma_start3A_107 = tpu.memref_slice %arg5[%dma_start3A_105, %dma_start3A_106] : memref<2x128xi32, #tpu.memory_space<vmem>> -> memref<1x128xi32, #tpu.memory_space<vmem>>
      %dma_start3A_108 = tpu.memref_squeeze %dma_start3A_107 : memref<1x128xi32, #tpu.memory_space<vmem>> -> memref<128xi32, #tpu.memory_space<vmem>>
      %dma_start3A_109 = tpu.memref_slice %arg3[%add3A_104] : memref<327680xi32, #tpu.memory_space<hbm>> -> memref<128xi32, #tpu.memory_space<hbm>>
      %dma_start3A_110 = arith.constant 0 : i32
      %dma_start3A_111 = tpu.memref_slice %arg5[%dma_start3A_105, %dma_start3A_110] : memref<2x128xi32, #tpu.memory_space<vmem>> -> memref<1x128xi32, #tpu.memory_space<vmem>>
      %dma_start3A_112 = tpu.memref_squeeze %dma_start3A_111 : memref<1x128xi32, #tpu.memory_space<vmem>> -> memref<128xi32, #tpu.memory_space<vmem>>
      %dma_start3A_113 = tpu.memref_slice %arg3[%add3A_104] : memref<327680xi32, #tpu.memory_space<hbm>> -> memref<128xi32, #tpu.memory_space<hbm>>
      tpu.enqueue_dma source(%dma_start3A_113 : memref<128xi32, #tpu.memory_space<hbm>>) target(%dma_start3A_112 : memref<128xi32, #tpu.memory_space<vmem>>) target_semaphore(%arg9 : memref<!tpu.dma_semaphore, #tpu.memory_space<semaphore_mem>>)
      %dma_start3A_114 = arith.constant 0 : i32
      %dma_start3A_115 = tpu.memref_slice %arg2[%add3A_102, %dma_start3A_114] : memref<163840x128xf32, #tpu.memory_space<hbm>> -> memref<128x128xf32, #tpu.memory_space<hbm>>
      %dma_start3A_116 = arith.constant 0 : i32
      %dma_start3A_117 = tpu.memref_slice %arg2[%add3A_102, %dma_start3A_116] : memref<163840x128xf32, #tpu.memory_space<hbm>> -> memref<128x128xf32, #tpu.memory_space<hbm>>
      tpu.enqueue_dma source(%dma_start3A_117 : memref<128x128xf32, #tpu.memory_space<hbm>>) target(%arg6 : memref<128x128xf32, #tpu.memory_space<vmem>>) target_semaphore(%arg9 : memref<!tpu.dma_semaphore, #tpu.memory_space<semaphore_mem>>)
      %add3A_118 = arith.constant 163840 : i32
      %add3A_119 = arith.addi %add3A_118, %mul3A_2 : i32
      %dma_wait3A_120 = arith.constant 1 : i32
      %dma_wait3A_121 = arith.constant 0 : i32
      %dma_wait3A_122 = tpu.memref_slice %arg5[%dma_wait3A_120, %dma_wait3A_121] : memref<2x128xi32, #tpu.memory_space<vmem>> -> memref<1x128xi32, #tpu.memory_space<vmem>>
      %dma_wait3A_123 = tpu.memref_squeeze %dma_wait3A_122 : memref<1x128xi32, #tpu.memory_space<vmem>> -> memref<128xi32, #tpu.memory_space<vmem>>
      %dma_wait3A_124 = tpu.memref_slice %arg3[%add3A_119] : memref<327680xi32, #tpu.memory_space<hbm>> -> memref<128xi32, #tpu.memory_space<hbm>>
      %dma_wait3A_125 = arith.constant 0 : i32
      %dma_wait3A_126 = tpu.memref_slice %arg5[%dma_wait3A_120, %dma_wait3A_125] : memref<2x128xi32, #tpu.memory_space<vmem>> -> memref<1x128xi32, #tpu.memory_space<vmem>>
      %dma_wait3A_127 = tpu.memref_squeeze %dma_wait3A_126 : memref<1x128xi32, #tpu.memory_space<vmem>> -> memref<128xi32, #tpu.memory_space<vmem>>
      %dma_wait3A_128 = tpu.memref_slice %arg3[%add3A_119] : memref<327680xi32, #tpu.memory_space<hbm>> -> memref<128xi32, #tpu.memory_space<hbm>>
      tpu.wait_dma2 semaphore(%arg10 : memref<!tpu.dma_semaphore, #tpu.memory_space<semaphore_mem>>) src(%dma_wait3A_128 : memref<128xi32, #tpu.memory_space<hbm>>) dst(%dma_wait3A_127 : memref<128xi32, #tpu.memory_space<vmem>>)
      %dma_wait3A_129 = arith.constant 0 : i32
      %dma_wait3A_130 = tpu.memref_slice %arg2[%mul3A_2, %dma_wait3A_129] : memref<163840x128xf32, #tpu.memory_space<hbm>> -> memref<128x128xf32, #tpu.memory_space<hbm>>
      %dma_wait3A_131 = arith.constant 0 : i32
      %dma_wait3A_132 = tpu.memref_slice %arg2[%mul3A_2, %dma_wait3A_131] : memref<163840x128xf32, #tpu.memory_space<hbm>> -> memref<128x128xf32, #tpu.memory_space<hbm>>
      tpu.wait_dma2 semaphore(%arg10 : memref<!tpu.dma_semaphore, #tpu.memory_space<semaphore_mem>>) src(%dma_wait3A_132 : memref<128x128xf32, #tpu.memory_space<hbm>>) dst(%arg7 : memref<128x128xf32, #tpu.memory_space<vmem>>)
      %run_scoped3A_133 = arith.constant 1 : i32
      "tpu.region"() ({
        %run_scoped3A_134 = tpu.sem_alloc : memref<!tpu.dma_semaphore, #tpu.memory_space<semaphore_mem>>
        %dma_start3A_135 = arith.constant 0 : i32
        %dma_start3A_136 = tpu.memref_slice %arg5[%run_scoped3A_133, %dma_start3A_135] : memref<2x128xi32, #tpu.memory_space<vmem>> -> memref<1x128xi32, #tpu.memory_space<vmem>>
        %dma_start3A_137 = tpu.memref_squeeze %dma_start3A_136 : memref<1x128xi32, #tpu.memory_space<vmem>> -> memref<128xi32, #tpu.memory_space<vmem>>
        %dma_start3A_138 = arith.constant 0 : i32
        %dma_start3A_139 = arith.constant 0 : i32
        %dma_start3A_140 = tpu.memref_slice %arg8[%dma_start3A_138, %dma_start3A_139] : memref<10240x128xf32, #tpu.memory_space<vmem_shared>> -> memref<10240x128xf32, #tpu.memory_space<vmem_shared>>
        tpu.enqueue_indirect_dma source(%arg7 : memref<128x128xf32, #tpu.memory_space<vmem>>) target(%dma_start3A_140 : memref<10240x128xf32, #tpu.memory_space<vmem_shared>>) offsets(%dma_start3A_137 : memref<128xi32, #tpu.memory_space<vmem>>) semaphore(%run_scoped3A_134 : memref<!tpu.dma_semaphore, #tpu.memory_space<semaphore_mem>>) {add = true}
        %dma_wait3A_141 = arith.constant 0 : i32
        %dma_wait3A_142 = tpu.memref_slice %arg5[%run_scoped3A_133, %dma_wait3A_141] : memref<2x128xi32, #tpu.memory_space<vmem>> -> memref<1x128xi32, #tpu.memory_space<vmem>>
        %dma_wait3A_143 = tpu.memref_squeeze %dma_wait3A_142 : memref<1x128xi32, #tpu.memory_space<vmem>> -> memref<128xi32, #tpu.memory_space<vmem>>
        %dma_wait3A_144 = arith.constant 0 : i32
        %dma_wait3A_145 = arith.constant 0 : i32
        %dma_wait3A_146 = tpu.memref_slice %arg8[%dma_wait3A_144, %dma_wait3A_145] : memref<10240x128xf32, #tpu.memory_space<vmem_shared>> -> memref<10240x128xf32, #tpu.memory_space<vmem_shared>>
        tpu.wait_indirect_dma semaphore(%run_scoped3A_134 : memref<!tpu.dma_semaphore, #tpu.memory_space<semaphore_mem>>) src(%arg7 : memref<128x128xf32, #tpu.memory_space<vmem>>) dst(%dma_wait3A_146 : memref<10240x128xf32, #tpu.memory_space<vmem_shared>>)
        tpu.yield
      }) : () -> ()
    }
    %scan3A_37 = arith.constant 20 : i32
    %add3A_38 = arith.constant 163840 : i32
    %add3A_39 = arith.addi %add3A_38, %mul3A_2 : i32
    %dma_wait3A = arith.constant 0 : i32
    %dma_wait3A_40 = arith.constant 0 : i32
    %dma_wait3A_41 = tpu.memref_slice %arg5[%dma_wait3A, %dma_wait3A_40] : memref<2x128xi32, #tpu.memory_space<vmem>> -> memref<1x128xi32, #tpu.memory_space<vmem>>
    %dma_wait3A_42 = tpu.memref_squeeze %dma_wait3A_41 : memref<1x128xi32, #tpu.memory_space<vmem>> -> memref<128xi32, #tpu.memory_space<vmem>>
    %dma_wait3A_43 = tpu.memref_slice %arg3[%add3A_39] : memref<327680xi32, #tpu.memory_space<hbm>> -> memref<128xi32, #tpu.memory_space<hbm>>
    %dma_wait3A_44 = arith.constant 0 : i32
    %dma_wait3A_45 = tpu.memref_slice %arg5[%dma_wait3A, %dma_wait3A_44] : memref<2x128xi32, #tpu.memory_space<vmem>> -> memref<1x128xi32, #tpu.memory_space<vmem>>
    %dma_wait3A_46 = tpu.memref_squeeze %dma_wait3A_45 : memref<1x128xi32, #tpu.memory_space<vmem>> -> memref<128xi32, #tpu.memory_space<vmem>>
    %dma_wait3A_47 = tpu.memref_slice %arg3[%add3A_39] : memref<327680xi32, #tpu.memory_space<hbm>> -> memref<128xi32, #tpu.memory_space<hbm>>
    tpu.wait_dma2 semaphore(%arg9 : memref<!tpu.dma_semaphore, #tpu.memory_space<semaphore_mem>>) src(%dma_wait3A_47 : memref<128xi32, #tpu.memory_space<hbm>>) dst(%dma_wait3A_46 : memref<128xi32, #tpu.memory_space<vmem>>)
    %dma_wait3A_48 = arith.constant 0 : i32
    %dma_wait3A_49 = tpu.memref_slice %arg2[%mul3A_2, %dma_wait3A_48] : memref<163840x128xf32, #tpu.memory_space<hbm>> -> memref<128x128xf32, #tpu.memory_space<hbm>>
    %dma_wait3A_50 = arith.constant 0 : i32
    %dma_wait3A_51 = tpu.memref_slice %arg2[%mul3A_2, %dma_wait3A_50] : memref<163840x128xf32, #tpu.memory_space<hbm>> -> memref<128x128xf32, #tpu.memory_space<hbm>>
    tpu.wait_dma2 semaphore(%arg9 : memref<!tpu.dma_semaphore, #tpu.memory_space<semaphore_mem>>) src(%dma_wait3A_51 : memref<128x128xf32, #tpu.memory_space<hbm>>) dst(%arg6 : memref<128x128xf32, #tpu.memory_space<vmem>>)
    %barrier3A_52 = arith.constant 0 : index
    tpu.barrier barrier_id(%barrier3A_52)
    %scan3A_53 = arith.constant 0 : i32
    %scan3A_54 = arith.constant 0 : i32
    %scan3A_55 = arith.constant 5 : i32
    %scan3A_56 = arith.addi %scan3A_54, %scan3A_55 : i32
    %scan3A_57 = arith.constant 1 : i32
    scf.for %scan3A_59 = %scan3A_54 to %scan3A_56 step %scan3A_57  : i32 {
      %mul3A_60 = arith.constant 128 : i32
      %mul3A_61 = arith.muli %scan3A_59, %mul3A_60 : i32
      %add3A_62 = arith.addi %mul3A_4, %mul3A_61 : i32
      "tpu.region"() ({
        %run_scoped3A = tpu.sem_alloc : memref<!tpu.dma_semaphore, #tpu.memory_space<semaphore_mem>>
        %dma_start3A_63 = arith.constant 0 : i32
        %dma_start3A_64 = tpu.memref_slice %arg8[%add3A_62, %dma_start3A_63] : memref<10240x128xf32, #tpu.memory_space<vmem_shared>> -> memref<128x128xf32, #tpu.memory_space<vmem_shared>>
        %dma_start3A_65 = arith.constant 0 : i32
        %dma_start3A_66 = tpu.memref_slice %arg8[%add3A_62, %dma_start3A_65] : memref<10240x128xf32, #tpu.memory_space<vmem_shared>> -> memref<128x128xf32, #tpu.memory_space<vmem_shared>>
        tpu.enqueue_dma source(%dma_start3A_66 : memref<128x128xf32, #tpu.memory_space<vmem_shared>>) target(%arg6 : memref<128x128xf32, #tpu.memory_space<vmem>>) target_semaphore(%run_scoped3A : memref<!tpu.dma_semaphore, #tpu.memory_space<semaphore_mem>>)
        %dma_wait3A_67 = arith.constant 0 : i32
        %dma_wait3A_68 = tpu.memref_slice %arg8[%add3A_62, %dma_wait3A_67] : memref<10240x128xf32, #tpu.memory_space<vmem_shared>> -> memref<128x128xf32, #tpu.memory_space<vmem_shared>>
        %dma_wait3A_69 = arith.constant 0 : i32
        %dma_wait3A_70 = tpu.memref_slice %arg8[%add3A_62, %dma_wait3A_69] : memref<10240x128xf32, #tpu.memory_space<vmem_shared>> -> memref<128x128xf32, #tpu.memory_space<vmem_shared>>
        tpu.wait_dma2 semaphore(%run_scoped3A : memref<!tpu.dma_semaphore, #tpu.memory_space<semaphore_mem>>) src(%dma_wait3A_70 : memref<128x128xf32, #tpu.memory_space<vmem_shared>>) dst(%arg6 : memref<128x128xf32, #tpu.memory_space<vmem>>)
        tpu.yield
      }) : () -> ()
      "tpu.region"() ({
        %run_scoped3A = tpu.sem_alloc : memref<!tpu.dma_semaphore, #tpu.memory_space<semaphore_mem>>
        %dma_start3A_63 = arith.constant 0 : i32
        %dma_start3A_64 = tpu.memref_slice %arg4[%arg0, %add3A_62, %dma_start3A_63] : memref<2x10240x128xf32, #tpu.memory_space<hbm>> -> memref<1x128x128xf32, #tpu.memory_space<hbm>>
        %dma_start3A_65 = tpu.memref_squeeze %dma_start3A_64 : memref<1x128x128xf32, #tpu.memory_space<hbm>> -> memref<128x128xf32, #tpu.memory_space<hbm>>
        %dma_start3A_66 = arith.constant 0 : i32
        %dma_start3A_67 = tpu.memref_slice %arg4[%arg0, %add3A_62, %dma_start3A_66] : memref<2x10240x128xf32, #tpu.memory_space<hbm>> -> memref<1x128x128xf32, #tpu.memory_space<hbm>>
        %dma_start3A_68 = tpu.memref_squeeze %dma_start3A_67 : memref<1x128x128xf32, #tpu.memory_space<hbm>> -> memref<128x128xf32, #tpu.memory_space<hbm>>
        tpu.enqueue_dma source(%arg6 : memref<128x128xf32, #tpu.memory_space<vmem>>) target(%dma_start3A_68 : memref<128x128xf32, #tpu.memory_space<hbm>>) target_semaphore(%run_scoped3A : memref<!tpu.dma_semaphore, #tpu.memory_space<semaphore_mem>>)
        %dma_wait3A_69 = arith.constant 0 : i32
        %dma_wait3A_70 = tpu.memref_slice %arg4[%arg0, %add3A_62, %dma_wait3A_69] : memref<2x10240x128xf32, #tpu.memory_space<hbm>> -> memref<1x128x128xf32, #tpu.memory_space<hbm>>
        %dma_wait3A_71 = tpu.memref_squeeze %dma_wait3A_70 : memref<1x128x128xf32, #tpu.memory_space<hbm>> -> memref<128x128xf32, #tpu.memory_space<hbm>>
        %dma_wait3A_72 = arith.constant 0 : i32
        %dma_wait3A_73 = tpu.memref_slice %arg4[%arg0, %add3A_62, %dma_wait3A_72] : memref<2x10240x128xf32, #tpu.memory_space<hbm>> -> memref<1x128x128xf32, #tpu.memory_space<hbm>>
        %dma_wait3A_74 = tpu.memref_squeeze %dma_wait3A_73 : memref<1x128x128xf32, #tpu.memory_space<hbm>> -> memref<128x128xf32, #tpu.memory_space<hbm>>
        tpu.wait_dma2 semaphore(%run_scoped3A : memref<!tpu.dma_semaphore, #tpu.memory_space<semaphore_mem>>) src(%arg6 : memref<128x128xf32, #tpu.memory_space<vmem>>) dst(%dma_wait3A_74 : memref<128x128xf32, #tpu.memory_space<hbm>>)
        tpu.yield
      }) : () -> ()
    }
    %scan3A_58 = arith.constant 5 : i32
    return
  }
}

#map = affine_map<(d0, d1) -> (0, 0)>
#map1 = affine_map<(d0, d1) -> (0)>
#map2 = affine_map<(d0, d1) -> (0, 0, 0)>
module attributes {stable_mosaic.version = 14 : i64} {
  func.func @scatter(%arg0: i32, %arg1: i32, %arg2: memref<163840x128xf32, #tpu.memory_space<hbm>>, %arg3: memref<327680xi32, #tpu.memory_space<hbm>>, %arg4: memref<2x10240x128xf32, #tpu.memory_space<hbm>>, %arg5: memref<2x128xi32, #tpu.memory_space<vmem>>, %arg6: memref<128x128xf32, #tpu.memory_space<vmem>>, %arg7: memref<128x128xf32, #tpu.memory_space<vmem>>, %arg8: memref<10240x128xf32, #tpu.memory_space<vmem_shared>>, %arg9: memref<!tpu.dma_semaphore, #tpu.memory_space<semaphore_mem>>, %arg10: memref<!tpu.dma_semaphore, #tpu.memory_space<semaphore_mem>>) attributes {dimension_semantics = [#tpu.dimension_semantics<core_parallel>, #tpu.dimension_semantics<subcore_parallel>], iteration_bounds = array<i64: 2, 16>, scalar_prefetch = 0 : i64, scratch_operands = 6 : i64, tpu.core_type = #tpu.core_type<sc_vector_subcore>, window_params = [{transform_indices = #map}, {transform_indices = #map1}, {transform_indices = #map2}]} {
    %mul3A = arith.constant 2 : i32
    %mul3A_0 = arith.muli %arg1, %mul3A : i32
    %add3A = arith.addi %mul3A_0, %arg0 : i32
    %mul3A_1 = arith.constant 5120 : i32
    %mul3A_2 = arith.muli %add3A, %mul3A_1 : i32
    %mul3A_3 = arith.constant 640 : i32
    %mul3A_4 = arith.muli %arg1, %mul3A_3 : i32
    %scan3A = arith.constant 0 : i32
    %scan3A_5 = arith.constant 0 : i32
    %scan3A_6 = arith.constant 128 : i32
    %scan3A_7 = arith.addi %scan3A_5, %scan3A_6 : i32
    %scan3A_8 = arith.constant 1 : i32
    scf.for %scan3A_59 = %scan3A_5 to %scan3A_7 step %scan3A_8  : i32 {
      %broadcast_in_dim3A = arith.constant 0.000000e+00 : f32
      %broadcast_in_dim3A_60 = vector.broadcast %broadcast_in_dim3A : f32 to vector<16xf32>
      %swap3A = arith.index_cast %scan3A_59 : i32 to index
      %swap3A_61 = arith.constant 0 : index
      %swap3A_62 = tpu.vector_load %arg6[%swap3A, %swap3A_61] {strides = array<i32>} : memref<128x128xf32, #tpu.memory_space<vmem>>, vector<1x16xf32>,
      %swap3A_63 = vector.shape_cast %swap3A_62 : vector<1x16xf32> to vector<16xf32>
      %swap3A_64 = vector.shape_cast %broadcast_in_dim3A_60 : vector<16xf32> to vector<1x16xf32>
      tpu.vector_store %arg6[%swap3A, %swap3A_61], %swap3A_64 {strides = array<i32>} : memref<128x128xf32, #tpu.memory_space<vmem>>, vector<1x16xf32>,
      %broadcast_in_dim3A_65 = arith.constant 0.000000e+00 : f32
      %broadcast_in_dim3A_66 = vector.broadcast %broadcast_in_dim3A_65 : f32 to vector<16xf32>
      %swap3A_67 = arith.index_cast %scan3A_59 : i32 to index
      %swap3A_68 = arith.constant 16 : index
      %swap3A_69 = tpu.vector_load %arg6[%swap3A_67, %swap3A_68] {strides = array<i32>} : memref<128x128xf32, #tpu.memory_space<vmem>>, vector<1x16xf32>,
      %swap3A_70 = vector.shape_cast %swap3A_69 : vector<1x16xf32> to vector<16xf32>
      %swap3A_71 = vector.shape_cast %broadcast_in_dim3A_66 : vector<16xf32> to vector<1x16xf32>
      tpu.vector_store %arg6[%swap3A_67, %swap3A_68], %swap3A_71 {strides = array<i32>} : memref<128x128xf32, #tpu.memory_space<vmem>>, vector<1x16xf32>,
      %broadcast_in_dim3A_72 = arith.constant 0.000000e+00 : f32
      %broadcast_in_dim3A_73 = vector.broadcast %broadcast_in_dim3A_72 : f32 to vector<16xf32>
      %swap3A_74 = arith.index_cast %scan3A_59 : i32 to index
      %swap3A_75 = arith.constant 32 : index
      %swap3A_76 = tpu.vector_load %arg6[%swap3A_74, %swap3A_75] {strides = array<i32>} : memref<128x128xf32, #tpu.memory_space<vmem>>, vector<1x16xf32>,
      %swap3A_77 = vector.shape_cast %swap3A_76 : vector<1x16xf32> to vector<16xf32>
      %swap3A_78 = vector.shape_cast %broadcast_in_dim3A_73 : vector<16xf32> to vector<1x16xf32>
      tpu.vector_store %arg6[%swap3A_74, %swap3A_75], %swap3A_78 {strides = array<i32>} : memref<128x128xf32, #tpu.memory_space<vmem>>, vector<1x16xf32>,
      %broadcast_in_dim3A_79 = arith.constant 0.000000e+00 : f32
      %broadcast_in_dim3A_80 = vector.broadcast %broadcast_in_dim3A_79 : f32 to vector<16xf32>
      %swap3A_81 = arith.index_cast %scan3A_59 : i32 to index
      %swap3A_82 = arith.constant 48 : index
      %swap3A_83 = tpu.vector_load %arg6[%swap3A_81, %swap3A_82] {strides = array<i32>} : memref<128x128xf32, #tpu.memory_space<vmem>>, vector<1x16xf32>,
      %swap3A_84 = vector.shape_cast %swap3A_83 : vector<1x16xf32> to vector<16xf32>
      %swap3A_85 = vector.shape_cast %broadcast_in_dim3A_80 : vector<16xf32> to vector<1x16xf32>
      tpu.vector_store %arg6[%swap3A_81, %swap3A_82], %swap3A_85 {strides = array<i32>} : memref<128x128xf32, #tpu.memory_space<vmem>>, vector<1x16xf32>,
      %broadcast_in_dim3A_86 = arith.constant 0.000000e+00 : f32
      %broadcast_in_dim3A_87 = vector.broadcast %broadcast_in_dim3A_86 : f32 to vector<16xf32>
      %swap3A_88 = arith.index_cast %scan3A_59 : i32 to index
      %swap3A_89 = arith.constant 64 : index
      %swap3A_90 = tpu.vector_load %arg6[%swap3A_88, %swap3A_89] {strides = array<i32>} : memref<128x128xf32, #tpu.memory_space<vmem>>, vector<1x16xf32>,
      %swap3A_91 = vector.shape_cast %swap3A_90 : vector<1x16xf32> to vector<16xf32>
      %swap3A_92 = vector.shape_cast %broadcast_in_dim3A_87 : vector<16xf32> to vector<1x16xf32>
      tpu.vector_store %arg6[%swap3A_88, %swap3A_89], %swap3A_92 {strides = array<i32>} : memref<128x128xf32, #tpu.memory_space<vmem>>, vector<1x16xf32>,
      %broadcast_in_dim3A_93 = arith.constant 0.000000e+00 : f32
      %broadcast_in_dim3A_94 = vector.broadcast %broadcast_in_dim3A_93 : f32 to vector<16xf32>
      %swap3A_95 = arith.index_cast %scan3A_59 : i32 to index
      %swap3A_96 = arith.constant 80 : index
      %swap3A_97 = tpu.vector_load %arg6[%swap3A_95, %swap3A_96] {strides = array<i32>} : memref<128x128xf32, #tpu.memory_space<vmem>>, vector<1x16xf32>,
      %swap3A_98 = vector.shape_cast %swap3A_97 : vector<1x16xf32> to vector<16xf32>
      %swap3A_99 = vector.shape_cast %broadcast_in_dim3A_94 : vector<16xf32> to vector<1x16xf32>
      tpu.vector_store %arg6[%swap3A_95, %swap3A_96], %swap3A_99 {strides = array<i32>} : memref<128x128xf32, #tpu.memory_space<vmem>>, vector<1x16xf32>,
      %broadcast_in_dim3A_100 = arith.constant 0.000000e+00 : f32
      %broadcast_in_dim3A_101 = vector.broadcast %broadcast_in_dim3A_100 : f32 to vector<16xf32>
      %swap3A_102 = arith.index_cast %scan3A_59 : i32 to index
      %swap3A_103 = arith.constant 96 : index
      %swap3A_104 = tpu.vector_load %arg6[%swap3A_102, %swap3A_103] {strides = array<i32>} : memref<128x128xf32, #tpu.memory_space<vmem>>, vector<1x16xf32>,
      %swap3A_105 = vector.shape_cast %swap3A_104 : vector<1x16xf32> to vector<16xf32>
      %swap3A_106 = vector.shape_cast %broadcast_in_dim3A_101 : vector<16xf32> to vector<1x16xf32>
      tpu.vector_store %arg6[%swap3A_102, %swap3A_103], %swap3A_106 {strides = array<i32>} : memref<128x128xf32, #tpu.memory_space<vmem>>, vector<1x16xf32>,
      %broadcast_in_dim3A_107 = arith.constant 0.000000e+00 : f32
      %broadcast_in_dim3A_108 = vector.broadcast %broadcast_in_dim3A_107 : f32 to vector<16xf32>
      %swap3A_109 = arith.index_cast %scan3A_59 : i32 to index
      %swap3A_110 = arith.constant 112 : index
      %swap3A_111 = tpu.vector_load %arg6[%swap3A_109, %swap3A_110] {strides = array<i32>} : memref<128x128xf32, #tpu.memory_space<vmem>>, vector<1x16xf32>,
      %swap3A_112 = vector.shape_cast %swap3A_111 : vector<1x16xf32> to vector<16xf32>
      %swap3A_113 = vector.shape_cast %broadcast_in_dim3A_108 : vector<16xf32> to vector<1x16xf32>
      tpu.vector_store %arg6[%swap3A_109, %swap3A_110], %swap3A_113 {strides = array<i32>} : memref<128x128xf32, #tpu.memory_space<vmem>>, vector<1x16xf32>,
    }
    %scan3A_9 = arith.constant 128 : i32
    %scan3A_10 = arith.constant 0 : i32
    %scan3A_11 = arith.constant 0 : i32
    %scan3A_12 = arith.constant 5 : i32
    %scan3A_13 = arith.addi %scan3A_11, %scan3A_12 : i32
    %scan3A_14 = arith.constant 1 : i32
    scf.for %scan3A_59 = %scan3A_11 to %scan3A_13 step %scan3A_14  : i32 {
      %mul3A_60 = arith.constant 128 : i32
      %mul3A_61 = arith.muli %scan3A_59, %mul3A_60 : i32
      %add3A_62 = arith.addi %mul3A_4, %mul3A_61 : i32
      "tpu.region"() ({
        %run_scoped3A = tpu.sem_alloc : memref<!tpu.dma_semaphore, #tpu.memory_space<semaphore_mem>>
        %dma_start3A_63 = arith.constant 0 : i32
        %dma_start3A_64 = tpu.memref_slice %arg8[%add3A_62, %dma_start3A_63] : memref<10240x128xf32, #tpu.memory_space<vmem_shared>> -> memref<128x128xf32, #tpu.memory_space<vmem_shared>>
        %dma_start3A_65 = arith.constant 0 : i32
        %dma_start3A_66 = tpu.memref_slice %arg8[%add3A_62, %dma_start3A_65] : memref<10240x128xf32, #tpu.memory_space<vmem_shared>> -> memref<128x128xf32, #tpu.memory_space<vmem_shared>>
        tpu.enqueue_dma source(%arg6 : memref<128x128xf32, #tpu.memory_space<vmem>>) target(%dma_start3A_66 : memref<128x128xf32, #tpu.memory_space<vmem_shared>>) target_semaphore(%run_scoped3A : memref<!tpu.dma_semaphore, #tpu.memory_space<semaphore_mem>>)
        %dma_wait3A_67 = arith.constant 0 : i32
        %dma_wait3A_68 = tpu.memref_slice %arg8[%add3A_62, %dma_wait3A_67] : memref<10240x128xf32, #tpu.memory_space<vmem_shared>> -> memref<128x128xf32, #tpu.memory_space<vmem_shared>>
        %dma_wait3A_69 = arith.constant 0 : i32
        %dma_wait3A_70 = tpu.memref_slice %arg8[%add3A_62, %dma_wait3A_69] : memref<10240x128xf32, #tpu.memory_space<vmem_shared>> -> memref<128x128xf32, #tpu.memory_space<vmem_shared>>
        tpu.wait_dma2 semaphore(%run_scoped3A : memref<!tpu.dma_semaphore, #tpu.memory_space<semaphore_mem>>) src(%arg6 : memref<128x128xf32, #tpu.memory_space<vmem>>) dst(%dma_wait3A_70 : memref<128x128xf32, #tpu.memory_space<vmem_shared>>)
        tpu.yield
      }) : () -> ()
    }
    %scan3A_15 = arith.constant 5 : i32
    %barrier3A = arith.constant 0 : index
    tpu.barrier barrier_id(%barrier3A)
    %add3A_16 = arith.constant 0 : i32
    %add3A_17 = arith.addi %mul3A_2, %add3A_16 : i32
    %add3A_18 = arith.constant 0 : i32
    %add3A_19 = arith.addi %add3A_18, %add3A_17 : i32
    %dma_start3A = arith.constant 0 : i32
    %dma_start3A_20 = arith.constant 0 : i32
    %dma_start3A_21 = tpu.memref_slice %arg5[%dma_start3A, %dma_start3A_20] : memref<2x128xi32, #tpu.memory_space<vmem>> -> memref<1x128xi32, #tpu.memory_space<vmem>>
    %dma_start3A_22 = tpu.memref_squeeze %dma_start3A_21 : memref<1x128xi32, #tpu.memory_space<vmem>> -> memref<128xi32, #tpu.memory_space<vmem>>
    %dma_start3A_23 = tpu.memref_slice %arg3[%add3A_19] : memref<327680xi32, #tpu.memory_space<hbm>> -> memref<128xi32, #tpu.memory_space<hbm>>
    %dma_start3A_24 = arith.constant 0 : i32
    %dma_start3A_25 = tpu.memref_slice %arg5[%dma_start3A, %dma_start3A_24] : memref<2x128xi32, #tpu.memory_space<vmem>> -> memref<1x128xi32, #tpu.memory_space<vmem>>
    %dma_start3A_26 = tpu.memref_squeeze %dma_start3A_25 : memref<1x128xi32, #tpu.memory_space<vmem>> -> memref<128xi32, #tpu.memory_space<vmem>>
    %dma_start3A_27 = tpu.memref_slice %arg3[%add3A_19] : memref<327680xi32, #tpu.memory_space<hbm>> -> memref<128xi32, #tpu.memory_space<hbm>>
    tpu.enqueue_dma source(%dma_start3A_27 : memref<128xi32, #tpu.memory_space<hbm>>) target(%dma_start3A_26 : memref<128xi32, #tpu.memory_space<vmem>>) target_semaphore(%arg9 : memref<!tpu.dma_semaphore, #tpu.memory_space<semaphore_mem>>)
    %dma_start3A_28 = arith.constant 0 : i32
    %dma_start3A_29 = tpu.memref_slice %arg2[%add3A_17, %dma_start3A_28] : memref<163840x128xf32, #tpu.memory_space<hbm>> -> memref<128x128xf32, #tpu.memory_space<hbm>>
    %dma_start3A_30 = arith.constant 0 : i32
    %dma_start3A_31 = tpu.memref_slice %arg2[%add3A_17, %dma_start3A_30] : memref<163840x128xf32, #tpu.memory_space<hbm>> -> memref<128x128xf32, #tpu.memory_space<hbm>>
    tpu.enqueue_dma source(%dma_start3A_31 : memref<128x128xf32, #tpu.memory_space<hbm>>) target(%arg6 : memref<128x128xf32, #tpu.memory_space<vmem>>) target_semaphore(%arg9 : memref<!tpu.dma_semaphore, #tpu.memory_space<semaphore_mem>>)
    %scan3A_32 = arith.constant 0 : i32
    %scan3A_33 = arith.constant 0 : i32
    %scan3A_34 = arith.constant 20 : i32
    %scan3A_35 = arith.addi %scan3A_33, %scan3A_34 : i32
    %scan3A_36 = arith.constant 1 : i32
    scf.for %scan3A_59 = %scan3A_33 to %scan3A_35 step %scan3A_36  : i32 {
      %mul3A_60 = arith.constant 2 : i32
      %mul3A_61 = arith.muli %mul3A_60, %scan3A_59 : i32
      %add3A_62 = arith.constant 1 : i32
      %add3A_63 = arith.addi %mul3A_61, %add3A_62 : i32
      %mul3A_64 = arith.constant 128 : i32
      %mul3A_65 = arith.muli %add3A_63, %mul3A_64 : i32
      %add3A_66 = arith.addi %mul3A_2, %mul3A_65 : i32
      %add3A_67 = arith.constant 0 : i32
      %add3A_68 = arith.addi %add3A_67, %add3A_66 : i32
      %dma_start3A_69 = arith.constant 1 : i32
      %dma_start3A_70 = arith.constant 0 : i32
      %dma_start3A_71 = tpu.memref_slice %arg5[%dma_start3A_69, %dma_start3A_70] : memref<2x128xi32, #tpu.memory_space<vmem>> -> memref<1x128xi32, #tpu.memory_space<vmem>>
      %dma_start3A_72 = tpu.memref_squeeze %dma_start3A_71 : memref<1x128xi32, #tpu.memory_space<vmem>> -> memref<128xi32, #tpu.memory_space<vmem>>
      %dma_start3A_73 = tpu.memref_slice %arg3[%add3A_68] : memref<327680xi32, #tpu.memory_space<hbm>> -> memref<128xi32, #tpu.memory_space<hbm>>
      %dma_start3A_74 = arith.constant 0 : i32
      %dma_start3A_75 = tpu.memref_slice %arg5[%dma_start3A_69, %dma_start3A_74] : memref<2x128xi32, #tpu.memory_space<vmem>> -> memref<1x128xi32, #tpu.memory_space<vmem>>
      %dma_start3A_76 = tpu.memref_squeeze %dma_start3A_75 : memref<1x128xi32, #tpu.memory_space<vmem>> -> memref<128xi32, #tpu.memory_space<vmem>>
      %dma_start3A_77 = tpu.memref_slice %arg3[%add3A_68] : memref<327680xi32, #tpu.memory_space<hbm>> -> memref<128xi32, #tpu.memory_space<hbm>>
      tpu.enqueue_dma source(%dma_start3A_77 : memref<128xi32, #tpu.memory_space<hbm>>) target(%dma_start3A_76 : memref<128xi32, #tpu.memory_space<vmem>>) target_semaphore(%arg10 : memref<!tpu.dma_semaphore, #tpu.memory_space<semaphore_mem>>)
      %dma_start3A_78 = arith.constant 0 : i32
      %dma_start3A_79 = tpu.memref_slice %arg2[%add3A_66, %dma_start3A_78] : memref<163840x128xf32, #tpu.memory_space<hbm>> -> memref<128x128xf32, #tpu.memory_space<hbm>>
      %dma_start3A_80 = arith.constant 0 : i32
      %dma_start3A_81 = tpu.memref_slice %arg2[%add3A_66, %dma_start3A_80] : memref<163840x128xf32, #tpu.memory_space<hbm>> -> memref<128x128xf32, #tpu.memory_space<hbm>>
      tpu.enqueue_dma source(%dma_start3A_81 : memref<128x128xf32, #tpu.memory_space<hbm>>) target(%arg7 : memref<128x128xf32, #tpu.memory_space<vmem>>) target_semaphore(%arg10 : memref<!tpu.dma_semaphore, #tpu.memory_space<semaphore_mem>>)
      %add3A_82 = arith.constant 0 : i32
      %add3A_83 = arith.addi %add3A_82, %mul3A_2 : i32
      %dma_wait3A_84 = arith.constant 0 : i32
      %dma_wait3A_85 = arith.constant 0 : i32
      %dma_wait3A_86 = tpu.memref_slice %arg5[%dma_wait3A_84, %dma_wait3A_85] : memref<2x128xi32, #tpu.memory_space<vmem>> -> memref<1x128xi32, #tpu.memory_space<vmem>>
      %dma_wait3A_87 = tpu.memref_squeeze %dma_wait3A_86 : memref<1x128xi32, #tpu.memory_space<vmem>> -> memref<128xi32, #tpu.memory_space<vmem>>
      %dma_wait3A_88 = tpu.memref_slice %arg3[%add3A_83] : memref<327680xi32, #tpu.memory_space<hbm>> -> memref<128xi32, #tpu.memory_space<hbm>>
      %dma_wait3A_89 = arith.constant 0 : i32
      %dma_wait3A_90 = tpu.memref_slice %arg5[%dma_wait3A_84, %dma_wait3A_89] : memref<2x128xi32, #tpu.memory_space<vmem>> -> memref<1x128xi32, #tpu.memory_space<vmem>>
      %dma_wait3A_91 = tpu.memref_squeeze %dma_wait3A_90 : memref<1x128xi32, #tpu.memory_space<vmem>> -> memref<128xi32, #tpu.memory_space<vmem>>
      %dma_wait3A_92 = tpu.memref_slice %arg3[%add3A_83] : memref<327680xi32, #tpu.memory_space<hbm>> -> memref<128xi32, #tpu.memory_space<hbm>>
      tpu.wait_dma2 semaphore(%arg9 : memref<!tpu.dma_semaphore, #tpu.memory_space<semaphore_mem>>) src(%dma_wait3A_92 : memref<128xi32, #tpu.memory_space<hbm>>) dst(%dma_wait3A_91 : memref<128xi32, #tpu.memory_space<vmem>>)
      %dma_wait3A_93 = arith.constant 0 : i32
      %dma_wait3A_94 = tpu.memref_slice %arg2[%mul3A_2, %dma_wait3A_93] : memref<163840x128xf32, #tpu.memory_space<hbm>> -> memref<128x128xf32, #tpu.memory_space<hbm>>
      %dma_wait3A_95 = arith.constant 0 : i32
      %dma_wait3A_96 = tpu.memref_slice %arg2[%mul3A_2, %dma_wait3A_95] : memref<163840x128xf32, #tpu.memory_space<hbm>> -> memref<128x128xf32, #tpu.memory_space<hbm>>
      tpu.wait_dma2 semaphore(%arg9 : memref<!tpu.dma_semaphore, #tpu.memory_space<semaphore_mem>>) src(%dma_wait3A_96 : memref<128x128xf32, #tpu.memory_space<hbm>>) dst(%arg6 : memref<128x128xf32, #tpu.memory_space<vmem>>)
      %run_scoped3A = arith.constant 0 : i32
      "tpu.region"() ({
        %run_scoped3A_134 = tpu.sem_alloc : memref<!tpu.dma_semaphore, #tpu.memory_space<semaphore_mem>>
        %dma_start3A_135 = arith.constant 0 : i32
        %dma_start3A_136 = tpu.memref_slice %arg5[%run_scoped3A, %dma_start3A_135] : memref<2x128xi32, #tpu.memory_space<vmem>> -> memref<1x128xi32, #tpu.memory_space<vmem>>
        %dma_start3A_137 = tpu.memref_squeeze %dma_start3A_136 : memref<1x128xi32, #tpu.memory_space<vmem>> -> memref<128xi32, #tpu.memory_space<vmem>>
        %dma_start3A_138 = arith.constant 0 : i32
        %dma_start3A_139 = arith.constant 0 : i32
        %dma_start3A_140 = tpu.memref_slice %arg8[%dma_start3A_138, %dma_start3A_139] : memref<10240x128xf32, #tpu.memory_space<vmem_shared>> -> memref<10240x128xf32, #tpu.memory_space<vmem_shared>>
        tpu.enqueue_indirect_dma source(%arg6 : memref<128x128xf32, #tpu.memory_space<vmem>>) target(%dma_start3A_140 : memref<10240x128xf32, #tpu.memory_space<vmem_shared>>) offsets(%dma_start3A_137 : memref<128xi32, #tpu.memory_space<vmem>>) semaphore(%run_scoped3A_134 : memref<!tpu.dma_semaphore, #tpu.memory_space<semaphore_mem>>) {add = true}
        %dma_wait3A_141 = arith.constant 0 : i32
        %dma_wait3A_142 = tpu.memref_slice %arg5[%run_scoped3A, %dma_wait3A_141] : memref<2x128xi32, #tpu.memory_space<vmem>> -> memref<1x128xi32, #tpu.memory_space<vmem>>
        %dma_wait3A_143 = tpu.memref_squeeze %dma_wait3A_142 : memref<1x128xi32, #tpu.memory_space<vmem>> -> memref<128xi32, #tpu.memory_space<vmem>>
        %dma_wait3A_144 = arith.constant 0 : i32
        %dma_wait3A_145 = arith.constant 0 : i32
        %dma_wait3A_146 = tpu.memref_slice %arg8[%dma_wait3A_144, %dma_wait3A_145] : memref<10240x128xf32, #tpu.memory_space<vmem_shared>> -> memref<10240x128xf32, #tpu.memory_space<vmem_shared>>
        tpu.wait_indirect_dma semaphore(%run_scoped3A_134 : memref<!tpu.dma_semaphore, #tpu.memory_space<semaphore_mem>>) src(%arg6 : memref<128x128xf32, #tpu.memory_space<vmem>>) dst(%dma_wait3A_146 : memref<10240x128xf32, #tpu.memory_space<vmem_shared>>)
        tpu.yield
      }) : () -> ()
      %add3A_97 = arith.constant 2 : i32
      %add3A_98 = arith.addi %mul3A_61, %add3A_97 : i32
      %min3A = arith.constant 38 : i32
      %min3A_99 = arith.minsi %add3A_98, %min3A : i32
      %mul3A_100 = arith.constant 128 : i32
      %mul3A_101 = arith.muli %min3A_99, %mul3A_100 : i32
      %add3A_102 = arith.addi %mul3A_2, %mul3A_101 : i32
      %add3A_103 = arith.constant 0 : i32
      %add3A_104 = arith.addi %add3A_103, %add3A_102 : i32
      %dma_start3A_105 = arith.constant 0 : i32
      %dma_start3A_106 = arith.constant 0 : i32
      %dma_start3A_107 = tpu.memref_slice %arg5[%dma_start3A_105, %dma_start3A_106] : memref<2x128xi32, #tpu.memory_space<vmem>> -> memref<1x128xi32, #tpu.memory_space<vmem>>
      %dma_start3A_108 = tpu.memref_squeeze %dma_start3A_107 : memref<1x128xi32, #tpu.memory_space<vmem>> -> memref<128xi32, #tpu.memory_space<vmem>>
      %dma_start3A_109 = tpu.memref_slice %arg3[%add3A_104] : memref<327680xi32, #tpu.memory_space<hbm>> -> memref<128xi32, #tpu.memory_space<hbm>>
      %dma_start3A_110 = arith.constant 0 : i32
      %dma_start3A_111 = tpu.memref_slice %arg5[%dma_start3A_105, %dma_start3A_110] : memref<2x128xi32, #tpu.memory_space<vmem>> -> memref<1x128xi32, #tpu.memory_space<vmem>>
      %dma_start3A_112 = tpu.memref_squeeze %dma_start3A_111 : memref<1x128xi32, #tpu.memory_space<vmem>> -> memref<128xi32, #tpu.memory_space<vmem>>
      %dma_start3A_113 = tpu.memref_slice %arg3[%add3A_104] : memref<327680xi32, #tpu.memory_space<hbm>> -> memref<128xi32, #tpu.memory_space<hbm>>
      tpu.enqueue_dma source(%dma_start3A_113 : memref<128xi32, #tpu.memory_space<hbm>>) target(%dma_start3A_112 : memref<128xi32, #tpu.memory_space<vmem>>) target_semaphore(%arg9 : memref<!tpu.dma_semaphore, #tpu.memory_space<semaphore_mem>>)
      %dma_start3A_114 = arith.constant 0 : i32
      %dma_start3A_115 = tpu.memref_slice %arg2[%add3A_102, %dma_start3A_114] : memref<163840x128xf32, #tpu.memory_space<hbm>> -> memref<128x128xf32, #tpu.memory_space<hbm>>
      %dma_start3A_116 = arith.constant 0 : i32
      %dma_start3A_117 = tpu.memref_slice %arg2[%add3A_102, %dma_start3A_116] : memref<163840x128xf32, #tpu.memory_space<hbm>> -> memref<128x128xf32, #tpu.memory_space<hbm>>
      tpu.enqueue_dma source(%dma_start3A_117 : memref<128x128xf32, #tpu.memory_space<hbm>>) target(%arg6 : memref<128x128xf32, #tpu.memory_space<vmem>>) target_semaphore(%arg9 : memref<!tpu.dma_semaphore, #tpu.memory_space<semaphore_mem>>)
      %add3A_118 = arith.constant 0 : i32
      %add3A_119 = arith.addi %add3A_118, %mul3A_2 : i32
      %dma_wait3A_120 = arith.constant 1 : i32
      %dma_wait3A_121 = arith.constant 0 : i32
      %dma_wait3A_122 = tpu.memref_slice %arg5[%dma_wait3A_120, %dma_wait3A_121] : memref<2x128xi32, #tpu.memory_space<vmem>> -> memref<1x128xi32, #tpu.memory_space<vmem>>
      %dma_wait3A_123 = tpu.memref_squeeze %dma_wait3A_122 : memref<1x128xi32, #tpu.memory_space<vmem>> -> memref<128xi32, #tpu.memory_space<vmem>>
      %dma_wait3A_124 = tpu.memref_slice %arg3[%add3A_119] : memref<327680xi32, #tpu.memory_space<hbm>> -> memref<128xi32, #tpu.memory_space<hbm>>
      %dma_wait3A_125 = arith.constant 0 : i32
      %dma_wait3A_126 = tpu.memref_slice %arg5[%dma_wait3A_120, %dma_wait3A_125] : memref<2x128xi32, #tpu.memory_space<vmem>> -> memref<1x128xi32, #tpu.memory_space<vmem>>
      %dma_wait3A_127 = tpu.memref_squeeze %dma_wait3A_126 : memref<1x128xi32, #tpu.memory_space<vmem>> -> memref<128xi32, #tpu.memory_space<vmem>>
      %dma_wait3A_128 = tpu.memref_slice %arg3[%add3A_119] : memref<327680xi32, #tpu.memory_space<hbm>> -> memref<128xi32, #tpu.memory_space<hbm>>
      tpu.wait_dma2 semaphore(%arg10 : memref<!tpu.dma_semaphore, #tpu.memory_space<semaphore_mem>>) src(%dma_wait3A_128 : memref<128xi32, #tpu.memory_space<hbm>>) dst(%dma_wait3A_127 : memref<128xi32, #tpu.memory_space<vmem>>)
      %dma_wait3A_129 = arith.constant 0 : i32
      %dma_wait3A_130 = tpu.memref_slice %arg2[%mul3A_2, %dma_wait3A_129] : memref<163840x128xf32, #tpu.memory_space<hbm>> -> memref<128x128xf32, #tpu.memory_space<hbm>>
      %dma_wait3A_131 = arith.constant 0 : i32
      %dma_wait3A_132 = tpu.memref_slice %arg2[%mul3A_2, %dma_wait3A_131] : memref<163840x128xf32, #tpu.memory_space<hbm>> -> memref<128x128xf32, #tpu.memory_space<hbm>>
      tpu.wait_dma2 semaphore(%arg10 : memref<!tpu.dma_semaphore, #tpu.memory_space<semaphore_mem>>) src(%dma_wait3A_132 : memref<128x128xf32, #tpu.memory_space<hbm>>) dst(%arg7 : memref<128x128xf32, #tpu.memory_space<vmem>>)
      %run_scoped3A_133 = arith.constant 1 : i32
      "tpu.region"() ({
        %run_scoped3A_134 = tpu.sem_alloc : memref<!tpu.dma_semaphore, #tpu.memory_space<semaphore_mem>>
        %dma_start3A_135 = arith.constant 0 : i32
        %dma_start3A_136 = tpu.memref_slice %arg5[%run_scoped3A_133, %dma_start3A_135] : memref<2x128xi32, #tpu.memory_space<vmem>> -> memref<1x128xi32, #tpu.memory_space<vmem>>
        %dma_start3A_137 = tpu.memref_squeeze %dma_start3A_136 : memref<1x128xi32, #tpu.memory_space<vmem>> -> memref<128xi32, #tpu.memory_space<vmem>>
        %dma_start3A_138 = arith.constant 0 : i32
        %dma_start3A_139 = arith.constant 0 : i32
        %dma_start3A_140 = tpu.memref_slice %arg8[%dma_start3A_138, %dma_start3A_139] : memref<10240x128xf32, #tpu.memory_space<vmem_shared>> -> memref<10240x128xf32, #tpu.memory_space<vmem_shared>>
        tpu.enqueue_indirect_dma source(%arg7 : memref<128x128xf32, #tpu.memory_space<vmem>>) target(%dma_start3A_140 : memref<10240x128xf32, #tpu.memory_space<vmem_shared>>) offsets(%dma_start3A_137 : memref<128xi32, #tpu.memory_space<vmem>>) semaphore(%run_scoped3A_134 : memref<!tpu.dma_semaphore, #tpu.memory_space<semaphore_mem>>) {add = true}
        %dma_wait3A_141 = arith.constant 0 : i32
        %dma_wait3A_142 = tpu.memref_slice %arg5[%run_scoped3A_133, %dma_wait3A_141] : memref<2x128xi32, #tpu.memory_space<vmem>> -> memref<1x128xi32, #tpu.memory_space<vmem>>
        %dma_wait3A_143 = tpu.memref_squeeze %dma_wait3A_142 : memref<1x128xi32, #tpu.memory_space<vmem>> -> memref<128xi32, #tpu.memory_space<vmem>>
        %dma_wait3A_144 = arith.constant 0 : i32
        %dma_wait3A_145 = arith.constant 0 : i32
        %dma_wait3A_146 = tpu.memref_slice %arg8[%dma_wait3A_144, %dma_wait3A_145] : memref<10240x128xf32, #tpu.memory_space<vmem_shared>> -> memref<10240x128xf32, #tpu.memory_space<vmem_shared>>
        tpu.wait_indirect_dma semaphore(%run_scoped3A_134 : memref<!tpu.dma_semaphore, #tpu.memory_space<semaphore_mem>>) src(%arg7 : memref<128x128xf32, #tpu.memory_space<vmem>>) dst(%dma_wait3A_146 : memref<10240x128xf32, #tpu.memory_space<vmem_shared>>)
        tpu.yield
      }) : () -> ()
    }
    %scan3A_37 = arith.constant 20 : i32
    %add3A_38 = arith.constant 0 : i32
    %add3A_39 = arith.addi %add3A_38, %mul3A_2 : i32
    %dma_wait3A = arith.constant 0 : i32
    %dma_wait3A_40 = arith.constant 0 : i32
    %dma_wait3A_41 = tpu.memref_slice %arg5[%dma_wait3A, %dma_wait3A_40] : memref<2x128xi32, #tpu.memory_space<vmem>> -> memref<1x128xi32, #tpu.memory_space<vmem>>
    %dma_wait3A_42 = tpu.memref_squeeze %dma_wait3A_41 : memref<1x128xi32, #tpu.memory_space<vmem>> -> memref<128xi32, #tpu.memory_space<vmem>>
    %dma_wait3A_43 = tpu.memref_slice %arg3[%add3A_39] : memref<327680xi32, #tpu.memory_space<hbm>> -> memref<128xi32, #tpu.memory_space<hbm>>
    %dma_wait3A_44 = arith.constant 0 : i32
    %dma_wait3A_45 = tpu.memref_slice %arg5[%dma_wait3A, %dma_wait3A_44] : memref<2x128xi32, #tpu.memory_space<vmem>> -> memref<1x128xi32, #tpu.memory_space<vmem>>
    %dma_wait3A_46 = tpu.memref_squeeze %dma_wait3A_45 : memref<1x128xi32, #tpu.memory_space<vmem>> -> memref<128xi32, #tpu.memory_space<vmem>>
    %dma_wait3A_47 = tpu.memref_slice %arg3[%add3A_39] : memref<327680xi32, #tpu.memory_space<hbm>> -> memref<128xi32, #tpu.memory_space<hbm>>
    tpu.wait_dma2 semaphore(%arg9 : memref<!tpu.dma_semaphore, #tpu.memory_space<semaphore_mem>>) src(%dma_wait3A_47 : memref<128xi32, #tpu.memory_space<hbm>>) dst(%dma_wait3A_46 : memref<128xi32, #tpu.memory_space<vmem>>)
    %dma_wait3A_48 = arith.constant 0 : i32
    %dma_wait3A_49 = tpu.memref_slice %arg2[%mul3A_2, %dma_wait3A_48] : memref<163840x128xf32, #tpu.memory_space<hbm>> -> memref<128x128xf32, #tpu.memory_space<hbm>>
    %dma_wait3A_50 = arith.constant 0 : i32
    %dma_wait3A_51 = tpu.memref_slice %arg2[%mul3A_2, %dma_wait3A_50] : memref<163840x128xf32, #tpu.memory_space<hbm>> -> memref<128x128xf32, #tpu.memory_space<hbm>>
    tpu.wait_dma2 semaphore(%arg9 : memref<!tpu.dma_semaphore, #tpu.memory_space<semaphore_mem>>) src(%dma_wait3A_51 : memref<128x128xf32, #tpu.memory_space<hbm>>) dst(%arg6 : memref<128x128xf32, #tpu.memory_space<vmem>>)
    %barrier3A_52 = arith.constant 0 : index
    tpu.barrier barrier_id(%barrier3A_52)
    %scan3A_53 = arith.constant 0 : i32
    %scan3A_54 = arith.constant 0 : i32
    %scan3A_55 = arith.constant 5 : i32
    %scan3A_56 = arith.addi %scan3A_54, %scan3A_55 : i32
    %scan3A_57 = arith.constant 1 : i32
    scf.for %scan3A_59 = %scan3A_54 to %scan3A_56 step %scan3A_57  : i32 {
      %mul3A_60 = arith.constant 128 : i32
      %mul3A_61 = arith.muli %scan3A_59, %mul3A_60 : i32
      %add3A_62 = arith.addi %mul3A_4, %mul3A_61 : i32
      "tpu.region"() ({
        %run_scoped3A = tpu.sem_alloc : memref<!tpu.dma_semaphore, #tpu.memory_space<semaphore_mem>>
        %dma_start3A_63 = arith.constant 0 : i32
        %dma_start3A_64 = tpu.memref_slice %arg8[%add3A_62, %dma_start3A_63] : memref<10240x128xf32, #tpu.memory_space<vmem_shared>> -> memref<128x128xf32, #tpu.memory_space<vmem_shared>>
        %dma_start3A_65 = arith.constant 0 : i32
        %dma_start3A_66 = tpu.memref_slice %arg8[%add3A_62, %dma_start3A_65] : memref<10240x128xf32, #tpu.memory_space<vmem_shared>> -> memref<128x128xf32, #tpu.memory_space<vmem_shared>>
        tpu.enqueue_dma source(%dma_start3A_66 : memref<128x128xf32, #tpu.memory_space<vmem_shared>>) target(%arg6 : memref<128x128xf32, #tpu.memory_space<vmem>>) target_semaphore(%run_scoped3A : memref<!tpu.dma_semaphore, #tpu.memory_space<semaphore_mem>>)
        %dma_wait3A_67 = arith.constant 0 : i32
        %dma_wait3A_68 = tpu.memref_slice %arg8[%add3A_62, %dma_wait3A_67] : memref<10240x128xf32, #tpu.memory_space<vmem_shared>> -> memref<128x128xf32, #tpu.memory_space<vmem_shared>>
        %dma_wait3A_69 = arith.constant 0 : i32
        %dma_wait3A_70 = tpu.memref_slice %arg8[%add3A_62, %dma_wait3A_69] : memref<10240x128xf32, #tpu.memory_space<vmem_shared>> -> memref<128x128xf32, #tpu.memory_space<vmem_shared>>
        tpu.wait_dma2 semaphore(%run_scoped3A : memref<!tpu.dma_semaphore, #tpu.memory_space<semaphore_mem>>) src(%dma_wait3A_70 : memref<128x128xf32, #tpu.memory_space<vmem_shared>>) dst(%arg6 : memref<128x128xf32, #tpu.memory_space<vmem>>)
        tpu.yield
      }) : () -> ()
      "tpu.region"() ({
        %run_scoped3A = tpu.sem_alloc : memref<!tpu.dma_semaphore, #tpu.memory_space<semaphore_mem>>
        %dma_start3A_63 = arith.constant 0 : i32
        %dma_start3A_64 = tpu.memref_slice %arg4[%arg0, %add3A_62, %dma_start3A_63] : memref<2x10240x128xf32, #tpu.memory_space<hbm>> -> memref<1x128x128xf32, #tpu.memory_space<hbm>>
        %dma_start3A_65 = tpu.memref_squeeze %dma_start3A_64 : memref<1x128x128xf32, #tpu.memory_space<hbm>> -> memref<128x128xf32, #tpu.memory_space<hbm>>
        %dma_start3A_66 = arith.constant 0 : i32
        %dma_start3A_67 = tpu.memref_slice %arg4[%arg0, %add3A_62, %dma_start3A_66] : memref<2x10240x128xf32, #tpu.memory_space<hbm>> -> memref<1x128x128xf32, #tpu.memory_space<hbm>>
        %dma_start3A_68 = tpu.memref_squeeze %dma_start3A_67 : memref<1x128x128xf32, #tpu.memory_space<hbm>> -> memref<128x128xf32, #tpu.memory_space<hbm>>
        tpu.enqueue_dma source(%arg6 : memref<128x128xf32, #tpu.memory_space<vmem>>) target(%dma_start3A_68 : memref<128x128xf32, #tpu.memory_space<hbm>>) target_semaphore(%run_scoped3A : memref<!tpu.dma_semaphore, #tpu.memory_space<semaphore_mem>>)
        %dma_wait3A_69 = arith.constant 0 : i32
        %dma_wait3A_70 = tpu.memref_slice %arg4[%arg0, %add3A_62, %dma_wait3A_69] : memref<2x10240x128xf32, #tpu.memory_space<hbm>> -> memref<1x128x128xf32, #tpu.memory_space<hbm>>
        %dma_wait3A_71 = tpu.memref_squeeze %dma_wait3A_70 : memref<1x128x128xf32, #tpu.memory_space<hbm>> -> memref<128x128xf32, #tpu.memory_space<hbm>>
        %dma_wait3A_72 = arith.constant 0 : i32
        %dma_wait3A_73 = tpu.memref_slice %arg4[%arg0, %add3A_62, %dma_wait3A_72] : memref<2x10240x128xf32, #tpu.memory_space<hbm>> -> memref<1x128x128xf32, #tpu.memory_space<hbm>>
        %dma_wait3A_74 = tpu.memref_squeeze %dma_wait3A_73 : memref<1x128x128xf32, #tpu.memory_space<hbm>> -> memref<128x128xf32, #tpu.memory_space<hbm>>
        tpu.wait_dma2 semaphore(%run_scoped3A : memref<!tpu.dma_semaphore, #tpu.memory_space<semaphore_mem>>) src(%arg6 : memref<128x128xf32, #tpu.memory_space<vmem>>) dst(%dma_wait3A_74 : memref<128x128xf32, #tpu.memory_space<hbm>>)
        tpu.yield
      }) : () -> ()
    }
    %scan3A_58 = arith.constant 5 : i32
    return
  }
}

#map = affine_map<(d0, d1) -> (0, 0)>
#map1 = affine_map<(d0, d1) -> (0)>
module attributes {stable_mosaic.version = 14 : i64} {
  func.func @gather(%arg0: i32, %arg1: i32, %arg2: memref<10000x128xf32, #tpu.memory_space<hbm>>, %arg3: memref<10000x128xf32, #tpu.memory_space<hbm>>, %arg4: memref<327680xi32, #tpu.memory_space<hbm>>, %arg5: memref<327680xi32, #tpu.memory_space<hbm>>, %arg6: memref<163840x128xf32, #tpu.memory_space<hbm>>, %arg7: memref<2x128xi32, #tpu.memory_space<vmem>>, %arg8: memref<2x128xi32, #tpu.memory_space<vmem>>, %arg9: memref<128x128xf32, #tpu.memory_space<vmem>>, %arg10: memref<128x128xf32, #tpu.memory_space<vmem>>, %arg11: memref<128x128xf32, #tpu.memory_space<vmem>>, %arg12: memref<128x128xf32, #tpu.memory_space<vmem>>, %arg13: memref<!tpu.dma_semaphore, #tpu.memory_space<semaphore_mem>>, %arg14: memref<!tpu.dma_semaphore, #tpu.memory_space<semaphore_mem>>) attributes {dimension_semantics = [#tpu.dimension_semantics<core_parallel>, #tpu.dimension_semantics<subcore_parallel>], iteration_bounds = array<i64: 2, 16>, scalar_prefetch = 0 : i64, scratch_operands = 8 : i64, tpu.core_type = #tpu.core_type<sc_vector_subcore>, window_params = [{transform_indices = #map}, {transform_indices = #map}, {transform_indices = #map1}, {transform_indices = #map1}, {transform_indices = #map}]} {
    %mul3A = arith.constant 2 : i32
    %mul3A_0 = arith.muli %arg1, %mul3A : i32
    %add3A = arith.addi %mul3A_0, %arg0 : i32
    %mul3A_1 = arith.constant 5120 : i32
    %mul3A_2 = arith.muli %add3A, %mul3A_1 : i32
    %add3A_3 = arith.constant 0 : i32
    %add3A_4 = arith.addi %add3A_3, %mul3A_2 : i32
    %add3A_5 = arith.constant 0 : i32
    %add3A_6 = arith.addi %add3A_4, %add3A_5 : i32
    %run_scoped3A = arith.constant 0 : i32
    "tpu.region"() ({
      %run_scoped3A_39 = tpu.sem_alloc : memref<!tpu.dma_semaphore, #tpu.memory_space<semaphore_mem>>
      %dma_start3A_40 = arith.constant 0 : i32
      %dma_start3A_41 = tpu.memref_slice %arg7[%run_scoped3A, %dma_start3A_40] : memref<2x128xi32, #tpu.memory_space<vmem>> -> memref<1x128xi32, #tpu.memory_space<vmem>>
      %dma_start3A_42 = tpu.memref_squeeze %dma_start3A_41 : memref<1x128xi32, #tpu.memory_space<vmem>> -> memref<128xi32, #tpu.memory_space<vmem>>
      %dma_start3A_43 = tpu.memref_slice %arg4[%add3A_6] : memref<327680xi32, #tpu.memory_space<hbm>> -> memref<128xi32, #tpu.memory_space<hbm>>
      %dma_start3A_44 = arith.constant 0 : i32
      %dma_start3A_45 = tpu.memref_slice %arg7[%run_scoped3A, %dma_start3A_44] : memref<2x128xi32, #tpu.memory_space<vmem>> -> memref<1x128xi32, #tpu.memory_space<vmem>>
      %dma_start3A_46 = tpu.memref_squeeze %dma_start3A_45 : memref<1x128xi32, #tpu.memory_space<vmem>> -> memref<128xi32, #tpu.memory_space<vmem>>
      %dma_start3A_47 = tpu.memref_slice %arg4[%add3A_6] : memref<327680xi32, #tpu.memory_space<hbm>> -> memref<128xi32, #tpu.memory_space<hbm>>
      tpu.enqueue_dma source(%dma_start3A_47 : memref<128xi32, #tpu.memory_space<hbm>>) target(%dma_start3A_46 : memref<128xi32, #tpu.memory_space<vmem>>) target_semaphore(%run_scoped3A_39 : memref<!tpu.dma_semaphore, #tpu.memory_space<semaphore_mem>>)
      %dma_wait3A_48 = arith.constant 0 : i32
      %dma_wait3A_49 = tpu.memref_slice %arg7[%run_scoped3A, %dma_wait3A_48] : memref<2x128xi32, #tpu.memory_space<vmem>> -> memref<1x128xi32, #tpu.memory_space<vmem>>
      %dma_wait3A_50 = tpu.memref_squeeze %dma_wait3A_49 : memref<1x128xi32, #tpu.memory_space<vmem>> -> memref<128xi32, #tpu.memory_space<vmem>>
      %dma_wait3A_51 = tpu.memref_slice %arg4[%add3A_6] : memref<327680xi32, #tpu.memory_space<hbm>> -> memref<128xi32, #tpu.memory_space<hbm>>
      %dma_wait3A_52 = arith.constant 0 : i32
      %dma_wait3A_53 = tpu.memref_slice %arg7[%run_scoped3A, %dma_wait3A_52] : memref<2x128xi32, #tpu.memory_space<vmem>> -> memref<1x128xi32, #tpu.memory_space<vmem>>
      %dma_wait3A_54 = tpu.memref_squeeze %dma_wait3A_53 : memref<1x128xi32, #tpu.memory_space<vmem>> -> memref<128xi32, #tpu.memory_space<vmem>>
      %dma_wait3A_55 = tpu.memref_slice %arg4[%add3A_6] : memref<327680xi32, #tpu.memory_space<hbm>> -> memref<128xi32, #tpu.memory_space<hbm>>
      tpu.wait_dma2 semaphore(%run_scoped3A_39 : memref<!tpu.dma_semaphore, #tpu.memory_space<semaphore_mem>>) src(%dma_wait3A_55 : memref<128xi32, #tpu.memory_space<hbm>>) dst(%dma_wait3A_54 : memref<128xi32, #tpu.memory_space<vmem>>)
      tpu.yield
    }) : () -> ()
    %run_scoped3A_7 = arith.constant 0 : i32
    "tpu.region"() ({
      %run_scoped3A_39 = tpu.sem_alloc : memref<!tpu.dma_semaphore, #tpu.memory_space<semaphore_mem>>
      %dma_start3A_40 = arith.constant 0 : i32
      %dma_start3A_41 = tpu.memref_slice %arg8[%run_scoped3A_7, %dma_start3A_40] : memref<2x128xi32, #tpu.memory_space<vmem>> -> memref<1x128xi32, #tpu.memory_space<vmem>>
      %dma_start3A_42 = tpu.memref_squeeze %dma_start3A_41 : memref<1x128xi32, #tpu.memory_space<vmem>> -> memref<128xi32, #tpu.memory_space<vmem>>
      %dma_start3A_43 = tpu.memref_slice %arg5[%add3A_6] : memref<327680xi32, #tpu.memory_space<hbm>> -> memref<128xi32, #tpu.memory_space<hbm>>
      %dma_start3A_44 = arith.constant 0 : i32
      %dma_start3A_45 = tpu.memref_slice %arg8[%run_scoped3A_7, %dma_start3A_44] : memref<2x128xi32, #tpu.memory_space<vmem>> -> memref<1x128xi32, #tpu.memory_space<vmem>>
      %dma_start3A_46 = tpu.memref_squeeze %dma_start3A_45 : memref<1x128xi32, #tpu.memory_space<vmem>> -> memref<128xi32, #tpu.memory_space<vmem>>
      %dma_start3A_47 = tpu.memref_slice %arg5[%add3A_6] : memref<327680xi32, #tpu.memory_space<hbm>> -> memref<128xi32, #tpu.memory_space<hbm>>
      tpu.enqueue_dma source(%dma_start3A_47 : memref<128xi32, #tpu.memory_space<hbm>>) target(%dma_start3A_46 : memref<128xi32, #tpu.memory_space<vmem>>) target_semaphore(%run_scoped3A_39 : memref<!tpu.dma_semaphore, #tpu.memory_space<semaphore_mem>>)
      %dma_wait3A_48 = arith.constant 0 : i32
      %dma_wait3A_49 = tpu.memref_slice %arg8[%run_scoped3A_7, %dma_wait3A_48] : memref<2x128xi32, #tpu.memory_space<vmem>> -> memref<1x128xi32, #tpu.memory_space<vmem>>
      %dma_wait3A_50 = tpu.memref_squeeze %dma_wait3A_49 : memref<1x128xi32, #tpu.memory_space<vmem>> -> memref<128xi32, #tpu.memory_space<vmem>>
      %dma_wait3A_51 = tpu.memref_slice %arg5[%add3A_6] : memref<327680xi32, #tpu.memory_space<hbm>> -> memref<128xi32, #tpu.memory_space<hbm>>
      %dma_wait3A_52 = arith.constant 0 : i32
      %dma_wait3A_53 = tpu.memref_slice %arg8[%run_scoped3A_7, %dma_wait3A_52] : memref<2x128xi32, #tpu.memory_space<vmem>> -> memref<1x128xi32, #tpu.memory_space<vmem>>
      %dma_wait3A_54 = tpu.memref_squeeze %dma_wait3A_53 : memref<1x128xi32, #tpu.memory_space<vmem>> -> memref<128xi32, #tpu.memory_space<vmem>>
      %dma_wait3A_55 = tpu.memref_slice %arg5[%add3A_6] : memref<327680xi32, #tpu.memory_space<hbm>> -> memref<128xi32, #tpu.memory_space<hbm>>
      tpu.wait_dma2 semaphore(%run_scoped3A_39 : memref<!tpu.dma_semaphore, #tpu.memory_space<semaphore_mem>>) src(%dma_wait3A_55 : memref<128xi32, #tpu.memory_space<hbm>>) dst(%dma_wait3A_54 : memref<128xi32, #tpu.memory_space<vmem>>)
      tpu.yield
    }) : () -> ()
    %dma_start3A = arith.constant 0 : i32
    %dma_start3A_8 = arith.constant 0 : i32
    %dma_start3A_9 = tpu.memref_slice %arg7[%dma_start3A, %dma_start3A_8] : memref<2x128xi32, #tpu.memory_space<vmem>> -> memref<1x128xi32, #tpu.memory_space<vmem>>
    %dma_start3A_10 = tpu.memref_squeeze %dma_start3A_9 : memref<1x128xi32, #tpu.memory_space<vmem>> -> memref<128xi32, #tpu.memory_space<vmem>>
    %dma_start3A_11 = arith.constant 0 : i32
    %dma_start3A_12 = arith.constant 0 : i32
    %dma_start3A_13 = tpu.memref_slice %arg2[%dma_start3A_11, %dma_start3A_12] : memref<10000x128xf32, #tpu.memory_space<hbm>> -> memref<10000x128xf32, #tpu.memory_space<hbm>>
    tpu.enqueue_indirect_dma source(%dma_start3A_13 : memref<10000x128xf32, #tpu.memory_space<hbm>>) target(%arg9 : memref<128x128xf32, #tpu.memory_space<vmem>>) offsets(%dma_start3A_10 : memref<128xi32, #tpu.memory_space<vmem>>) semaphore(%arg13 : memref<!tpu.dma_semaphore, #tpu.memory_space<semaphore_mem>>)
    %dma_start3A_14 = arith.constant 0 : i32
    %dma_start3A_15 = arith.constant 0 : i32
    %dma_start3A_16 = tpu.memref_slice %arg8[%dma_start3A_14, %dma_start3A_15] : memref<2x128xi32, #tpu.memory_space<vmem>> -> memref<1x128xi32, #tpu.memory_space<vmem>>
    %dma_start3A_17 = tpu.memref_squeeze %dma_start3A_16 : memref<1x128xi32, #tpu.memory_space<vmem>> -> memref<128xi32, #tpu.memory_space<vmem>>
    %dma_start3A_18 = arith.constant 0 : i32
    %dma_start3A_19 = arith.constant 0 : i32
    %dma_start3A_20 = tpu.memref_slice %arg3[%dma_start3A_18, %dma_start3A_19] : memref<10000x128xf32, #tpu.memory_space<hbm>> -> memref<10000x128xf32, #tpu.memory_space<hbm>>
    tpu.enqueue_indirect_dma source(%dma_start3A_20 : memref<10000x128xf32, #tpu.memory_space<hbm>>) target(%arg10 : memref<128x128xf32, #tpu.memory_space<vmem>>) offsets(%dma_start3A_17 : memref<128xi32, #tpu.memory_space<vmem>>) semaphore(%arg13 : memref<!tpu.dma_semaphore, #tpu.memory_space<semaphore_mem>>)
    %scan3A = arith.constant 0 : i32
    %scan3A_21 = arith.constant 0 : i32
    %scan3A_22 = arith.constant 20 : i32
    %scan3A_23 = arith.addi %scan3A_21, %scan3A_22 : i32
    %scan3A_24 = arith.constant 1 : i32
    scf.for %scan3A_39 = %scan3A_21 to %scan3A_23 step %scan3A_24  : i32 {
      %mul3A_40 = arith.constant 2 : i32
      %mul3A_41 = arith.muli %mul3A_40, %scan3A_39 : i32
      %add3A_42 = arith.constant 1 : i32
      %add3A_43 = arith.addi %mul3A_41, %add3A_42 : i32
      %add3A_44 = arith.constant 0 : i32
      %add3A_45 = arith.addi %add3A_44, %mul3A_2 : i32
      %mul3A_46 = arith.constant 128 : i32
      %mul3A_47 = arith.muli %add3A_43, %mul3A_46 : i32
      %add3A_48 = arith.addi %add3A_45, %mul3A_47 : i32
      %run_scoped3A_49 = arith.constant 1 : i32
      "tpu.region"() ({
        %run_scoped3A_137 = tpu.sem_alloc : memref<!tpu.dma_semaphore, #tpu.memory_space<semaphore_mem>>
        %dma_start3A_138 = arith.constant 0 : i32
        %dma_start3A_139 = tpu.memref_slice %arg7[%run_scoped3A_49, %dma_start3A_138] : memref<2x128xi32, #tpu.memory_space<vmem>> -> memref<1x128xi32, #tpu.memory_space<vmem>>
        %dma_start3A_140 = tpu.memref_squeeze %dma_start3A_139 : memref<1x128xi32, #tpu.memory_space<vmem>> -> memref<128xi32, #tpu.memory_space<vmem>>
        %dma_start3A_141 = tpu.memref_slice %arg4[%add3A_48] : memref<327680xi32, #tpu.memory_space<hbm>> -> memref<128xi32, #tpu.memory_space<hbm>>
        %dma_start3A_142 = arith.constant 0 : i32
        %dma_start3A_143 = tpu.memref_slice %arg7[%run_scoped3A_49, %dma_start3A_142] : memref<2x128xi32, #tpu.memory_space<vmem>> -> memref<1x128xi32, #tpu.memory_space<vmem>>
        %dma_start3A_144 = tpu.memref_squeeze %dma_start3A_143 : memref<1x128xi32, #tpu.memory_space<vmem>> -> memref<128xi32, #tpu.memory_space<vmem>>
        %dma_start3A_145 = tpu.memref_slice %arg4[%add3A_48] : memref<327680xi32, #tpu.memory_space<hbm>> -> memref<128xi32, #tpu.memory_space<hbm>>
        tpu.enqueue_dma source(%dma_start3A_145 : memref<128xi32, #tpu.memory_space<hbm>>) target(%dma_start3A_144 : memref<128xi32, #tpu.memory_space<vmem>>) target_semaphore(%run_scoped3A_137 : memref<!tpu.dma_semaphore, #tpu.memory_space<semaphore_mem>>)
        %dma_wait3A_146 = arith.constant 0 : i32
        %dma_wait3A_147 = tpu.memref_slice %arg7[%run_scoped3A_49, %dma_wait3A_146] : memref<2x128xi32, #tpu.memory_space<vmem>> -> memref<1x128xi32, #tpu.memory_space<vmem>>
        %dma_wait3A_148 = tpu.memref_squeeze %dma_wait3A_147 : memref<1x128xi32, #tpu.memory_space<vmem>> -> memref<128xi32, #tpu.memory_space<vmem>>
        %dma_wait3A_149 = tpu.memref_slice %arg4[%add3A_48] : memref<327680xi32, #tpu.memory_space<hbm>> -> memref<128xi32, #tpu.memory_space<hbm>>
        %dma_wait3A_150 = arith.constant 0 : i32
        %dma_wait3A_151 = tpu.memref_slice %arg7[%run_scoped3A_49, %dma_wait3A_150] : memref<2x128xi32, #tpu.memory_space<vmem>> -> memref<1x128xi32, #tpu.memory_space<vmem>>
        %dma_wait3A_152 = tpu.memref_squeeze %dma_wait3A_151 : memref<1x128xi32, #tpu.memory_space<vmem>> -> memref<128xi32, #tpu.memory_space<vmem>>
        %dma_wait3A_153 = tpu.memref_slice %arg4[%add3A_48] : memref<327680xi32, #tpu.memory_space<hbm>> -> memref<128xi32, #tpu.memory_space<hbm>>
        tpu.wait_dma2 semaphore(%run_scoped3A_137 : memref<!tpu.dma_semaphore, #tpu.memory_space<semaphore_mem>>) src(%dma_wait3A_153 : memref<128xi32, #tpu.memory_space<hbm>>) dst(%dma_wait3A_152 : memref<128xi32, #tpu.memory_space<vmem>>)
        tpu.yield
      }) : () -> ()
      %run_scoped3A_50 = arith.constant 1 : i32
      "tpu.region"() ({
        %run_scoped3A_137 = tpu.sem_alloc : memref<!tpu.dma_semaphore, #tpu.memory_space<semaphore_mem>>
        %dma_start3A_138 = arith.constant 0 : i32
        %dma_start3A_139 = tpu.memref_slice %arg8[%run_scoped3A_50, %dma_start3A_138] : memref<2x128xi32, #tpu.memory_space<vmem>> -> memref<1x128xi32, #tpu.memory_space<vmem>>
        %dma_start3A_140 = tpu.memref_squeeze %dma_start3A_139 : memref<1x128xi32, #tpu.memory_space<vmem>> -> memref<128xi32, #tpu.memory_space<vmem>>
        %dma_start3A_141 = tpu.memref_slice %arg5[%add3A_48] : memref<327680xi32, #tpu.memory_space<hbm>> -> memref<128xi32, #tpu.memory_space<hbm>>
        %dma_start3A_142 = arith.constant 0 : i32
        %dma_start3A_143 = tpu.memref_slice %arg8[%run_scoped3A_50, %dma_start3A_142] : memref<2x128xi32, #tpu.memory_space<vmem>> -> memref<1x128xi32, #tpu.memory_space<vmem>>
        %dma_start3A_144 = tpu.memref_squeeze %dma_start3A_143 : memref<1x128xi32, #tpu.memory_space<vmem>> -> memref<128xi32, #tpu.memory_space<vmem>>
        %dma_start3A_145 = tpu.memref_slice %arg5[%add3A_48] : memref<327680xi32, #tpu.memory_space<hbm>> -> memref<128xi32, #tpu.memory_space<hbm>>
        tpu.enqueue_dma source(%dma_start3A_145 : memref<128xi32, #tpu.memory_space<hbm>>) target(%dma_start3A_144 : memref<128xi32, #tpu.memory_space<vmem>>) target_semaphore(%run_scoped3A_137 : memref<!tpu.dma_semaphore, #tpu.memory_space<semaphore_mem>>)
        %dma_wait3A_146 = arith.constant 0 : i32
        %dma_wait3A_147 = tpu.memref_slice %arg8[%run_scoped3A_50, %dma_wait3A_146] : memref<2x128xi32, #tpu.memory_space<vmem>> -> memref<1x128xi32, #tpu.memory_space<vmem>>
        %dma_wait3A_148 = tpu.memref_squeeze %dma_wait3A_147 : memref<1x128xi32, #tpu.memory_space<vmem>> -> memref<128xi32, #tpu.memory_space<vmem>>
        %dma_wait3A_149 = tpu.memref_slice %arg5[%add3A_48] : memref<327680xi32, #tpu.memory_space<hbm>> -> memref<128xi32, #tpu.memory_space<hbm>>
        %dma_wait3A_150 = arith.constant 0 : i32
        %dma_wait3A_151 = tpu.memref_slice %arg8[%run_scoped3A_50, %dma_wait3A_150] : memref<2x128xi32, #tpu.memory_space<vmem>> -> memref<1x128xi32, #tpu.memory_space<vmem>>
        %dma_wait3A_152 = tpu.memref_squeeze %dma_wait3A_151 : memref<1x128xi32, #tpu.memory_space<vmem>> -> memref<128xi32, #tpu.memory_space<vmem>>
        %dma_wait3A_153 = tpu.memref_slice %arg5[%add3A_48] : memref<327680xi32, #tpu.memory_space<hbm>> -> memref<128xi32, #tpu.memory_space<hbm>>
        tpu.wait_dma2 semaphore(%run_scoped3A_137 : memref<!tpu.dma_semaphore, #tpu.memory_space<semaphore_mem>>) src(%dma_wait3A_153 : memref<128xi32, #tpu.memory_space<hbm>>) dst(%dma_wait3A_152 : memref<128xi32, #tpu.memory_space<vmem>>)
        tpu.yield
      }) : () -> ()
      %dma_start3A_51 = arith.constant 1 : i32
      %dma_start3A_52 = arith.constant 0 : i32
      %dma_start3A_53 = tpu.memref_slice %arg7[%dma_start3A_51, %dma_start3A_52] : memref<2x128xi32, #tpu.memory_space<vmem>> -> memref<1x128xi32, #tpu.memory_space<vmem>>
      %dma_start3A_54 = tpu.memref_squeeze %dma_start3A_53 : memref<1x128xi32, #tpu.memory_space<vmem>> -> memref<128xi32, #tpu.memory_space<vmem>>
      %dma_start3A_55 = arith.constant 0 : i32
      %dma_start3A_56 = arith.constant 0 : i32
      %dma_start3A_57 = tpu.memref_slice %arg2[%dma_start3A_55, %dma_start3A_56] : memref<10000x128xf32, #tpu.memory_space<hbm>> -> memref<10000x128xf32, #tpu.memory_space<hbm>>
      tpu.enqueue_indirect_dma source(%dma_start3A_57 : memref<10000x128xf32, #tpu.memory_space<hbm>>) target(%arg11 : memref<128x128xf32, #tpu.memory_space<vmem>>) offsets(%dma_start3A_54 : memref<128xi32, #tpu.memory_space<vmem>>) semaphore(%arg14 : memref<!tpu.dma_semaphore, #tpu.memory_space<semaphore_mem>>)
      %dma_start3A_58 = arith.constant 1 : i32
      %dma_start3A_59 = arith.constant 0 : i32
      %dma_start3A_60 = tpu.memref_slice %arg8[%dma_start3A_58, %dma_start3A_59] : memref<2x128xi32, #tpu.memory_space<vmem>> -> memref<1x128xi32, #tpu.memory_space<vmem>>
      %dma_start3A_61 = tpu.memref_squeeze %dma_start3A_60 : memref<1x128xi32, #tpu.memory_space<vmem>> -> memref<128xi32, #tpu.memory_space<vmem>>
      %dma_start3A_62 = arith.constant 0 : i32
      %dma_start3A_63 = arith.constant 0 : i32
      %dma_start3A_64 = tpu.memref_slice %arg3[%dma_start3A_62, %dma_start3A_63] : memref<10000x128xf32, #tpu.memory_space<hbm>> -> memref<10000x128xf32, #tpu.memory_space<hbm>>
      tpu.enqueue_indirect_dma source(%dma_start3A_64 : memref<10000x128xf32, #tpu.memory_space<hbm>>) target(%arg12 : memref<128x128xf32, #tpu.memory_space<vmem>>) offsets(%dma_start3A_61 : memref<128xi32, #tpu.memory_space<vmem>>) semaphore(%arg14 : memref<!tpu.dma_semaphore, #tpu.memory_space<semaphore_mem>>)
      %dma_wait3A_65 = arith.constant 0 : i32
      %dma_wait3A_66 = arith.constant 0 : i32
      %dma_wait3A_67 = tpu.memref_slice %arg7[%dma_wait3A_65, %dma_wait3A_66] : memref<2x128xi32, #tpu.memory_space<vmem>> -> memref<1x128xi32, #tpu.memory_space<vmem>>
      %dma_wait3A_68 = tpu.memref_squeeze %dma_wait3A_67 : memref<1x128xi32, #tpu.memory_space<vmem>> -> memref<128xi32, #tpu.memory_space<vmem>>
      %dma_wait3A_69 = arith.constant 0 : i32
      %dma_wait3A_70 = arith.constant 0 : i32
      %dma_wait3A_71 = tpu.memref_slice %arg2[%dma_wait3A_69, %dma_wait3A_70] : memref<10000x128xf32, #tpu.memory_space<hbm>> -> memref<10000x128xf32, #tpu.memory_space<hbm>>
      tpu.wait_indirect_dma semaphore(%arg13 : memref<!tpu.dma_semaphore, #tpu.memory_space<semaphore_mem>>) src(%dma_wait3A_71 : memref<10000x128xf32, #tpu.memory_space<hbm>>) dst(%arg9 : memref<128x128xf32, #tpu.memory_space<vmem>>)
      %dma_wait3A_72 = arith.constant 0 : i32
      %dma_wait3A_73 = arith.constant 0 : i32
      %dma_wait3A_74 = tpu.memref_slice %arg8[%dma_wait3A_72, %dma_wait3A_73] : memref<2x128xi32, #tpu.memory_space<vmem>> -> memref<1x128xi32, #tpu.memory_space<vmem>>
      %dma_wait3A_75 = tpu.memref_squeeze %dma_wait3A_74 : memref<1x128xi32, #tpu.memory_space<vmem>> -> memref<128xi32, #tpu.memory_space<vmem>>
      %dma_wait3A_76 = arith.constant 0 : i32
      %dma_wait3A_77 = arith.constant 0 : i32
      %dma_wait3A_78 = tpu.memref_slice %arg3[%dma_wait3A_76, %dma_wait3A_77] : memref<10000x128xf32, #tpu.memory_space<hbm>> -> memref<10000x128xf32, #tpu.memory_space<hbm>>
      tpu.wait_indirect_dma semaphore(%arg13 : memref<!tpu.dma_semaphore, #tpu.memory_space<semaphore_mem>>) src(%dma_wait3A_78 : memref<10000x128xf32, #tpu.memory_space<hbm>>) dst(%arg10 : memref<128x128xf32, #tpu.memory_space<vmem>>)
      %scan3A_79 = arith.constant 0 : i32
      %scan3A_80 = arith.constant 0 : i32
      %scan3A_81 = arith.constant 128 : i32
      %scan3A_82 = arith.addi %scan3A_80, %scan3A_81 : i32
      %scan3A_83 = arith.constant 1 : i32
      scf.for %scan3A_137 = %scan3A_80 to %scan3A_82 step %scan3A_83  : i32 {
        %get3A = arith.index_cast %scan3A_137 : i32 to index
        %get3A_138 = arith.constant 0 : index
        %get3A_139 = tpu.vector_load %arg9[%get3A, %get3A_138] {strides = array<i32>} : memref<128x128xf32, #tpu.memory_space<vmem>>, vector<1x16xf32>,
        %get3A_140 = vector.shape_cast %get3A_139 : vector<1x16xf32> to vector<16xf32>
        %get3A_141 = arith.index_cast %scan3A_137 : i32 to index
        %get3A_142 = arith.constant 0 : index
        %get3A_143 = tpu.vector_load %arg10[%get3A_141, %get3A_142] {strides = array<i32>} : memref<128x128xf32, #tpu.memory_space<vmem>>, vector<1x16xf32>,
        %get3A_144 = vector.shape_cast %get3A_143 : vector<1x16xf32> to vector<16xf32>
        %add3A_145 = arith.addf %get3A_140, %get3A_144 : vector<16xf32>
        %swap3A = arith.index_cast %scan3A_137 : i32 to index
        %swap3A_146 = arith.constant 0 : index
        %swap3A_147 = tpu.vector_load %arg9[%swap3A, %swap3A_146] {strides = array<i32>} : memref<128x128xf32, #tpu.memory_space<vmem>>, vector<1x16xf32>,
        %swap3A_148 = vector.shape_cast %swap3A_147 : vector<1x16xf32> to vector<16xf32>
        %swap3A_149 = vector.shape_cast %add3A_145 : vector<16xf32> to vector<1x16xf32>
        tpu.vector_store %arg9[%swap3A, %swap3A_146], %swap3A_149 {strides = array<i32>} : memref<128x128xf32, #tpu.memory_space<vmem>>, vector<1x16xf32>,
        %get3A_150 = arith.index_cast %scan3A_137 : i32 to index
        %get3A_151 = arith.constant 16 : index
        %get3A_152 = tpu.vector_load %arg9[%get3A_150, %get3A_151] {strides = array<i32>} : memref<128x128xf32, #tpu.memory_space<vmem>>, vector<1x16xf32>,
        %get3A_153 = vector.shape_cast %get3A_152 : vector<1x16xf32> to vector<16xf32>
        %get3A_154 = arith.index_cast %scan3A_137 : i32 to index
        %get3A_155 = arith.constant 16 : index
        %get3A_156 = tpu.vector_load %arg10[%get3A_154, %get3A_155] {strides = array<i32>} : memref<128x128xf32, #tpu.memory_space<vmem>>, vector<1x16xf32>,
        %get3A_157 = vector.shape_cast %get3A_156 : vector<1x16xf32> to vector<16xf32>
        %add3A_158 = arith.addf %get3A_153, %get3A_157 : vector<16xf32>
        %swap3A_159 = arith.index_cast %scan3A_137 : i32 to index
        %swap3A_160 = arith.constant 16 : index
        %swap3A_161 = tpu.vector_load %arg9[%swap3A_159, %swap3A_160] {strides = array<i32>} : memref<128x128xf32, #tpu.memory_space<vmem>>, vector<1x16xf32>,
        %swap3A_162 = vector.shape_cast %swap3A_161 : vector<1x16xf32> to vector<16xf32>
        %swap3A_163 = vector.shape_cast %add3A_158 : vector<16xf32> to vector<1x16xf32>
        tpu.vector_store %arg9[%swap3A_159, %swap3A_160], %swap3A_163 {strides = array<i32>} : memref<128x128xf32, #tpu.memory_space<vmem>>, vector<1x16xf32>,
        %get3A_164 = arith.index_cast %scan3A_137 : i32 to index
        %get3A_165 = arith.constant 32 : index
        %get3A_166 = tpu.vector_load %arg9[%get3A_164, %get3A_165] {strides = array<i32>} : memref<128x128xf32, #tpu.memory_space<vmem>>, vector<1x16xf32>,
        %get3A_167 = vector.shape_cast %get3A_166 : vector<1x16xf32> to vector<16xf32>
        %get3A_168 = arith.index_cast %scan3A_137 : i32 to index
        %get3A_169 = arith.constant 32 : index
        %get3A_170 = tpu.vector_load %arg10[%get3A_168, %get3A_169] {strides = array<i32>} : memref<128x128xf32, #tpu.memory_space<vmem>>, vector<1x16xf32>,
        %get3A_171 = vector.shape_cast %get3A_170 : vector<1x16xf32> to vector<16xf32>
        %add3A_172 = arith.addf %get3A_167, %get3A_171 : vector<16xf32>
        %swap3A_173 = arith.index_cast %scan3A_137 : i32 to index
        %swap3A_174 = arith.constant 32 : index
        %swap3A_175 = tpu.vector_load %arg9[%swap3A_173, %swap3A_174] {strides = array<i32>} : memref<128x128xf32, #tpu.memory_space<vmem>>, vector<1x16xf32>,
        %swap3A_176 = vector.shape_cast %swap3A_175 : vector<1x16xf32> to vector<16xf32>
        %swap3A_177 = vector.shape_cast %add3A_172 : vector<16xf32> to vector<1x16xf32>
        tpu.vector_store %arg9[%swap3A_173, %swap3A_174], %swap3A_177 {strides = array<i32>} : memref<128x128xf32, #tpu.memory_space<vmem>>, vector<1x16xf32>,
        %get3A_178 = arith.index_cast %scan3A_137 : i32 to index
        %get3A_179 = arith.constant 48 : index
        %get3A_180 = tpu.vector_load %arg9[%get3A_178, %get3A_179] {strides = array<i32>} : memref<128x128xf32, #tpu.memory_space<vmem>>, vector<1x16xf32>,
        %get3A_181 = vector.shape_cast %get3A_180 : vector<1x16xf32> to vector<16xf32>
        %get3A_182 = arith.index_cast %scan3A_137 : i32 to index
        %get3A_183 = arith.constant 48 : index
        %get3A_184 = tpu.vector_load %arg10[%get3A_182, %get3A_183] {strides = array<i32>} : memref<128x128xf32, #tpu.memory_space<vmem>>, vector<1x16xf32>,
        %get3A_185 = vector.shape_cast %get3A_184 : vector<1x16xf32> to vector<16xf32>
        %add3A_186 = arith.addf %get3A_181, %get3A_185 : vector<16xf32>
        %swap3A_187 = arith.index_cast %scan3A_137 : i32 to index
        %swap3A_188 = arith.constant 48 : index
        %swap3A_189 = tpu.vector_load %arg9[%swap3A_187, %swap3A_188] {strides = array<i32>} : memref<128x128xf32, #tpu.memory_space<vmem>>, vector<1x16xf32>,
        %swap3A_190 = vector.shape_cast %swap3A_189 : vector<1x16xf32> to vector<16xf32>
        %swap3A_191 = vector.shape_cast %add3A_186 : vector<16xf32> to vector<1x16xf32>
        tpu.vector_store %arg9[%swap3A_187, %swap3A_188], %swap3A_191 {strides = array<i32>} : memref<128x128xf32, #tpu.memory_space<vmem>>, vector<1x16xf32>,
        %get3A_192 = arith.index_cast %scan3A_137 : i32 to index
        %get3A_193 = arith.constant 64 : index
        %get3A_194 = tpu.vector_load %arg9[%get3A_192, %get3A_193] {strides = array<i32>} : memref<128x128xf32, #tpu.memory_space<vmem>>, vector<1x16xf32>,
        %get3A_195 = vector.shape_cast %get3A_194 : vector<1x16xf32> to vector<16xf32>
        %get3A_196 = arith.index_cast %scan3A_137 : i32 to index
        %get3A_197 = arith.constant 64 : index
        %get3A_198 = tpu.vector_load %arg10[%get3A_196, %get3A_197] {strides = array<i32>} : memref<128x128xf32, #tpu.memory_space<vmem>>, vector<1x16xf32>,
        %get3A_199 = vector.shape_cast %get3A_198 : vector<1x16xf32> to vector<16xf32>
        %add3A_200 = arith.addf %get3A_195, %get3A_199 : vector<16xf32>
        %swap3A_201 = arith.index_cast %scan3A_137 : i32 to index
        %swap3A_202 = arith.constant 64 : index
        %swap3A_203 = tpu.vector_load %arg9[%swap3A_201, %swap3A_202] {strides = array<i32>} : memref<128x128xf32, #tpu.memory_space<vmem>>, vector<1x16xf32>,
        %swap3A_204 = vector.shape_cast %swap3A_203 : vector<1x16xf32> to vector<16xf32>
        %swap3A_205 = vector.shape_cast %add3A_200 : vector<16xf32> to vector<1x16xf32>
        tpu.vector_store %arg9[%swap3A_201, %swap3A_202], %swap3A_205 {strides = array<i32>} : memref<128x128xf32, #tpu.memory_space<vmem>>, vector<1x16xf32>,
        %get3A_206 = arith.index_cast %scan3A_137 : i32 to index
        %get3A_207 = arith.constant 80 : index
        %get3A_208 = tpu.vector_load %arg9[%get3A_206, %get3A_207] {strides = array<i32>} : memref<128x128xf32, #tpu.memory_space<vmem>>, vector<1x16xf32>,
        %get3A_209 = vector.shape_cast %get3A_208 : vector<1x16xf32> to vector<16xf32>
        %get3A_210 = arith.index_cast %scan3A_137 : i32 to index
        %get3A_211 = arith.constant 80 : index
        %get3A_212 = tpu.vector_load %arg10[%get3A_210, %get3A_211] {strides = array<i32>} : memref<128x128xf32, #tpu.memory_space<vmem>>, vector<1x16xf32>,
        %get3A_213 = vector.shape_cast %get3A_212 : vector<1x16xf32> to vector<16xf32>
        %add3A_214 = arith.addf %get3A_209, %get3A_213 : vector<16xf32>
        %swap3A_215 = arith.index_cast %scan3A_137 : i32 to index
        %swap3A_216 = arith.constant 80 : index
        %swap3A_217 = tpu.vector_load %arg9[%swap3A_215, %swap3A_216] {strides = array<i32>} : memref<128x128xf32, #tpu.memory_space<vmem>>, vector<1x16xf32>,
        %swap3A_218 = vector.shape_cast %swap3A_217 : vector<1x16xf32> to vector<16xf32>
        %swap3A_219 = vector.shape_cast %add3A_214 : vector<16xf32> to vector<1x16xf32>
        tpu.vector_store %arg9[%swap3A_215, %swap3A_216], %swap3A_219 {strides = array<i32>} : memref<128x128xf32, #tpu.memory_space<vmem>>, vector<1x16xf32>,
        %get3A_220 = arith.index_cast %scan3A_137 : i32 to index
        %get3A_221 = arith.constant 96 : index
        %get3A_222 = tpu.vector_load %arg9[%get3A_220, %get3A_221] {strides = array<i32>} : memref<128x128xf32, #tpu.memory_space<vmem>>, vector<1x16xf32>,
        %get3A_223 = vector.shape_cast %get3A_222 : vector<1x16xf32> to vector<16xf32>
        %get3A_224 = arith.index_cast %scan3A_137 : i32 to index
        %get3A_225 = arith.constant 96 : index
        %get3A_226 = tpu.vector_load %arg10[%get3A_224, %get3A_225] {strides = array<i32>} : memref<128x128xf32, #tpu.memory_space<vmem>>, vector<1x16xf32>,
        %get3A_227 = vector.shape_cast %get3A_226 : vector<1x16xf32> to vector<16xf32>
        %add3A_228 = arith.addf %get3A_223, %get3A_227 : vector<16xf32>
        %swap3A_229 = arith.index_cast %scan3A_137 : i32 to index
        %swap3A_230 = arith.constant 96 : index
        %swap3A_231 = tpu.vector_load %arg9[%swap3A_229, %swap3A_230] {strides = array<i32>} : memref<128x128xf32, #tpu.memory_space<vmem>>, vector<1x16xf32>,
        %swap3A_232 = vector.shape_cast %swap3A_231 : vector<1x16xf32> to vector<16xf32>
        %swap3A_233 = vector.shape_cast %add3A_228 : vector<16xf32> to vector<1x16xf32>
        tpu.vector_store %arg9[%swap3A_229, %swap3A_230], %swap3A_233 {strides = array<i32>} : memref<128x128xf32, #tpu.memory_space<vmem>>, vector<1x16xf32>,
        %get3A_234 = arith.index_cast %scan3A_137 : i32 to index
        %get3A_235 = arith.constant 112 : index
        %get3A_236 = tpu.vector_load %arg9[%get3A_234, %get3A_235] {strides = array<i32>} : memref<128x128xf32, #tpu.memory_space<vmem>>, vector<1x16xf32>,
        %get3A_237 = vector.shape_cast %get3A_236 : vector<1x16xf32> to vector<16xf32>
        %get3A_238 = arith.index_cast %scan3A_137 : i32 to index
        %get3A_239 = arith.constant 112 : index
        %get3A_240 = tpu.vector_load %arg10[%get3A_238, %get3A_239] {strides = array<i32>} : memref<128x128xf32, #tpu.memory_space<vmem>>, vector<1x16xf32>,
        %get3A_241 = vector.shape_cast %get3A_240 : vector<1x16xf32> to vector<16xf32>
        %add3A_242 = arith.addf %get3A_237, %get3A_241 : vector<16xf32>
        %swap3A_243 = arith.index_cast %scan3A_137 : i32 to index
        %swap3A_244 = arith.constant 112 : index
        %swap3A_245 = tpu.vector_load %arg9[%swap3A_243, %swap3A_244] {strides = array<i32>} : memref<128x128xf32, #tpu.memory_space<vmem>>, vector<1x16xf32>,
        %swap3A_246 = vector.shape_cast %swap3A_245 : vector<1x16xf32> to vector<16xf32>
        %swap3A_247 = vector.shape_cast %add3A_242 : vector<16xf32> to vector<1x16xf32>
        tpu.vector_store %arg9[%swap3A_243, %swap3A_244], %swap3A_247 {strides = array<i32>} : memref<128x128xf32, #tpu.memory_space<vmem>>, vector<1x16xf32>,
      }
      %scan3A_84 = arith.constant 128 : i32
      %mul3A_85 = arith.constant 128 : i32
      %mul3A_86 = arith.muli %mul3A_41, %mul3A_85 : i32
      %add3A_87 = arith.addi %mul3A_2, %mul3A_86 : i32
      "tpu.region"() ({
        %run_scoped3A_137 = tpu.sem_alloc : memref<!tpu.dma_semaphore, #tpu.memory_space<semaphore_mem>>
        %dma_start3A_138 = arith.constant 0 : i32
        %dma_start3A_139 = tpu.memref_slice %arg6[%add3A_87, %dma_start3A_138] : memref<163840x128xf32, #tpu.memory_space<hbm>> -> memref<128x128xf32, #tpu.memory_space<hbm>>
        %dma_start3A_140 = arith.constant 0 : i32
        %dma_start3A_141 = tpu.memref_slice %arg6[%add3A_87, %dma_start3A_140] : memref<163840x128xf32, #tpu.memory_space<hbm>> -> memref<128x128xf32, #tpu.memory_space<hbm>>
        tpu.enqueue_dma source(%arg9 : memref<128x128xf32, #tpu.memory_space<vmem>>) target(%dma_start3A_141 : memref<128x128xf32, #tpu.memory_space<hbm>>) target_semaphore(%run_scoped3A_137 : memref<!tpu.dma_semaphore, #tpu.memory_space<semaphore_mem>>)
        %dma_wait3A_142 = arith.constant 0 : i32
        %dma_wait3A_143 = tpu.memref_slice %arg6[%add3A_87, %dma_wait3A_142] : memref<163840x128xf32, #tpu.memory_space<hbm>> -> memref<128x128xf32, #tpu.memory_space<hbm>>
        %dma_wait3A_144 = arith.constant 0 : i32
        %dma_wait3A_145 = tpu.memref_slice %arg6[%add3A_87, %dma_wait3A_144] : memref<163840x128xf32, #tpu.memory_space<hbm>> -> memref<128x128xf32, #tpu.memory_space<hbm>>
        tpu.wait_dma2 semaphore(%run_scoped3A_137 : memref<!tpu.dma_semaphore, #tpu.memory_space<semaphore_mem>>) src(%arg9 : memref<128x128xf32, #tpu.memory_space<vmem>>) dst(%dma_wait3A_145 : memref<128x128xf32, #tpu.memory_space<hbm>>)
        tpu.yield
      }) : () -> ()
      %add3A_88 = arith.constant 2 : i32
      %add3A_89 = arith.addi %mul3A_41, %add3A_88 : i32
      %min3A = arith.constant 38 : i32
      %min3A_90 = arith.minsi %add3A_89, %min3A : i32
      %add3A_91 = arith.constant 0 : i32
      %add3A_92 = arith.addi %add3A_91, %mul3A_2 : i32
      %mul3A_93 = arith.constant 128 : i32
      %mul3A_94 = arith.muli %min3A_90, %mul3A_93 : i32
      %add3A_95 = arith.addi %add3A_92, %mul3A_94 : i32
      %run_scoped3A_96 = arith.constant 0 : i32
      "tpu.region"() ({
        %run_scoped3A_137 = tpu.sem_alloc : memref<!tpu.dma_semaphore, #tpu.memory_space<semaphore_mem>>
        %dma_start3A_138 = arith.constant 0 : i32
        %dma_start3A_139 = tpu.memref_slice %arg7[%run_scoped3A_96, %dma_start3A_138] : memref<2x128xi32, #tpu.memory_space<vmem>> -> memref<1x128xi32, #tpu.memory_space<vmem>>
        %dma_start3A_140 = tpu.memref_squeeze %dma_start3A_139 : memref<1x128xi32, #tpu.memory_space<vmem>> -> memref<128xi32, #tpu.memory_space<vmem>>
        %dma_start3A_141 = tpu.memref_slice %arg4[%add3A_95] : memref<327680xi32, #tpu.memory_space<hbm>> -> memref<128xi32, #tpu.memory_space<hbm>>
        %dma_start3A_142 = arith.constant 0 : i32
        %dma_start3A_143 = tpu.memref_slice %arg7[%run_scoped3A_96, %dma_start3A_142] : memref<2x128xi32, #tpu.memory_space<vmem>> -> memref<1x128xi32, #tpu.memory_space<vmem>>
        %dma_start3A_144 = tpu.memref_squeeze %dma_start3A_143 : memref<1x128xi32, #tpu.memory_space<vmem>> -> memref<128xi32, #tpu.memory_space<vmem>>
        %dma_start3A_145 = tpu.memref_slice %arg4[%add3A_95] : memref<327680xi32, #tpu.memory_space<hbm>> -> memref<128xi32, #tpu.memory_space<hbm>>
        tpu.enqueue_dma source(%dma_start3A_145 : memref<128xi32, #tpu.memory_space<hbm>>) target(%dma_start3A_144 : memref<128xi32, #tpu.memory_space<vmem>>) target_semaphore(%run_scoped3A_137 : memref<!tpu.dma_semaphore, #tpu.memory_space<semaphore_mem>>)
        %dma_wait3A_146 = arith.constant 0 : i32
        %dma_wait3A_147 = tpu.memref_slice %arg7[%run_scoped3A_96, %dma_wait3A_146] : memref<2x128xi32, #tpu.memory_space<vmem>> -> memref<1x128xi32, #tpu.memory_space<vmem>>
        %dma_wait3A_148 = tpu.memref_squeeze %dma_wait3A_147 : memref<1x128xi32, #tpu.memory_space<vmem>> -> memref<128xi32, #tpu.memory_space<vmem>>
        %dma_wait3A_149 = tpu.memref_slice %arg4[%add3A_95] : memref<327680xi32, #tpu.memory_space<hbm>> -> memref<128xi32, #tpu.memory_space<hbm>>
        %dma_wait3A_150 = arith.constant 0 : i32
        %dma_wait3A_151 = tpu.memref_slice %arg7[%run_scoped3A_96, %dma_wait3A_150] : memref<2x128xi32, #tpu.memory_space<vmem>> -> memref<1x128xi32, #tpu.memory_space<vmem>>
        %dma_wait3A_152 = tpu.memref_squeeze %dma_wait3A_151 : memref<1x128xi32, #tpu.memory_space<vmem>> -> memref<128xi32, #tpu.memory_space<vmem>>
        %dma_wait3A_153 = tpu.memref_slice %arg4[%add3A_95] : memref<327680xi32, #tpu.memory_space<hbm>> -> memref<128xi32, #tpu.memory_space<hbm>>
        tpu.wait_dma2 semaphore(%run_scoped3A_137 : memref<!tpu.dma_semaphore, #tpu.memory_space<semaphore_mem>>) src(%dma_wait3A_153 : memref<128xi32, #tpu.memory_space<hbm>>) dst(%dma_wait3A_152 : memref<128xi32, #tpu.memory_space<vmem>>)
        tpu.yield
      }) : () -> ()
      %run_scoped3A_97 = arith.constant 0 : i32
      "tpu.region"() ({
        %run_scoped3A_137 = tpu.sem_alloc : memref<!tpu.dma_semaphore, #tpu.memory_space<semaphore_mem>>
        %dma_start3A_138 = arith.constant 0 : i32
        %dma_start3A_139 = tpu.memref_slice %arg8[%run_scoped3A_97, %dma_start3A_138] : memref<2x128xi32, #tpu.memory_space<vmem>> -> memref<1x128xi32, #tpu.memory_space<vmem>>
        %dma_start3A_140 = tpu.memref_squeeze %dma_start3A_139 : memref<1x128xi32, #tpu.memory_space<vmem>> -> memref<128xi32, #tpu.memory_space<vmem>>
        %dma_start3A_141 = tpu.memref_slice %arg5[%add3A_95] : memref<327680xi32, #tpu.memory_space<hbm>> -> memref<128xi32, #tpu.memory_space<hbm>>
        %dma_start3A_142 = arith.constant 0 : i32
        %dma_start3A_143 = tpu.memref_slice %arg8[%run_scoped3A_97, %dma_start3A_142] : memref<2x128xi32, #tpu.memory_space<vmem>> -> memref<1x128xi32, #tpu.memory_space<vmem>>
        %dma_start3A_144 = tpu.memref_squeeze %dma_start3A_143 : memref<1x128xi32, #tpu.memory_space<vmem>> -> memref<128xi32, #tpu.memory_space<vmem>>
        %dma_start3A_145 = tpu.memref_slice %arg5[%add3A_95] : memref<327680xi32, #tpu.memory_space<hbm>> -> memref<128xi32, #tpu.memory_space<hbm>>
        tpu.enqueue_dma source(%dma_start3A_145 : memref<128xi32, #tpu.memory_space<hbm>>) target(%dma_start3A_144 : memref<128xi32, #tpu.memory_space<vmem>>) target_semaphore(%run_scoped3A_137 : memref<!tpu.dma_semaphore, #tpu.memory_space<semaphore_mem>>)
        %dma_wait3A_146 = arith.constant 0 : i32
        %dma_wait3A_147 = tpu.memref_slice %arg8[%run_scoped3A_97, %dma_wait3A_146] : memref<2x128xi32, #tpu.memory_space<vmem>> -> memref<1x128xi32, #tpu.memory_space<vmem>>
        %dma_wait3A_148 = tpu.memref_squeeze %dma_wait3A_147 : memref<1x128xi32, #tpu.memory_space<vmem>> -> memref<128xi32, #tpu.memory_space<vmem>>
        %dma_wait3A_149 = tpu.memref_slice %arg5[%add3A_95] : memref<327680xi32, #tpu.memory_space<hbm>> -> memref<128xi32, #tpu.memory_space<hbm>>
        %dma_wait3A_150 = arith.constant 0 : i32
        %dma_wait3A_151 = tpu.memref_slice %arg8[%run_scoped3A_97, %dma_wait3A_150] : memref<2x128xi32, #tpu.memory_space<vmem>> -> memref<1x128xi32, #tpu.memory_space<vmem>>
        %dma_wait3A_152 = tpu.memref_squeeze %dma_wait3A_151 : memref<1x128xi32, #tpu.memory_space<vmem>> -> memref<128xi32, #tpu.memory_space<vmem>>
        %dma_wait3A_153 = tpu.memref_slice %arg5[%add3A_95] : memref<327680xi32, #tpu.memory_space<hbm>> -> memref<128xi32, #tpu.memory_space<hbm>>
        tpu.wait_dma2 semaphore(%run_scoped3A_137 : memref<!tpu.dma_semaphore, #tpu.memory_space<semaphore_mem>>) src(%dma_wait3A_153 : memref<128xi32, #tpu.memory_space<hbm>>) dst(%dma_wait3A_152 : memref<128xi32, #tpu.memory_space<vmem>>)
        tpu.yield
      }) : () -> ()
      %dma_start3A_98 = arith.constant 0 : i32
      %dma_start3A_99 = arith.constant 0 : i32
      %dma_start3A_100 = tpu.memref_slice %arg7[%dma_start3A_98, %dma_start3A_99] : memref<2x128xi32, #tpu.memory_space<vmem>> -> memref<1x128xi32, #tpu.memory_space<vmem>>
      %dma_start3A_101 = tpu.memref_squeeze %dma_start3A_100 : memref<1x128xi32, #tpu.memory_space<vmem>> -> memref<128xi32, #tpu.memory_space<vmem>>
      %dma_start3A_102 = arith.constant 0 : i32
      %dma_start3A_103 = arith.constant 0 : i32
      %dma_start3A_104 = tpu.memref_slice %arg2[%dma_start3A_102, %dma_start3A_103] : memref<10000x128xf32, #tpu.memory_space<hbm>> -> memref<10000x128xf32, #tpu.memory_space<hbm>>
      tpu.enqueue_indirect_dma source(%dma_start3A_104 : memref<10000x128xf32, #tpu.memory_space<hbm>>) target(%arg9 : memref<128x128xf32, #tpu.memory_space<vmem>>) offsets(%dma_start3A_101 : memref<128xi32, #tpu.memory_space<vmem>>) semaphore(%arg13 : memref<!tpu.dma_semaphore, #tpu.memory_space<semaphore_mem>>)
      %dma_start3A_105 = arith.constant 0 : i32
      %dma_start3A_106 = arith.constant 0 : i32
      %dma_start3A_107 = tpu.memref_slice %arg8[%dma_start3A_105, %dma_start3A_106] : memref<2x128xi32, #tpu.memory_space<vmem>> -> memref<1x128xi32, #tpu.memory_space<vmem>>
      %dma_start3A_108 = tpu.memref_squeeze %dma_start3A_107 : memref<1x128xi32, #tpu.memory_space<vmem>> -> memref<128xi32, #tpu.memory_space<vmem>>
      %dma_start3A_109 = arith.constant 0 : i32
      %dma_start3A_110 = arith.constant 0 : i32
      %dma_start3A_111 = tpu.memref_slice %arg3[%dma_start3A_109, %dma_start3A_110] : memref<10000x128xf32, #tpu.memory_space<hbm>> -> memref<10000x128xf32, #tpu.memory_space<hbm>>
      tpu.enqueue_indirect_dma source(%dma_start3A_111 : memref<10000x128xf32, #tpu.memory_space<hbm>>) target(%arg10 : memref<128x128xf32, #tpu.memory_space<vmem>>) offsets(%dma_start3A_108 : memref<128xi32, #tpu.memory_space<vmem>>) semaphore(%arg13 : memref<!tpu.dma_semaphore, #tpu.memory_space<semaphore_mem>>)
      %dma_wait3A_112 = arith.constant 1 : i32
      %dma_wait3A_113 = arith.constant 0 : i32
      %dma_wait3A_114 = tpu.memref_slice %arg7[%dma_wait3A_112, %dma_wait3A_113] : memref<2x128xi32, #tpu.memory_space<vmem>> -> memref<1x128xi32, #tpu.memory_space<vmem>>
      %dma_wait3A_115 = tpu.memref_squeeze %dma_wait3A_114 : memref<1x128xi32, #tpu.memory_space<vmem>> -> memref<128xi32, #tpu.memory_space<vmem>>
      %dma_wait3A_116 = arith.constant 0 : i32
      %dma_wait3A_117 = arith.constant 0 : i32
      %dma_wait3A_118 = tpu.memref_slice %arg2[%dma_wait3A_116, %dma_wait3A_117] : memref<10000x128xf32, #tpu.memory_space<hbm>> -> memref<10000x128xf32, #tpu.memory_space<hbm>>
      tpu.wait_indirect_dma semaphore(%arg14 : memref<!tpu.dma_semaphore, #tpu.memory_space<semaphore_mem>>) src(%dma_wait3A_118 : memref<10000x128xf32, #tpu.memory_space<hbm>>) dst(%arg11 : memref<128x128xf32, #tpu.memory_space<vmem>>)
      %dma_wait3A_119 = arith.constant 1 : i32
      %dma_wait3A_120 = arith.constant 0 : i32
      %dma_wait3A_121 = tpu.memref_slice %arg8[%dma_wait3A_119, %dma_wait3A_120] : memref<2x128xi32, #tpu.memory_space<vmem>> -> memref<1x128xi32, #tpu.memory_space<vmem>>
      %dma_wait3A_122 = tpu.memref_squeeze %dma_wait3A_121 : memref<1x128xi32, #tpu.memory_space<vmem>> -> memref<128xi32, #tpu.memory_space<vmem>>
      %dma_wait3A_123 = arith.constant 0 : i32
      %dma_wait3A_124 = arith.constant 0 : i32
      %dma_wait3A_125 = tpu.memref_slice %arg3[%dma_wait3A_123, %dma_wait3A_124] : memref<10000x128xf32, #tpu.memory_space<hbm>> -> memref<10000x128xf32, #tpu.memory_space<hbm>>
      tpu.wait_indirect_dma semaphore(%arg14 : memref<!tpu.dma_semaphore, #tpu.memory_space<semaphore_mem>>) src(%dma_wait3A_125 : memref<10000x128xf32, #tpu.memory_space<hbm>>) dst(%arg12 : memref<128x128xf32, #tpu.memory_space<vmem>>)
      %add3A_126 = arith.constant 1 : i32
      %add3A_127 = arith.addi %mul3A_41, %add3A_126 : i32
      %scan3A_128 = arith.constant 0 : i32
      %scan3A_129 = arith.constant 0 : i32
      %scan3A_130 = arith.constant 128 : i32
      %scan3A_131 = arith.addi %scan3A_129, %scan3A_130 : i32
      %scan3A_132 = arith.constant 1 : i32
      scf.for %scan3A_137 = %scan3A_129 to %scan3A_131 step %scan3A_132  : i32 {
        %get3A = arith.index_cast %scan3A_137 : i32 to index
        %get3A_138 = arith.constant 0 : index
        %get3A_139 = tpu.vector_load %arg11[%get3A, %get3A_138] {strides = array<i32>} : memref<128x128xf32, #tpu.memory_space<vmem>>, vector<1x16xf32>,
        %get3A_140 = vector.shape_cast %get3A_139 : vector<1x16xf32> to vector<16xf32>
        %get3A_141 = arith.index_cast %scan3A_137 : i32 to index
        %get3A_142 = arith.constant 0 : index
        %get3A_143 = tpu.vector_load %arg12[%get3A_141, %get3A_142] {strides = array<i32>} : memref<128x128xf32, #tpu.memory_space<vmem>>, vector<1x16xf32>,
        %get3A_144 = vector.shape_cast %get3A_143 : vector<1x16xf32> to vector<16xf32>
        %add3A_145 = arith.addf %get3A_140, %get3A_144 : vector<16xf32>
        %swap3A = arith.index_cast %scan3A_137 : i32 to index
        %swap3A_146 = arith.constant 0 : index
        %swap3A_147 = tpu.vector_load %arg11[%swap3A, %swap3A_146] {strides = array<i32>} : memref<128x128xf32, #tpu.memory_space<vmem>>, vector<1x16xf32>,
        %swap3A_148 = vector.shape_cast %swap3A_147 : vector<1x16xf32> to vector<16xf32>
        %swap3A_149 = vector.shape_cast %add3A_145 : vector<16xf32> to vector<1x16xf32>
        tpu.vector_store %arg11[%swap3A, %swap3A_146], %swap3A_149 {strides = array<i32>} : memref<128x128xf32, #tpu.memory_space<vmem>>, vector<1x16xf32>,
        %get3A_150 = arith.index_cast %scan3A_137 : i32 to index
        %get3A_151 = arith.constant 16 : index
        %get3A_152 = tpu.vector_load %arg11[%get3A_150, %get3A_151] {strides = array<i32>} : memref<128x128xf32, #tpu.memory_space<vmem>>, vector<1x16xf32>,
        %get3A_153 = vector.shape_cast %get3A_152 : vector<1x16xf32> to vector<16xf32>
        %get3A_154 = arith.index_cast %scan3A_137 : i32 to index
        %get3A_155 = arith.constant 16 : index
        %get3A_156 = tpu.vector_load %arg12[%get3A_154, %get3A_155] {strides = array<i32>} : memref<128x128xf32, #tpu.memory_space<vmem>>, vector<1x16xf32>,
        %get3A_157 = vector.shape_cast %get3A_156 : vector<1x16xf32> to vector<16xf32>
        %add3A_158 = arith.addf %get3A_153, %get3A_157 : vector<16xf32>
        %swap3A_159 = arith.index_cast %scan3A_137 : i32 to index
        %swap3A_160 = arith.constant 16 : index
        %swap3A_161 = tpu.vector_load %arg11[%swap3A_159, %swap3A_160] {strides = array<i32>} : memref<128x128xf32, #tpu.memory_space<vmem>>, vector<1x16xf32>,
        %swap3A_162 = vector.shape_cast %swap3A_161 : vector<1x16xf32> to vector<16xf32>
        %swap3A_163 = vector.shape_cast %add3A_158 : vector<16xf32> to vector<1x16xf32>
        tpu.vector_store %arg11[%swap3A_159, %swap3A_160], %swap3A_163 {strides = array<i32>} : memref<128x128xf32, #tpu.memory_space<vmem>>, vector<1x16xf32>,
        %get3A_164 = arith.index_cast %scan3A_137 : i32 to index
        %get3A_165 = arith.constant 32 : index
        %get3A_166 = tpu.vector_load %arg11[%get3A_164, %get3A_165] {strides = array<i32>} : memref<128x128xf32, #tpu.memory_space<vmem>>, vector<1x16xf32>,
        %get3A_167 = vector.shape_cast %get3A_166 : vector<1x16xf32> to vector<16xf32>
        %get3A_168 = arith.index_cast %scan3A_137 : i32 to index
        %get3A_169 = arith.constant 32 : index
        %get3A_170 = tpu.vector_load %arg12[%get3A_168, %get3A_169] {strides = array<i32>} : memref<128x128xf32, #tpu.memory_space<vmem>>, vector<1x16xf32>,
        %get3A_171 = vector.shape_cast %get3A_170 : vector<1x16xf32> to vector<16xf32>
        %add3A_172 = arith.addf %get3A_167, %get3A_171 : vector<16xf32>
        %swap3A_173 = arith.index_cast %scan3A_137 : i32 to index
        %swap3A_174 = arith.constant 32 : index
        %swap3A_175 = tpu.vector_load %arg11[%swap3A_173, %swap3A_174] {strides = array<i32>} : memref<128x128xf32, #tpu.memory_space<vmem>>, vector<1x16xf32>,
        %swap3A_176 = vector.shape_cast %swap3A_175 : vector<1x16xf32> to vector<16xf32>
        %swap3A_177 = vector.shape_cast %add3A_172 : vector<16xf32> to vector<1x16xf32>
        tpu.vector_store %arg11[%swap3A_173, %swap3A_174], %swap3A_177 {strides = array<i32>} : memref<128x128xf32, #tpu.memory_space<vmem>>, vector<1x16xf32>,
        %get3A_178 = arith.index_cast %scan3A_137 : i32 to index
        %get3A_179 = arith.constant 48 : index
        %get3A_180 = tpu.vector_load %arg11[%get3A_178, %get3A_179] {strides = array<i32>} : memref<128x128xf32, #tpu.memory_space<vmem>>, vector<1x16xf32>,
        %get3A_181 = vector.shape_cast %get3A_180 : vector<1x16xf32> to vector<16xf32>
        %get3A_182 = arith.index_cast %scan3A_137 : i32 to index
        %get3A_183 = arith.constant 48 : index
        %get3A_184 = tpu.vector_load %arg12[%get3A_182, %get3A_183] {strides = array<i32>} : memref<128x128xf32, #tpu.memory_space<vmem>>, vector<1x16xf32>,
        %get3A_185 = vector.shape_cast %get3A_184 : vector<1x16xf32> to vector<16xf32>
        %add3A_186 = arith.addf %get3A_181, %get3A_185 : vector<16xf32>
        %swap3A_187 = arith.index_cast %scan3A_137 : i32 to index
        %swap3A_188 = arith.constant 48 : index
        %swap3A_189 = tpu.vector_load %arg11[%swap3A_187, %swap3A_188] {strides = array<i32>} : memref<128x128xf32, #tpu.memory_space<vmem>>, vector<1x16xf32>,
        %swap3A_190 = vector.shape_cast %swap3A_189 : vector<1x16xf32> to vector<16xf32>
        %swap3A_191 = vector.shape_cast %add3A_186 : vector<16xf32> to vector<1x16xf32>
        tpu.vector_store %arg11[%swap3A_187, %swap3A_188], %swap3A_191 {strides = array<i32>} : memref<128x128xf32, #tpu.memory_space<vmem>>, vector<1x16xf32>,
        %get3A_192 = arith.index_cast %scan3A_137 : i32 to index
        %get3A_193 = arith.constant 64 : index
        %get3A_194 = tpu.vector_load %arg11[%get3A_192, %get3A_193] {strides = array<i32>} : memref<128x128xf32, #tpu.memory_space<vmem>>, vector<1x16xf32>,
        %get3A_195 = vector.shape_cast %get3A_194 : vector<1x16xf32> to vector<16xf32>
        %get3A_196 = arith.index_cast %scan3A_137 : i32 to index
        %get3A_197 = arith.constant 64 : index
        %get3A_198 = tpu.vector_load %arg12[%get3A_196, %get3A_197] {strides = array<i32>} : memref<128x128xf32, #tpu.memory_space<vmem>>, vector<1x16xf32>,
        %get3A_199 = vector.shape_cast %get3A_198 : vector<1x16xf32> to vector<16xf32>
        %add3A_200 = arith.addf %get3A_195, %get3A_199 : vector<16xf32>
        %swap3A_201 = arith.index_cast %scan3A_137 : i32 to index
        %swap3A_202 = arith.constant 64 : index
        %swap3A_203 = tpu.vector_load %arg11[%swap3A_201, %swap3A_202] {strides = array<i32>} : memref<128x128xf32, #tpu.memory_space<vmem>>, vector<1x16xf32>,
        %swap3A_204 = vector.shape_cast %swap3A_203 : vector<1x16xf32> to vector<16xf32>
        %swap3A_205 = vector.shape_cast %add3A_200 : vector<16xf32> to vector<1x16xf32>
        tpu.vector_store %arg11[%swap3A_201, %swap3A_202], %swap3A_205 {strides = array<i32>} : memref<128x128xf32, #tpu.memory_space<vmem>>, vector<1x16xf32>,
        %get3A_206 = arith.index_cast %scan3A_137 : i32 to index
        %get3A_207 = arith.constant 80 : index
        %get3A_208 = tpu.vector_load %arg11[%get3A_206, %get3A_207] {strides = array<i32>} : memref<128x128xf32, #tpu.memory_space<vmem>>, vector<1x16xf32>,
        %get3A_209 = vector.shape_cast %get3A_208 : vector<1x16xf32> to vector<16xf32>
        %get3A_210 = arith.index_cast %scan3A_137 : i32 to index
        %get3A_211 = arith.constant 80 : index
        %get3A_212 = tpu.vector_load %arg12[%get3A_210, %get3A_211] {strides = array<i32>} : memref<128x128xf32, #tpu.memory_space<vmem>>, vector<1x16xf32>,
        %get3A_213 = vector.shape_cast %get3A_212 : vector<1x16xf32> to vector<16xf32>
        %add3A_214 = arith.addf %get3A_209, %get3A_213 : vector<16xf32>
        %swap3A_215 = arith.index_cast %scan3A_137 : i32 to index
        %swap3A_216 = arith.constant 80 : index
        %swap3A_217 = tpu.vector_load %arg11[%swap3A_215, %swap3A_216] {strides = array<i32>} : memref<128x128xf32, #tpu.memory_space<vmem>>, vector<1x16xf32>,
        %swap3A_218 = vector.shape_cast %swap3A_217 : vector<1x16xf32> to vector<16xf32>
        %swap3A_219 = vector.shape_cast %add3A_214 : vector<16xf32> to vector<1x16xf32>
        tpu.vector_store %arg11[%swap3A_215, %swap3A_216], %swap3A_219 {strides = array<i32>} : memref<128x128xf32, #tpu.memory_space<vmem>>, vector<1x16xf32>,
        %get3A_220 = arith.index_cast %scan3A_137 : i32 to index
        %get3A_221 = arith.constant 96 : index
        %get3A_222 = tpu.vector_load %arg11[%get3A_220, %get3A_221] {strides = array<i32>} : memref<128x128xf32, #tpu.memory_space<vmem>>, vector<1x16xf32>,
        %get3A_223 = vector.shape_cast %get3A_222 : vector<1x16xf32> to vector<16xf32>
        %get3A_224 = arith.index_cast %scan3A_137 : i32 to index
        %get3A_225 = arith.constant 96 : index
        %get3A_226 = tpu.vector_load %arg12[%get3A_224, %get3A_225] {strides = array<i32>} : memref<128x128xf32, #tpu.memory_space<vmem>>, vector<1x16xf32>,
        %get3A_227 = vector.shape_cast %get3A_226 : vector<1x16xf32> to vector<16xf32>
        %add3A_228 = arith.addf %get3A_223, %get3A_227 : vector<16xf32>
        %swap3A_229 = arith.index_cast %scan3A_137 : i32 to index
        %swap3A_230 = arith.constant 96 : index
        %swap3A_231 = tpu.vector_load %arg11[%swap3A_229, %swap3A_230] {strides = array<i32>} : memref<128x128xf32, #tpu.memory_space<vmem>>, vector<1x16xf32>,
        %swap3A_232 = vector.shape_cast %swap3A_231 : vector<1x16xf32> to vector<16xf32>
        %swap3A_233 = vector.shape_cast %add3A_228 : vector<16xf32> to vector<1x16xf32>
        tpu.vector_store %arg11[%swap3A_229, %swap3A_230], %swap3A_233 {strides = array<i32>} : memref<128x128xf32, #tpu.memory_space<vmem>>, vector<1x16xf32>,
        %get3A_234 = arith.index_cast %scan3A_137 : i32 to index
        %get3A_235 = arith.constant 112 : index
        %get3A_236 = tpu.vector_load %arg11[%get3A_234, %get3A_235] {strides = array<i32>} : memref<128x128xf32, #tpu.memory_space<vmem>>, vector<1x16xf32>,
        %get3A_237 = vector.shape_cast %get3A_236 : vector<1x16xf32> to vector<16xf32>
        %get3A_238 = arith.index_cast %scan3A_137 : i32 to index
        %get3A_239 = arith.constant 112 : index
        %get3A_240 = tpu.vector_load %arg12[%get3A_238, %get3A_239] {strides = array<i32>} : memref<128x128xf32, #tpu.memory_space<vmem>>, vector<1x16xf32>,
        %get3A_241 = vector.shape_cast %get3A_240 : vector<1x16xf32> to vector<16xf32>
        %add3A_242 = arith.addf %get3A_237, %get3A_241 : vector<16xf32>
        %swap3A_243 = arith.index_cast %scan3A_137 : i32 to index
        %swap3A_244 = arith.constant 112 : index
        %swap3A_245 = tpu.vector_load %arg11[%swap3A_243, %swap3A_244] {strides = array<i32>} : memref<128x128xf32, #tpu.memory_space<vmem>>, vector<1x16xf32>,
        %swap3A_246 = vector.shape_cast %swap3A_245 : vector<1x16xf32> to vector<16xf32>
        %swap3A_247 = vector.shape_cast %add3A_242 : vector<16xf32> to vector<1x16xf32>
        tpu.vector_store %arg11[%swap3A_243, %swap3A_244], %swap3A_247 {strides = array<i32>} : memref<128x128xf32, #tpu.memory_space<vmem>>, vector<1x16xf32>,
      }
      %scan3A_133 = arith.constant 128 : i32
      %mul3A_134 = arith.constant 128 : i32
      %mul3A_135 = arith.muli %add3A_127, %mul3A_134 : i32
      %add3A_136 = arith.addi %mul3A_2, %mul3A_135 : i32
      "tpu.region"() ({
        %run_scoped3A_137 = tpu.sem_alloc : memref<!tpu.dma_semaphore, #tpu.memory_space<semaphore_mem>>
        %dma_start3A_138 = arith.constant 0 : i32
        %dma_start3A_139 = tpu.memref_slice %arg6[%add3A_136, %dma_start3A_138] : memref<163840x128xf32, #tpu.memory_space<hbm>> -> memref<128x128xf32, #tpu.memory_space<hbm>>
        %dma_start3A_140 = arith.constant 0 : i32
        %dma_start3A_141 = tpu.memref_slice %arg6[%add3A_136, %dma_start3A_140] : memref<163840x128xf32, #tpu.memory_space<hbm>> -> memref<128x128xf32, #tpu.memory_space<hbm>>
        tpu.enqueue_dma source(%arg11 : memref<128x128xf32, #tpu.memory_space<vmem>>) target(%dma_start3A_141 : memref<128x128xf32, #tpu.memory_space<hbm>>) target_semaphore(%run_scoped3A_137 : memref<!tpu.dma_semaphore, #tpu.memory_space<semaphore_mem>>)
        %dma_wait3A_142 = arith.constant 0 : i32
        %dma_wait3A_143 = tpu.memref_slice %arg6[%add3A_136, %dma_wait3A_142] : memref<163840x128xf32, #tpu.memory_space<hbm>> -> memref<128x128xf32, #tpu.memory_space<hbm>>
        %dma_wait3A_144 = arith.constant 0 : i32
        %dma_wait3A_145 = tpu.memref_slice %arg6[%add3A_136, %dma_wait3A_144] : memref<163840x128xf32, #tpu.memory_space<hbm>> -> memref<128x128xf32, #tpu.memory_space<hbm>>
        tpu.wait_dma2 semaphore(%run_scoped3A_137 : memref<!tpu.dma_semaphore, #tpu.memory_space<semaphore_mem>>) src(%arg11 : memref<128x128xf32, #tpu.memory_space<vmem>>) dst(%dma_wait3A_145 : memref<128x128xf32, #tpu.memory_space<hbm>>)
        tpu.yield
      }) : () -> ()
    }
    %scan3A_25 = arith.constant 20 : i32
    %dma_wait3A = arith.constant 0 : i32
    %dma_wait3A_26 = arith.constant 0 : i32
    %dma_wait3A_27 = tpu.memref_slice %arg7[%dma_wait3A, %dma_wait3A_26] : memref<2x128xi32, #tpu.memory_space<vmem>> -> memref<1x128xi32, #tpu.memory_space<vmem>>
    %dma_wait3A_28 = tpu.memref_squeeze %dma_wait3A_27 : memref<1x128xi32, #tpu.memory_space<vmem>> -> memref<128xi32, #tpu.memory_space<vmem>>
    %dma_wait3A_29 = arith.constant 0 : i32
    %dma_wait3A_30 = arith.constant 0 : i32
    %dma_wait3A_31 = tpu.memref_slice %arg2[%dma_wait3A_29, %dma_wait3A_30] : memref<10000x128xf32, #tpu.memory_space<hbm>> -> memref<10000x128xf32, #tpu.memory_space<hbm>>
    tpu.wait_indirect_dma semaphore(%arg13 : memref<!tpu.dma_semaphore, #tpu.memory_space<semaphore_mem>>) src(%dma_wait3A_31 : memref<10000x128xf32, #tpu.memory_space<hbm>>) dst(%arg9 : memref<128x128xf32, #tpu.memory_space<vmem>>)
    %dma_wait3A_32 = arith.constant 0 : i32
    %dma_wait3A_33 = arith.constant 0 : i32
    %dma_wait3A_34 = tpu.memref_slice %arg8[%dma_wait3A_32, %dma_wait3A_33] : memref<2x128xi32, #tpu.memory_space<vmem>> -> memref<1x128xi32, #tpu.memory_space<vmem>>
    %dma_wait3A_35 = tpu.memref_squeeze %dma_wait3A_34 : memref<1x128xi32, #tpu.memory_space<vmem>> -> memref<128xi32, #tpu.memory_space<vmem>>
    %dma_wait3A_36 = arith.constant 0 : i32
    %dma_wait3A_37 = arith.constant 0 : i32
    %dma_wait3A_38 = tpu.memref_slice %arg3[%dma_wait3A_36, %dma_wait3A_37] : memref<10000x128xf32, #tpu.memory_space<hbm>> -> memref<10000x128xf32, #tpu.memory_space<hbm>>
    tpu.wait_indirect_dma semaphore(%arg13 : memref<!tpu.dma_semaphore, #tpu.memory_space<semaphore_mem>>) src(%dma_wait3A_38 : memref<10000x128xf32, #tpu.memory_space<hbm>>) dst(%arg10 : memref<128x128xf32, #tpu.memory_space<vmem>>)
    return
  }
}

#map = affine_map<(d0, d1) -> (0, 0)>
#map1 = affine_map<(d0, d1) -> (0)>
module attributes {stable_mosaic.version = 14 : i64} {
  func.func @gather(%arg0: i32, %arg1: i32, %arg2: memref<10000x128xf32, #tpu.memory_space<hbm>>, %arg3: memref<10000x128xf32, #tpu.memory_space<hbm>>, %arg4: memref<327680xi32, #tpu.memory_space<hbm>>, %arg5: memref<327680xi32, #tpu.memory_space<hbm>>, %arg6: memref<163840x128xf32, #tpu.memory_space<hbm>>, %arg7: memref<2x128xi32, #tpu.memory_space<vmem>>, %arg8: memref<2x128xi32, #tpu.memory_space<vmem>>, %arg9: memref<128x128xf32, #tpu.memory_space<vmem>>, %arg10: memref<128x128xf32, #tpu.memory_space<vmem>>, %arg11: memref<128x128xf32, #tpu.memory_space<vmem>>, %arg12: memref<128x128xf32, #tpu.memory_space<vmem>>, %arg13: memref<!tpu.dma_semaphore, #tpu.memory_space<semaphore_mem>>, %arg14: memref<!tpu.dma_semaphore, #tpu.memory_space<semaphore_mem>>) attributes {dimension_semantics = [#tpu.dimension_semantics<core_parallel>, #tpu.dimension_semantics<subcore_parallel>], iteration_bounds = array<i64: 2, 16>, scalar_prefetch = 0 : i64, scratch_operands = 8 : i64, tpu.core_type = #tpu.core_type<sc_vector_subcore>, window_params = [{transform_indices = #map}, {transform_indices = #map}, {transform_indices = #map1}, {transform_indices = #map1}, {transform_indices = #map}]} {
    %mul3A = arith.constant 2 : i32
    %mul3A_0 = arith.muli %arg1, %mul3A : i32
    %add3A = arith.addi %mul3A_0, %arg0 : i32
    %mul3A_1 = arith.constant 5120 : i32
    %mul3A_2 = arith.muli %add3A, %mul3A_1 : i32
    %add3A_3 = arith.constant 163840 : i32
    %add3A_4 = arith.addi %add3A_3, %mul3A_2 : i32
    %add3A_5 = arith.constant 0 : i32
    %add3A_6 = arith.addi %add3A_4, %add3A_5 : i32
    %run_scoped3A = arith.constant 0 : i32
    "tpu.region"() ({
      %run_scoped3A_39 = tpu.sem_alloc : memref<!tpu.dma_semaphore, #tpu.memory_space<semaphore_mem>>
      %dma_start3A_40 = arith.constant 0 : i32
      %dma_start3A_41 = tpu.memref_slice %arg7[%run_scoped3A, %dma_start3A_40] : memref<2x128xi32, #tpu.memory_space<vmem>> -> memref<1x128xi32, #tpu.memory_space<vmem>>
      %dma_start3A_42 = tpu.memref_squeeze %dma_start3A_41 : memref<1x128xi32, #tpu.memory_space<vmem>> -> memref<128xi32, #tpu.memory_space<vmem>>
      %dma_start3A_43 = tpu.memref_slice %arg4[%add3A_6] : memref<327680xi32, #tpu.memory_space<hbm>> -> memref<128xi32, #tpu.memory_space<hbm>>
      %dma_start3A_44 = arith.constant 0 : i32
      %dma_start3A_45 = tpu.memref_slice %arg7[%run_scoped3A, %dma_start3A_44] : memref<2x128xi32, #tpu.memory_space<vmem>> -> memref<1x128xi32, #tpu.memory_space<vmem>>
      %dma_start3A_46 = tpu.memref_squeeze %dma_start3A_45 : memref<1x128xi32, #tpu.memory_space<vmem>> -> memref<128xi32, #tpu.memory_space<vmem>>
      %dma_start3A_47 = tpu.memref_slice %arg4[%add3A_6] : memref<327680xi32, #tpu.memory_space<hbm>> -> memref<128xi32, #tpu.memory_space<hbm>>
      tpu.enqueue_dma source(%dma_start3A_47 : memref<128xi32, #tpu.memory_space<hbm>>) target(%dma_start3A_46 : memref<128xi32, #tpu.memory_space<vmem>>) target_semaphore(%run_scoped3A_39 : memref<!tpu.dma_semaphore, #tpu.memory_space<semaphore_mem>>)
      %dma_wait3A_48 = arith.constant 0 : i32
      %dma_wait3A_49 = tpu.memref_slice %arg7[%run_scoped3A, %dma_wait3A_48] : memref<2x128xi32, #tpu.memory_space<vmem>> -> memref<1x128xi32, #tpu.memory_space<vmem>>
      %dma_wait3A_50 = tpu.memref_squeeze %dma_wait3A_49 : memref<1x128xi32, #tpu.memory_space<vmem>> -> memref<128xi32, #tpu.memory_space<vmem>>
      %dma_wait3A_51 = tpu.memref_slice %arg4[%add3A_6] : memref<327680xi32, #tpu.memory_space<hbm>> -> memref<128xi32, #tpu.memory_space<hbm>>
      %dma_wait3A_52 = arith.constant 0 : i32
      %dma_wait3A_53 = tpu.memref_slice %arg7[%run_scoped3A, %dma_wait3A_52] : memref<2x128xi32, #tpu.memory_space<vmem>> -> memref<1x128xi32, #tpu.memory_space<vmem>>
      %dma_wait3A_54 = tpu.memref_squeeze %dma_wait3A_53 : memref<1x128xi32, #tpu.memory_space<vmem>> -> memref<128xi32, #tpu.memory_space<vmem>>
      %dma_wait3A_55 = tpu.memref_slice %arg4[%add3A_6] : memref<327680xi32, #tpu.memory_space<hbm>> -> memref<128xi32, #tpu.memory_space<hbm>>
      tpu.wait_dma2 semaphore(%run_scoped3A_39 : memref<!tpu.dma_semaphore, #tpu.memory_space<semaphore_mem>>) src(%dma_wait3A_55 : memref<128xi32, #tpu.memory_space<hbm>>) dst(%dma_wait3A_54 : memref<128xi32, #tpu.memory_space<vmem>>)
      tpu.yield
    }) : () -> ()
    %run_scoped3A_7 = arith.constant 0 : i32
    "tpu.region"() ({
      %run_scoped3A_39 = tpu.sem_alloc : memref<!tpu.dma_semaphore, #tpu.memory_space<semaphore_mem>>
      %dma_start3A_40 = arith.constant 0 : i32
      %dma_start3A_41 = tpu.memref_slice %arg8[%run_scoped3A_7, %dma_start3A_40] : memref<2x128xi32, #tpu.memory_space<vmem>> -> memref<1x128xi32, #tpu.memory_space<vmem>>
      %dma_start3A_42 = tpu.memref_squeeze %dma_start3A_41 : memref<1x128xi32, #tpu.memory_space<vmem>> -> memref<128xi32, #tpu.memory_space<vmem>>
      %dma_start3A_43 = tpu.memref_slice %arg5[%add3A_6] : memref<327680xi32, #tpu.memory_space<hbm>> -> memref<128xi32, #tpu.memory_space<hbm>>
      %dma_start3A_44 = arith.constant 0 : i32
      %dma_start3A_45 = tpu.memref_slice %arg8[%run_scoped3A_7, %dma_start3A_44] : memref<2x128xi32, #tpu.memory_space<vmem>> -> memref<1x128xi32, #tpu.memory_space<vmem>>
      %dma_start3A_46 = tpu.memref_squeeze %dma_start3A_45 : memref<1x128xi32, #tpu.memory_space<vmem>> -> memref<128xi32, #tpu.memory_space<vmem>>
      %dma_start3A_47 = tpu.memref_slice %arg5[%add3A_6] : memref<327680xi32, #tpu.memory_space<hbm>> -> memref<128xi32, #tpu.memory_space<hbm>>
      tpu.enqueue_dma source(%dma_start3A_47 : memref<128xi32, #tpu.memory_space<hbm>>) target(%dma_start3A_46 : memref<128xi32, #tpu.memory_space<vmem>>) target_semaphore(%run_scoped3A_39 : memref<!tpu.dma_semaphore, #tpu.memory_space<semaphore_mem>>)
      %dma_wait3A_48 = arith.constant 0 : i32
      %dma_wait3A_49 = tpu.memref_slice %arg8[%run_scoped3A_7, %dma_wait3A_48] : memref<2x128xi32, #tpu.memory_space<vmem>> -> memref<1x128xi32, #tpu.memory_space<vmem>>
      %dma_wait3A_50 = tpu.memref_squeeze %dma_wait3A_49 : memref<1x128xi32, #tpu.memory_space<vmem>> -> memref<128xi32, #tpu.memory_space<vmem>>
      %dma_wait3A_51 = tpu.memref_slice %arg5[%add3A_6] : memref<327680xi32, #tpu.memory_space<hbm>> -> memref<128xi32, #tpu.memory_space<hbm>>
      %dma_wait3A_52 = arith.constant 0 : i32
      %dma_wait3A_53 = tpu.memref_slice %arg8[%run_scoped3A_7, %dma_wait3A_52] : memref<2x128xi32, #tpu.memory_space<vmem>> -> memref<1x128xi32, #tpu.memory_space<vmem>>
      %dma_wait3A_54 = tpu.memref_squeeze %dma_wait3A_53 : memref<1x128xi32, #tpu.memory_space<vmem>> -> memref<128xi32, #tpu.memory_space<vmem>>
      %dma_wait3A_55 = tpu.memref_slice %arg5[%add3A_6] : memref<327680xi32, #tpu.memory_space<hbm>> -> memref<128xi32, #tpu.memory_space<hbm>>
      tpu.wait_dma2 semaphore(%run_scoped3A_39 : memref<!tpu.dma_semaphore, #tpu.memory_space<semaphore_mem>>) src(%dma_wait3A_55 : memref<128xi32, #tpu.memory_space<hbm>>) dst(%dma_wait3A_54 : memref<128xi32, #tpu.memory_space<vmem>>)
      tpu.yield
    }) : () -> ()
    %dma_start3A = arith.constant 0 : i32
    %dma_start3A_8 = arith.constant 0 : i32
    %dma_start3A_9 = tpu.memref_slice %arg7[%dma_start3A, %dma_start3A_8] : memref<2x128xi32, #tpu.memory_space<vmem>> -> memref<1x128xi32, #tpu.memory_space<vmem>>
    %dma_start3A_10 = tpu.memref_squeeze %dma_start3A_9 : memref<1x128xi32, #tpu.memory_space<vmem>> -> memref<128xi32, #tpu.memory_space<vmem>>
    %dma_start3A_11 = arith.constant 0 : i32
    %dma_start3A_12 = arith.constant 0 : i32
    %dma_start3A_13 = tpu.memref_slice %arg2[%dma_start3A_11, %dma_start3A_12] : memref<10000x128xf32, #tpu.memory_space<hbm>> -> memref<10000x128xf32, #tpu.memory_space<hbm>>
    tpu.enqueue_indirect_dma source(%dma_start3A_13 : memref<10000x128xf32, #tpu.memory_space<hbm>>) target(%arg9 : memref<128x128xf32, #tpu.memory_space<vmem>>) offsets(%dma_start3A_10 : memref<128xi32, #tpu.memory_space<vmem>>) semaphore(%arg13 : memref<!tpu.dma_semaphore, #tpu.memory_space<semaphore_mem>>)
    %dma_start3A_14 = arith.constant 0 : i32
    %dma_start3A_15 = arith.constant 0 : i32
    %dma_start3A_16 = tpu.memref_slice %arg8[%dma_start3A_14, %dma_start3A_15] : memref<2x128xi32, #tpu.memory_space<vmem>> -> memref<1x128xi32, #tpu.memory_space<vmem>>
    %dma_start3A_17 = tpu.memref_squeeze %dma_start3A_16 : memref<1x128xi32, #tpu.memory_space<vmem>> -> memref<128xi32, #tpu.memory_space<vmem>>
    %dma_start3A_18 = arith.constant 0 : i32
    %dma_start3A_19 = arith.constant 0 : i32
    %dma_start3A_20 = tpu.memref_slice %arg3[%dma_start3A_18, %dma_start3A_19] : memref<10000x128xf32, #tpu.memory_space<hbm>> -> memref<10000x128xf32, #tpu.memory_space<hbm>>
    tpu.enqueue_indirect_dma source(%dma_start3A_20 : memref<10000x128xf32, #tpu.memory_space<hbm>>) target(%arg10 : memref<128x128xf32, #tpu.memory_space<vmem>>) offsets(%dma_start3A_17 : memref<128xi32, #tpu.memory_space<vmem>>) semaphore(%arg13 : memref<!tpu.dma_semaphore, #tpu.memory_space<semaphore_mem>>)
    %scan3A = arith.constant 0 : i32
    %scan3A_21 = arith.constant 0 : i32
    %scan3A_22 = arith.constant 20 : i32
    %scan3A_23 = arith.addi %scan3A_21, %scan3A_22 : i32
    %scan3A_24 = arith.constant 1 : i32
    scf.for %scan3A_39 = %scan3A_21 to %scan3A_23 step %scan3A_24  : i32 {
      %mul3A_40 = arith.constant 2 : i32
      %mul3A_41 = arith.muli %mul3A_40, %scan3A_39 : i32
      %add3A_42 = arith.constant 1 : i32
      %add3A_43 = arith.addi %mul3A_41, %add3A_42 : i32
      %add3A_44 = arith.constant 163840 : i32
      %add3A_45 = arith.addi %add3A_44, %mul3A_2 : i32
      %mul3A_46 = arith.constant 128 : i32
      %mul3A_47 = arith.muli %add3A_43, %mul3A_46 : i32
      %add3A_48 = arith.addi %add3A_45, %mul3A_47 : i32
      %run_scoped3A_49 = arith.constant 1 : i32
      "tpu.region"() ({
        %run_scoped3A_137 = tpu.sem_alloc : memref<!tpu.dma_semaphore, #tpu.memory_space<semaphore_mem>>
        %dma_start3A_138 = arith.constant 0 : i32
        %dma_start3A_139 = tpu.memref_slice %arg7[%run_scoped3A_49, %dma_start3A_138] : memref<2x128xi32, #tpu.memory_space<vmem>> -> memref<1x128xi32, #tpu.memory_space<vmem>>
        %dma_start3A_140 = tpu.memref_squeeze %dma_start3A_139 : memref<1x128xi32, #tpu.memory_space<vmem>> -> memref<128xi32, #tpu.memory_space<vmem>>
        %dma_start3A_141 = tpu.memref_slice %arg4[%add3A_48] : memref<327680xi32, #tpu.memory_space<hbm>> -> memref<128xi32, #tpu.memory_space<hbm>>
        %dma_start3A_142 = arith.constant 0 : i32
        %dma_start3A_143 = tpu.memref_slice %arg7[%run_scoped3A_49, %dma_start3A_142] : memref<2x128xi32, #tpu.memory_space<vmem>> -> memref<1x128xi32, #tpu.memory_space<vmem>>
        %dma_start3A_144 = tpu.memref_squeeze %dma_start3A_143 : memref<1x128xi32, #tpu.memory_space<vmem>> -> memref<128xi32, #tpu.memory_space<vmem>>
        %dma_start3A_145 = tpu.memref_slice %arg4[%add3A_48] : memref<327680xi32, #tpu.memory_space<hbm>> -> memref<128xi32, #tpu.memory_space<hbm>>
        tpu.enqueue_dma source(%dma_start3A_145 : memref<128xi32, #tpu.memory_space<hbm>>) target(%dma_start3A_144 : memref<128xi32, #tpu.memory_space<vmem>>) target_semaphore(%run_scoped3A_137 : memref<!tpu.dma_semaphore, #tpu.memory_space<semaphore_mem>>)
        %dma_wait3A_146 = arith.constant 0 : i32
        %dma_wait3A_147 = tpu.memref_slice %arg7[%run_scoped3A_49, %dma_wait3A_146] : memref<2x128xi32, #tpu.memory_space<vmem>> -> memref<1x128xi32, #tpu.memory_space<vmem>>
        %dma_wait3A_148 = tpu.memref_squeeze %dma_wait3A_147 : memref<1x128xi32, #tpu.memory_space<vmem>> -> memref<128xi32, #tpu.memory_space<vmem>>
        %dma_wait3A_149 = tpu.memref_slice %arg4[%add3A_48] : memref<327680xi32, #tpu.memory_space<hbm>> -> memref<128xi32, #tpu.memory_space<hbm>>
        %dma_wait3A_150 = arith.constant 0 : i32
        %dma_wait3A_151 = tpu.memref_slice %arg7[%run_scoped3A_49, %dma_wait3A_150] : memref<2x128xi32, #tpu.memory_space<vmem>> -> memref<1x128xi32, #tpu.memory_space<vmem>>
        %dma_wait3A_152 = tpu.memref_squeeze %dma_wait3A_151 : memref<1x128xi32, #tpu.memory_space<vmem>> -> memref<128xi32, #tpu.memory_space<vmem>>
        %dma_wait3A_153 = tpu.memref_slice %arg4[%add3A_48] : memref<327680xi32, #tpu.memory_space<hbm>> -> memref<128xi32, #tpu.memory_space<hbm>>
        tpu.wait_dma2 semaphore(%run_scoped3A_137 : memref<!tpu.dma_semaphore, #tpu.memory_space<semaphore_mem>>) src(%dma_wait3A_153 : memref<128xi32, #tpu.memory_space<hbm>>) dst(%dma_wait3A_152 : memref<128xi32, #tpu.memory_space<vmem>>)
        tpu.yield
      }) : () -> ()
      %run_scoped3A_50 = arith.constant 1 : i32
      "tpu.region"() ({
        %run_scoped3A_137 = tpu.sem_alloc : memref<!tpu.dma_semaphore, #tpu.memory_space<semaphore_mem>>
        %dma_start3A_138 = arith.constant 0 : i32
        %dma_start3A_139 = tpu.memref_slice %arg8[%run_scoped3A_50, %dma_start3A_138] : memref<2x128xi32, #tpu.memory_space<vmem>> -> memref<1x128xi32, #tpu.memory_space<vmem>>
        %dma_start3A_140 = tpu.memref_squeeze %dma_start3A_139 : memref<1x128xi32, #tpu.memory_space<vmem>> -> memref<128xi32, #tpu.memory_space<vmem>>
        %dma_start3A_141 = tpu.memref_slice %arg5[%add3A_48] : memref<327680xi32, #tpu.memory_space<hbm>> -> memref<128xi32, #tpu.memory_space<hbm>>
        %dma_start3A_142 = arith.constant 0 : i32
        %dma_start3A_143 = tpu.memref_slice %arg8[%run_scoped3A_50, %dma_start3A_142] : memref<2x128xi32, #tpu.memory_space<vmem>> -> memref<1x128xi32, #tpu.memory_space<vmem>>
        %dma_start3A_144 = tpu.memref_squeeze %dma_start3A_143 : memref<1x128xi32, #tpu.memory_space<vmem>> -> memref<128xi32, #tpu.memory_space<vmem>>
        %dma_start3A_145 = tpu.memref_slice %arg5[%add3A_48] : memref<327680xi32, #tpu.memory_space<hbm>> -> memref<128xi32, #tpu.memory_space<hbm>>
        tpu.enqueue_dma source(%dma_start3A_145 : memref<128xi32, #tpu.memory_space<hbm>>) target(%dma_start3A_144 : memref<128xi32, #tpu.memory_space<vmem>>) target_semaphore(%run_scoped3A_137 : memref<!tpu.dma_semaphore, #tpu.memory_space<semaphore_mem>>)
        %dma_wait3A_146 = arith.constant 0 : i32
        %dma_wait3A_147 = tpu.memref_slice %arg8[%run_scoped3A_50, %dma_wait3A_146] : memref<2x128xi32, #tpu.memory_space<vmem>> -> memref<1x128xi32, #tpu.memory_space<vmem>>
        %dma_wait3A_148 = tpu.memref_squeeze %dma_wait3A_147 : memref<1x128xi32, #tpu.memory_space<vmem>> -> memref<128xi32, #tpu.memory_space<vmem>>
        %dma_wait3A_149 = tpu.memref_slice %arg5[%add3A_48] : memref<327680xi32, #tpu.memory_space<hbm>> -> memref<128xi32, #tpu.memory_space<hbm>>
        %dma_wait3A_150 = arith.constant 0 : i32
        %dma_wait3A_151 = tpu.memref_slice %arg8[%run_scoped3A_50, %dma_wait3A_150] : memref<2x128xi32, #tpu.memory_space<vmem>> -> memref<1x128xi32, #tpu.memory_space<vmem>>
        %dma_wait3A_152 = tpu.memref_squeeze %dma_wait3A_151 : memref<1x128xi32, #tpu.memory_space<vmem>> -> memref<128xi32, #tpu.memory_space<vmem>>
        %dma_wait3A_153 = tpu.memref_slice %arg5[%add3A_48] : memref<327680xi32, #tpu.memory_space<hbm>> -> memref<128xi32, #tpu.memory_space<hbm>>
        tpu.wait_dma2 semaphore(%run_scoped3A_137 : memref<!tpu.dma_semaphore, #tpu.memory_space<semaphore_mem>>) src(%dma_wait3A_153 : memref<128xi32, #tpu.memory_space<hbm>>) dst(%dma_wait3A_152 : memref<128xi32, #tpu.memory_space<vmem>>)
        tpu.yield
      }) : () -> ()
      %dma_start3A_51 = arith.constant 1 : i32
      %dma_start3A_52 = arith.constant 0 : i32
      %dma_start3A_53 = tpu.memref_slice %arg7[%dma_start3A_51, %dma_start3A_52] : memref<2x128xi32, #tpu.memory_space<vmem>> -> memref<1x128xi32, #tpu.memory_space<vmem>>
      %dma_start3A_54 = tpu.memref_squeeze %dma_start3A_53 : memref<1x128xi32, #tpu.memory_space<vmem>> -> memref<128xi32, #tpu.memory_space<vmem>>
      %dma_start3A_55 = arith.constant 0 : i32
      %dma_start3A_56 = arith.constant 0 : i32
      %dma_start3A_57 = tpu.memref_slice %arg2[%dma_start3A_55, %dma_start3A_56] : memref<10000x128xf32, #tpu.memory_space<hbm>> -> memref<10000x128xf32, #tpu.memory_space<hbm>>
      tpu.enqueue_indirect_dma source(%dma_start3A_57 : memref<10000x128xf32, #tpu.memory_space<hbm>>) target(%arg11 : memref<128x128xf32, #tpu.memory_space<vmem>>) offsets(%dma_start3A_54 : memref<128xi32, #tpu.memory_space<vmem>>) semaphore(%arg14 : memref<!tpu.dma_semaphore, #tpu.memory_space<semaphore_mem>>)
      %dma_start3A_58 = arith.constant 1 : i32
      %dma_start3A_59 = arith.constant 0 : i32
      %dma_start3A_60 = tpu.memref_slice %arg8[%dma_start3A_58, %dma_start3A_59] : memref<2x128xi32, #tpu.memory_space<vmem>> -> memref<1x128xi32, #tpu.memory_space<vmem>>
      %dma_start3A_61 = tpu.memref_squeeze %dma_start3A_60 : memref<1x128xi32, #tpu.memory_space<vmem>> -> memref<128xi32, #tpu.memory_space<vmem>>
      %dma_start3A_62 = arith.constant 0 : i32
      %dma_start3A_63 = arith.constant 0 : i32
      %dma_start3A_64 = tpu.memref_slice %arg3[%dma_start3A_62, %dma_start3A_63] : memref<10000x128xf32, #tpu.memory_space<hbm>> -> memref<10000x128xf32, #tpu.memory_space<hbm>>
      tpu.enqueue_indirect_dma source(%dma_start3A_64 : memref<10000x128xf32, #tpu.memory_space<hbm>>) target(%arg12 : memref<128x128xf32, #tpu.memory_space<vmem>>) offsets(%dma_start3A_61 : memref<128xi32, #tpu.memory_space<vmem>>) semaphore(%arg14 : memref<!tpu.dma_semaphore, #tpu.memory_space<semaphore_mem>>)
      %dma_wait3A_65 = arith.constant 0 : i32
      %dma_wait3A_66 = arith.constant 0 : i32
      %dma_wait3A_67 = tpu.memref_slice %arg7[%dma_wait3A_65, %dma_wait3A_66] : memref<2x128xi32, #tpu.memory_space<vmem>> -> memref<1x128xi32, #tpu.memory_space<vmem>>
      %dma_wait3A_68 = tpu.memref_squeeze %dma_wait3A_67 : memref<1x128xi32, #tpu.memory_space<vmem>> -> memref<128xi32, #tpu.memory_space<vmem>>
      %dma_wait3A_69 = arith.constant 0 : i32
      %dma_wait3A_70 = arith.constant 0 : i32
      %dma_wait3A_71 = tpu.memref_slice %arg2[%dma_wait3A_69, %dma_wait3A_70] : memref<10000x128xf32, #tpu.memory_space<hbm>> -> memref<10000x128xf32, #tpu.memory_space<hbm>>
      tpu.wait_indirect_dma semaphore(%arg13 : memref<!tpu.dma_semaphore, #tpu.memory_space<semaphore_mem>>) src(%dma_wait3A_71 : memref<10000x128xf32, #tpu.memory_space<hbm>>) dst(%arg9 : memref<128x128xf32, #tpu.memory_space<vmem>>)
      %dma_wait3A_72 = arith.constant 0 : i32
      %dma_wait3A_73 = arith.constant 0 : i32
      %dma_wait3A_74 = tpu.memref_slice %arg8[%dma_wait3A_72, %dma_wait3A_73] : memref<2x128xi32, #tpu.memory_space<vmem>> -> memref<1x128xi32, #tpu.memory_space<vmem>>
      %dma_wait3A_75 = tpu.memref_squeeze %dma_wait3A_74 : memref<1x128xi32, #tpu.memory_space<vmem>> -> memref<128xi32, #tpu.memory_space<vmem>>
      %dma_wait3A_76 = arith.constant 0 : i32
      %dma_wait3A_77 = arith.constant 0 : i32
      %dma_wait3A_78 = tpu.memref_slice %arg3[%dma_wait3A_76, %dma_wait3A_77] : memref<10000x128xf32, #tpu.memory_space<hbm>> -> memref<10000x128xf32, #tpu.memory_space<hbm>>
      tpu.wait_indirect_dma semaphore(%arg13 : memref<!tpu.dma_semaphore, #tpu.memory_space<semaphore_mem>>) src(%dma_wait3A_78 : memref<10000x128xf32, #tpu.memory_space<hbm>>) dst(%arg10 : memref<128x128xf32, #tpu.memory_space<vmem>>)
      %scan3A_79 = arith.constant 0 : i32
      %scan3A_80 = arith.constant 0 : i32
      %scan3A_81 = arith.constant 128 : i32
      %scan3A_82 = arith.addi %scan3A_80, %scan3A_81 : i32
      %scan3A_83 = arith.constant 1 : i32
      scf.for %scan3A_137 = %scan3A_80 to %scan3A_82 step %scan3A_83  : i32 {
        %get3A = arith.index_cast %scan3A_137 : i32 to index
        %get3A_138 = arith.constant 0 : index
        %get3A_139 = tpu.vector_load %arg9[%get3A, %get3A_138] {strides = array<i32>} : memref<128x128xf32, #tpu.memory_space<vmem>>, vector<1x16xf32>,
        %get3A_140 = vector.shape_cast %get3A_139 : vector<1x16xf32> to vector<16xf32>
        %get3A_141 = arith.index_cast %scan3A_137 : i32 to index
        %get3A_142 = arith.constant 0 : index
        %get3A_143 = tpu.vector_load %arg10[%get3A_141, %get3A_142] {strides = array<i32>} : memref<128x128xf32, #tpu.memory_space<vmem>>, vector<1x16xf32>,
        %get3A_144 = vector.shape_cast %get3A_143 : vector<1x16xf32> to vector<16xf32>
        %add3A_145 = arith.addf %get3A_140, %get3A_144 : vector<16xf32>
        %swap3A = arith.index_cast %scan3A_137 : i32 to index
        %swap3A_146 = arith.constant 0 : index
        %swap3A_147 = tpu.vector_load %arg9[%swap3A, %swap3A_146] {strides = array<i32>} : memref<128x128xf32, #tpu.memory_space<vmem>>, vector<1x16xf32>,
        %swap3A_148 = vector.shape_cast %swap3A_147 : vector<1x16xf32> to vector<16xf32>
        %swap3A_149 = vector.shape_cast %add3A_145 : vector<16xf32> to vector<1x16xf32>
        tpu.vector_store %arg9[%swap3A, %swap3A_146], %swap3A_149 {strides = array<i32>} : memref<128x128xf32, #tpu.memory_space<vmem>>, vector<1x16xf32>,
        %get3A_150 = arith.index_cast %scan3A_137 : i32 to index
        %get3A_151 = arith.constant 16 : index
        %get3A_152 = tpu.vector_load %arg9[%get3A_150, %get3A_151] {strides = array<i32>} : memref<128x128xf32, #tpu.memory_space<vmem>>, vector<1x16xf32>,
        %get3A_153 = vector.shape_cast %get3A_152 : vector<1x16xf32> to vector<16xf32>
        %get3A_154 = arith.index_cast %scan3A_137 : i32 to index
        %get3A_155 = arith.constant 16 : index
        %get3A_156 = tpu.vector_load %arg10[%get3A_154, %get3A_155] {strides = array<i32>} : memref<128x128xf32, #tpu.memory_space<vmem>>, vector<1x16xf32>,
        %get3A_157 = vector.shape_cast %get3A_156 : vector<1x16xf32> to vector<16xf32>
        %add3A_158 = arith.addf %get3A_153, %get3A_157 : vector<16xf32>
        %swap3A_159 = arith.index_cast %scan3A_137 : i32 to index
        %swap3A_160 = arith.constant 16 : index
        %swap3A_161 = tpu.vector_load %arg9[%swap3A_159, %swap3A_160] {strides = array<i32>} : memref<128x128xf32, #tpu.memory_space<vmem>>, vector<1x16xf32>,
        %swap3A_162 = vector.shape_cast %swap3A_161 : vector<1x16xf32> to vector<16xf32>
        %swap3A_163 = vector.shape_cast %add3A_158 : vector<16xf32> to vector<1x16xf32>
        tpu.vector_store %arg9[%swap3A_159, %swap3A_160], %swap3A_163 {strides = array<i32>} : memref<128x128xf32, #tpu.memory_space<vmem>>, vector<1x16xf32>,
        %get3A_164 = arith.index_cast %scan3A_137 : i32 to index
        %get3A_165 = arith.constant 32 : index
        %get3A_166 = tpu.vector_load %arg9[%get3A_164, %get3A_165] {strides = array<i32>} : memref<128x128xf32, #tpu.memory_space<vmem>>, vector<1x16xf32>,
        %get3A_167 = vector.shape_cast %get3A_166 : vector<1x16xf32> to vector<16xf32>
        %get3A_168 = arith.index_cast %scan3A_137 : i32 to index
        %get3A_169 = arith.constant 32 : index
        %get3A_170 = tpu.vector_load %arg10[%get3A_168, %get3A_169] {strides = array<i32>} : memref<128x128xf32, #tpu.memory_space<vmem>>, vector<1x16xf32>,
        %get3A_171 = vector.shape_cast %get3A_170 : vector<1x16xf32> to vector<16xf32>
        %add3A_172 = arith.addf %get3A_167, %get3A_171 : vector<16xf32>
        %swap3A_173 = arith.index_cast %scan3A_137 : i32 to index
        %swap3A_174 = arith.constant 32 : index
        %swap3A_175 = tpu.vector_load %arg9[%swap3A_173, %swap3A_174] {strides = array<i32>} : memref<128x128xf32, #tpu.memory_space<vmem>>, vector<1x16xf32>,
        %swap3A_176 = vector.shape_cast %swap3A_175 : vector<1x16xf32> to vector<16xf32>
        %swap3A_177 = vector.shape_cast %add3A_172 : vector<16xf32> to vector<1x16xf32>
        tpu.vector_store %arg9[%swap3A_173, %swap3A_174], %swap3A_177 {strides = array<i32>} : memref<128x128xf32, #tpu.memory_space<vmem>>, vector<1x16xf32>,
        %get3A_178 = arith.index_cast %scan3A_137 : i32 to index
        %get3A_179 = arith.constant 48 : index
        %get3A_180 = tpu.vector_load %arg9[%get3A_178, %get3A_179] {strides = array<i32>} : memref<128x128xf32, #tpu.memory_space<vmem>>, vector<1x16xf32>,
        %get3A_181 = vector.shape_cast %get3A_180 : vector<1x16xf32> to vector<16xf32>
        %get3A_182 = arith.index_cast %scan3A_137 : i32 to index
        %get3A_183 = arith.constant 48 : index
        %get3A_184 = tpu.vector_load %arg10[%get3A_182, %get3A_183] {strides = array<i32>} : memref<128x128xf32, #tpu.memory_space<vmem>>, vector<1x16xf32>,
        %get3A_185 = vector.shape_cast %get3A_184 : vector<1x16xf32> to vector<16xf32>
        %add3A_186 = arith.addf %get3A_181, %get3A_185 : vector<16xf32>
        %swap3A_187 = arith.index_cast %scan3A_137 : i32 to index
        %swap3A_188 = arith.constant 48 : index
        %swap3A_189 = tpu.vector_load %arg9[%swap3A_187, %swap3A_188] {strides = array<i32>} : memref<128x128xf32, #tpu.memory_space<vmem>>, vector<1x16xf32>,
        %swap3A_190 = vector.shape_cast %swap3A_189 : vector<1x16xf32> to vector<16xf32>
        %swap3A_191 = vector.shape_cast %add3A_186 : vector<16xf32> to vector<1x16xf32>
        tpu.vector_store %arg9[%swap3A_187, %swap3A_188], %swap3A_191 {strides = array<i32>} : memref<128x128xf32, #tpu.memory_space<vmem>>, vector<1x16xf32>,
        %get3A_192 = arith.index_cast %scan3A_137 : i32 to index
        %get3A_193 = arith.constant 64 : index
        %get3A_194 = tpu.vector_load %arg9[%get3A_192, %get3A_193] {strides = array<i32>} : memref<128x128xf32, #tpu.memory_space<vmem>>, vector<1x16xf32>,
        %get3A_195 = vector.shape_cast %get3A_194 : vector<1x16xf32> to vector<16xf32>
        %get3A_196 = arith.index_cast %scan3A_137 : i32 to index
        %get3A_197 = arith.constant 64 : index
        %get3A_198 = tpu.vector_load %arg10[%get3A_196, %get3A_197] {strides = array<i32>} : memref<128x128xf32, #tpu.memory_space<vmem>>, vector<1x16xf32>,
        %get3A_199 = vector.shape_cast %get3A_198 : vector<1x16xf32> to vector<16xf32>
        %add3A_200 = arith.addf %get3A_195, %get3A_199 : vector<16xf32>
        %swap3A_201 = arith.index_cast %scan3A_137 : i32 to index
        %swap3A_202 = arith.constant 64 : index
        %swap3A_203 = tpu.vector_load %arg9[%swap3A_201, %swap3A_202] {strides = array<i32>} : memref<128x128xf32, #tpu.memory_space<vmem>>, vector<1x16xf32>,
        %swap3A_204 = vector.shape_cast %swap3A_203 : vector<1x16xf32> to vector<16xf32>
        %swap3A_205 = vector.shape_cast %add3A_200 : vector<16xf32> to vector<1x16xf32>
        tpu.vector_store %arg9[%swap3A_201, %swap3A_202], %swap3A_205 {strides = array<i32>} : memref<128x128xf32, #tpu.memory_space<vmem>>, vector<1x16xf32>,
        %get3A_206 = arith.index_cast %scan3A_137 : i32 to index
        %get3A_207 = arith.constant 80 : index
        %get3A_208 = tpu.vector_load %arg9[%get3A_206, %get3A_207] {strides = array<i32>} : memref<128x128xf32, #tpu.memory_space<vmem>>, vector<1x16xf32>,
        %get3A_209 = vector.shape_cast %get3A_208 : vector<1x16xf32> to vector<16xf32>
        %get3A_210 = arith.index_cast %scan3A_137 : i32 to index
        %get3A_211 = arith.constant 80 : index
        %get3A_212 = tpu.vector_load %arg10[%get3A_210, %get3A_211] {strides = array<i32>} : memref<128x128xf32, #tpu.memory_space<vmem>>, vector<1x16xf32>,
        %get3A_213 = vector.shape_cast %get3A_212 : vector<1x16xf32> to vector<16xf32>
        %add3A_214 = arith.addf %get3A_209, %get3A_213 : vector<16xf32>
        %swap3A_215 = arith.index_cast %scan3A_137 : i32 to index
        %swap3A_216 = arith.constant 80 : index
        %swap3A_217 = tpu.vector_load %arg9[%swap3A_215, %swap3A_216] {strides = array<i32>} : memref<128x128xf32, #tpu.memory_space<vmem>>, vector<1x16xf32>,
        %swap3A_218 = vector.shape_cast %swap3A_217 : vector<1x16xf32> to vector<16xf32>
        %swap3A_219 = vector.shape_cast %add3A_214 : vector<16xf32> to vector<1x16xf32>
        tpu.vector_store %arg9[%swap3A_215, %swap3A_216], %swap3A_219 {strides = array<i32>} : memref<128x128xf32, #tpu.memory_space<vmem>>, vector<1x16xf32>,
        %get3A_220 = arith.index_cast %scan3A_137 : i32 to index
        %get3A_221 = arith.constant 96 : index
        %get3A_222 = tpu.vector_load %arg9[%get3A_220, %get3A_221] {strides = array<i32>} : memref<128x128xf32, #tpu.memory_space<vmem>>, vector<1x16xf32>,
        %get3A_223 = vector.shape_cast %get3A_222 : vector<1x16xf32> to vector<16xf32>
        %get3A_224 = arith.index_cast %scan3A_137 : i32 to index
        %get3A_225 = arith.constant 96 : index
        %get3A_226 = tpu.vector_load %arg10[%get3A_224, %get3A_225] {strides = array<i32>} : memref<128x128xf32, #tpu.memory_space<vmem>>, vector<1x16xf32>,
        %get3A_227 = vector.shape_cast %get3A_226 : vector<1x16xf32> to vector<16xf32>
        %add3A_228 = arith.addf %get3A_223, %get3A_227 : vector<16xf32>
        %swap3A_229 = arith.index_cast %scan3A_137 : i32 to index
        %swap3A_230 = arith.constant 96 : index
        %swap3A_231 = tpu.vector_load %arg9[%swap3A_229, %swap3A_230] {strides = array<i32>} : memref<128x128xf32, #tpu.memory_space<vmem>>, vector<1x16xf32>,
        %swap3A_232 = vector.shape_cast %swap3A_231 : vector<1x16xf32> to vector<16xf32>
        %swap3A_233 = vector.shape_cast %add3A_228 : vector<16xf32> to vector<1x16xf32>
        tpu.vector_store %arg9[%swap3A_229, %swap3A_230], %swap3A_233 {strides = array<i32>} : memref<128x128xf32, #tpu.memory_space<vmem>>, vector<1x16xf32>,
        %get3A_234 = arith.index_cast %scan3A_137 : i32 to index
        %get3A_235 = arith.constant 112 : index
        %get3A_236 = tpu.vector_load %arg9[%get3A_234, %get3A_235] {strides = array<i32>} : memref<128x128xf32, #tpu.memory_space<vmem>>, vector<1x16xf32>,
        %get3A_237 = vector.shape_cast %get3A_236 : vector<1x16xf32> to vector<16xf32>
        %get3A_238 = arith.index_cast %scan3A_137 : i32 to index
        %get3A_239 = arith.constant 112 : index
        %get3A_240 = tpu.vector_load %arg10[%get3A_238, %get3A_239] {strides = array<i32>} : memref<128x128xf32, #tpu.memory_space<vmem>>, vector<1x16xf32>,
        %get3A_241 = vector.shape_cast %get3A_240 : vector<1x16xf32> to vector<16xf32>
        %add3A_242 = arith.addf %get3A_237, %get3A_241 : vector<16xf32>
        %swap3A_243 = arith.index_cast %scan3A_137 : i32 to index
        %swap3A_244 = arith.constant 112 : index
        %swap3A_245 = tpu.vector_load %arg9[%swap3A_243, %swap3A_244] {strides = array<i32>} : memref<128x128xf32, #tpu.memory_space<vmem>>, vector<1x16xf32>,
        %swap3A_246 = vector.shape_cast %swap3A_245 : vector<1x16xf32> to vector<16xf32>
        %swap3A_247 = vector.shape_cast %add3A_242 : vector<16xf32> to vector<1x16xf32>
        tpu.vector_store %arg9[%swap3A_243, %swap3A_244], %swap3A_247 {strides = array<i32>} : memref<128x128xf32, #tpu.memory_space<vmem>>, vector<1x16xf32>,
      }
      %scan3A_84 = arith.constant 128 : i32
      %mul3A_85 = arith.constant 128 : i32
      %mul3A_86 = arith.muli %mul3A_41, %mul3A_85 : i32
      %add3A_87 = arith.addi %mul3A_2, %mul3A_86 : i32
      "tpu.region"() ({
        %run_scoped3A_137 = tpu.sem_alloc : memref<!tpu.dma_semaphore, #tpu.memory_space<semaphore_mem>>
        %dma_start3A_138 = arith.constant 0 : i32
        %dma_start3A_139 = tpu.memref_slice %arg6[%add3A_87, %dma_start3A_138] : memref<163840x128xf32, #tpu.memory_space<hbm>> -> memref<128x128xf32, #tpu.memory_space<hbm>>
        %dma_start3A_140 = arith.constant 0 : i32
        %dma_start3A_141 = tpu.memref_slice %arg6[%add3A_87, %dma_start3A_140] : memref<163840x128xf32, #tpu.memory_space<hbm>> -> memref<128x128xf32, #tpu.memory_space<hbm>>
        tpu.enqueue_dma source(%arg9 : memref<128x128xf32, #tpu.memory_space<vmem>>) target(%dma_start3A_141 : memref<128x128xf32, #tpu.memory_space<hbm>>) target_semaphore(%run_scoped3A_137 : memref<!tpu.dma_semaphore, #tpu.memory_space<semaphore_mem>>)
        %dma_wait3A_142 = arith.constant 0 : i32
        %dma_wait3A_143 = tpu.memref_slice %arg6[%add3A_87, %dma_wait3A_142] : memref<163840x128xf32, #tpu.memory_space<hbm>> -> memref<128x128xf32, #tpu.memory_space<hbm>>
        %dma_wait3A_144 = arith.constant 0 : i32
        %dma_wait3A_145 = tpu.memref_slice %arg6[%add3A_87, %dma_wait3A_144] : memref<163840x128xf32, #tpu.memory_space<hbm>> -> memref<128x128xf32, #tpu.memory_space<hbm>>
        tpu.wait_dma2 semaphore(%run_scoped3A_137 : memref<!tpu.dma_semaphore, #tpu.memory_space<semaphore_mem>>) src(%arg9 : memref<128x128xf32, #tpu.memory_space<vmem>>) dst(%dma_wait3A_145 : memref<128x128xf32, #tpu.memory_space<hbm>>)
        tpu.yield
      }) : () -> ()
      %add3A_88 = arith.constant 2 : i32
      %add3A_89 = arith.addi %mul3A_41, %add3A_88 : i32
      %min3A = arith.constant 38 : i32
      %min3A_90 = arith.minsi %add3A_89, %min3A : i32
      %add3A_91 = arith.constant 163840 : i32
      %add3A_92 = arith.addi %add3A_91, %mul3A_2 : i32
      %mul3A_93 = arith.constant 128 : i32
      %mul3A_94 = arith.muli %min3A_90, %mul3A_93 : i32
      %add3A_95 = arith.addi %add3A_92, %mul3A_94 : i32
      %run_scoped3A_96 = arith.constant 0 : i32
      "tpu.region"() ({
        %run_scoped3A_137 = tpu.sem_alloc : memref<!tpu.dma_semaphore, #tpu.memory_space<semaphore_mem>>
        %dma_start3A_138 = arith.constant 0 : i32
        %dma_start3A_139 = tpu.memref_slice %arg7[%run_scoped3A_96, %dma_start3A_138] : memref<2x128xi32, #tpu.memory_space<vmem>> -> memref<1x128xi32, #tpu.memory_space<vmem>>
        %dma_start3A_140 = tpu.memref_squeeze %dma_start3A_139 : memref<1x128xi32, #tpu.memory_space<vmem>> -> memref<128xi32, #tpu.memory_space<vmem>>
        %dma_start3A_141 = tpu.memref_slice %arg4[%add3A_95] : memref<327680xi32, #tpu.memory_space<hbm>> -> memref<128xi32, #tpu.memory_space<hbm>>
        %dma_start3A_142 = arith.constant 0 : i32
        %dma_start3A_143 = tpu.memref_slice %arg7[%run_scoped3A_96, %dma_start3A_142] : memref<2x128xi32, #tpu.memory_space<vmem>> -> memref<1x128xi32, #tpu.memory_space<vmem>>
        %dma_start3A_144 = tpu.memref_squeeze %dma_start3A_143 : memref<1x128xi32, #tpu.memory_space<vmem>> -> memref<128xi32, #tpu.memory_space<vmem>>
        %dma_start3A_145 = tpu.memref_slice %arg4[%add3A_95] : memref<327680xi32, #tpu.memory_space<hbm>> -> memref<128xi32, #tpu.memory_space<hbm>>
        tpu.enqueue_dma source(%dma_start3A_145 : memref<128xi32, #tpu.memory_space<hbm>>) target(%dma_start3A_144 : memref<128xi32, #tpu.memory_space<vmem>>) target_semaphore(%run_scoped3A_137 : memref<!tpu.dma_semaphore, #tpu.memory_space<semaphore_mem>>)
        %dma_wait3A_146 = arith.constant 0 : i32
        %dma_wait3A_147 = tpu.memref_slice %arg7[%run_scoped3A_96, %dma_wait3A_146] : memref<2x128xi32, #tpu.memory_space<vmem>> -> memref<1x128xi32, #tpu.memory_space<vmem>>
        %dma_wait3A_148 = tpu.memref_squeeze %dma_wait3A_147 : memref<1x128xi32, #tpu.memory_space<vmem>> -> memref<128xi32, #tpu.memory_space<vmem>>
        %dma_wait3A_149 = tpu.memref_slice %arg4[%add3A_95] : memref<327680xi32, #tpu.memory_space<hbm>> -> memref<128xi32, #tpu.memory_space<hbm>>
        %dma_wait3A_150 = arith.constant 0 : i32
        %dma_wait3A_151 = tpu.memref_slice %arg7[%run_scoped3A_96, %dma_wait3A_150] : memref<2x128xi32, #tpu.memory_space<vmem>> -> memref<1x128xi32, #tpu.memory_space<vmem>>
        %dma_wait3A_152 = tpu.memref_squeeze %dma_wait3A_151 : memref<1x128xi32, #tpu.memory_space<vmem>> -> memref<128xi32, #tpu.memory_space<vmem>>
        %dma_wait3A_153 = tpu.memref_slice %arg4[%add3A_95] : memref<327680xi32, #tpu.memory_space<hbm>> -> memref<128xi32, #tpu.memory_space<hbm>>
        tpu.wait_dma2 semaphore(%run_scoped3A_137 : memref<!tpu.dma_semaphore, #tpu.memory_space<semaphore_mem>>) src(%dma_wait3A_153 : memref<128xi32, #tpu.memory_space<hbm>>) dst(%dma_wait3A_152 : memref<128xi32, #tpu.memory_space<vmem>>)
        tpu.yield
      }) : () -> ()
      %run_scoped3A_97 = arith.constant 0 : i32
      "tpu.region"() ({
        %run_scoped3A_137 = tpu.sem_alloc : memref<!tpu.dma_semaphore, #tpu.memory_space<semaphore_mem>>
        %dma_start3A_138 = arith.constant 0 : i32
        %dma_start3A_139 = tpu.memref_slice %arg8[%run_scoped3A_97, %dma_start3A_138] : memref<2x128xi32, #tpu.memory_space<vmem>> -> memref<1x128xi32, #tpu.memory_space<vmem>>
        %dma_start3A_140 = tpu.memref_squeeze %dma_start3A_139 : memref<1x128xi32, #tpu.memory_space<vmem>> -> memref<128xi32, #tpu.memory_space<vmem>>
        %dma_start3A_141 = tpu.memref_slice %arg5[%add3A_95] : memref<327680xi32, #tpu.memory_space<hbm>> -> memref<128xi32, #tpu.memory_space<hbm>>
        %dma_start3A_142 = arith.constant 0 : i32
        %dma_start3A_143 = tpu.memref_slice %arg8[%run_scoped3A_97, %dma_start3A_142] : memref<2x128xi32, #tpu.memory_space<vmem>> -> memref<1x128xi32, #tpu.memory_space<vmem>>
        %dma_start3A_144 = tpu.memref_squeeze %dma_start3A_143 : memref<1x128xi32, #tpu.memory_space<vmem>> -> memref<128xi32, #tpu.memory_space<vmem>>
        %dma_start3A_145 = tpu.memref_slice %arg5[%add3A_95] : memref<327680xi32, #tpu.memory_space<hbm>> -> memref<128xi32, #tpu.memory_space<hbm>>
        tpu.enqueue_dma source(%dma_start3A_145 : memref<128xi32, #tpu.memory_space<hbm>>) target(%dma_start3A_144 : memref<128xi32, #tpu.memory_space<vmem>>) target_semaphore(%run_scoped3A_137 : memref<!tpu.dma_semaphore, #tpu.memory_space<semaphore_mem>>)
        %dma_wait3A_146 = arith.constant 0 : i32
        %dma_wait3A_147 = tpu.memref_slice %arg8[%run_scoped3A_97, %dma_wait3A_146] : memref<2x128xi32, #tpu.memory_space<vmem>> -> memref<1x128xi32, #tpu.memory_space<vmem>>
        %dma_wait3A_148 = tpu.memref_squeeze %dma_wait3A_147 : memref<1x128xi32, #tpu.memory_space<vmem>> -> memref<128xi32, #tpu.memory_space<vmem>>
        %dma_wait3A_149 = tpu.memref_slice %arg5[%add3A_95] : memref<327680xi32, #tpu.memory_space<hbm>> -> memref<128xi32, #tpu.memory_space<hbm>>
        %dma_wait3A_150 = arith.constant 0 : i32
        %dma_wait3A_151 = tpu.memref_slice %arg8[%run_scoped3A_97, %dma_wait3A_150] : memref<2x128xi32, #tpu.memory_space<vmem>> -> memref<1x128xi32, #tpu.memory_space<vmem>>
        %dma_wait3A_152 = tpu.memref_squeeze %dma_wait3A_151 : memref<1x128xi32, #tpu.memory_space<vmem>> -> memref<128xi32, #tpu.memory_space<vmem>>
        %dma_wait3A_153 = tpu.memref_slice %arg5[%add3A_95] : memref<327680xi32, #tpu.memory_space<hbm>> -> memref<128xi32, #tpu.memory_space<hbm>>
        tpu.wait_dma2 semaphore(%run_scoped3A_137 : memref<!tpu.dma_semaphore, #tpu.memory_space<semaphore_mem>>) src(%dma_wait3A_153 : memref<128xi32, #tpu.memory_space<hbm>>) dst(%dma_wait3A_152 : memref<128xi32, #tpu.memory_space<vmem>>)
        tpu.yield
      }) : () -> ()
      %dma_start3A_98 = arith.constant 0 : i32
      %dma_start3A_99 = arith.constant 0 : i32
      %dma_start3A_100 = tpu.memref_slice %arg7[%dma_start3A_98, %dma_start3A_99] : memref<2x128xi32, #tpu.memory_space<vmem>> -> memref<1x128xi32, #tpu.memory_space<vmem>>
      %dma_start3A_101 = tpu.memref_squeeze %dma_start3A_100 : memref<1x128xi32, #tpu.memory_space<vmem>> -> memref<128xi32, #tpu.memory_space<vmem>>
      %dma_start3A_102 = arith.constant 0 : i32
      %dma_start3A_103 = arith.constant 0 : i32
      %dma_start3A_104 = tpu.memref_slice %arg2[%dma_start3A_102, %dma_start3A_103] : memref<10000x128xf32, #tpu.memory_space<hbm>> -> memref<10000x128xf32, #tpu.memory_space<hbm>>
      tpu.enqueue_indirect_dma source(%dma_start3A_104 : memref<10000x128xf32, #tpu.memory_space<hbm>>) target(%arg9 : memref<128x128xf32, #tpu.memory_space<vmem>>) offsets(%dma_start3A_101 : memref<128xi32, #tpu.memory_space<vmem>>) semaphore(%arg13 : memref<!tpu.dma_semaphore, #tpu.memory_space<semaphore_mem>>)
      %dma_start3A_105 = arith.constant 0 : i32
      %dma_start3A_106 = arith.constant 0 : i32
      %dma_start3A_107 = tpu.memref_slice %arg8[%dma_start3A_105, %dma_start3A_106] : memref<2x128xi32, #tpu.memory_space<vmem>> -> memref<1x128xi32, #tpu.memory_space<vmem>>
      %dma_start3A_108 = tpu.memref_squeeze %dma_start3A_107 : memref<1x128xi32, #tpu.memory_space<vmem>> -> memref<128xi32, #tpu.memory_space<vmem>>
      %dma_start3A_109 = arith.constant 0 : i32
      %dma_start3A_110 = arith.constant 0 : i32
      %dma_start3A_111 = tpu.memref_slice %arg3[%dma_start3A_109, %dma_start3A_110] : memref<10000x128xf32, #tpu.memory_space<hbm>> -> memref<10000x128xf32, #tpu.memory_space<hbm>>
      tpu.enqueue_indirect_dma source(%dma_start3A_111 : memref<10000x128xf32, #tpu.memory_space<hbm>>) target(%arg10 : memref<128x128xf32, #tpu.memory_space<vmem>>) offsets(%dma_start3A_108 : memref<128xi32, #tpu.memory_space<vmem>>) semaphore(%arg13 : memref<!tpu.dma_semaphore, #tpu.memory_space<semaphore_mem>>)
      %dma_wait3A_112 = arith.constant 1 : i32
      %dma_wait3A_113 = arith.constant 0 : i32
      %dma_wait3A_114 = tpu.memref_slice %arg7[%dma_wait3A_112, %dma_wait3A_113] : memref<2x128xi32, #tpu.memory_space<vmem>> -> memref<1x128xi32, #tpu.memory_space<vmem>>
      %dma_wait3A_115 = tpu.memref_squeeze %dma_wait3A_114 : memref<1x128xi32, #tpu.memory_space<vmem>> -> memref<128xi32, #tpu.memory_space<vmem>>
      %dma_wait3A_116 = arith.constant 0 : i32
      %dma_wait3A_117 = arith.constant 0 : i32
      %dma_wait3A_118 = tpu.memref_slice %arg2[%dma_wait3A_116, %dma_wait3A_117] : memref<10000x128xf32, #tpu.memory_space<hbm>> -> memref<10000x128xf32, #tpu.memory_space<hbm>>
      tpu.wait_indirect_dma semaphore(%arg14 : memref<!tpu.dma_semaphore, #tpu.memory_space<semaphore_mem>>) src(%dma_wait3A_118 : memref<10000x128xf32, #tpu.memory_space<hbm>>) dst(%arg11 : memref<128x128xf32, #tpu.memory_space<vmem>>)
      %dma_wait3A_119 = arith.constant 1 : i32
      %dma_wait3A_120 = arith.constant 0 : i32
      %dma_wait3A_121 = tpu.memref_slice %arg8[%dma_wait3A_119, %dma_wait3A_120] : memref<2x128xi32, #tpu.memory_space<vmem>> -> memref<1x128xi32, #tpu.memory_space<vmem>>
      %dma_wait3A_122 = tpu.memref_squeeze %dma_wait3A_121 : memref<1x128xi32, #tpu.memory_space<vmem>> -> memref<128xi32, #tpu.memory_space<vmem>>
      %dma_wait3A_123 = arith.constant 0 : i32
      %dma_wait3A_124 = arith.constant 0 : i32
      %dma_wait3A_125 = tpu.memref_slice %arg3[%dma_wait3A_123, %dma_wait3A_124] : memref<10000x128xf32, #tpu.memory_space<hbm>> -> memref<10000x128xf32, #tpu.memory_space<hbm>>
      tpu.wait_indirect_dma semaphore(%arg14 : memref<!tpu.dma_semaphore, #tpu.memory_space<semaphore_mem>>) src(%dma_wait3A_125 : memref<10000x128xf32, #tpu.memory_space<hbm>>) dst(%arg12 : memref<128x128xf32, #tpu.memory_space<vmem>>)
      %add3A_126 = arith.constant 1 : i32
      %add3A_127 = arith.addi %mul3A_41, %add3A_126 : i32
      %scan3A_128 = arith.constant 0 : i32
      %scan3A_129 = arith.constant 0 : i32
      %scan3A_130 = arith.constant 128 : i32
      %scan3A_131 = arith.addi %scan3A_129, %scan3A_130 : i32
      %scan3A_132 = arith.constant 1 : i32
      scf.for %scan3A_137 = %scan3A_129 to %scan3A_131 step %scan3A_132  : i32 {
        %get3A = arith.index_cast %scan3A_137 : i32 to index
        %get3A_138 = arith.constant 0 : index
        %get3A_139 = tpu.vector_load %arg11[%get3A, %get3A_138] {strides = array<i32>} : memref<128x128xf32, #tpu.memory_space<vmem>>, vector<1x16xf32>,
        %get3A_140 = vector.shape_cast %get3A_139 : vector<1x16xf32> to vector<16xf32>
        %get3A_141 = arith.index_cast %scan3A_137 : i32 to index
        %get3A_142 = arith.constant 0 : index
        %get3A_143 = tpu.vector_load %arg12[%get3A_141, %get3A_142] {strides = array<i32>} : memref<128x128xf32, #tpu.memory_space<vmem>>, vector<1x16xf32>,
        %get3A_144 = vector.shape_cast %get3A_143 : vector<1x16xf32> to vector<16xf32>
        %add3A_145 = arith.addf %get3A_140, %get3A_144 : vector<16xf32>
        %swap3A = arith.index_cast %scan3A_137 : i32 to index
        %swap3A_146 = arith.constant 0 : index
        %swap3A_147 = tpu.vector_load %arg11[%swap3A, %swap3A_146] {strides = array<i32>} : memref<128x128xf32, #tpu.memory_space<vmem>>, vector<1x16xf32>,
        %swap3A_148 = vector.shape_cast %swap3A_147 : vector<1x16xf32> to vector<16xf32>
        %swap3A_149 = vector.shape_cast %add3A_145 : vector<16xf32> to vector<1x16xf32>
        tpu.vector_store %arg11[%swap3A, %swap3A_146], %swap3A_149 {strides = array<i32>} : memref<128x128xf32, #tpu.memory_space<vmem>>, vector<1x16xf32>,
        %get3A_150 = arith.index_cast %scan3A_137 : i32 to index
        %get3A_151 = arith.constant 16 : index
        %get3A_152 = tpu.vector_load %arg11[%get3A_150, %get3A_151] {strides = array<i32>} : memref<128x128xf32, #tpu.memory_space<vmem>>, vector<1x16xf32>,
        %get3A_153 = vector.shape_cast %get3A_152 : vector<1x16xf32> to vector<16xf32>
        %get3A_154 = arith.index_cast %scan3A_137 : i32 to index
        %get3A_155 = arith.constant 16 : index
        %get3A_156 = tpu.vector_load %arg12[%get3A_154, %get3A_155] {strides = array<i32>} : memref<128x128xf32, #tpu.memory_space<vmem>>, vector<1x16xf32>,
        %get3A_157 = vector.shape_cast %get3A_156 : vector<1x16xf32> to vector<16xf32>
        %add3A_158 = arith.addf %get3A_153, %get3A_157 : vector<16xf32>
        %swap3A_159 = arith.index_cast %scan3A_137 : i32 to index
        %swap3A_160 = arith.constant 16 : index
        %swap3A_161 = tpu.vector_load %arg11[%swap3A_159, %swap3A_160] {strides = array<i32>} : memref<128x128xf32, #tpu.memory_space<vmem>>, vector<1x16xf32>,
        %swap3A_162 = vector.shape_cast %swap3A_161 : vector<1x16xf32> to vector<16xf32>
        %swap3A_163 = vector.shape_cast %add3A_158 : vector<16xf32> to vector<1x16xf32>
        tpu.vector_store %arg11[%swap3A_159, %swap3A_160], %swap3A_163 {strides = array<i32>} : memref<128x128xf32, #tpu.memory_space<vmem>>, vector<1x16xf32>,
        %get3A_164 = arith.index_cast %scan3A_137 : i32 to index
        %get3A_165 = arith.constant 32 : index
        %get3A_166 = tpu.vector_load %arg11[%get3A_164, %get3A_165] {strides = array<i32>} : memref<128x128xf32, #tpu.memory_space<vmem>>, vector<1x16xf32>,
        %get3A_167 = vector.shape_cast %get3A_166 : vector<1x16xf32> to vector<16xf32>
        %get3A_168 = arith.index_cast %scan3A_137 : i32 to index
        %get3A_169 = arith.constant 32 : index
        %get3A_170 = tpu.vector_load %arg12[%get3A_168, %get3A_169] {strides = array<i32>} : memref<128x128xf32, #tpu.memory_space<vmem>>, vector<1x16xf32>,
        %get3A_171 = vector.shape_cast %get3A_170 : vector<1x16xf32> to vector<16xf32>
        %add3A_172 = arith.addf %get3A_167, %get3A_171 : vector<16xf32>
        %swap3A_173 = arith.index_cast %scan3A_137 : i32 to index
        %swap3A_174 = arith.constant 32 : index
        %swap3A_175 = tpu.vector_load %arg11[%swap3A_173, %swap3A_174] {strides = array<i32>} : memref<128x128xf32, #tpu.memory_space<vmem>>, vector<1x16xf32>,
        %swap3A_176 = vector.shape_cast %swap3A_175 : vector<1x16xf32> to vector<16xf32>
        %swap3A_177 = vector.shape_cast %add3A_172 : vector<16xf32> to vector<1x16xf32>
        tpu.vector_store %arg11[%swap3A_173, %swap3A_174], %swap3A_177 {strides = array<i32>} : memref<128x128xf32, #tpu.memory_space<vmem>>, vector<1x16xf32>,
        %get3A_178 = arith.index_cast %scan3A_137 : i32 to index
        %get3A_179 = arith.constant 48 : index
        %get3A_180 = tpu.vector_load %arg11[%get3A_178, %get3A_179] {strides = array<i32>} : memref<128x128xf32, #tpu.memory_space<vmem>>, vector<1x16xf32>,
        %get3A_181 = vector.shape_cast %get3A_180 : vector<1x16xf32> to vector<16xf32>
        %get3A_182 = arith.index_cast %scan3A_137 : i32 to index
        %get3A_183 = arith.constant 48 : index
        %get3A_184 = tpu.vector_load %arg12[%get3A_182, %get3A_183] {strides = array<i32>} : memref<128x128xf32, #tpu.memory_space<vmem>>, vector<1x16xf32>,
        %get3A_185 = vector.shape_cast %get3A_184 : vector<1x16xf32> to vector<16xf32>
        %add3A_186 = arith.addf %get3A_181, %get3A_185 : vector<16xf32>
        %swap3A_187 = arith.index_cast %scan3A_137 : i32 to index
        %swap3A_188 = arith.constant 48 : index
        %swap3A_189 = tpu.vector_load %arg11[%swap3A_187, %swap3A_188] {strides = array<i32>} : memref<128x128xf32, #tpu.memory_space<vmem>>, vector<1x16xf32>,
        %swap3A_190 = vector.shape_cast %swap3A_189 : vector<1x16xf32> to vector<16xf32>
        %swap3A_191 = vector.shape_cast %add3A_186 : vector<16xf32> to vector<1x16xf32>
        tpu.vector_store %arg11[%swap3A_187, %swap3A_188], %swap3A_191 {strides = array<i32>} : memref<128x128xf32, #tpu.memory_space<vmem>>, vector<1x16xf32>,
        %get3A_192 = arith.index_cast %scan3A_137 : i32 to index
        %get3A_193 = arith.constant 64 : index
        %get3A_194 = tpu.vector_load %arg11[%get3A_192, %get3A_193] {strides = array<i32>} : memref<128x128xf32, #tpu.memory_space<vmem>>, vector<1x16xf32>,
        %get3A_195 = vector.shape_cast %get3A_194 : vector<1x16xf32> to vector<16xf32>
        %get3A_196 = arith.index_cast %scan3A_137 : i32 to index
        %get3A_197 = arith.constant 64 : index
        %get3A_198 = tpu.vector_load %arg12[%get3A_196, %get3A_197] {strides = array<i32>} : memref<128x128xf32, #tpu.memory_space<vmem>>, vector<1x16xf32>,
        %get3A_199 = vector.shape_cast %get3A_198 : vector<1x16xf32> to vector<16xf32>
        %add3A_200 = arith.addf %get3A_195, %get3A_199 : vector<16xf32>
        %swap3A_201 = arith.index_cast %scan3A_137 : i32 to index
        %swap3A_202 = arith.constant 64 : index
        %swap3A_203 = tpu.vector_load %arg11[%swap3A_201, %swap3A_202] {strides = array<i32>} : memref<128x128xf32, #tpu.memory_space<vmem>>, vector<1x16xf32>,
        %swap3A_204 = vector.shape_cast %swap3A_203 : vector<1x16xf32> to vector<16xf32>
        %swap3A_205 = vector.shape_cast %add3A_200 : vector<16xf32> to vector<1x16xf32>
        tpu.vector_store %arg11[%swap3A_201, %swap3A_202], %swap3A_205 {strides = array<i32>} : memref<128x128xf32, #tpu.memory_space<vmem>>, vector<1x16xf32>,
        %get3A_206 = arith.index_cast %scan3A_137 : i32 to index
        %get3A_207 = arith.constant 80 : index
        %get3A_208 = tpu.vector_load %arg11[%get3A_206, %get3A_207] {strides = array<i32>} : memref<128x128xf32, #tpu.memory_space<vmem>>, vector<1x16xf32>,
        %get3A_209 = vector.shape_cast %get3A_208 : vector<1x16xf32> to vector<16xf32>
        %get3A_210 = arith.index_cast %scan3A_137 : i32 to index
        %get3A_211 = arith.constant 80 : index
        %get3A_212 = tpu.vector_load %arg12[%get3A_210, %get3A_211] {strides = array<i32>} : memref<128x128xf32, #tpu.memory_space<vmem>>, vector<1x16xf32>,
        %get3A_213 = vector.shape_cast %get3A_212 : vector<1x16xf32> to vector<16xf32>
        %add3A_214 = arith.addf %get3A_209, %get3A_213 : vector<16xf32>
        %swap3A_215 = arith.index_cast %scan3A_137 : i32 to index
        %swap3A_216 = arith.constant 80 : index
        %swap3A_217 = tpu.vector_load %arg11[%swap3A_215, %swap3A_216] {strides = array<i32>} : memref<128x128xf32, #tpu.memory_space<vmem>>, vector<1x16xf32>,
        %swap3A_218 = vector.shape_cast %swap3A_217 : vector<1x16xf32> to vector<16xf32>
        %swap3A_219 = vector.shape_cast %add3A_214 : vector<16xf32> to vector<1x16xf32>
        tpu.vector_store %arg11[%swap3A_215, %swap3A_216], %swap3A_219 {strides = array<i32>} : memref<128x128xf32, #tpu.memory_space<vmem>>, vector<1x16xf32>,
        %get3A_220 = arith.index_cast %scan3A_137 : i32 to index
        %get3A_221 = arith.constant 96 : index
        %get3A_222 = tpu.vector_load %arg11[%get3A_220, %get3A_221] {strides = array<i32>} : memref<128x128xf32, #tpu.memory_space<vmem>>, vector<1x16xf32>,
        %get3A_223 = vector.shape_cast %get3A_222 : vector<1x16xf32> to vector<16xf32>
        %get3A_224 = arith.index_cast %scan3A_137 : i32 to index
        %get3A_225 = arith.constant 96 : index
        %get3A_226 = tpu.vector_load %arg12[%get3A_224, %get3A_225] {strides = array<i32>} : memref<128x128xf32, #tpu.memory_space<vmem>>, vector<1x16xf32>,
        %get3A_227 = vector.shape_cast %get3A_226 : vector<1x16xf32> to vector<16xf32>
        %add3A_228 = arith.addf %get3A_223, %get3A_227 : vector<16xf32>
        %swap3A_229 = arith.index_cast %scan3A_137 : i32 to index
        %swap3A_230 = arith.constant 96 : index
        %swap3A_231 = tpu.vector_load %arg11[%swap3A_229, %swap3A_230] {strides = array<i32>} : memref<128x128xf32, #tpu.memory_space<vmem>>, vector<1x16xf32>,
        %swap3A_232 = vector.shape_cast %swap3A_231 : vector<1x16xf32> to vector<16xf32>
        %swap3A_233 = vector.shape_cast %add3A_228 : vector<16xf32> to vector<1x16xf32>
        tpu.vector_store %arg11[%swap3A_229, %swap3A_230], %swap3A_233 {strides = array<i32>} : memref<128x128xf32, #tpu.memory_space<vmem>>, vector<1x16xf32>,
        %get3A_234 = arith.index_cast %scan3A_137 : i32 to index
        %get3A_235 = arith.constant 112 : index
        %get3A_236 = tpu.vector_load %arg11[%get3A_234, %get3A_235] {strides = array<i32>} : memref<128x128xf32, #tpu.memory_space<vmem>>, vector<1x16xf32>,
        %get3A_237 = vector.shape_cast %get3A_236 : vector<1x16xf32> to vector<16xf32>
        %get3A_238 = arith.index_cast %scan3A_137 : i32 to index
        %get3A_239 = arith.constant 112 : index
        %get3A_240 = tpu.vector_load %arg12[%get3A_238, %get3A_239] {strides = array<i32>} : memref<128x128xf32, #tpu.memory_space<vmem>>, vector<1x16xf32>,
        %get3A_241 = vector.shape_cast %get3A_240 : vector<1x16xf32> to vector<16xf32>
        %add3A_242 = arith.addf %get3A_237, %get3A_241 : vector<16xf32>
        %swap3A_243 = arith.index_cast %scan3A_137 : i32 to index
        %swap3A_244 = arith.constant 112 : index
        %swap3A_245 = tpu.vector_load %arg11[%swap3A_243, %swap3A_244] {strides = array<i32>} : memref<128x128xf32, #tpu.memory_space<vmem>>, vector<1x16xf32>,
        %swap3A_246 = vector.shape_cast %swap3A_245 : vector<1x16xf32> to vector<16xf32>
        %swap3A_247 = vector.shape_cast %add3A_242 : vector<16xf32> to vector<1x16xf32>
        tpu.vector_store %arg11[%swap3A_243, %swap3A_244], %swap3A_247 {strides = array<i32>} : memref<128x128xf32, #tpu.memory_space<vmem>>, vector<1x16xf32>,
      }
      %scan3A_133 = arith.constant 128 : i32
      %mul3A_134 = arith.constant 128 : i32
      %mul3A_135 = arith.muli %add3A_127, %mul3A_134 : i32
      %add3A_136 = arith.addi %mul3A_2, %mul3A_135 : i32
      "tpu.region"() ({
        %run_scoped3A_137 = tpu.sem_alloc : memref<!tpu.dma_semaphore, #tpu.memory_space<semaphore_mem>>
        %dma_start3A_138 = arith.constant 0 : i32
        %dma_start3A_139 = tpu.memref_slice %arg6[%add3A_136, %dma_start3A_138] : memref<163840x128xf32, #tpu.memory_space<hbm>> -> memref<128x128xf32, #tpu.memory_space<hbm>>
        %dma_start3A_140 = arith.constant 0 : i32
        %dma_start3A_141 = tpu.memref_slice %arg6[%add3A_136, %dma_start3A_140] : memref<163840x128xf32, #tpu.memory_space<hbm>> -> memref<128x128xf32, #tpu.memory_space<hbm>>
        tpu.enqueue_dma source(%arg11 : memref<128x128xf32, #tpu.memory_space<vmem>>) target(%dma_start3A_141 : memref<128x128xf32, #tpu.memory_space<hbm>>) target_semaphore(%run_scoped3A_137 : memref<!tpu.dma_semaphore, #tpu.memory_space<semaphore_mem>>)
        %dma_wait3A_142 = arith.constant 0 : i32
        %dma_wait3A_143 = tpu.memref_slice %arg6[%add3A_136, %dma_wait3A_142] : memref<163840x128xf32, #tpu.memory_space<hbm>> -> memref<128x128xf32, #tpu.memory_space<hbm>>
        %dma_wait3A_144 = arith.constant 0 : i32
        %dma_wait3A_145 = tpu.memref_slice %arg6[%add3A_136, %dma_wait3A_144] : memref<163840x128xf32, #tpu.memory_space<hbm>> -> memref<128x128xf32, #tpu.memory_space<hbm>>
        tpu.wait_dma2 semaphore(%run_scoped3A_137 : memref<!tpu.dma_semaphore, #tpu.memory_space<semaphore_mem>>) src(%arg11 : memref<128x128xf32, #tpu.memory_space<vmem>>) dst(%dma_wait3A_145 : memref<128x128xf32, #tpu.memory_space<hbm>>)
        tpu.yield
      }) : () -> ()
    }
    %scan3A_25 = arith.constant 20 : i32
    %dma_wait3A = arith.constant 0 : i32
    %dma_wait3A_26 = arith.constant 0 : i32
    %dma_wait3A_27 = tpu.memref_slice %arg7[%dma_wait3A, %dma_wait3A_26] : memref<2x128xi32, #tpu.memory_space<vmem>> -> memref<1x128xi32, #tpu.memory_space<vmem>>
    %dma_wait3A_28 = tpu.memref_squeeze %dma_wait3A_27 : memref<1x128xi32, #tpu.memory_space<vmem>> -> memref<128xi32, #tpu.memory_space<vmem>>
    %dma_wait3A_29 = arith.constant 0 : i32
    %dma_wait3A_30 = arith.constant 0 : i32
    %dma_wait3A_31 = tpu.memref_slice %arg2[%dma_wait3A_29, %dma_wait3A_30] : memref<10000x128xf32, #tpu.memory_space<hbm>> -> memref<10000x128xf32, #tpu.memory_space<hbm>>
    tpu.wait_indirect_dma semaphore(%arg13 : memref<!tpu.dma_semaphore, #tpu.memory_space<semaphore_mem>>) src(%dma_wait3A_31 : memref<10000x128xf32, #tpu.memory_space<hbm>>) dst(%arg9 : memref<128x128xf32, #tpu.memory_space<vmem>>)
    %dma_wait3A_32 = arith.constant 0 : i32
    %dma_wait3A_33 = arith.constant 0 : i32
    %dma_wait3A_34 = tpu.memref_slice %arg8[%dma_wait3A_32, %dma_wait3A_33] : memref<2x128xi32, #tpu.memory_space<vmem>> -> memref<1x128xi32, #tpu.memory_space<vmem>>
    %dma_wait3A_35 = tpu.memref_squeeze %dma_wait3A_34 : memref<1x128xi32, #tpu.memory_space<vmem>> -> memref<128xi32, #tpu.memory_space<vmem>>
    %dma_wait3A_36 = arith.constant 0 : i32
    %dma_wait3A_37 = arith.constant 0 : i32
    %dma_wait3A_38 = tpu.memref_slice %arg3[%dma_wait3A_36, %dma_wait3A_37] : memref<10000x128xf32, #tpu.memory_space<hbm>> -> memref<10000x128xf32, #tpu.memory_space<hbm>>
    tpu.wait_indirect_dma semaphore(%arg13 : memref<!tpu.dma_semaphore, #tpu.memory_space<semaphore_mem>>) src(%dma_wait3A_38 : memref<10000x128xf32, #tpu.memory_space<hbm>>) dst(%arg10 : memref<128x128xf32, #tpu.memory_space<vmem>>)
    return
  }
}

module attributes {stable_mosaic.version = 14 : i64} {
  func.func @_proj_kernel(%arg0: i32, %arg1: memref<2000x128xf32, #tpu.memory_space<vmem>>, %arg2: memref<128x128xf32, #tpu.memory_space<vmem>>, %arg3: memref<128x128xf32, #tpu.memory_space<vmem>>, %arg4: memref<2000x128xf32, #tpu.memory_space<vmem>>, %arg5: memref<2000x128xf32, #tpu.memory_space<vmem>>) attributes {dimension_semantics = [#tpu.dimension_semantics<arbitrary>], iteration_bounds = array<i64: 5>, scalar_prefetch = 0 : i64, scratch_operands = 0 : i64, tpu.core_type = #tpu.core_type<tc>, window_params = [{transform_indices = @transform_0, window_bounds = array<i64: 2000, 128>}, {pipeline_mode = #tpu.pipeline_mode<synchronous>, transform_indices = @transform_1, window_bounds = array<i64: 128, 128>}, {pipeline_mode = #tpu.pipeline_mode<synchronous>, transform_indices = @transform_2, window_bounds = array<i64: 128, 128>}, {transform_indices = @transform_3, window_bounds = array<i64: 2000, 128>}, {transform_indices = @transform_4, window_bounds = array<i64: 2000, 128>}]} {
    %get3A = arith.constant 0 : index
    %get3A_0 = arith.constant 0 : index
    %get3A_1 = vector.load %arg1[%get3A, %get3A_0] : memref<2000x128xf32, #tpu.memory_space<vmem>>, vector<2000x128xf32>
    %get3A_2 = arith.constant 0 : index
    %get3A_3 = arith.constant 0 : index
    %get3A_4 = vector.load %arg2[%get3A_2, %get3A_3] : memref<128x128xf32, #tpu.memory_space<vmem>>, vector<128x128xf32>
    %dot_general3A = arith.constant dense<0.000000e+00> : vector<2000x128xf32>
    %dot_general3A_5 = tpu.matmul %get3A_1, %get3A_4, %dot_general3A {dimension_numbers = #tpu.dot_dimension_numbers<[1], [1], [0], [0], [0, 0, 1, 0], [], []>, transpose_lhs_hint = false} : vector<2000x128xf32>, vector<128x128xf32>, vector<2000x128xf32> -> vector<2000x128xf32>
    %swap3A = arith.constant 0 : index
    %swap3A_6 = arith.constant 0 : index
    %swap3A_7 = vector.load %arg4[%swap3A, %swap3A_6] : memref<2000x128xf32, #tpu.memory_space<vmem>>, vector<2000x128xf32>
    tpu.vector_store %arg4[%swap3A, %swap3A_6], %dot_general3A_5 {strides = array<i32>} : memref<2000x128xf32, #tpu.memory_space<vmem>>, vector<2000x128xf32>,
    %get3A_8 = arith.constant 0 : index
    %get3A_9 = arith.constant 0 : index
    %get3A_10 = vector.load %arg3[%get3A_8, %get3A_9] : memref<128x128xf32, #tpu.memory_space<vmem>>, vector<128x128xf32>
    %dot_general3A_11 = arith.constant dense<0.000000e+00> : vector<2000x128xf32>
    %dot_general3A_12 = tpu.matmul %get3A_1, %get3A_10, %dot_general3A_11 {dimension_numbers = #tpu.dot_dimension_numbers<[1], [1], [0], [0], [0, 0, 1, 0], [], []>, transpose_lhs_hint = false} : vector<2000x128xf32>, vector<128x128xf32>, vector<2000x128xf32> -> vector<2000x128xf32>
    %swap3A_13 = arith.constant 0 : index
    %swap3A_14 = arith.constant 0 : index
    %swap3A_15 = vector.load %arg5[%swap3A_13, %swap3A_14] : memref<2000x128xf32, #tpu.memory_space<vmem>>, vector<2000x128xf32>
    tpu.vector_store %arg5[%swap3A_13, %swap3A_14], %dot_general3A_12 {strides = array<i32>} : memref<2000x128xf32, #tpu.memory_space<vmem>>, vector<2000x128xf32>,
    return
  }
  func.func @transform_0(%arg0: i32) -> (i32, i32) {
    %c0_i32 = arith.constant 0 : i32
    %c0_i32_0 = arith.constant 0 : i32
    return %arg0, %c0_i32 : i32, i32
  }
  func.func @transform_1(%arg0: i32) -> (i32, i32) {
    %c0_i32 = arith.constant 0 : i32
    %c0_i32_0 = arith.constant 0 : i32
    %c0_i32_1 = arith.constant 0 : i32
    return %c0_i32, %c0_i32_0 : i32, i32
  }
  func.func @transform_2(%arg0: i32) -> (i32, i32) {
    %c0_i32 = arith.constant 0 : i32
    %c0_i32_0 = arith.constant 0 : i32
    %c0_i32_1 = arith.constant 0 : i32
    return %c0_i32, %c0_i32_0 : i32, i32
  }
  func.func @transform_3(%arg0: i32) -> (i32, i32) {
    %c0_i32 = arith.constant 0 : i32
    %c0_i32_0 = arith.constant 0 : i32
    return %arg0, %c0_i32 : i32, i32
  }
  func.func @transform_4(%arg0: i32) -> (i32, i32) {
    %c0_i32 = arith.constant 0 : i32
    %c0_i32_0 = arith.constant 0 : i32
    return %arg0, %c0_i32 : i32, i32
  }
}

module attributes {stable_mosaic.version = 14 : i64} {
  func.func @_edge_kernel(%arg0: i32, %arg1: memref<2048x128xf32, #tpu.memory_space<vmem>>, %arg2: memref<2048x16xf32, #tpu.memory_space<vmem>>, %arg3: memref<128x16xf32, #tpu.memory_space<vmem>>, %arg4: memref<1x128xf32, #tpu.memory_space<vmem>>, %arg5: memref<1x128xf32, #tpu.memory_space<vmem>>, %arg6: memref<1x128xf32, #tpu.memory_space<vmem>>, %arg7: memref<1x16xf32, #tpu.memory_space<vmem>>, %arg8: memref<1x1xf32, #tpu.memory_space<vmem>>, %arg9: memref<1x128xf32, #tpu.memory_space<vmem>>, %arg10: memref<2048x128xf32, #tpu.memory_space<vmem>>) attributes {dimension_semantics = [#tpu.dimension_semantics<arbitrary>], iteration_bounds = array<i64: 80>, scalar_prefetch = 0 : i64, scratch_operands = 0 : i64, tpu.core_type = #tpu.core_type<tc>, window_params = [{transform_indices = @transform_0, window_bounds = array<i64: 2048, 128>}, {transform_indices = @transform_1, window_bounds = array<i64: 2048, 16>}, {pipeline_mode = #tpu.pipeline_mode<synchronous>, transform_indices = @transform_2, window_bounds = array<i64: 128, 16>}, {pipeline_mode = #tpu.pipeline_mode<synchronous>, transform_indices = @transform_3, window_bounds = array<i64: 1, 128>}, {pipeline_mode = #tpu.pipeline_mode<synchronous>, transform_indices = @transform_4, window_bounds = array<i64: 1, 128>}, {pipeline_mode = #tpu.pipeline_mode<synchronous>, transform_indices = @transform_5, window_bounds = array<i64: 1, 128>}, {pipeline_mode = #tpu.pipeline_mode<synchronous>, transform_indices = @transform_6, window_bounds = array<i64: 1, 16>}, {pipeline_mode = #tpu.pipeline_mode<synchronous>, transform_indices = @transform_7, window_bounds = array<i64: 1, 1>}, {pipeline_mode = #tpu.pipeline_mode<synchronous>, transform_indices = @transform_8, window_bounds = array<i64: 1, 128>}, {transform_indices = @transform_9, window_bounds = array<i64: 2048, 128>}]} {
    %get3A = arith.constant 0 : index
    %get3A_0 = arith.constant 0 : index
    %get3A_1 = vector.load %arg2[%get3A, %get3A_0] : memref<2048x16xf32, #tpu.memory_space<vmem>>, vector<2048x16xf32>
    %get3A_2 = arith.constant 0 : index
    %get3A_3 = arith.constant 0 : index
    %get3A_4 = vector.load %arg1[%get3A_2, %get3A_3] : memref<2048x128xf32, #tpu.memory_space<vmem>>, vector<2048x128xf32>
    %get3A_5 = arith.constant 0 : index
    %get3A_6 = arith.constant 0 : index
    %get3A_7 = vector.load %arg3[%get3A_5, %get3A_6] : memref<128x16xf32, #tpu.memory_space<vmem>>, vector<128x16xf32>
    %dot_general3A = arith.constant dense<0.000000e+00> : vector<2048x128xf32>
    %dot_general3A_8 = tpu.matmul %get3A_1, %get3A_7, %dot_general3A {dimension_numbers = #tpu.dot_dimension_numbers<[1], [1], [0], [0], [0, 0, 1, 0], [], []>, transpose_lhs_hint = false} : vector<2048x16xf32>, vector<128x16xf32>, vector<2048x128xf32> -> vector<2048x128xf32>
    %add3A = arith.addf %get3A_4, %dot_general3A_8 : vector<2048x128xf32>
    %get3A_9 = arith.constant 0 : index
    %get3A_10 = arith.constant 0 : index
    %get3A_11 = vector.load %arg4[%get3A_9, %get3A_10] : memref<1x128xf32, #tpu.memory_space<vmem>>, vector<1x128xf32>
    %add3A_12 = vector.broadcast %get3A_11 : vector<1x128xf32> to vector<2048x128xf32>
    %add3A_13 = arith.addf %add3A, %add3A_12 : vector<2048x128xf32>
    %reduce_sum3A = arith.constant dense<0.000000e+00> : vector<2048xf32>
    %reduce_sum3A_14 = vector.multi_reduction <add>, %add3A_13, %reduce_sum3A [1] : vector<2048x128xf32> to vector<2048xf32>
    %broadcast_in_dim3A = vector.shape_cast %reduce_sum3A_14 : vector<2048xf32> to vector<2048x1xf32>
    %div3A = arith.constant 1.280000e+02 : f32
    %div3A_15 = vector.broadcast %div3A : f32 to vector<2048x1xf32>
    %div3A_16 = arith.divf %broadcast_in_dim3A, %div3A_15 : vector<2048x1xf32>
    %sub3A = vector.broadcast %div3A_16 : vector<2048x1xf32> to vector<2048x128xf32>
    %sub3A_17 = arith.subf %add3A_13, %sub3A : vector<2048x128xf32>
    %mul3A = arith.mulf %sub3A_17, %sub3A_17 : vector<2048x128xf32>
    %reduce_sum3A_18 = arith.constant dense<0.000000e+00> : vector<2048xf32>
    %reduce_sum3A_19 = vector.multi_reduction <add>, %mul3A, %reduce_sum3A_18 [1] : vector<2048x128xf32> to vector<2048xf32>
    %broadcast_in_dim3A_20 = vector.shape_cast %reduce_sum3A_19 : vector<2048xf32> to vector<2048x1xf32>
    %div3A_21 = arith.constant 1.280000e+02 : f32
    %div3A_22 = vector.broadcast %div3A_21 : f32 to vector<2048x1xf32>
    %div3A_23 = arith.divf %broadcast_in_dim3A_20, %div3A_22 : vector<2048x1xf32>
    %add3A_24 = arith.constant 9.99999974E-6 : f32
    %add3A_25 = vector.broadcast %add3A_24 : f32 to vector<2048x1xf32>
    %add3A_26 = arith.addf %div3A_23, %add3A_25 : vector<2048x1xf32>
    %rsqrt3A = math.rsqrt %add3A_26 : vector<2048x1xf32>
    %mul3A_27 = vector.broadcast %rsqrt3A : vector<2048x1xf32> to vector<2048x128xf32>
    %mul3A_28 = arith.mulf %sub3A_17, %mul3A_27 : vector<2048x128xf32>
    %get3A_29 = arith.constant 0 : index
    %get3A_30 = arith.constant 0 : index
    %get3A_31 = vector.load %arg5[%get3A_29, %get3A_30] : memref<1x128xf32, #tpu.memory_space<vmem>>, vector<1x128xf32>
    %mul3A_32 = vector.broadcast %get3A_31 : vector<1x128xf32> to vector<2048x128xf32>
    %mul3A_33 = arith.mulf %mul3A_28, %mul3A_32 : vector<2048x128xf32>
    %get3A_34 = arith.constant 0 : index
    %get3A_35 = arith.constant 0 : index
    %get3A_36 = vector.load %arg6[%get3A_34, %get3A_35] : memref<1x128xf32, #tpu.memory_space<vmem>>, vector<1x128xf32>
    %add3A_37 = vector.broadcast %get3A_36 : vector<1x128xf32> to vector<2048x128xf32>
    %add3A_38 = arith.addf %mul3A_33, %add3A_37 : vector<2048x128xf32>
    %max3A = arith.constant 0.000000e+00 : f32
    %max3A_39 = vector.broadcast %max3A : f32 to vector<2048x128xf32>
    %max3A_40 = arith.maximumf %add3A_38, %max3A_39 : vector<2048x128xf32>
    %get3A_41 = arith.constant 0 : index
    %get3A_42 = arith.constant 0 : index
    %get3A_43 = vector.load %arg7[%get3A_41, %get3A_42] : memref<1x16xf32, #tpu.memory_space<vmem>>, vector<1x16xf32>
    %mul3A_44 = vector.broadcast %get3A_43 : vector<1x16xf32> to vector<2048x16xf32>
    %mul3A_45 = arith.mulf %get3A_1, %mul3A_44 : vector<2048x16xf32>
    %reduce_sum3A_46 = arith.constant dense<0.000000e+00> : vector<2048xf32>
    %reduce_sum3A_47 = vector.multi_reduction <add>, %mul3A_45, %reduce_sum3A_46 [1] : vector<2048x16xf32> to vector<2048xf32>
    %broadcast_in_dim3A_48 = vector.shape_cast %reduce_sum3A_47 : vector<2048xf32> to vector<2048x1xf32>
    %get3A_49 = arith.constant 0 : index
    %get3A_50 = arith.constant 0 : index
    %get3A_51 = vector.load %arg8[%get3A_49, %get3A_50] : memref<1x1xf32, #tpu.memory_space<vmem>>, vector<1x1xf32>
    %add3A_52 = vector.broadcast %get3A_51 : vector<1x1xf32> to vector<2048x1xf32>
    %add3A_53 = arith.addf %broadcast_in_dim3A_48, %add3A_52 : vector<2048x1xf32>
    %neg3A = arith.constant 0.000000e+00 : f32
    %neg3A_54 = vector.broadcast %neg3A : f32 to vector<2048x1xf32>
    %neg3A_55 = arith.subf %neg3A_54, %add3A_53 : vector<2048x1xf32>
    %exp3A = math.exp %neg3A_55 : vector<2048x1xf32>
    %add3A_56 = arith.constant 1.000000e+00 : f32
    %add3A_57 = vector.broadcast %add3A_56 : f32 to vector<2048x1xf32>
    %add3A_58 = arith.addf %add3A_57, %exp3A : vector<2048x1xf32>
    %div3A_59 = arith.constant 1.000000e+00 : f32
    %div3A_60 = vector.broadcast %div3A_59 : f32 to vector<2048x1xf32>
    %div3A_61 = arith.divf %div3A_60, %add3A_58 : vector<2048x1xf32>
    %get3A_62 = arith.constant 0 : index
    %get3A_63 = arith.constant 0 : index
    %get3A_64 = vector.load %arg9[%get3A_62, %get3A_63] : memref<1x128xf32, #tpu.memory_space<vmem>>, vector<1x128xf32>
    %add3A_65 = vector.broadcast %get3A_64 : vector<1x128xf32> to vector<2048x128xf32>
    %add3A_66 = arith.addf %max3A_40, %add3A_65 : vector<2048x128xf32>
    %mul3A_67 = vector.broadcast %div3A_61 : vector<2048x1xf32> to vector<2048x128xf32>
    %mul3A_68 = arith.mulf %add3A_66, %mul3A_67 : vector<2048x128xf32>
    %swap3A = arith.constant 0 : index
    %swap3A_69 = arith.constant 0 : index
    %swap3A_70 = vector.load %arg10[%swap3A, %swap3A_69] : memref<2048x128xf32, #tpu.memory_space<vmem>>, vector<2048x128xf32>
    tpu.vector_store %arg10[%swap3A, %swap3A_69], %mul3A_68 {strides = array<i32>} : memref<2048x128xf32, #tpu.memory_space<vmem>>, vector<2048x128xf32>,
    return
  }
  func.func @transform_0(%arg0: i32) -> (i32, i32) {
    %c0_i32 = arith.constant 0 : i32
    %c0_i32_0 = arith.constant 0 : i32
    return %arg0, %c0_i32 : i32, i32
  }
  func.func @transform_1(%arg0: i32) -> (i32, i32) {
    %add3A = arith.constant 0 : i32
    %add3A_0 = arith.addi %arg0, %add3A : i32
    %c0_i32 = arith.constant 0 : i32
    %c0_i32_1 = arith.constant 0 : i32
    return %add3A_0, %c0_i32 : i32, i32
  }
  func.func @transform_2(%arg0: i32) -> (i32, i32) {
    %c0_i32 = arith.constant 0 : i32
    %c0_i32_0 = arith.constant 0 : i32
    %c0_i32_1 = arith.constant 0 : i32
    return %c0_i32, %c0_i32_0 : i32, i32
  }
  func.func @transform_3(%arg0: i32) -> (i32, i32) {
    %c0_i32 = arith.constant 0 : i32
    %c0_i32_0 = arith.constant 0 : i32
    %c0_i32_1 = arith.constant 0 : i32
    return %c0_i32, %c0_i32_0 : i32, i32
  }
  func.func @transform_4(%arg0: i32) -> (i32, i32) {
    %c0_i32 = arith.constant 0 : i32
    %c0_i32_0 = arith.constant 0 : i32
    %c0_i32_1 = arith.constant 0 : i32
    return %c0_i32, %c0_i32_0 : i32, i32
  }
  func.func @transform_5(%arg0: i32) -> (i32, i32) {
    %c0_i32 = arith.constant 0 : i32
    %c0_i32_0 = arith.constant 0 : i32
    %c0_i32_1 = arith.constant 0 : i32
    return %c0_i32, %c0_i32_0 : i32, i32
  }
  func.func @transform_6(%arg0: i32) -> (i32, i32) {
    %c0_i32 = arith.constant 0 : i32
    %c0_i32_0 = arith.constant 0 : i32
    %c0_i32_1 = arith.constant 0 : i32
    return %c0_i32, %c0_i32_0 : i32, i32
  }
  func.func @transform_7(%arg0: i32) -> (i32, i32) {
    %c0_i32 = arith.constant 0 : i32
    %c0_i32_0 = arith.constant 0 : i32
    %c0_i32_1 = arith.constant 0 : i32
    return %c0_i32, %c0_i32_0 : i32, i32
  }
  func.func @transform_8(%arg0: i32) -> (i32, i32) {
    %c0_i32 = arith.constant 0 : i32
    %c0_i32_0 = arith.constant 0 : i32
    %c0_i32_1 = arith.constant 0 : i32
    return %c0_i32, %c0_i32_0 : i32, i32
  }
  func.func @transform_9(%arg0: i32) -> (i32, i32) {
    %c0_i32 = arith.constant 0 : i32
    %c0_i32_0 = arith.constant 0 : i32
    return %arg0, %c0_i32 : i32, i32
  }
}

module attributes {stable_mosaic.version = 14 : i64} {
  func.func @_edge_kernel(%arg0: i32, %arg1: memref<2048x128xf32, #tpu.memory_space<vmem>>, %arg2: memref<2048x16xf32, #tpu.memory_space<vmem>>, %arg3: memref<128x16xf32, #tpu.memory_space<vmem>>, %arg4: memref<1x128xf32, #tpu.memory_space<vmem>>, %arg5: memref<1x128xf32, #tpu.memory_space<vmem>>, %arg6: memref<1x128xf32, #tpu.memory_space<vmem>>, %arg7: memref<1x16xf32, #tpu.memory_space<vmem>>, %arg8: memref<1x1xf32, #tpu.memory_space<vmem>>, %arg9: memref<1x128xf32, #tpu.memory_space<vmem>>, %arg10: memref<2048x128xf32, #tpu.memory_space<vmem>>) attributes {dimension_semantics = [#tpu.dimension_semantics<arbitrary>], iteration_bounds = array<i64: 80>, scalar_prefetch = 0 : i64, scratch_operands = 0 : i64, tpu.core_type = #tpu.core_type<tc>, window_params = [{transform_indices = @transform_0, window_bounds = array<i64: 2048, 128>}, {transform_indices = @transform_1, window_bounds = array<i64: 2048, 16>}, {pipeline_mode = #tpu.pipeline_mode<synchronous>, transform_indices = @transform_2, window_bounds = array<i64: 128, 16>}, {pipeline_mode = #tpu.pipeline_mode<synchronous>, transform_indices = @transform_3, window_bounds = array<i64: 1, 128>}, {pipeline_mode = #tpu.pipeline_mode<synchronous>, transform_indices = @transform_4, window_bounds = array<i64: 1, 128>}, {pipeline_mode = #tpu.pipeline_mode<synchronous>, transform_indices = @transform_5, window_bounds = array<i64: 1, 128>}, {pipeline_mode = #tpu.pipeline_mode<synchronous>, transform_indices = @transform_6, window_bounds = array<i64: 1, 16>}, {pipeline_mode = #tpu.pipeline_mode<synchronous>, transform_indices = @transform_7, window_bounds = array<i64: 1, 1>}, {pipeline_mode = #tpu.pipeline_mode<synchronous>, transform_indices = @transform_8, window_bounds = array<i64: 1, 128>}, {transform_indices = @transform_9, window_bounds = array<i64: 2048, 128>}]} {
    %get3A = arith.constant 0 : index
    %get3A_0 = arith.constant 0 : index
    %get3A_1 = vector.load %arg2[%get3A, %get3A_0] : memref<2048x16xf32, #tpu.memory_space<vmem>>, vector<2048x16xf32>
    %get3A_2 = arith.constant 0 : index
    %get3A_3 = arith.constant 0 : index
    %get3A_4 = vector.load %arg1[%get3A_2, %get3A_3] : memref<2048x128xf32, #tpu.memory_space<vmem>>, vector<2048x128xf32>
    %get3A_5 = arith.constant 0 : index
    %get3A_6 = arith.constant 0 : index
    %get3A_7 = vector.load %arg3[%get3A_5, %get3A_6] : memref<128x16xf32, #tpu.memory_space<vmem>>, vector<128x16xf32>
    %dot_general3A = arith.constant dense<0.000000e+00> : vector<2048x128xf32>
    %dot_general3A_8 = tpu.matmul %get3A_1, %get3A_7, %dot_general3A {dimension_numbers = #tpu.dot_dimension_numbers<[1], [1], [0], [0], [0, 0, 1, 0], [], []>, transpose_lhs_hint = false} : vector<2048x16xf32>, vector<128x16xf32>, vector<2048x128xf32> -> vector<2048x128xf32>
    %add3A = arith.addf %get3A_4, %dot_general3A_8 : vector<2048x128xf32>
    %get3A_9 = arith.constant 0 : index
    %get3A_10 = arith.constant 0 : index
    %get3A_11 = vector.load %arg4[%get3A_9, %get3A_10] : memref<1x128xf32, #tpu.memory_space<vmem>>, vector<1x128xf32>
    %add3A_12 = vector.broadcast %get3A_11 : vector<1x128xf32> to vector<2048x128xf32>
    %add3A_13 = arith.addf %add3A, %add3A_12 : vector<2048x128xf32>
    %reduce_sum3A = arith.constant dense<0.000000e+00> : vector<2048xf32>
    %reduce_sum3A_14 = vector.multi_reduction <add>, %add3A_13, %reduce_sum3A [1] : vector<2048x128xf32> to vector<2048xf32>
    %broadcast_in_dim3A = vector.shape_cast %reduce_sum3A_14 : vector<2048xf32> to vector<2048x1xf32>
    %div3A = arith.constant 1.280000e+02 : f32
    %div3A_15 = vector.broadcast %div3A : f32 to vector<2048x1xf32>
    %div3A_16 = arith.divf %broadcast_in_dim3A, %div3A_15 : vector<2048x1xf32>
    %sub3A = vector.broadcast %div3A_16 : vector<2048x1xf32> to vector<2048x128xf32>
    %sub3A_17 = arith.subf %add3A_13, %sub3A : vector<2048x128xf32>
    %mul3A = arith.mulf %sub3A_17, %sub3A_17 : vector<2048x128xf32>
    %reduce_sum3A_18 = arith.constant dense<0.000000e+00> : vector<2048xf32>
    %reduce_sum3A_19 = vector.multi_reduction <add>, %mul3A, %reduce_sum3A_18 [1] : vector<2048x128xf32> to vector<2048xf32>
    %broadcast_in_dim3A_20 = vector.shape_cast %reduce_sum3A_19 : vector<2048xf32> to vector<2048x1xf32>
    %div3A_21 = arith.constant 1.280000e+02 : f32
    %div3A_22 = vector.broadcast %div3A_21 : f32 to vector<2048x1xf32>
    %div3A_23 = arith.divf %broadcast_in_dim3A_20, %div3A_22 : vector<2048x1xf32>
    %add3A_24 = arith.constant 9.99999974E-6 : f32
    %add3A_25 = vector.broadcast %add3A_24 : f32 to vector<2048x1xf32>
    %add3A_26 = arith.addf %div3A_23, %add3A_25 : vector<2048x1xf32>
    %rsqrt3A = math.rsqrt %add3A_26 : vector<2048x1xf32>
    %mul3A_27 = vector.broadcast %rsqrt3A : vector<2048x1xf32> to vector<2048x128xf32>
    %mul3A_28 = arith.mulf %sub3A_17, %mul3A_27 : vector<2048x128xf32>
    %get3A_29 = arith.constant 0 : index
    %get3A_30 = arith.constant 0 : index
    %get3A_31 = vector.load %arg5[%get3A_29, %get3A_30] : memref<1x128xf32, #tpu.memory_space<vmem>>, vector<1x128xf32>
    %mul3A_32 = vector.broadcast %get3A_31 : vector<1x128xf32> to vector<2048x128xf32>
    %mul3A_33 = arith.mulf %mul3A_28, %mul3A_32 : vector<2048x128xf32>
    %get3A_34 = arith.constant 0 : index
    %get3A_35 = arith.constant 0 : index
    %get3A_36 = vector.load %arg6[%get3A_34, %get3A_35] : memref<1x128xf32, #tpu.memory_space<vmem>>, vector<1x128xf32>
    %add3A_37 = vector.broadcast %get3A_36 : vector<1x128xf32> to vector<2048x128xf32>
    %add3A_38 = arith.addf %mul3A_33, %add3A_37 : vector<2048x128xf32>
    %max3A = arith.constant 0.000000e+00 : f32
    %max3A_39 = vector.broadcast %max3A : f32 to vector<2048x128xf32>
    %max3A_40 = arith.maximumf %add3A_38, %max3A_39 : vector<2048x128xf32>
    %get3A_41 = arith.constant 0 : index
    %get3A_42 = arith.constant 0 : index
    %get3A_43 = vector.load %arg7[%get3A_41, %get3A_42] : memref<1x16xf32, #tpu.memory_space<vmem>>, vector<1x16xf32>
    %mul3A_44 = vector.broadcast %get3A_43 : vector<1x16xf32> to vector<2048x16xf32>
    %mul3A_45 = arith.mulf %get3A_1, %mul3A_44 : vector<2048x16xf32>
    %reduce_sum3A_46 = arith.constant dense<0.000000e+00> : vector<2048xf32>
    %reduce_sum3A_47 = vector.multi_reduction <add>, %mul3A_45, %reduce_sum3A_46 [1] : vector<2048x16xf32> to vector<2048xf32>
    %broadcast_in_dim3A_48 = vector.shape_cast %reduce_sum3A_47 : vector<2048xf32> to vector<2048x1xf32>
    %get3A_49 = arith.constant 0 : index
    %get3A_50 = arith.constant 0 : index
    %get3A_51 = vector.load %arg8[%get3A_49, %get3A_50] : memref<1x1xf32, #tpu.memory_space<vmem>>, vector<1x1xf32>
    %add3A_52 = vector.broadcast %get3A_51 : vector<1x1xf32> to vector<2048x1xf32>
    %add3A_53 = arith.addf %broadcast_in_dim3A_48, %add3A_52 : vector<2048x1xf32>
    %neg3A = arith.constant 0.000000e+00 : f32
    %neg3A_54 = vector.broadcast %neg3A : f32 to vector<2048x1xf32>
    %neg3A_55 = arith.subf %neg3A_54, %add3A_53 : vector<2048x1xf32>
    %exp3A = math.exp %neg3A_55 : vector<2048x1xf32>
    %add3A_56 = arith.constant 1.000000e+00 : f32
    %add3A_57 = vector.broadcast %add3A_56 : f32 to vector<2048x1xf32>
    %add3A_58 = arith.addf %add3A_57, %exp3A : vector<2048x1xf32>
    %div3A_59 = arith.constant 1.000000e+00 : f32
    %div3A_60 = vector.broadcast %div3A_59 : f32 to vector<2048x1xf32>
    %div3A_61 = arith.divf %div3A_60, %add3A_58 : vector<2048x1xf32>
    %get3A_62 = arith.constant 0 : index
    %get3A_63 = arith.constant 0 : index
    %get3A_64 = vector.load %arg9[%get3A_62, %get3A_63] : memref<1x128xf32, #tpu.memory_space<vmem>>, vector<1x128xf32>
    %add3A_65 = vector.broadcast %get3A_64 : vector<1x128xf32> to vector<2048x128xf32>
    %add3A_66 = arith.addf %max3A_40, %add3A_65 : vector<2048x128xf32>
    %mul3A_67 = vector.broadcast %div3A_61 : vector<2048x1xf32> to vector<2048x128xf32>
    %mul3A_68 = arith.mulf %add3A_66, %mul3A_67 : vector<2048x128xf32>
    %swap3A = arith.constant 0 : index
    %swap3A_69 = arith.constant 0 : index
    %swap3A_70 = vector.load %arg10[%swap3A, %swap3A_69] : memref<2048x128xf32, #tpu.memory_space<vmem>>, vector<2048x128xf32>
    tpu.vector_store %arg10[%swap3A, %swap3A_69], %mul3A_68 {strides = array<i32>} : memref<2048x128xf32, #tpu.memory_space<vmem>>, vector<2048x128xf32>,
    return
  }
  func.func @transform_0(%arg0: i32) -> (i32, i32) {
    %c0_i32 = arith.constant 0 : i32
    %c0_i32_0 = arith.constant 0 : i32
    return %arg0, %c0_i32 : i32, i32
  }
  func.func @transform_1(%arg0: i32) -> (i32, i32) {
    %add3A = arith.constant 80 : i32
    %add3A_0 = arith.addi %arg0, %add3A : i32
    %c0_i32 = arith.constant 0 : i32
    %c0_i32_1 = arith.constant 0 : i32
    return %add3A_0, %c0_i32 : i32, i32
  }
  func.func @transform_2(%arg0: i32) -> (i32, i32) {
    %c0_i32 = arith.constant 0 : i32
    %c0_i32_0 = arith.constant 0 : i32
    %c0_i32_1 = arith.constant 0 : i32
    return %c0_i32, %c0_i32_0 : i32, i32
  }
  func.func @transform_3(%arg0: i32) -> (i32, i32) {
    %c0_i32 = arith.constant 0 : i32
    %c0_i32_0 = arith.constant 0 : i32
    %c0_i32_1 = arith.constant 0 : i32
    return %c0_i32, %c0_i32_0 : i32, i32
  }
  func.func @transform_4(%arg0: i32) -> (i32, i32) {
    %c0_i32 = arith.constant 0 : i32
    %c0_i32_0 = arith.constant 0 : i32
    %c0_i32_1 = arith.constant 0 : i32
    return %c0_i32, %c0_i32_0 : i32, i32
  }
  func.func @transform_5(%arg0: i32) -> (i32, i32) {
    %c0_i32 = arith.constant 0 : i32
    %c0_i32_0 = arith.constant 0 : i32
    %c0_i32_1 = arith.constant 0 : i32
    return %c0_i32, %c0_i32_0 : i32, i32
  }
  func.func @transform_6(%arg0: i32) -> (i32, i32) {
    %c0_i32 = arith.constant 0 : i32
    %c0_i32_0 = arith.constant 0 : i32
    %c0_i32_1 = arith.constant 0 : i32
    return %c0_i32, %c0_i32_0 : i32, i32
  }
  func.func @transform_7(%arg0: i32) -> (i32, i32) {
    %c0_i32 = arith.constant 0 : i32
    %c0_i32_0 = arith.constant 0 : i32
    %c0_i32_1 = arith.constant 0 : i32
    return %c0_i32, %c0_i32_0 : i32, i32
  }
  func.func @transform_8(%arg0: i32) -> (i32, i32) {
    %c0_i32 = arith.constant 0 : i32
    %c0_i32_0 = arith.constant 0 : i32
    %c0_i32_1 = arith.constant 0 : i32
    return %c0_i32, %c0_i32_0 : i32, i32
  }
  func.func @transform_9(%arg0: i32) -> (i32, i32) {
    %c0_i32 = arith.constant 0 : i32
    %c0_i32_0 = arith.constant 0 : i32
    return %arg0, %c0_i32 : i32, i32
  }
}

module attributes {stable_mosaic.version = 14 : i64} {
  func.func @_update_kernel(%arg0: i32, %arg1: memref<2000x128xf32, #tpu.memory_space<vmem>>, %arg2: memref<2x2000x128xf32, #tpu.memory_space<vmem>>, %arg3: memref<2x2000x128xf32, #tpu.memory_space<vmem>>, %arg4: memref<128x128xf32, #tpu.memory_space<vmem>>, %arg5: memref<384x128xf32, #tpu.memory_space<vmem>>, %arg6: memref<384x128xf32, #tpu.memory_space<vmem>>, %arg7: memref<1x384xf32, #tpu.memory_space<vmem>>, %arg8: memref<1x384xf32, #tpu.memory_space<vmem>>, %arg9: memref<2000x128xf32, #tpu.memory_space<vmem>>) attributes {dimension_semantics = [#tpu.dimension_semantics<arbitrary>], iteration_bounds = array<i64: 5>, scalar_prefetch = 0 : i64, scratch_operands = 0 : i64, tpu.core_type = #tpu.core_type<tc>, window_params = [{transform_indices = @transform_0, window_bounds = array<i64: 2000, 128>}, {transform_indices = @transform_1, window_bounds = array<i64: 2, 2000, 128>}, {transform_indices = @transform_2, window_bounds = array<i64: 2, 2000, 128>}, {pipeline_mode = #tpu.pipeline_mode<synchronous>, transform_indices = @transform_3, window_bounds = array<i64: 128, 128>}, {pipeline_mode = #tpu.pipeline_mode<synchronous>, transform_indices = @transform_4, window_bounds = array<i64: 384, 128>}, {pipeline_mode = #tpu.pipeline_mode<synchronous>, transform_indices = @transform_5, window_bounds = array<i64: 384, 128>}, {pipeline_mode = #tpu.pipeline_mode<synchronous>, transform_indices = @transform_6, window_bounds = array<i64: 1, 384>}, {pipeline_mode = #tpu.pipeline_mode<synchronous>, transform_indices = @transform_7, window_bounds = array<i64: 1, 384>}, {transform_indices = @transform_8, window_bounds = array<i64: 2000, 128>}]} {
    %get3A = arith.constant 0 : index
    %get3A_0 = arith.constant 0 : index
    %get3A_1 = vector.load %arg1[%get3A, %get3A_0] : memref<2000x128xf32, #tpu.memory_space<vmem>>, vector<2000x128xf32>
    %get3A_2 = arith.constant 0 : index
    %get3A_3 = arith.constant 0 : index
    %get3A_4 = arith.constant 0 : index
    %get3A_5 = vector.load %arg2[%get3A_2, %get3A_3, %get3A_4] : memref<2x2000x128xf32, #tpu.memory_space<vmem>>, vector<1x2000x128xf32>
    %get3A_6 = vector.shape_cast %get3A_5 : vector<1x2000x128xf32> to vector<2000x128xf32>
    %get3A_7 = arith.constant 1 : index
    %get3A_8 = arith.constant 0 : index
    %get3A_9 = arith.constant 0 : index
    %get3A_10 = vector.load %arg2[%get3A_7, %get3A_8, %get3A_9] : memref<2x2000x128xf32, #tpu.memory_space<vmem>>, vector<1x2000x128xf32>
    %get3A_11 = vector.shape_cast %get3A_10 : vector<1x2000x128xf32> to vector<2000x128xf32>
    %add3A = arith.addf %get3A_6, %get3A_11 : vector<2000x128xf32>
    %get3A_12 = arith.constant 0 : index
    %get3A_13 = arith.constant 0 : index
    %get3A_14 = arith.constant 0 : index
    %get3A_15 = vector.load %arg3[%get3A_12, %get3A_13, %get3A_14] : memref<2x2000x128xf32, #tpu.memory_space<vmem>>, vector<1x2000x128xf32>
    %get3A_16 = vector.shape_cast %get3A_15 : vector<1x2000x128xf32> to vector<2000x128xf32>
    %get3A_17 = arith.constant 1 : index
    %get3A_18 = arith.constant 0 : index
    %get3A_19 = arith.constant 0 : index
    %get3A_20 = vector.load %arg3[%get3A_17, %get3A_18, %get3A_19] : memref<2x2000x128xf32, #tpu.memory_space<vmem>>, vector<1x2000x128xf32>
    %get3A_21 = vector.shape_cast %get3A_20 : vector<1x2000x128xf32> to vector<2000x128xf32>
    %add3A_22 = arith.addf %get3A_16, %get3A_21 : vector<2000x128xf32>
    %add3A_23 = arith.addf %add3A, %add3A_22 : vector<2000x128xf32>
    %get3A_24 = arith.constant 0 : index
    %get3A_25 = arith.constant 0 : index
    %get3A_26 = vector.load %arg4[%get3A_24, %get3A_25] : memref<128x128xf32, #tpu.memory_space<vmem>>, vector<128x128xf32>
    %dot_general3A = arith.constant dense<0.000000e+00> : vector<2000x128xf32>
    %dot_general3A_27 = tpu.matmul %add3A_23, %get3A_26, %dot_general3A {dimension_numbers = #tpu.dot_dimension_numbers<[1], [1], [0], [0], [0, 0, 1, 0], [], []>, transpose_lhs_hint = false} : vector<2000x128xf32>, vector<128x128xf32>, vector<2000x128xf32> -> vector<2000x128xf32>
    %get3A_28 = arith.constant 0 : index
    %get3A_29 = arith.constant 0 : index
    %get3A_30 = vector.load %arg5[%get3A_28, %get3A_29] : memref<384x128xf32, #tpu.memory_space<vmem>>, vector<384x128xf32>
    %dot_general3A_31 = arith.constant dense<0.000000e+00> : vector<2000x384xf32>
    %dot_general3A_32 = tpu.matmul %dot_general3A_27, %get3A_30, %dot_general3A_31 {dimension_numbers = #tpu.dot_dimension_numbers<[1], [1], [0], [0], [0, 0, 1, 0], [], []>, transpose_lhs_hint = false} : vector<2000x128xf32>, vector<384x128xf32>, vector<2000x384xf32> -> vector<2000x384xf32>
    %get3A_33 = arith.constant 0 : index
    %get3A_34 = arith.constant 0 : index
    %get3A_35 = vector.load %arg7[%get3A_33, %get3A_34] : memref<1x384xf32, #tpu.memory_space<vmem>>, vector<1x384xf32>
    %add3A_36 = vector.broadcast %get3A_35 : vector<1x384xf32> to vector<2000x384xf32>
    %add3A_37 = arith.addf %dot_general3A_32, %add3A_36 : vector<2000x384xf32>
    %get3A_38 = arith.constant 0 : index
    %get3A_39 = arith.constant 0 : index
    %get3A_40 = vector.load %arg6[%get3A_38, %get3A_39] : memref<384x128xf32, #tpu.memory_space<vmem>>, vector<384x128xf32>
    %dot_general3A_41 = arith.constant dense<0.000000e+00> : vector<2000x384xf32>
    %dot_general3A_42 = tpu.matmul %get3A_1, %get3A_40, %dot_general3A_41 {dimension_numbers = #tpu.dot_dimension_numbers<[1], [1], [0], [0], [0, 0, 1, 0], [], []>, transpose_lhs_hint = false} : vector<2000x128xf32>, vector<384x128xf32>, vector<2000x384xf32> -> vector<2000x384xf32>
    %get3A_43 = arith.constant 0 : index
    %get3A_44 = arith.constant 0 : index
    %get3A_45 = vector.load %arg8[%get3A_43, %get3A_44] : memref<1x384xf32, #tpu.memory_space<vmem>>, vector<1x384xf32>
    %add3A_46 = vector.broadcast %get3A_45 : vector<1x384xf32> to vector<2000x384xf32>
    %add3A_47 = arith.addf %dot_general3A_42, %add3A_46 : vector<2000x384xf32>
    %slice3A = vector.extract_strided_slice %add3A_37 {offsets = [0, 0], sizes = [2000, 128], strides = [1, 1]} : vector<2000x384xf32> to vector<2000x128xf32>
    %slice3A_48 = vector.extract_strided_slice %add3A_47 {offsets = [0, 0], sizes = [2000, 128], strides = [1, 1]} : vector<2000x384xf32> to vector<2000x128xf32>
    %add3A_49 = arith.addf %slice3A, %slice3A_48 : vector<2000x128xf32>
    %neg3A = arith.constant 0.000000e+00 : f32
    %neg3A_50 = vector.broadcast %neg3A : f32 to vector<2000x128xf32>
    %neg3A_51 = arith.subf %neg3A_50, %add3A_49 : vector<2000x128xf32>
    %exp3A = math.exp %neg3A_51 : vector<2000x128xf32>
    %add3A_52 = arith.constant 1.000000e+00 : f32
    %add3A_53 = vector.broadcast %add3A_52 : f32 to vector<2000x128xf32>
    %add3A_54 = arith.addf %add3A_53, %exp3A : vector<2000x128xf32>
    %div3A = arith.constant 1.000000e+00 : f32
    %div3A_55 = vector.broadcast %div3A : f32 to vector<2000x128xf32>
    %div3A_56 = arith.divf %div3A_55, %add3A_54 : vector<2000x128xf32>
    %slice3A_57 = vector.extract_strided_slice %add3A_37 {offsets = [0, 128], sizes = [2000, 128], strides = [1, 1]} : vector<2000x384xf32> to vector<2000x128xf32>
    %slice3A_58 = vector.extract_strided_slice %add3A_47 {offsets = [0, 128], sizes = [2000, 128], strides = [1, 1]} : vector<2000x384xf32> to vector<2000x128xf32>
    %add3A_59 = arith.addf %slice3A_57, %slice3A_58 : vector<2000x128xf32>
    %neg3A_60 = arith.constant 0.000000e+00 : f32
    %neg3A_61 = vector.broadcast %neg3A_60 : f32 to vector<2000x128xf32>
    %neg3A_62 = arith.subf %neg3A_61, %add3A_59 : vector<2000x128xf32>
    %exp3A_63 = math.exp %neg3A_62 : vector<2000x128xf32>
    %add3A_64 = arith.constant 1.000000e+00 : f32
    %add3A_65 = vector.broadcast %add3A_64 : f32 to vector<2000x128xf32>
    %add3A_66 = arith.addf %add3A_65, %exp3A_63 : vector<2000x128xf32>
    %div3A_67 = arith.constant 1.000000e+00 : f32
    %div3A_68 = vector.broadcast %div3A_67 : f32 to vector<2000x128xf32>
    %div3A_69 = arith.divf %div3A_68, %add3A_66 : vector<2000x128xf32>
    %slice3A_70 = vector.extract_strided_slice %add3A_37 {offsets = [0, 256], sizes = [2000, 128], strides = [1, 1]} : vector<2000x384xf32> to vector<2000x128xf32>
    %slice3A_71 = vector.extract_strided_slice %add3A_47 {offsets = [0, 256], sizes = [2000, 128], strides = [1, 1]} : vector<2000x384xf32> to vector<2000x128xf32>
    %mul3A = arith.mulf %div3A_56, %slice3A_71 : vector<2000x128xf32>
    %add3A_72 = arith.addf %slice3A_70, %mul3A : vector<2000x128xf32>
    %tanh3A = math.tanh %add3A_72 : vector<2000x128xf32>
    %sub3A = arith.constant 1.000000e+00 : f32
    %sub3A_73 = vector.broadcast %sub3A : f32 to vector<2000x128xf32>
    %sub3A_74 = arith.subf %sub3A_73, %div3A_69 : vector<2000x128xf32>
    %mul3A_75 = arith.mulf %sub3A_74, %tanh3A : vector<2000x128xf32>
    %mul3A_76 = arith.mulf %div3A_69, %get3A_1 : vector<2000x128xf32>
    %add3A_77 = arith.addf %mul3A_75, %mul3A_76 : vector<2000x128xf32>
    %swap3A = arith.constant 0 : index
    %swap3A_78 = arith.constant 0 : index
    %swap3A_79 = vector.load %arg9[%swap3A, %swap3A_78] : memref<2000x128xf32, #tpu.memory_space<vmem>>, vector<2000x128xf32>
    tpu.vector_store %arg9[%swap3A, %swap3A_78], %add3A_77 {strides = array<i32>} : memref<2000x128xf32, #tpu.memory_space<vmem>>, vector<2000x128xf32>,
    return
  }
  func.func @transform_0(%arg0: i32) -> (i32, i32) {
    %c0_i32 = arith.constant 0 : i32
    %c0_i32_0 = arith.constant 0 : i32
    return %arg0, %c0_i32 : i32, i32
  }
  func.func @transform_1(%arg0: i32) -> (i32, i32, i32) {
    %c0_i32 = arith.constant 0 : i32
    %c0_i32_0 = arith.constant 0 : i32
    %c0_i32_1 = arith.constant 0 : i32
    return %c0_i32, %arg0, %c0_i32_0 : i32, i32, i32
  }
  func.func @transform_2(%arg0: i32) -> (i32, i32, i32) {
    %c0_i32 = arith.constant 0 : i32
    %c0_i32_0 = arith.constant 0 : i32
    %c0_i32_1 = arith.constant 0 : i32
    return %c0_i32, %arg0, %c0_i32_0 : i32, i32, i32
  }
  func.func @transform_3(%arg0: i32) -> (i32, i32) {
    %c0_i32 = arith.constant 0 : i32
    %c0_i32_0 = arith.constant 0 : i32
    %c0_i32_1 = arith.constant 0 : i32
    return %c0_i32, %c0_i32_0 : i32, i32
  }
  func.func @transform_4(%arg0: i32) -> (i32, i32) {
    %c0_i32 = arith.constant 0 : i32
    %c0_i32_0 = arith.constant 0 : i32
    %c0_i32_1 = arith.constant 0 : i32
    return %c0_i32, %c0_i32_0 : i32, i32
  }
  func.func @transform_5(%arg0: i32) -> (i32, i32) {
    %c0_i32 = arith.constant 0 : i32
    %c0_i32_0 = arith.constant 0 : i32
    %c0_i32_1 = arith.constant 0 : i32
    return %c0_i32, %c0_i32_0 : i32, i32
  }
  func.func @transform_6(%arg0: i32) -> (i32, i32) {
    %c0_i32 = arith.constant 0 : i32
    %c0_i32_0 = arith.constant 0 : i32
    %c0_i32_1 = arith.constant 0 : i32
    return %c0_i32, %c0_i32_0 : i32, i32
  }
  func.func @transform_7(%arg0: i32) -> (i32, i32) {
    %c0_i32 = arith.constant 0 : i32
    %c0_i32_0 = arith.constant 0 : i32
    %c0_i32_1 = arith.constant 0 : i32
    return %c0_i32, %c0_i32_0 : i32, i32
  }
  func.func @transform_8(%arg0: i32) -> (i32, i32) {
    %c0_i32 = arith.constant 0 : i32
    %c0_i32_0 = arith.constant 0 : i32
    return %arg0, %c0_i32 : i32, i32
  }
}

</mosaic_0001>

<sc_bundles>
// kernel: kernel.10.cloned.1.call-start
scs
__scs_entry_jumppad:
0x0: {  	(pc) =	sbr.rel $0x88, $3  }
0x1: {  	(tag) =	ssettag $0x0;
	lr =	simm.s32 $0x1  }
0x2: {  	[smem:$0x3F92] =	sst lr;
	_ =	strace $0xD0000000  }
0x3: {  	_ = 	snop  }
0x4: {  	_ = 	snop  }
0x5: {  	_ = 	snop  }
0x6: {  	_ = 	snop  }
0x7: {  	_ = 	snop  }
__scs_overlays_trampoline_lowered:
0x8: {  	[smem:$0x3FA1] =	sst s0  }
0x9: {  	[smem:$0x3FA2] =	sst s1  }
0xa: {  	[smem:$0x3FA3] =	sst s2  }
0xb: {  	[smem:$0x3FA4] =	sst s3  }
0xc: {  	[smem:$0x3FA5] =	sst s4  }
0xd: {  	[smem:$0x3FA6] =	sst s5  }
0xe: {  	[smem:$0x3FA7] =	sst s6  }
0xf: {  	[smem:$0x3FA8] =	sst s7  }
0x10: {  	[smem:$0x3FA9] =	sst s8  }
0x11: {  	[smem:$0x3FAA] =	sst s9;
	s0 =	simm.s32 @!p0 $0x0  }
0x12: {  	s1 =	sld [smem:$0x3F90];
	s0 =	simm.s32 @p0 $0x1  }
0x13: {  	[smem:$0x3FAB] =	sst s0;
	s0 =	simm.s32 @!p1 $0x0  }
0x14: {  	s2 =	sld [smem:$0x3F8F];
	s0 =	simm.s32 @p1 $0x1  }
0x15: {  	[smem:$0x3FAC] =	sst s0;
	s0 =	simm.s32 @!p2 $0x0  }
0x16: {  	s3 =	sld [smem:$0x3FDB];
	s0 =	simm.s32 @p2 $0x1  }
0x17: {  	s4 =	simm.s32 $0x1BF5;
	[smem:$0x3FAE] =	sst s0  }
0x18: {  	s0 =	sld [smem:$0x3F91];
	_ =	swait.ge [sflag:s4], $0x0  }
0x19: {  	s7 =	sld [smem:$0x3F92]  }
0x1a: {  	s8 =	sadd.s32 $0xFFFFE003, lr  }
0x1b: {  	s9 =	sadd.s32 $0xFFFFFEF7, lr;
	s5 =	simm.s32 $0xFFFFFFFF;
	p2 =	slt.u32 s8, $0xFFFFF086  }
0x1c: {  	p1 =	slt.u32 s9, $0xF7A;
	s5 =	simm.s32 @!p2 $0x0  }
0x1d: {  	s5 =	simm.s32 @p1 $0x1;
	p0 =	seq.s32 s7, s2  }
0x1e: {  	s7 =	smul.u32 @!p0 $0xF7A, s2;
	p2 =	seq.s32 @!p0 s5, $0x0  }
0x1f: {  	s9 =	smul.u32 $0xF7A, s1;
	s8 =	simm.s32 @!p0 $0x1BF5;
	p2 =	por !p2, p0  }
0x20: {  	[sflag:s8] =	ssyncset.s32 @!p0 $0xFFFFF086;
	s6 =	sadd.s32 @!p0 s3, s7;
	s7 =	simm.s32 @!p0 $0x108  }
0x21: {  	s3 =	sadd.s32 s3, s9;
	s6 =	sadd.s32 @!p0 $0x88, s6;
	s7 =	simm.s32 @p2 $0x1082  }
0x22: {  	[simem:s7], [sflag:s8] =	dma.local @!p0 [hbm:s6], $0xF7A  }
0x23: {  	s9 =	sor.u32 $0xD0000000, s2;
	s6 =	simm.s32 $0x108;
	_ =	swait.ge @!p0 [sflag:s8], $0x0  }
0x24: {  	s3 =	sadd.s32 $0x88, s3;
	s6 =	simm.s32 @!p1 $0x1082;
	[sflag:s4] =	ssyncset.s32 $0xFFFFF086  }
0x25: {  	[simem:s6], [sflag:s4] =	dma.local [hbm:s3], $0xF7A  }
0x26: {  	[smem:$0x3F92] =	sst s1;
	(tag) =	ssettag s2;
	_ =	strace s9  }
0x27: {  	s1 =	sld [smem:$0x3FA2]  }
0x28: {  	s2 =	sld [smem:$0x3FA3]  }
0x29: {  	s4 =	sld [smem:$0x3FA5]  }
0x2a: {  	p0 =	seq.s32 s5, $0x0;
	s5 =	sld [smem:$0x3FA6]  }
0x2b: {  	s6 =	sld [smem:$0x3FA7]  }
0x2c: {  	s7 =	sld [smem:$0x3FA8]  }
0x2d: {  	s3 =	simm.s32 $0x108;
	s8 =	sld [smem:$0x3FA9]  }
0x2e: {  	s3 =	simm.s32 @!p0 $0x1082;
	s9 =	sld [smem:$0x3FAA]  }
0x2f: {  	lr =	sadd.s32 s0, s3;
	s0 =	sld [smem:$0x3FA1]  }
0x30: {  	s3 =	sld [smem:$0x3FA4]  }
0x31: {  	[smem:$0x3FAD] =	sst s10  }
0x32: {  	s10 =	sld [smem:$0x3FAB];
	_ =	sdelay $0x3  }
0x33: {  	p0 =	seq.s32 s10, $0x1;
	s10 =	sld [smem:$0x3FAD];
	_ =	sdelay $0x3  }
0x34: {  	[smem:$0x3FAD] =	sst s10  }
0x35: {  	s10 =	sld [smem:$0x3FAC];
	_ =	sdelay $0x3  }
0x36: {  	p1 =	seq.s32 s10, $0x1;
	s10 =	sld [smem:$0x3FAD];
	_ =	sdelay $0x3  }
0x37: {  	[smem:$0x3FAD] =	sst s10  }
0x38: {  	s10 =	sld [smem:$0x3FAE]  }
0x39: {  	_ = 	snop;
	(pc) =	sbr.ind lr, $3  }
0x3a: {  	_ = 	snop  }
0x3b: {  	_ = 	snop  }
0x3c: {  	p2 =	seq.s32 s10, $0x1;
	s10 =	sld [smem:$0x3FAD]  }
0x3d: {  	_ =	shalt  }
0x3e: {  	_ =	shalt  }
0x3f: {  	_ =	shalt  }
0x40: {  	_ =	shalt  }
0x41: {  	_ =	shalt  }
0x42: {  	_ =	shalt  }
0x43: {  	_ =	shalt  }
0x44: {  	_ =	shalt  }
0x45: {  	_ =	shalt  }
0x46: {  	_ =	shalt  }
0x47: {  	_ =	shalt  }
0x48: {  	_ =	shalt  }
0x49: {  	_ =	shalt  }
0x4a: {  	_ =	shalt  }
0x4b: {  	_ =	shalt  }
0x4c: {  	_ =	shalt  }
0x4d: {  	_ =	shalt  }
0x4e: {  	_ =	shalt  }
0x4f: {  	_ =	shalt  }
0x50: {  	_ =	shalt  }
0x51: {  	_ =	shalt  }
0x52: {  	_ =	shalt  }
0x53: {  	_ =	shalt  }
0x54: {  	_ =	shalt  }
0x55: {  	_ =	shalt  }
0x56: {  	_ =	shalt  }
0x57: {  	_ =	shalt  }
0x58: {  	_ =	shalt  }
0x59: {  	_ =	shalt  }
0x5a: {  	_ =	shalt  }
0x5b: {  	_ =	shalt  }
0x5c: {  	_ =	shalt  }
0x5d: {  	_ =	shalt  }
0x5e: {  	_ =	shalt  }
0x5f: {  	_ =	shalt  }
0x60: {  	_ =	shalt  }
0x61: {  	_ =	shalt  }
0x62: {  	_ =	shalt  }
0x63: {  	_ =	shalt  }
0x64: {  	_ =	shalt  }
0x65: {  	_ =	shalt  }
0x66: {  	_ =	shalt  }
0x67: {  	_ =	shalt  }
0x68: {  	_ =	shalt  }
0x69: {  	_ =	shalt  }
0x6a: {  	_ =	shalt  }
0x6b: {  	_ =	shalt  }
0x6c: {  	_ =	shalt  }
0x6d: {  	_ =	shalt  }
0x6e: {  	_ =	shalt  }
0x6f: {  	_ =	shalt  }
0x70: {  	_ =	shalt  }
0x71: {  	_ =	shalt  }
0x72: {  	_ =	shalt  }
0x73: {  	_ =	shalt  }
0x74: {  	_ =	shalt  }
0x75: {  	_ =	shalt  }
0x76: {  	_ =	shalt  }
0x77: {  	_ =	shalt  }
0x78: {  	_ =	shalt  }
0x79: {  	_ =	shalt  }
0x7a: {  	_ =	shalt  }
0x7b: {  	_ =	shalt  }
0x7c: {  	_ =	shalt  }
0x7d: {  	_ =	shalt  }
0x7e: {  	_ =	shalt  }
0x7f: {  	_ =	shalt  }
0x80: {  	_ =	shalt  }
0x81: {  	_ =	shalt  }
0x82: {  	_ =	shalt  }
0x83: {  	_ =	shalt  }
0x84: {  	_ =	shalt  }
0x85: {  	_ =	shalt  }
0x86: {  	_ =	shalt  }
0x87: {  	_ =	shalt  }
.Lfunc_end0:
.L_simem_size_0:
called_computation_lowered:
.L_overlay_start_0:
0x88: {  	s2 =	sld [smem:$0x3FD9]  }
0x89: {  	s3 =	sld [smem:$0x3FFE];
	_ =	sdelay $0x1  }
0x8a: {  	s1 =	srdreg.scid  }
0x8b: {  	s0 =	sand.u32 $0x1, s1  }
0x8c: {  	s17 =	sshll.u32 s0, $0xA;
	s2 =	sadd.s32 s3, s2  }
0x8d: {  	s2 =	sadd.s32 s2, s17  }
0x8e: {  	[smem:$0x3FB9] =	sst s2  }
0x8f: {  	_ = 	snop  }
0x90: {  	s2 =	sld [smem:$0x3FD0];
	(tm) =	ssettm $0x1  }
0x91: {  	s18 =	sld [smem:$0x3FFB];
	_ =	sdelay $0x3  }
0x92: {  	_ =	strace s18  }
0x93: {  	s3 =	sld [smem:$0x3FFC];
	_ =	sdelay $0x3  }
0x94: {  	_ =	strace s3  }
0x95: {  	s3 =	sld [smem:$0x3FFD];
	_ =	sdelay $0x3  }
0x96: {  	_ =	strace s3  }
0x97: {  	_ =	strace $0x8FFFFFFF  }
0x98: {  	s19 =	sld [smem:$0x3FDB];
	_ =	sdelay $0x1  }
0x99: {  	s4 =	simm.s32 $_scs_section_size  }
0x9a: {  	s5 =	simm.s32 $_size__tile_overlayer_lowered;
	s6 =	simm.s32 $_tile_overlayer_lowered  }
0x9b: {  	s22 =	simm.s32 $0x1BFF;
	s21 =	sshll.u32 s6, $0x1;
	s3 =	sadd.s32 s4, s19  }
0x9c: {  	s7 =	simm.s32 $0x0;
	s20 =	sshll.u32 s5, $0x1;
	s5 =	sadd.s32 s21, s3  }
0x9d: {  	[timem:s7], [sflag:s22] =	dma.local [hbm:s5], s20  }
0x9e: {  	_ =	swait.ge [sflag:s22], s20  }
0x9f: {  	s4 =	ssub.s32 $0x0, s20;
	[sflag:s22] =	ssyncset.done $0x0  }
0xa0: {  	[sflag:s22] =	ssyncadd.s32 s4;
	_ =	sdelay $0x1  }
0xa1: {  	s23 =	simm.s32 $0x1B8B  }
0xa2: {  	_ =	swait.ge [sflag:s23], $0x1  }
0xa3: {  	[sflag:s23] =	ssyncset.done $0x0  }
0xa4: {  	s25 =	simm.s32 $0x1B8E;
	s24 =	sld [smem:$0x3FFE];
	[sflag:s23] =	ssyncadd.s32 $0xFFFFFFFF  }
0xa5: {  	s26 =	simm.s32 $execute0_lowered;
	[smem:$0x3FD2] =	sst s25  }
0xa6: {  	s5 =	sshll.u32 s26, $0x1;
	_ =	strace $0x80000046;
	[dreg:$0x1] =	wrdreg $0xFFFFFFFF  }
0xa7: {  	s28 =	simm.s32 $_size_execute0_lowered;
	s3 =	sadd.s32 s3, s5;
	[dreg:$0x0] =	wrdreg $0x0  }
0xa8: {  	s5 =	sshll.u32 s28, $0x1;
	[dreg:$0x2] =	wrdreg s3  }
0xa9: {  	[dreg:$0x3] =	wrdreg s5  }
0xaa: {  	[dreg:$0x4] =	wrdreg $0xC0  }
0xab: {  	_ =	task [dreg:s7], $0x5FFFF  }
0xac: {  	[dreg:$0x1] =	wrdreg $0xFFFFFFFF  }
0xad: {  	[dreg:$0x0] =	wrdreg $0x60  }
0xae: {  	[dreg:$0x2] =	wrdreg s2  }
0xaf: {  	[dreg:$0x3] =	wrdreg s24  }
0xb0: {  	[dreg:$0x4] =	wrdreg $0xA  }
0xb1: {  	_ =	task.clear_ibuf [dreg:s7], $0x5FFFF;
	_ =	strace $0x90000046  }
0xb2: {  	s29 =	simm.s32 $0xA;
	_ =	strace $0x80000048  }
0xb3: {  	_ =	swait.ge [sflag:s29], $0x1  }
0xb4: {  	[sflag:s29] =	ssyncadd.s32 $0xFFFFFFFF  }
0xb5: {  	_ =	strace $0x90000048  }
0xb6: {  	_ =	sfence  }
0xb7: {  	s30 =	sld [smem:$0x0];
	_ =	sdelay $0x2  }
0xb8: {  	s31 =	sshll.u32 s1, $0xD;
	s1 =	sshrl.u32 s1, $0x2  }
0xb9: {  	s3 =	sand.u32 $0x4000, s31;
	s1 =	sadd.s32 s1, s30  }
0xba: {  	s0 =	sor.u32 s3, s0;
	s1 =	sshll.u32 s1, $0x11  }
0xbb: {  	s0 =	sor.u32 s1, s0  }
0xbc: {  	s0 =	sadd.s32 $0x8F2B, s0  }
0xbd: {  	[sflag:s0] =	ssyncadd.remote.s32 $0x1  }
0xbe: {  	_ =	sfence.sel $0xFFFF  }
0xbf: {  	[dreg:$0x0] =	wrdreg $0xFFFFFFFF;
	(pc) =	sbr.abs _section_cstart, $3  }
0xc0: {  	[dreg:$0x1] =	wrdreg $0xFFFFFFFF  }
0xc1: {  	_ =	task.clear_ibuf [dreg:s7], $0x2FFFF;
	_ =	strace $0x9FFFFFFF  }
0xc2: {  	(tm) =	ssettm $0x7FFFFFFF  }
0xc3: {  	_ =	shalt  }
tec
execute0_lowered:
.L_overlay_start_1:
0x0: {  	(tag) =	ssettag $0x1  }
0x1: {  	s2 =	rddreg [dreg:$0x0]  }
0x2: {  	s7 =	rddreg [dreg:$0x1]  }
0x3: {  	s0 =	rddreg [dreg:$0x2];
	s4 =	srdreg.scid  }
0x4: {  	s1 =	stileid.u32;
	s3 =	simm.s32 $0x0;
	s14 =	simm.s32 $0x3  }
0x5: {  	s15 =	simm.s32 $0x100;
	s16 =	simm.s32 $0x80;
	s17 =	simm.s32 $0x200  }
0x6: {  	s18 =	simm.s32 $0x4200;
	s19 =	simm.s32 $0x180;
	s20 =	simm.s32 $0x8200  }
0x7: {  	s21 =	simm.s32 $0xC200;
	s22 =	simm.s32 $0x1;
	s23 =	simm.s32 $0x2  }
0x8: {  	s24 =	simm.s32 $0x0;
	s8 =	sand.u32 $0x1, s4;
	s31 =	sshll.u32 s1, $0x1  }
0x9: {  	[smem:$0x7FF] =	sst s3;
	s4 =	sadd.s32 $0x5000, s7;
	s11 =	sor.u32 s8, s31  }
0xa: {  	s5 =	sadd.s32 $0x36200, s7;
	s8 =	ssub.s32 $0x2, s8;
	s12 =	smul.u32 $0x1400, s11  }
0xb: {  	s6 =	sadd.s32 $0x2C200, s7;
	s7 =	sadd.s32 $0x4A200, s7;
	s9 =	sshrl.u32 s8, $0x1  }
0xc: {  	_ =	strace $0x80000047;
	s13 =	ssub.s32 s8, s9;
	s10 =	sshrl.u32 s12, $0x3  }
0xd: {  	s11 =	smul.u32 $0xA0000, s11;
	s13 =	smax.u32 s13, $0x1;
	s8 =	sadd.s32 s5, s10  }
0xe: {  	s9 =	sadd.s32 s6, s10;
	s10 =	sor.u32 $0x80, s12;
	s12 =	sor.u32 $0x100, s12  }
.LBB2_1:
0xf: {  	[tilespmem:s3], [sflag:$0x3] =	stream.linear.gather [hbm4b:s8+s3], $0x80, $0x38;
	[tilespmem:$0x10200] =	vst v63  }
0x10: {  	_ =	swait.ge [sflag:s14], $0x80  }
0x11: {  	[sflag:s14] =	ssyncset.done $0x0  }
0x12: {  	[sflag:s14] =	ssyncadd.s32 $0xFFFFFF80  }
0x13: {  	[tilespmem:s15], [sflag:$0x3] =	stream.linear.gather [hbm4b:s9+s3], $0x80, $0x38;
	[tilespmem:$0x10200] =	vst v63  }
0x14: {  	_ =	swait.ge [sflag:s14], $0x80  }
0x15: {  	[sflag:s14] =	ssyncset.done $0x0  }
0x16: {  	[sflag:s14] =	ssyncadd.s32 $0xFFFFFF80  }
0x17: {  	[tilespmem:s17], [sflag:$0x1] =	stream.indirect.gather [hbm4b:s2+s16], $0x80, s3, s16, $0xb8;
	[tilespmem:$0x10200] =	vst v63  }
0x18: {  	s25 =	simm.s32 $0x0  }
0x19: {  	[tilespmem:s18], [sflag:$0x1] =	stream.indirect.gather [hbm4b:s4+s16], $0x80, s15, s16, $0xb8;
	[tilespmem:$0x10200] =	vst v63  }
.LBB2_2:
0x1a: {  	s26 =	sshll.u32 s25, $0x8  }
0x1b: {  	s26 =	sadd.s32 s26, s10  }
0x1c: {  	s28 =	sshrl.u32 s26, $0x3  }
0x1d: {  	s30 =	simm.s32 $0x0;
	s29 =	sadd.s32 s5, s28  }
0x1e: {  	[tilespmem:s16], [sflag:$0x3] =	stream.linear.gather [hbm4b:s29+s30], $0x80, $0x38;
	[tilespmem:$0x10200] =	vst v63  }
0x1f: {  	_ =	swait.ge [sflag:s14], $0x80  }
0x20: {  	[sflag:s14] =	ssyncset.done $0x0  }
0x21: {  	s28 =	sadd.s32 s6, s28;
	[sflag:s14] =	ssyncadd.s32 $0xFFFFFF80  }
0x22: {  	[tilespmem:s19], [sflag:$0x3] =	stream.linear.gather [hbm4b:s28+s30], $0x80, $0x38;
	[tilespmem:$0x10200] =	vst v63  }
0x23: {  	_ =	swait.ge [sflag:s14], $0x80  }
0x24: {  	[sflag:s14] =	ssyncset.done $0x0  }
0x25: {  	[sflag:s14] =	ssyncadd.s32 $0xFFFFFF80  }
0x26: {  	[tilespmem:s20], [sflag:$0x2] =	stream.indirect.gather [hbm4b:s2+s16], $0x80, s16, s16, $0xb8;
	[tilespmem:$0x10200] =	vst v63  }
0x27: {  	_ = 	snop  }
0x28: {  	[tilespmem:s21], [sflag:$0x2] =	stream.indirect.gather [hbm4b:s4+s16], $0x80, s19, s16, $0xb8;
	[tilespmem:$0x10200] =	vst v63  }
0x29: {  	_ =	swait.ge [sflag:s22], $0x4000  }
0x2a: {  	[sflag:s22] =	ssyncset.done $0x0  }
0x2b: {  	[sflag:s22] =	ssyncadd.s32 $0xFFFFC000  }
0x2c: {  	_ =	swait.ge [sflag:s22], $0x4000  }
0x2d: {  	[sflag:s22] =	ssyncset.done $0x0  }
0x2e: {  	s28 =	simm.s32 $0x0;
	[sflag:s22] =	ssyncadd.s32 $0xFFFFC000  }
0x2f: {  	v7 =	vld [tilespmem:s28+$0x4200]  }
0x30: {  	v11 =	vld [tilespmem:s28+$0x4210]  }
0x31: {  	v5 =	vld [tilespmem:s28+$0x4220]  }
0x32: {  	v4 =	vld [tilespmem:s28+$0x4230]  }
0x33: {  	v3 =	vld [tilespmem:s28+$0x4240]  }
0x34: {  	v2 =	vld [tilespmem:s28+$0x4250]  }
0x35: {  	v1 =	vld [tilespmem:s28+$0x4260]  }
0x36: {  	v0 =	vld [tilespmem:s28+$0x4270]  }
0x37: {  	v12 =	vld [tilespmem:s28+$0x200]  }
0x38: {  	v13 =	vld [tilespmem:s28+$0x210]  }
0x39: {  	v10 =	vld [tilespmem:s28+$0x220]  }
0x3a: {  	v9 =	vld [tilespmem:s28+$0x230]  }
0x3b: {  	v8 =	vld [tilespmem:s28+$0x240]  }
0x3c: {  	v6 =	vld [tilespmem:s28+$0x250];
	v12 =	vadd.f32 v7, v12  }
0x3d: {  	s29 =	simm.s32 $0x200;
	v11 =	vadd.f32 v11, v13;
	v7 =	vld [tilespmem:s28+$0x260]  }
.LBB2_3:
0x3e: {  	s30 =	sshra.s32 s29, $0x2;
	p0 =	sne.s32 s29, $0xFE00;
	[tilespmem:s28+$0x200] =	vst v12;
	v5 =	vadd.f32 v5, v10;
	v10 =	vld [tilespmem:s28+$0x270]  }
0x3f: {  	v12 =	vld [tilespmem:s30+$0x4200];
	[tilespmem:s28+$0x210] =	vst v11;
	v4 =	vadd.f32 v4, v9  }
0x40: {  	v11 =	vld [tilespmem:s30+$0x4210];
	[tilespmem:s28+$0x220] =	vst v5;
	v3 =	vadd.f32 v3, v8  }
0x41: {  	v5 =	vld [tilespmem:s30+$0x4220];
	[tilespmem:s28+$0x230] =	vst v4;
	v2 =	vadd.f32 v2, v6  }
0x42: {  	v4 =	vld [tilespmem:s30+$0x4230];
	[tilespmem:s28+$0x240] =	vst v3;
	v1 =	vadd.f32 v1, v7  }
0x43: {  	v3 =	vld [tilespmem:s30+$0x4240];
	[tilespmem:s28+$0x250] =	vst v2;
	v0 =	vadd.f32 v0, v10  }
0x44: {  	v2 =	vld [tilespmem:s30+$0x4250];
	[tilespmem:s28+$0x260] =	vst v1  }
0x45: {  	v1 =	vld [tilespmem:s30+$0x4260];
	[tilespmem:s28+$0x270] =	vst v0;
	s28 =	smov.u32 s30  }
0x46: {  	v0 =	vld [tilespmem:s28+$0x4270]  }
0x47: {  	v6 =	vld [tilespmem:s28+$0x200]  }
0x48: {  	v7 =	vld [tilespmem:s28+$0x210]  }
.Ltmp0:
0x49: {  	v10 =	vld [tilespmem:s28+$0x220];
	(pc) =	sbr.rel @p0 .LBB2_3-.Ltmp0, $4  }
0x4a: {  	v9 =	vld [tilespmem:s28+$0x230]  }
0x4b: {  	v8 =	vld [tilespmem:s28+$0x240]  }
0x4c: {  	v12 =	vadd.f32 v12, v6;
	v6 =	vld [tilespmem:s28+$0x250]  }
0x4d: {  	s29 =	sadd.s32 $0x200, s29;
	v11 =	vadd.f32 v11, v7;
	v7 =	vld [tilespmem:s28+$0x260]  }
0x4e: {  	[tilespmem:s28+$0x200] =	vst v12;
	v5 =	vadd.f32 v5, v10;
	v10 =	vld [tilespmem:s28+$0x270]  }
0x4f: {  	[tilespmem:s28+$0x210] =	vst v11;
	v4 =	vadd.f32 v4, v9  }
0x50: {  	[tilespmem:s28+$0x220] =	vst v5;
	v3 =	vadd.f32 v3, v8  }
0x51: {  	[tilespmem:s28+$0x230] =	vst v4;
	v2 =	vadd.f32 v2, v6  }
0x52: {  	s29 =	sshll.u32 s25, $0xF;
	[tilespmem:s28+$0x240] =	vst v3;
	v1 =	vadd.f32 v1, v7  }
0x53: {  	s29 =	sadd.s32 s11, s29;
	[tilespmem:s28+$0x250] =	vst v2;
	v0 =	vadd.f32 v0, v10  }
0x54: {  	s29 =	sshrl.u32 s29, $0x3;
	[tilespmem:s28+$0x260] =	vst v1  }
0x55: {  	s30 =	simm.s32 $0x0;
	s29 =	sadd.s32 s7, s29;
	[tilespmem:s28+$0x270] =	vst v0;
	s28 =	sshll.u32 s25, $0x1  }
0x56: {  	[hbm4b:s29+s30] =	stream.linear.scatter [tilespmem:s17], [sflag:$0x3], $0x4000, $0x38;
	[tilespmem:$0x10200] =	vst v63  }
0x57: {  	s28 =	smin.u32 s28, $0x24  }
0x58: {  	s28 =	sshll.u32 s28, $0x7  }
0x59: {  	_ =	swait.ge [sflag:s14], $0x4000;
	s28 =	sadd.s32 s28, s12  }
0x5a: {  	[sflag:s14] =	ssyncset.done $0x0;
	s28 =	sshrl.u32 s28, $0x3  }
0x5b: {  	[sflag:s14] =	ssyncadd.s32 $0xFFFFC000;
	s29 =	sadd.s32 s5, s28  }
0x5c: {  	[tilespmem:s30], [sflag:$0x3] =	stream.linear.gather [hbm4b:s29+s30], $0x80, $0x38;
	[tilespmem:$0x10200] =	vst v63  }
0x5d: {  	_ =	swait.ge [sflag:s14], $0x80  }
0x5e: {  	[sflag:s14] =	ssyncset.done $0x0  }
0x5f: {  	s28 =	sadd.s32 s6, s28;
	[sflag:s14] =	ssyncadd.s32 $0xFFFFFF80  }
0x60: {  	[tilespmem:s15], [sflag:$0x3] =	stream.linear.gather [hbm4b:s28+s30], $0x80, $0x38;
	[tilespmem:$0x10200] =	vst v63  }
0x61: {  	_ =	swait.ge [sflag:s14], $0x80  }
0x62: {  	[sflag:s14] =	ssyncset.done $0x0  }
0x63: {  	[sflag:s14] =	ssyncadd.s32 $0xFFFFFF80  }
0x64: {  	[tilespmem:s17], [sflag:$0x1] =	stream.indirect.gather [hbm4b:s2+s16], $0x80, s30, s16, $0xb8;
	[tilespmem:$0x10200] =	vst v63  }
0x65: {  	_ = 	snop  }
0x66: {  	[tilespmem:s18], [sflag:$0x1] =	stream.indirect.gather [hbm4b:s4+s16], $0x80, s15, s16, $0xb8;
	[tilespmem:$0x10200] =	vst v63  }
0x67: {  	_ =	swait.ge [sflag:s23], $0x4000  }
0x68: {  	[sflag:s23] =	ssyncset.done $0x0  }
0x69: {  	[sflag:s23] =	ssyncadd.s32 $0xFFFFC000  }
0x6a: {  	_ =	swait.ge [sflag:s23], $0x4000  }
0x6b: {  	[sflag:s23] =	ssyncset.done $0x0  }
0x6c: {  	s28 =	simm.s32 $0x0;
	[sflag:s23] =	ssyncadd.s32 $0xFFFFC000  }
0x6d: {  	v7 =	vld [tilespmem:s28+$0xC200]  }
0x6e: {  	v11 =	vld [tilespmem:s28+$0xC210]  }
0x6f: {  	v5 =	vld [tilespmem:s28+$0xC220]  }
0x70: {  	v4 =	vld [tilespmem:s28+$0xC230]  }
0x71: {  	v3 =	vld [tilespmem:s28+$0xC240]  }
0x72: {  	v2 =	vld [tilespmem:s28+$0xC250]  }
0x73: {  	v1 =	vld [tilespmem:s28+$0xC260]  }
0x74: {  	v0 =	vld [tilespmem:s28+$0xC270]  }
0x75: {  	v12 =	vld [tilespmem:s28+$0x8200]  }
0x76: {  	v13 =	vld [tilespmem:s28+$0x8210]  }
0x77: {  	v10 =	vld [tilespmem:s28+$0x8220]  }
0x78: {  	v9 =	vld [tilespmem:s28+$0x8230]  }
0x79: {  	v8 =	vld [tilespmem:s28+$0x8240]  }
0x7a: {  	v6 =	vld [tilespmem:s28+$0x8250];
	v12 =	vadd.f32 v7, v12  }
0x7b: {  	s29 =	simm.s32 $0x200;
	v11 =	vadd.f32 v11, v13;
	v7 =	vld [tilespmem:s28+$0x8260]  }
.LBB2_5:
0x7c: {  	s30 =	sshra.s32 s29, $0x2;
	p0 =	sne.s32 s29, $0xFE00;
	[tilespmem:s28+$0x8200] =	vst v12;
	v5 =	vadd.f32 v5, v10;
	v10 =	vld [tilespmem:s28+$0x8270]  }
0x7d: {  	v12 =	vld [tilespmem:s30+$0xC200];
	[tilespmem:s28+$0x8210] =	vst v11;
	v4 =	vadd.f32 v4, v9  }
0x7e: {  	v11 =	vld [tilespmem:s30+$0xC210];
	[tilespmem:s28+$0x8220] =	vst v5;
	v3 =	vadd.f32 v3, v8  }
0x7f: {  	v5 =	vld [tilespmem:s30+$0xC220];
	[tilespmem:s28+$0x8230] =	vst v4;
	v2 =	vadd.f32 v2, v6  }
0x80: {  	v4 =	vld [tilespmem:s30+$0xC230];
	[tilespmem:s28+$0x8240] =	vst v3;
	v1 =	vadd.f32 v1, v7  }
0x81: {  	v3 =	vld [tilespmem:s30+$0xC240];
	[tilespmem:s28+$0x8250] =	vst v2;
	v0 =	vadd.f32 v0, v10  }
0x82: {  	v2 =	vld [tilespmem:s30+$0xC250];
	[tilespmem:s28+$0x8260] =	vst v1  }
0x83: {  	v1 =	vld [tilespmem:s30+$0xC260];
	[tilespmem:s28+$0x8270] =	vst v0;
	s28 =	smov.u32 s30  }
0x84: {  	v0 =	vld [tilespmem:s28+$0xC270]  }
0x85: {  	v6 =	vld [tilespmem:s28+$0x8200]  }
0x86: {  	v7 =	vld [tilespmem:s28+$0x8210]  }
.Ltmp1:
0x87: {  	v10 =	vld [tilespmem:s28+$0x8220];
	(pc) =	sbr.rel @p0 .LBB2_5-.Ltmp1, $4  }
0x88: {  	v9 =	vld [tilespmem:s28+$0x8230]  }
0x89: {  	v8 =	vld [tilespmem:s28+$0x8240]  }
0x8a: {  	v12 =	vadd.f32 v12, v6;
	v6 =	vld [tilespmem:s28+$0x8250]  }
0x8b: {  	s29 =	sadd.s32 $0x200, s29;
	v11 =	vadd.f32 v11, v7;
	v7 =	vld [tilespmem:s28+$0x8260]  }
0x8c: {  	[tilespmem:s28+$0x8200] =	vst v12;
	v5 =	vadd.f32 v5, v10;
	v63 =	vld [tilespmem:s28+$0x8270]  }
0x8d: {  	[tilespmem:s28+$0x8210] =	vst v11;
	v4 =	vadd.f32 v4, v9  }
0x8e: {  	[tilespmem:s28+$0x8220] =	vst v5;
	v3 =	vadd.f32 v3, v8  }
0x8f: {  	[tilespmem:s28+$0x8230] =	vst v4;
	v2 =	vadd.f32 v2, v6  }
0x90: {  	[tilespmem:s28+$0x8240] =	vst v3;
	v1 =	vadd.f32 v1, v7  }
0x91: {  	s25 =	sadd.s32 $0x1, s25;
	[tilespmem:s28+$0x8250] =	vst v2;
	v0 =	vadd.f32 v0, v63  }
0x92: {  	s26 =	sshll.u32 s26, $0x4;
	p0 =	sne.s32 s25, $0x14;
	[tilespmem:s28+$0x8260] =	vst v1  }
.Ltmp2:
0x93: {  	s26 =	sadd.s32 s7, s26;
	[tilespmem:s28+$0x8270] =	vst v0;
	(pc) =	sbr.rel @p0 .LBB2_2-.Ltmp2, $4  }
0x94: {  	[hbm4b:s26+s3] =	stream.linear.scatter [tilespmem:s20], [sflag:$0x3], $0x4000, $0x38;
	[tilespmem:$0x10200] =	vst v63  }
0x95: {  	_ =	swait.ge [sflag:s14], $0x4000  }
0x96: {  	[sflag:s14] =	ssyncset.done $0x0  }
0x97: {  	[sflag:s14] =	ssyncadd.s32 $0xFFFFC000  }
0x98: {  	s24 =	sadd.s32 $0x1, s24  }
0x99: {  	_ =	swait.ge [sflag:s22], $0x4000;
	p0 =	sne.s32 s24, s13  }
.Ltmp3:
0x9a: {  	[sflag:s22] =	ssyncset.done $0x0;
	(pc) =	sbr.rel @p0 .LBB2_1-.Ltmp3, $4  }
0x9b: {  	[sflag:s22] =	ssyncadd.s32 $0xFFFFC000  }
0x9c: {  	_ =	swait.ge [sflag:s22], $0x4000  }
0x9d: {  	[sflag:s22] =	ssyncset.done $0x0  }
0x9e: {  	[sflag:s22] =	ssyncadd.s32 $0xFFFFC000  }
0x9f: {  	_ =	sfence.sel $0x180000  }
0xa0: {  	[bflag:$0x0] =	sbarrier.arrive $0xFFFF  }
0xa1: {  	p0 =	sne.s32 s1, $0x0;
	_ =	strace $0x90000047  }
0xa2: {  	s0 =	sadd.s32 @!p0 $0x100000, s0;
	[bflag:$0x2] =	sbarrier.arrive $0xFFFF  }
0xa3: {  	[sflag:s0] =	ssyncadd.tile.s32 @!p0 $0x1;
	_ =	shalt  }
.Lfunc_end2:
_tile_overlayer_lowered:
.L_overlay_start_2:
0xa4: {  	(tag) =	ssettag $0x2  }
0xa5: {  	s0 =	rddreg [dreg:$0x0];
	s2 =	stileid.u32  }
0xa6: {  	s1 =	rddreg [dreg:$0x1];
	p0 =	sne.s32 s2, $0x0  }
0xa7: {  	s3 =	rddreg [dreg:$0x2];
	[bflag:$0x3] =	sbarrier.arrive $0xFFFF;
	s2 =	simm.s32 @!p0 $0x1C03  }
0xa8: {  	[timem:s3], [sflag:s2] =	dma.local @!p0 [hbm:s0], s1  }
0xa9: {  	s0 =	simm.s32 @!p0 $0x3  }
0xaa: {  	_ =	swait.ge @!p0 [sflag:s0], s1  }
0xab: {  	s1 =	ssub.s32 @!p0 $0x0, s1;
	[sflag:s0] =	ssyncset.done @!p0 $0x0  }
0xac: {  	[sflag:s0] =	ssyncadd.s32 @!p0 s1  }
0xad: {  	[bflag:$0x3] =	sbarrier.arrive $0xFFFF  }
0xae: {  	_ =	shalt  }

// kernel: kernel.13.cloned.1.call-start
scs
__scs_entry_jumppad:
0x0: {  	(pc) =	sbr.rel $0x88, $3  }
0x1: {  	(tag) =	ssettag $0x0;
	lr =	simm.s32 $0x1  }
0x2: {  	[smem:$0x3F92] =	sst lr;
	_ =	strace $0xD0000000  }
0x3: {  	_ = 	snop  }
0x4: {  	_ = 	snop  }
0x5: {  	_ = 	snop  }
0x6: {  	_ = 	snop  }
0x7: {  	_ = 	snop  }
__scs_overlays_trampoline_lowered:
0x8: {  	[smem:$0x3FA1] =	sst s0  }
0x9: {  	[smem:$0x3FA2] =	sst s1  }
0xa: {  	[smem:$0x3FA3] =	sst s2  }
0xb: {  	[smem:$0x3FA4] =	sst s3  }
0xc: {  	[smem:$0x3FA5] =	sst s4  }
0xd: {  	[smem:$0x3FA6] =	sst s5  }
0xe: {  	[smem:$0x3FA7] =	sst s6  }
0xf: {  	[smem:$0x3FA8] =	sst s7  }
0x10: {  	[smem:$0x3FA9] =	sst s8  }
0x11: {  	[smem:$0x3FAA] =	sst s9;
	s0 =	simm.s32 @!p0 $0x0  }
0x12: {  	s1 =	sld [smem:$0x3F90];
	s0 =	simm.s32 @p0 $0x1  }
0x13: {  	[smem:$0x3FAB] =	sst s0;
	s0 =	simm.s32 @!p1 $0x0  }
0x14: {  	s2 =	sld [smem:$0x3F8F];
	s0 =	simm.s32 @p1 $0x1  }
0x15: {  	[smem:$0x3FAC] =	sst s0;
	s0 =	simm.s32 @!p2 $0x0  }
0x16: {  	s3 =	sld [smem:$0x3FDB];
	s0 =	simm.s32 @p2 $0x1  }
0x17: {  	s4 =	simm.s32 $0x1BF5;
	[smem:$0x3FAE] =	sst s0  }
0x18: {  	s0 =	sld [smem:$0x3F91];
	_ =	swait.ge [sflag:s4], $0x0  }
0x19: {  	s7 =	sld [smem:$0x3F92]  }
0x1a: {  	s8 =	sadd.s32 $0xFFFFE003, lr  }
0x1b: {  	s9 =	sadd.s32 $0xFFFFFEF7, lr;
	s5 =	simm.s32 $0xFFFFFFFF;
	p2 =	slt.u32 s8, $0xFFFFF086  }
0x1c: {  	p1 =	slt.u32 s9, $0xF7A;
	s5 =	simm.s32 @!p2 $0x0  }
0x1d: {  	s5 =	simm.s32 @p1 $0x1;
	p0 =	seq.s32 s7, s2  }
0x1e: {  	s7 =	smul.u32 @!p0 $0xF7A, s2;
	p2 =	seq.s32 @!p0 s5, $0x0  }
0x1f: {  	s9 =	smul.u32 $0xF7A, s1;
	s8 =	simm.s32 @!p0 $0x1BF5;
	p2 =	por !p2, p0  }
0x20: {  	[sflag:s8] =	ssyncset.s32 @!p0 $0xFFFFF086;
	s6 =	sadd.s32 @!p0 s3, s7;
	s7 =	simm.s32 @!p0 $0x108  }
0x21: {  	s3 =	sadd.s32 s3, s9;
	s6 =	sadd.s32 @!p0 $0x88, s6;
	s7 =	simm.s32 @p2 $0x1082  }
0x22: {  	[simem:s7], [sflag:s8] =	dma.local @!p0 [hbm:s6], $0xF7A  }
0x23: {  	s9 =	sor.u32 $0xD0000000, s2;
	s6 =	simm.s32 $0x108;
	_ =	swait.ge @!p0 [sflag:s8], $0x0  }
0x24: {  	s3 =	sadd.s32 $0x88, s3;
	s6 =	simm.s32 @!p1 $0x1082;
	[sflag:s4] =	ssyncset.s32 $0xFFFFF086  }
0x25: {  	[simem:s6], [sflag:s4] =	dma.local [hbm:s3], $0xF7A  }
0x26: {  	[smem:$0x3F92] =	sst s1;
	(tag) =	ssettag s2;
	_ =	strace s9  }
0x27: {  	s1 =	sld [smem:$0x3FA2]  }
0x28: {  	s2 =	sld [smem:$0x3FA3]  }
0x29: {  	s4 =	sld [smem:$0x3FA5]  }
0x2a: {  	p0 =	seq.s32 s5, $0x0;
	s5 =	sld [smem:$0x3FA6]  }
0x2b: {  	s6 =	sld [smem:$0x3FA7]  }
0x2c: {  	s7 =	sld [smem:$0x3FA8]  }
0x2d: {  	s3 =	simm.s32 $0x108;
	s8 =	sld [smem:$0x3FA9]  }
0x2e: {  	s3 =	simm.s32 @!p0 $0x1082;
	s9 =	sld [smem:$0x3FAA]  }
0x2f: {  	lr =	sadd.s32 s0, s3;
	s0 =	sld [smem:$0x3FA1]  }
0x30: {  	s3 =	sld [smem:$0x3FA4]  }
0x31: {  	[smem:$0x3FAD] =	sst s10  }
0x32: {  	s10 =	sld [smem:$0x3FAB];
	_ =	sdelay $0x3  }
0x33: {  	p0 =	seq.s32 s10, $0x1;
	s10 =	sld [smem:$0x3FAD];
	_ =	sdelay $0x3  }
0x34: {  	[smem:$0x3FAD] =	sst s10  }
0x35: {  	s10 =	sld [smem:$0x3FAC];
	_ =	sdelay $0x3  }
0x36: {  	p1 =	seq.s32 s10, $0x1;
	s10 =	sld [smem:$0x3FAD];
	_ =	sdelay $0x3  }
0x37: {  	[smem:$0x3FAD] =	sst s10  }
0x38: {  	s10 =	sld [smem:$0x3FAE]  }
0x39: {  	_ = 	snop;
	(pc) =	sbr.ind lr, $3  }
0x3a: {  	_ = 	snop  }
0x3b: {  	_ = 	snop  }
0x3c: {  	p2 =	seq.s32 s10, $0x1;
	s10 =	sld [smem:$0x3FAD]  }
0x3d: {  	_ =	shalt  }
0x3e: {  	_ =	shalt  }
0x3f: {  	_ =	shalt  }
0x40: {  	_ =	shalt  }
0x41: {  	_ =	shalt  }
0x42: {  	_ =	shalt  }
0x43: {  	_ =	shalt  }
0x44: {  	_ =	shalt  }
0x45: {  	_ =	shalt  }
0x46: {  	_ =	shalt  }
0x47: {  	_ =	shalt  }
0x48: {  	_ =	shalt  }
0x49: {  	_ =	shalt  }
0x4a: {  	_ =	shalt  }
0x4b: {  	_ =	shalt  }
0x4c: {  	_ =	shalt  }
0x4d: {  	_ =	shalt  }
0x4e: {  	_ =	shalt  }
0x4f: {  	_ =	shalt  }
0x50: {  	_ =	shalt  }
0x51: {  	_ =	shalt  }
0x52: {  	_ =	shalt  }
0x53: {  	_ =	shalt  }
0x54: {  	_ =	shalt  }
0x55: {  	_ =	shalt  }
0x56: {  	_ =	shalt  }
0x57: {  	_ =	shalt  }
0x58: {  	_ =	shalt  }
0x59: {  	_ =	shalt  }
0x5a: {  	_ =	shalt  }
0x5b: {  	_ =	shalt  }
0x5c: {  	_ =	shalt  }
0x5d: {  	_ =	shalt  }
0x5e: {  	_ =	shalt  }
0x5f: {  	_ =	shalt  }
0x60: {  	_ =	shalt  }
0x61: {  	_ =	shalt  }
0x62: {  	_ =	shalt  }
0x63: {  	_ =	shalt  }
0x64: {  	_ =	shalt  }
0x65: {  	_ =	shalt  }
0x66: {  	_ =	shalt  }
0x67: {  	_ =	shalt  }
0x68: {  	_ =	shalt  }
0x69: {  	_ =	shalt  }
0x6a: {  	_ =	shalt  }
0x6b: {  	_ =	shalt  }
0x6c: {  	_ =	shalt  }
0x6d: {  	_ =	shalt  }
0x6e: {  	_ =	shalt  }
0x6f: {  	_ =	shalt  }
0x70: {  	_ =	shalt  }
0x71: {  	_ =	shalt  }
0x72: {  	_ =	shalt  }
0x73: {  	_ =	shalt  }
0x74: {  	_ =	shalt  }
0x75: {  	_ =	shalt  }
0x76: {  	_ =	shalt  }
0x77: {  	_ =	shalt  }
0x78: {  	_ =	shalt  }
0x79: {  	_ =	shalt  }
0x7a: {  	_ =	shalt  }
0x7b: {  	_ =	shalt  }
0x7c: {  	_ =	shalt  }
0x7d: {  	_ =	shalt  }
0x7e: {  	_ =	shalt  }
0x7f: {  	_ =	shalt  }
0x80: {  	_ =	shalt  }
0x81: {  	_ =	shalt  }
0x82: {  	_ =	shalt  }
0x83: {  	_ =	shalt  }
0x84: {  	_ =	shalt  }
0x85: {  	_ =	shalt  }
0x86: {  	_ =	shalt  }
0x87: {  	_ =	shalt  }
.Lfunc_end0:
.L_simem_size_0:
called_computation.1_lowered:
.L_overlay_start_0:
0x88: {  	s2 =	sld [smem:$0x3FD9]  }
0x89: {  	s3 =	sld [smem:$0x3FFE];
	_ =	sdelay $0x1  }
0x8a: {  	s1 =	srdreg.scid  }
0x8b: {  	s0 =	sand.u32 $0x1, s1  }
0x8c: {  	s17 =	sshll.u32 s0, $0xA;
	s2 =	sadd.s32 s3, s2  }
0x8d: {  	s2 =	sadd.s32 s2, s17  }
0x8e: {  	[smem:$0x3FB9] =	sst s2  }
0x8f: {  	_ = 	snop  }
0x90: {  	s18 =	sld [smem:$0x3FD0];
	(tm) =	ssettm $0x1  }
0x91: {  	s19 =	sld [smem:$0x3FFB];
	_ =	sdelay $0x3  }
0x92: {  	_ =	strace s19  }
0x93: {  	s2 =	sld [smem:$0x3FFC];
	_ =	sdelay $0x3  }
0x94: {  	_ =	strace s2  }
0x95: {  	s2 =	sld [smem:$0x3FFD];
	_ =	sdelay $0x3  }
0x96: {  	_ =	strace s2  }
0x97: {  	_ =	strace $0x8FFFFFFF  }
0x98: {  	s20 =	sld [smem:$0x3FDB];
	_ =	sdelay $0x1  }
0x99: {  	s4 =	simm.s32 $_scs_section_size  }
0x9a: {  	s5 =	simm.s32 $_size__tile_overlayer_lowered;
	s6 =	simm.s32 $_tile_overlayer_lowered  }
0x9b: {  	s7 =	simm.s32 $0x1BFF;
	s21 =	sshll.u32 s6, $0x1;
	s4 =	sadd.s32 s4, s20  }
0x9c: {  	s22 =	simm.s32 $0x0;
	s5 =	sshll.u32 s5, $0x1;
	s6 =	sadd.s32 s21, s4  }
0x9d: {  	[timem:s22], [sflag:s7] =	dma.local [hbm:s6], s5  }
0x9e: {  	_ =	swait.ge [sflag:s7], s5  }
0x9f: {  	s5 =	ssub.s32 $0x0, s5;
	[sflag:s7] =	ssyncset.done $0x0  }
0xa0: {  	[sflag:s7] =	ssyncadd.s32 s5;
	_ =	sdelay $0x1  }
0xa1: {  	s23 =	simm.s32 $0x1B8B  }
0xa2: {  	_ =	swait.ge [sflag:s23], $0x1  }
0xa3: {  	[sflag:s23] =	ssyncset.done $0x0  }
0xa4: {  	[sflag:s23] =	ssyncadd.s32 $0xFFFFFFFF  }
0xa5: {  	s5 =	sld [smem:$0x0]  }
0xa6: {  	s6 =	sand.u32 $0xFFFFFFFE, s1  }
0xa7: {  	p0 =	sne.s32 s1, s6  }
0xa8: {  	s6 =	sshll.u32 @p0 s6, $0xE  }
0xa9: {  	s6 =	sadd.s32 @p0 $0x11B8D, s6;
	s7 =	sshll.u32 @p0 s5, $0x11  }
0xaa: {  	s6 =	sor.u32 @p0 s7, s6  }
0xab: {  	[sflag:s6] =	ssyncadd.remote.s32 @p0 $0x1;
	_ =	sdelay $0x1  }
0xac: {  	s6 =	simm.s32 @p0 $0x1B8D  }
0xad: {  	_ =	swait.eq @p0 [sflag:s6], $0x1  }
0xae: {  	[sflag:s6] =	ssyncadd.s32 @p0 $0xFFFFFFFF  }
0xaf: {  	s7 =	sshll.u32 @!p0 s1, $0xE  }
0xb0: {  	s7 =	sor.u32 @!p0 $0x4000, s7;
	s6 =	simm.s32 @!p0 $0x1B8D  }
0xb1: {  	s5 =	sshll.u32 @!p0 s5, $0x11;
	s7 =	sadd.s32 @!p0 $0x11B8D, s7;
	_ =	swait.eq @!p0 [sflag:s6], $0x1  }
0xb2: {  	s5 =	sor.u32 @!p0 s5, s7;
	[sflag:s6] =	ssyncadd.s32 @!p0 $0xFFFFFFFF  }
0xb3: {  	s25 =	simm.s32 $0x1B8E;
	s24 =	sld [smem:$0x3FFE];
	[sflag:s5] =	ssyncadd.remote.s32 @!p0 $0x1  }
0xb4: {  	s26 =	simm.s32 $execute0_lowered;
	[smem:$0x3FD2] =	sst s25  }
0xb5: {  	s6 =	sshll.u32 s26, $0x1;
	_ =	strace $0x80000049;
	[dreg:$0x1] =	wrdreg $0xFFFFFFFF  }
0xb6: {  	s28 =	simm.s32 $_size_execute0_lowered;
	s4 =	sadd.s32 s4, s6;
	[dreg:$0x0] =	wrdreg $0x0  }
0xb7: {  	s6 =	sshll.u32 s28, $0x1;
	[dreg:$0x2] =	wrdreg s4  }
0xb8: {  	[dreg:$0x3] =	wrdreg s6  }
0xb9: {  	[dreg:$0x4] =	wrdreg $0xC0  }
0xba: {  	_ =	task [dreg:s22], $0x5FFFF  }
0xbb: {  	[dreg:$0x1] =	wrdreg $0xFFFFFFFF  }
0xbc: {  	[dreg:$0x0] =	wrdreg $0x60  }
0xbd: {  	[dreg:$0x2] =	wrdreg s18  }
0xbe: {  	[dreg:$0x3] =	wrdreg s24  }
0xbf: {  	[dreg:$0x4] =	wrdreg $0x9  }
0xc0: {  	_ =	task.clear_ibuf [dreg:s22], $0x5FFFF;
	_ =	strace $0x90000049  }
0xc1: {  	s29 =	simm.s32 $0x9;
	_ =	strace $0x8000004B  }
0xc2: {  	_ =	swait.ge [sflag:s29], $0x1  }
0xc3: {  	[sflag:s29] =	ssyncadd.s32 $0xFFFFFFFF  }
0xc4: {  	_ =	strace $0x9000004B  }
0xc5: {  	_ =	sfence  }
0xc6: {  	s30 =	sld [smem:$0x0];
	_ =	sdelay $0x2  }
0xc7: {  	s31 =	sshll.u32 s1, $0xD;
	s1 =	sshrl.u32 s1, $0x2  }
0xc8: {  	s4 =	sand.u32 $0x4000, s31;
	s1 =	sadd.s32 s1, s30  }
0xc9: {  	s0 =	sor.u32 s4, s0;
	s1 =	sshll.u32 s1, $0x11  }
0xca: {  	s0 =	sor.u32 s1, s0  }
0xcb: {  	s0 =	sadd.s32 $0x8F2B, s0  }
0xcc: {  	[sflag:s0] =	ssyncadd.remote.s32 $0x1  }
0xcd: {  	_ =	sfence.sel $0xFFFF  }
0xce: {  	[dreg:$0x0] =	wrdreg $0xFFFFFFFF;
	(pc) =	sbr.abs _section_cstart, $3  }
0xcf: {  	[dreg:$0x1] =	wrdreg $0xFFFFFFFF  }
0xd0: {  	_ =	task.clear_ibuf [dreg:s22], $0x2FFFF;
	_ =	strace $0x9FFFFFFF  }
0xd1: {  	(tm) =	ssettm $0x7FFFFFFF  }
tec
execute0_lowered:
.L_overlay_start_1:
0x0: {  	(tag) =	ssettag $0x1  }
0x1: {  	s2 =	rddreg [dreg:$0x0];
	s1 =	srdreg.scid  }
0x2: {  	s0 =	stileid.u32;
	s9 =	rddreg [dreg:$0x1]  }
0x3: {  	s3 =	simm.s32 $0x0;
	s15 =	simm.s32 $0x3;
	s16 =	simm.s32 $0x100  }
0x4: {  	s17 =	simm.s32 $0x80;
	s18 =	simm.s32 $0x200;
	s19 =	simm.s32 $0x4200  }
0x5: {  	s20 =	simm.s32 $0x180;
	s21 =	simm.s32 $0x8200;
	s22 =	simm.s32 $0xC200  }
0x6: {  	s23 =	simm.s32 $0x1;
	s24 =	simm.s32 $0x2;
	s25 =	simm.s32 $0x0  }
0x7: {  	s7 =	sand.u32 $0x1, s1;
	s4 =	sshll.u32 s0, $0x1;
	s1 =	rddreg [dreg:$0x2]  }
0x8: {  	[smem:$0x7FF] =	sst s3;
	s5 =	sadd.s32 $0x5000, s9;
	s12 =	sor.u32 s7, s4  }
0x9: {  	s6 =	sadd.s32 $0x36200, s9;
	s10 =	ssub.s32 $0x2, s7;
	s4 =	smul.u32 $0x1400, s12  }
0xa: {  	s8 =	sadd.s32 $0x2C200, s9;
	s9 =	sadd.s32 $0x2CA200, s9;
	s11 =	sshrl.u32 s10, $0x1  }
0xb: {  	_ =	strace $0x8000004A;
	s14 =	ssub.s32 s10, s11;
	s7 =	sadd.s32 $0x28000, s4  }
0xc: {  	s12 =	smul.u32 $0xA0000, s12;
	s14 =	smax.u32 s14, $0x1;
	s13 =	sshrl.u32 s7, $0x3  }
0xd: {  	s10 =	sadd.s32 s6, s13;
	s11 =	sadd.s32 s8, s13;
	s13 =	sadd.s32 $0x28100, s4  }
.LBB2_1:
0xe: {  	[tilespmem:s3], [sflag:$0x3] =	stream.linear.gather [hbm4b:s10+s3], $0x80, $0x38;
	[tilespmem:$0x10200] =	vst v63  }
0xf: {  	_ =	swait.ge [sflag:s15], $0x80  }
0x10: {  	[sflag:s15] =	ssyncset.done $0x0  }
0x11: {  	[sflag:s15] =	ssyncadd.s32 $0xFFFFFF80  }
0x12: {  	[tilespmem:s16], [sflag:$0x3] =	stream.linear.gather [hbm4b:s11+s3], $0x80, $0x38;
	[tilespmem:$0x10200] =	vst v63  }
0x13: {  	_ =	swait.ge [sflag:s15], $0x80  }
0x14: {  	[sflag:s15] =	ssyncset.done $0x0  }
0x15: {  	[sflag:s15] =	ssyncadd.s32 $0xFFFFFF80  }
0x16: {  	[tilespmem:s18], [sflag:$0x1] =	stream.indirect.gather [hbm4b:s2+s17], $0x80, s3, s17, $0xb8;
	[tilespmem:$0x10200] =	vst v63  }
0x17: {  	s26 =	simm.s32 $0x0  }
0x18: {  	[tilespmem:s19], [sflag:$0x1] =	stream.indirect.gather [hbm4b:s5+s17], $0x80, s16, s17, $0xb8;
	[tilespmem:$0x10200] =	vst v63  }
.LBB2_2:
0x19: {  	s28 =	sshll.u32 s26, $0x8  }
0x1a: {  	s28 =	sor.u32 $0x80, s28  }
0x1b: {  	s29 =	sadd.s32 s7, s28  }
0x1c: {  	s29 =	sshrl.u32 s29, $0x3  }
0x1d: {  	s31 =	simm.s32 $0x0;
	s30 =	sadd.s32 s6, s29  }
0x1e: {  	[tilespmem:s17], [sflag:$0x3] =	stream.linear.gather [hbm4b:s30+s31], $0x80, $0x38;
	[tilespmem:$0x10200] =	vst v63  }
0x1f: {  	_ =	swait.ge [sflag:s15], $0x80  }
0x20: {  	[sflag:s15] =	ssyncset.done $0x0  }
0x21: {  	s29 =	sadd.s32 s8, s29;
	[sflag:s15] =	ssyncadd.s32 $0xFFFFFF80  }
0x22: {  	[tilespmem:s20], [sflag:$0x3] =	stream.linear.gather [hbm4b:s29+s31], $0x80, $0x38;
	[tilespmem:$0x10200] =	vst v63  }
0x23: {  	_ =	swait.ge [sflag:s15], $0x80  }
0x24: {  	[sflag:s15] =	ssyncset.done $0x0  }
0x25: {  	[sflag:s15] =	ssyncadd.s32 $0xFFFFFF80  }
0x26: {  	[tilespmem:s21], [sflag:$0x2] =	stream.indirect.gather [hbm4b:s2+s17], $0x80, s17, s17, $0xb8;
	[tilespmem:$0x10200] =	vst v63  }
0x27: {  	_ = 	snop  }
0x28: {  	[tilespmem:s22], [sflag:$0x2] =	stream.indirect.gather [hbm4b:s5+s17], $0x80, s20, s17, $0xb8;
	[tilespmem:$0x10200] =	vst v63  }
0x29: {  	_ =	swait.ge [sflag:s23], $0x4000  }
0x2a: {  	[sflag:s23] =	ssyncset.done $0x0  }
0x2b: {  	[sflag:s23] =	ssyncadd.s32 $0xFFFFC000  }
0x2c: {  	_ =	swait.ge [sflag:s23], $0x4000  }
0x2d: {  	[sflag:s23] =	ssyncset.done $0x0  }
0x2e: {  	s29 =	simm.s32 $0x0;
	[sflag:s23] =	ssyncadd.s32 $0xFFFFC000  }
0x2f: {  	v7 =	vld [tilespmem:s29+$0x4200]  }
0x30: {  	v11 =	vld [tilespmem:s29+$0x4210]  }
0x31: {  	v5 =	vld [tilespmem:s29+$0x4220]  }
0x32: {  	v4 =	vld [tilespmem:s29+$0x4230]  }
0x33: {  	v3 =	vld [tilespmem:s29+$0x4240]  }
0x34: {  	v2 =	vld [tilespmem:s29+$0x4250]  }
0x35: {  	v1 =	vld [tilespmem:s29+$0x4260]  }
0x36: {  	v0 =	vld [tilespmem:s29+$0x4270]  }
0x37: {  	v12 =	vld [tilespmem:s29+$0x200]  }
0x38: {  	v13 =	vld [tilespmem:s29+$0x210]  }
0x39: {  	v10 =	vld [tilespmem:s29+$0x220]  }
0x3a: {  	v9 =	vld [tilespmem:s29+$0x230]  }
0x3b: {  	v8 =	vld [tilespmem:s29+$0x240]  }
0x3c: {  	v6 =	vld [tilespmem:s29+$0x250];
	v12 =	vadd.f32 v7, v12  }
0x3d: {  	s30 =	simm.s32 $0x200;
	v11 =	vadd.f32 v11, v13;
	v7 =	vld [tilespmem:s29+$0x260]  }
.LBB2_3:
0x3e: {  	s31 =	sshra.s32 s30, $0x2;
	p0 =	sne.s32 s30, $0xFE00;
	[tilespmem:s29+$0x200] =	vst v12;
	v5 =	vadd.f32 v5, v10;
	v10 =	vld [tilespmem:s29+$0x270]  }
0x3f: {  	v12 =	vld [tilespmem:s31+$0x4200];
	[tilespmem:s29+$0x210] =	vst v11;
	v4 =	vadd.f32 v4, v9  }
0x40: {  	v11 =	vld [tilespmem:s31+$0x4210];
	[tilespmem:s29+$0x220] =	vst v5;
	v3 =	vadd.f32 v3, v8  }
0x41: {  	v5 =	vld [tilespmem:s31+$0x4220];
	[tilespmem:s29+$0x230] =	vst v4;
	v2 =	vadd.f32 v2, v6  }
0x42: {  	v4 =	vld [tilespmem:s31+$0x4230];
	[tilespmem:s29+$0x240] =	vst v3;
	v1 =	vadd.f32 v1, v7  }
0x43: {  	v3 =	vld [tilespmem:s31+$0x4240];
	[tilespmem:s29+$0x250] =	vst v2;
	v0 =	vadd.f32 v0, v10  }
0x44: {  	v2 =	vld [tilespmem:s31+$0x4250];
	[tilespmem:s29+$0x260] =	vst v1  }
0x45: {  	v1 =	vld [tilespmem:s31+$0x4260];
	[tilespmem:s29+$0x270] =	vst v0;
	s29 =	smov.u32 s31  }
0x46: {  	v0 =	vld [tilespmem:s29+$0x4270]  }
0x47: {  	v6 =	vld [tilespmem:s29+$0x200]  }
0x48: {  	v7 =	vld [tilespmem:s29+$0x210]  }
.Ltmp0:
0x49: {  	v10 =	vld [tilespmem:s29+$0x220];
	(pc) =	sbr.rel @p0 .LBB2_3-.Ltmp0, $4  }
0x4a: {  	v9 =	vld [tilespmem:s29+$0x230]  }
0x4b: {  	v8 =	vld [tilespmem:s29+$0x240]  }
0x4c: {  	v12 =	vadd.f32 v12, v6;
	v6 =	vld [tilespmem:s29+$0x250]  }
0x4d: {  	s30 =	sadd.s32 $0x200, s30;
	v11 =	vadd.f32 v11, v7;
	v7 =	vld [tilespmem:s29+$0x260]  }
0x4e: {  	[tilespmem:s29+$0x200] =	vst v12;
	v5 =	vadd.f32 v5, v10;
	v10 =	vld [tilespmem:s29+$0x270]  }
0x4f: {  	[tilespmem:s29+$0x210] =	vst v11;
	v4 =	vadd.f32 v4, v9  }
0x50: {  	[tilespmem:s29+$0x220] =	vst v5;
	v3 =	vadd.f32 v3, v8  }
0x51: {  	[tilespmem:s29+$0x230] =	vst v4;
	v2 =	vadd.f32 v2, v6  }
0x52: {  	s30 =	sshll.u32 s26, $0xF;
	[tilespmem:s29+$0x240] =	vst v3;
	v1 =	vadd.f32 v1, v7  }
0x53: {  	s30 =	sadd.s32 s12, s30;
	[tilespmem:s29+$0x250] =	vst v2;
	v0 =	vadd.f32 v0, v10  }
0x54: {  	s30 =	sshrl.u32 s30, $0x3;
	[tilespmem:s29+$0x260] =	vst v1  }
0x55: {  	s31 =	simm.s32 $0x0;
	s30 =	sadd.s32 s9, s30;
	[tilespmem:s29+$0x270] =	vst v0;
	s29 =	sshll.u32 s26, $0x1  }
0x56: {  	[hbm4b:s30+s31] =	stream.linear.scatter [tilespmem:s18], [sflag:$0x3], $0x4000, $0x38;
	[tilespmem:$0x10200] =	vst v63  }
0x57: {  	s29 =	smin.u32 s29, $0x24  }
0x58: {  	s29 =	sshll.u32 s29, $0x7  }
0x59: {  	_ =	swait.ge [sflag:s15], $0x4000;
	s29 =	sadd.s32 s29, s13  }
0x5a: {  	[sflag:s15] =	ssyncset.done $0x0;
	s29 =	sshrl.u32 s29, $0x3  }
0x5b: {  	[sflag:s15] =	ssyncadd.s32 $0xFFFFC000;
	s30 =	sadd.s32 s6, s29  }
0x5c: {  	[tilespmem:s31], [sflag:$0x3] =	stream.linear.gather [hbm4b:s30+s31], $0x80, $0x38;
	[tilespmem:$0x10200] =	vst v63  }
0x5d: {  	_ =	swait.ge [sflag:s15], $0x80  }
0x5e: {  	[sflag:s15] =	ssyncset.done $0x0  }
0x5f: {  	s29 =	sadd.s32 s8, s29;
	[sflag:s15] =	ssyncadd.s32 $0xFFFFFF80  }
0x60: {  	[tilespmem:s16], [sflag:$0x3] =	stream.linear.gather [hbm4b:s29+s31], $0x80, $0x38;
	[tilespmem:$0x10200] =	vst v63  }
0x61: {  	_ =	swait.ge [sflag:s15], $0x80  }
0x62: {  	[sflag:s15] =	ssyncset.done $0x0  }
0x63: {  	[sflag:s15] =	ssyncadd.s32 $0xFFFFFF80  }
0x64: {  	[tilespmem:s18], [sflag:$0x1] =	stream.indirect.gather [hbm4b:s2+s17], $0x80, s31, s17, $0xb8;
	[tilespmem:$0x10200] =	vst v63  }
0x65: {  	_ = 	snop  }
0x66: {  	[tilespmem:s19], [sflag:$0x1] =	stream.indirect.gather [hbm4b:s5+s17], $0x80, s16, s17, $0xb8;
	[tilespmem:$0x10200] =	vst v63  }
0x67: {  	_ =	swait.ge [sflag:s24], $0x4000  }
0x68: {  	[sflag:s24] =	ssyncset.done $0x0  }
0x69: {  	[sflag:s24] =	ssyncadd.s32 $0xFFFFC000  }
0x6a: {  	_ =	swait.ge [sflag:s24], $0x4000  }
0x6b: {  	[sflag:s24] =	ssyncset.done $0x0  }
0x6c: {  	s29 =	simm.s32 $0x0;
	[sflag:s24] =	ssyncadd.s32 $0xFFFFC000  }
0x6d: {  	v7 =	vld [tilespmem:s29+$0xC200]  }
0x6e: {  	v11 =	vld [tilespmem:s29+$0xC210]  }
0x6f: {  	v5 =	vld [tilespmem:s29+$0xC220]  }
0x70: {  	v4 =	vld [tilespmem:s29+$0xC230]  }
0x71: {  	v3 =	vld [tilespmem:s29+$0xC240]  }
0x72: {  	v2 =	vld [tilespmem:s29+$0xC250]  }
0x73: {  	v1 =	vld [tilespmem:s29+$0xC260]  }
0x74: {  	v0 =	vld [tilespmem:s29+$0xC270]  }
0x75: {  	v12 =	vld [tilespmem:s29+$0x8200]  }
0x76: {  	v13 =	vld [tilespmem:s29+$0x8210]  }
0x77: {  	v10 =	vld [tilespmem:s29+$0x8220]  }
0x78: {  	v9 =	vld [tilespmem:s29+$0x8230]  }
0x79: {  	v8 =	vld [tilespmem:s29+$0x8240]  }
0x7a: {  	v6 =	vld [tilespmem:s29+$0x8250];
	v12 =	vadd.f32 v7, v12  }
0x7b: {  	s30 =	simm.s32 $0x200;
	v11 =	vadd.f32 v11, v13;
	v7 =	vld [tilespmem:s29+$0x8260]  }
.LBB2_5:
0x7c: {  	s31 =	sshra.s32 s30, $0x2;
	p0 =	sne.s32 s30, $0xFE00;
	[tilespmem:s29+$0x8200] =	vst v12;
	v5 =	vadd.f32 v5, v10;
	v10 =	vld [tilespmem:s29+$0x8270]  }
0x7d: {  	v12 =	vld [tilespmem:s31+$0xC200];
	[tilespmem:s29+$0x8210] =	vst v11;
	v4 =	vadd.f32 v4, v9  }
0x7e: {  	v11 =	vld [tilespmem:s31+$0xC210];
	[tilespmem:s29+$0x8220] =	vst v5;
	v3 =	vadd.f32 v3, v8  }
0x7f: {  	v5 =	vld [tilespmem:s31+$0xC220];
	[tilespmem:s29+$0x8230] =	vst v4;
	v2 =	vadd.f32 v2, v6  }
0x80: {  	v4 =	vld [tilespmem:s31+$0xC230];
	[tilespmem:s29+$0x8240] =	vst v3;
	v1 =	vadd.f32 v1, v7  }
0x81: {  	v3 =	vld [tilespmem:s31+$0xC240];
	[tilespmem:s29+$0x8250] =	vst v2;
	v0 =	vadd.f32 v0, v10  }
0x82: {  	v2 =	vld [tilespmem:s31+$0xC250];
	[tilespmem:s29+$0x8260] =	vst v1  }
0x83: {  	v1 =	vld [tilespmem:s31+$0xC260];
	[tilespmem:s29+$0x8270] =	vst v0;
	s29 =	smov.u32 s31  }
0x84: {  	v0 =	vld [tilespmem:s29+$0xC270]  }
0x85: {  	v6 =	vld [tilespmem:s29+$0x8200]  }
0x86: {  	v7 =	vld [tilespmem:s29+$0x8210]  }
.Ltmp1:
0x87: {  	v10 =	vld [tilespmem:s29+$0x8220];
	(pc) =	sbr.rel @p0 .LBB2_5-.Ltmp1, $4  }
0x88: {  	v9 =	vld [tilespmem:s29+$0x8230]  }
0x89: {  	v8 =	vld [tilespmem:s29+$0x8240]  }
0x8a: {  	v12 =	vadd.f32 v12, v6;
	v6 =	vld [tilespmem:s29+$0x8250]  }
0x8b: {  	s30 =	sadd.s32 $0x200, s30;
	v11 =	vadd.f32 v11, v7;
	v7 =	vld [tilespmem:s29+$0x8260]  }
0x8c: {  	[tilespmem:s29+$0x8200] =	vst v12;
	v5 =	vadd.f32 v5, v10;
	v63 =	vld [tilespmem:s29+$0x8270]  }
0x8d: {  	[tilespmem:s29+$0x8210] =	vst v11;
	v4 =	vadd.f32 v4, v9  }
0x8e: {  	[tilespmem:s29+$0x8220] =	vst v5;
	v3 =	vadd.f32 v3, v8  }
0x8f: {  	[tilespmem:s29+$0x8230] =	vst v4;
	v2 =	vadd.f32 v2, v6  }
0x90: {  	[tilespmem:s29+$0x8240] =	vst v3;
	v1 =	vadd.f32 v1, v7  }
0x91: {  	s28 =	sadd.s32 s4, s28;
	s26 =	sadd.s32 $0x1, s26;
	[tilespmem:s29+$0x8250] =	vst v2;
	v0 =	vadd.f32 v0, v63  }
0x92: {  	s28 =	sshll.u32 s28, $0x4;
	p0 =	sne.s32 s26, $0x14;
	[tilespmem:s29+$0x8260] =	vst v1  }
.Ltmp2:
0x93: {  	s28 =	sadd.s32 s9, s28;
	[tilespmem:s29+$0x8270] =	vst v0;
	(pc) =	sbr.rel @p0 .LBB2_2-.Ltmp2, $4  }
0x94: {  	[hbm4b:s28+s3] =	stream.linear.scatter [tilespmem:s21], [sflag:$0x3], $0x4000, $0x38;
	[tilespmem:$0x10200] =	vst v63  }
0x95: {  	_ =	swait.ge [sflag:s15], $0x4000  }
0x96: {  	[sflag:s15] =	ssyncset.done $0x0  }
0x97: {  	[sflag:s15] =	ssyncadd.s32 $0xFFFFC000  }
0x98: {  	s25 =	sadd.s32 $0x1, s25  }
0x99: {  	_ =	swait.ge [sflag:s23], $0x4000;
	p0 =	sne.s32 s25, s14  }
.Ltmp3:
0x9a: {  	[sflag:s23] =	ssyncset.done $0x0;
	(pc) =	sbr.rel @p0 .LBB2_1-.Ltmp3, $4  }
0x9b: {  	[sflag:s23] =	ssyncadd.s32 $0xFFFFC000  }
0x9c: {  	_ =	swait.ge [sflag:s23], $0x4000  }
0x9d: {  	[sflag:s23] =	ssyncset.done $0x0  }
0x9e: {  	[sflag:s23] =	ssyncadd.s32 $0xFFFFC000  }
0x9f: {  	_ =	sfence.sel $0x180000  }
0xa0: {  	[bflag:$0x0] =	sbarrier.arrive $0xFFFF  }
0xa1: {  	p0 =	sne.s32 s0, $0x0;
	_ =	strace $0x9000004A  }
0xa2: {  	s0 =	sadd.s32 @!p0 $0x100000, s1;
	[bflag:$0x2] =	sbarrier.arrive $0xFFFF  }
0xa3: {  	[sflag:s0] =	ssyncadd.tile.s32 @!p0 $0x1;
	_ =	shalt  }
.Lfunc_end2:
_tile_overlayer_lowered:
.L_overlay_start_2:
0xa4: {  	(tag) =	ssettag $0x2  }
0xa5: {  	s0 =	rddreg [dreg:$0x0];
	s2 =	stileid.u32  }
0xa6: {  	s1 =	rddreg [dreg:$0x1];
	p0 =	sne.s32 s2, $0x0  }
0xa7: {  	s3 =	rddreg [dreg:$0x2];
	[bflag:$0x3] =	sbarrier.arrive $0xFFFF;
	s2 =	simm.s32 @!p0 $0x1C03  }
0xa8: {  	[timem:s3], [sflag:s2] =	dma.local @!p0 [hbm:s0], s1  }
0xa9: {  	s0 =	simm.s32 @!p0 $0x3  }
0xaa: {  	_ =	swait.ge @!p0 [sflag:s0], s1  }
0xab: {  	s1 =	ssub.s32 @!p0 $0x0, s1;
	[sflag:s0] =	ssyncset.done @!p0 $0x0  }
0xac: {  	[sflag:s0] =	ssyncadd.s32 @!p0 s1  }
0xad: {  	[bflag:$0x3] =	sbarrier.arrive $0xFFFF  }
0xae: {  	_ =	shalt  }

// kernel: kernel.16.cloned.1.call-start
scs
__scs_entry_jumppad:
0x0: {  	(pc) =	sbr.rel $0x88, $3  }
0x1: {  	(tag) =	ssettag $0x0;
	lr =	simm.s32 $0x1  }
0x2: {  	[smem:$0x3F92] =	sst lr;
	_ =	strace $0xD0000000  }
0x3: {  	_ = 	snop  }
0x4: {  	_ = 	snop  }
0x5: {  	_ = 	snop  }
0x6: {  	_ = 	snop  }
0x7: {  	_ = 	snop  }
__scs_overlays_trampoline_lowered:
0x8: {  	[smem:$0x3FA1] =	sst s0  }
0x9: {  	[smem:$0x3FA2] =	sst s1  }
0xa: {  	[smem:$0x3FA3] =	sst s2  }
0xb: {  	[smem:$0x3FA4] =	sst s3  }
0xc: {  	[smem:$0x3FA5] =	sst s4  }
0xd: {  	[smem:$0x3FA6] =	sst s5  }
0xe: {  	[smem:$0x3FA7] =	sst s6  }
0xf: {  	[smem:$0x3FA8] =	sst s7  }
0x10: {  	[smem:$0x3FA9] =	sst s8  }
0x11: {  	[smem:$0x3FAA] =	sst s9;
	s0 =	simm.s32 @!p0 $0x0  }
0x12: {  	s1 =	sld [smem:$0x3F90];
	s0 =	simm.s32 @p0 $0x1  }
0x13: {  	[smem:$0x3FAB] =	sst s0;
	s0 =	simm.s32 @!p1 $0x0  }
0x14: {  	s2 =	sld [smem:$0x3F8F];
	s0 =	simm.s32 @p1 $0x1  }
0x15: {  	[smem:$0x3FAC] =	sst s0;
	s0 =	simm.s32 @!p2 $0x0  }
0x16: {  	s3 =	sld [smem:$0x3FDB];
	s0 =	simm.s32 @p2 $0x1  }
0x17: {  	s4 =	simm.s32 $0x1BF5;
	[smem:$0x3FAE] =	sst s0  }
0x18: {  	s0 =	sld [smem:$0x3F91];
	_ =	swait.ge [sflag:s4], $0x0  }
0x19: {  	s7 =	sld [smem:$0x3F92]  }
0x1a: {  	s8 =	sadd.s32 $0xFFFFE003, lr  }
0x1b: {  	s9 =	sadd.s32 $0xFFFFFEF7, lr;
	s5 =	simm.s32 $0xFFFFFFFF;
	p2 =	slt.u32 s8, $0xFFFFF086  }
0x1c: {  	p1 =	slt.u32 s9, $0xF7A;
	s5 =	simm.s32 @!p2 $0x0  }
0x1d: {  	s5 =	simm.s32 @p1 $0x1;
	p0 =	seq.s32 s7, s2  }
0x1e: {  	s7 =	smul.u32 @!p0 $0xF7A, s2;
	p2 =	seq.s32 @!p0 s5, $0x0  }
0x1f: {  	s9 =	smul.u32 $0xF7A, s1;
	s8 =	simm.s32 @!p0 $0x1BF5;
	p2 =	por !p2, p0  }
0x20: {  	[sflag:s8] =	ssyncset.s32 @!p0 $0xFFFFF086;
	s6 =	sadd.s32 @!p0 s3, s7;
	s7 =	simm.s32 @!p0 $0x108  }
0x21: {  	s3 =	sadd.s32 s3, s9;
	s6 =	sadd.s32 @!p0 $0x88, s6;
	s7 =	simm.s32 @p2 $0x1082  }
0x22: {  	[simem:s7], [sflag:s8] =	dma.local @!p0 [hbm:s6], $0xF7A  }
0x23: {  	s9 =	sor.u32 $0xD0000000, s2;
	s6 =	simm.s32 $0x108;
	_ =	swait.ge @!p0 [sflag:s8], $0x0  }
0x24: {  	s3 =	sadd.s32 $0x88, s3;
	s6 =	simm.s32 @!p1 $0x1082;
	[sflag:s4] =	ssyncset.s32 $0xFFFFF086  }
0x25: {  	[simem:s6], [sflag:s4] =	dma.local [hbm:s3], $0xF7A  }
0x26: {  	[smem:$0x3F92] =	sst s1;
	(tag) =	ssettag s2;
	_ =	strace s9  }
0x27: {  	s1 =	sld [smem:$0x3FA2]  }
0x28: {  	s2 =	sld [smem:$0x3FA3]  }
0x29: {  	s4 =	sld [smem:$0x3FA5]  }
0x2a: {  	p0 =	seq.s32 s5, $0x0;
	s5 =	sld [smem:$0x3FA6]  }
0x2b: {  	s6 =	sld [smem:$0x3FA7]  }
0x2c: {  	s7 =	sld [smem:$0x3FA8]  }
0x2d: {  	s3 =	simm.s32 $0x108;
	s8 =	sld [smem:$0x3FA9]  }
0x2e: {  	s3 =	simm.s32 @!p0 $0x1082;
	s9 =	sld [smem:$0x3FAA]  }
0x2f: {  	lr =	sadd.s32 s0, s3;
	s0 =	sld [smem:$0x3FA1]  }
0x30: {  	s3 =	sld [smem:$0x3FA4]  }
0x31: {  	[smem:$0x3FAD] =	sst s10  }
0x32: {  	s10 =	sld [smem:$0x3FAB];
	_ =	sdelay $0x3  }
0x33: {  	p0 =	seq.s32 s10, $0x1;
	s10 =	sld [smem:$0x3FAD];
	_ =	sdelay $0x3  }
0x34: {  	[smem:$0x3FAD] =	sst s10  }
0x35: {  	s10 =	sld [smem:$0x3FAC];
	_ =	sdelay $0x3  }
0x36: {  	p1 =	seq.s32 s10, $0x1;
	s10 =	sld [smem:$0x3FAD];
	_ =	sdelay $0x3  }
0x37: {  	[smem:$0x3FAD] =	sst s10  }
0x38: {  	s10 =	sld [smem:$0x3FAE]  }
0x39: {  	_ = 	snop;
	(pc) =	sbr.ind lr, $3  }
0x3a: {  	_ = 	snop  }
0x3b: {  	_ = 	snop  }
0x3c: {  	p2 =	seq.s32 s10, $0x1;
	s10 =	sld [smem:$0x3FAD]  }
0x3d: {  	_ =	shalt  }
0x3e: {  	_ =	shalt  }
0x3f: {  	_ =	shalt  }
0x40: {  	_ =	shalt  }
0x41: {  	_ =	shalt  }
0x42: {  	_ =	shalt  }
0x43: {  	_ =	shalt  }
0x44: {  	_ =	shalt  }
0x45: {  	_ =	shalt  }
0x46: {  	_ =	shalt  }
0x47: {  	_ =	shalt  }
0x48: {  	_ =	shalt  }
0x49: {  	_ =	shalt  }
0x4a: {  	_ =	shalt  }
0x4b: {  	_ =	shalt  }
0x4c: {  	_ =	shalt  }
0x4d: {  	_ =	shalt  }
0x4e: {  	_ =	shalt  }
0x4f: {  	_ =	shalt  }
0x50: {  	_ =	shalt  }
0x51: {  	_ =	shalt  }
0x52: {  	_ =	shalt  }
0x53: {  	_ =	shalt  }
0x54: {  	_ =	shalt  }
0x55: {  	_ =	shalt  }
0x56: {  	_ =	shalt  }
0x57: {  	_ =	shalt  }
0x58: {  	_ =	shalt  }
0x59: {  	_ =	shalt  }
0x5a: {  	_ =	shalt  }
0x5b: {  	_ =	shalt  }
0x5c: {  	_ =	shalt  }
0x5d: {  	_ =	shalt  }
0x5e: {  	_ =	shalt  }
0x5f: {  	_ =	shalt  }
0x60: {  	_ =	shalt  }
0x61: {  	_ =	shalt  }
0x62: {  	_ =	shalt  }
0x63: {  	_ =	shalt  }
0x64: {  	_ =	shalt  }
0x65: {  	_ =	shalt  }
0x66: {  	_ =	shalt  }
0x67: {  	_ =	shalt  }
0x68: {  	_ =	shalt  }
0x69: {  	_ =	shalt  }
0x6a: {  	_ =	shalt  }
0x6b: {  	_ =	shalt  }
0x6c: {  	_ =	shalt  }
0x6d: {  	_ =	shalt  }
0x6e: {  	_ =	shalt  }
0x6f: {  	_ =	shalt  }
0x70: {  	_ =	shalt  }
0x71: {  	_ =	shalt  }
0x72: {  	_ =	shalt  }
0x73: {  	_ =	shalt  }
0x74: {  	_ =	shalt  }
0x75: {  	_ =	shalt  }
0x76: {  	_ =	shalt  }
0x77: {  	_ =	shalt  }
0x78: {  	_ =	shalt  }
0x79: {  	_ =	shalt  }
0x7a: {  	_ =	shalt  }
0x7b: {  	_ =	shalt  }
0x7c: {  	_ =	shalt  }
0x7d: {  	_ =	shalt  }
0x7e: {  	_ =	shalt  }
0x7f: {  	_ =	shalt  }
0x80: {  	_ =	shalt  }
0x81: {  	_ =	shalt  }
0x82: {  	_ =	shalt  }
0x83: {  	_ =	shalt  }
0x84: {  	_ =	shalt  }
0x85: {  	_ =	shalt  }
0x86: {  	_ =	shalt  }
0x87: {  	_ =	shalt  }
.Lfunc_end0:
.L_simem_size_0:
called_computation.2_lowered:
.L_overlay_start_0:
0x88: {  	s2 =	sld [smem:$0x3FD9]  }
0x89: {  	s3 =	sld [smem:$0x3FFE];
	_ =	sdelay $0x1  }
0x8a: {  	s1 =	srdreg.scid  }
0x8b: {  	s0 =	sand.u32 $0x1, s1  }
0x8c: {  	s17 =	sshll.u32 s0, $0xA;
	s2 =	sadd.s32 s3, s2  }
0x8d: {  	s2 =	sadd.s32 s2, s17  }
0x8e: {  	[smem:$0x3FB9] =	sst s2  }
0x8f: {  	_ = 	snop  }
0x90: {  	(tm) =	ssettm $0x1  }
0x91: {  	s18 =	sld [smem:$0x3FFB];
	_ =	sdelay $0x3  }
0x92: {  	_ =	strace s18  }
0x93: {  	s2 =	sld [smem:$0x3FFC];
	_ =	sdelay $0x3  }
0x94: {  	_ =	strace s2  }
0x95: {  	s2 =	sld [smem:$0x3FFD];
	_ =	sdelay $0x3  }
0x96: {  	_ =	strace s2  }
0x97: {  	_ =	strace $0x8FFFFFFF  }
0x98: {  	s19 =	sld [smem:$0x3FDB];
	_ =	sdelay $0x1  }
0x99: {  	s20 =	simm.s32 $_scs_section_size  }
0x9a: {  	s4 =	simm.s32 $_size__tile_overlayer_lowered;
	s5 =	simm.s32 $_tile_overlayer_lowered  }
0x9b: {  	s6 =	simm.s32 $0x1BFF;
	s21 =	sshll.u32 s5, $0x1;
	s3 =	sadd.s32 s20, s19  }
0x9c: {  	s22 =	simm.s32 $0x0;
	s4 =	sshll.u32 s4, $0x1;
	s5 =	sadd.s32 s21, s3  }
0x9d: {  	[timem:s22], [sflag:s6] =	dma.local [hbm:s5], s4  }
0x9e: {  	_ =	swait.ge [sflag:s6], s4  }
0x9f: {  	s4 =	ssub.s32 $0x0, s4;
	[sflag:s6] =	ssyncset.done $0x0  }
0xa0: {  	[sflag:s6] =	ssyncadd.s32 s4;
	_ =	sdelay $0x1  }
0xa1: {  	s23 =	simm.s32 $0x1B8B  }
0xa2: {  	_ =	swait.ge [sflag:s23], $0x1  }
0xa3: {  	[sflag:s23] =	ssyncset.done $0x0  }
0xa4: {  	[sflag:s23] =	ssyncadd.s32 $0xFFFFFFFF  }
0xa5: {  	s4 =	sld [smem:$0x0]  }
0xa6: {  	s5 =	sand.u32 $0xFFFFFFFE, s1  }
0xa7: {  	p0 =	sne.s32 s1, s5  }
0xa8: {  	s5 =	sshll.u32 @p0 s5, $0xE  }
0xa9: {  	s5 =	sadd.s32 @p0 $0x11B8D, s5;
	s6 =	sshll.u32 @p0 s4, $0x11  }
0xaa: {  	s5 =	sor.u32 @p0 s6, s5  }
0xab: {  	[sflag:s5] =	ssyncadd.remote.s32 @p0 $0x1;
	_ =	sdelay $0x1  }
0xac: {  	s5 =	simm.s32 @p0 $0x1B8D  }
0xad: {  	_ =	swait.eq @p0 [sflag:s5], $0x1  }
0xae: {  	[sflag:s5] =	ssyncadd.s32 @p0 $0xFFFFFFFF  }
0xaf: {  	s6 =	sshll.u32 @!p0 s1, $0xE  }
0xb0: {  	s6 =	sor.u32 @!p0 $0x4000, s6;
	s5 =	simm.s32 @!p0 $0x1B8D  }
0xb1: {  	s4 =	sshll.u32 @!p0 s4, $0x11;
	s6 =	sadd.s32 @!p0 $0x11B8D, s6;
	_ =	swait.eq @!p0 [sflag:s5], $0x1  }
0xb2: {  	s4 =	sor.u32 @!p0 s4, s6;
	[sflag:s5] =	ssyncadd.s32 @!p0 $0xFFFFFFFF  }
0xb3: {  	s25 =	simm.s32 $0x1B8E;
	s24 =	sld [smem:$0x3FFE];
	[sflag:s4] =	ssyncadd.remote.s32 @!p0 $0x1  }
0xb4: {  	s26 =	simm.s32 $execute0_lowered;
	[smem:$0x3FD2] =	sst s25  }
0xb5: {  	s5 =	sshll.u32 s26, $0x1;
	_ =	strace $0x8000004C;
	[dreg:$0x1] =	wrdreg $0xFFFFFFFF  }
0xb6: {  	s28 =	simm.s32 $_size_execute0_lowered;
	s3 =	sadd.s32 s3, s5;
	[dreg:$0x0] =	wrdreg $0x0  }
0xb7: {  	s5 =	sshll.u32 s28, $0x1;
	[dreg:$0x2] =	wrdreg s3  }
0xb8: {  	[dreg:$0x3] =	wrdreg s5  }
0xb9: {  	[dreg:$0x4] =	wrdreg $0xC0  }
0xba: {  	_ =	task [dreg:s22], $0x5FFFF  }
0xbb: {  	[dreg:$0x1] =	wrdreg $0xFFFFFFFF  }
0xbc: {  	[dreg:$0x0] =	wrdreg $0x60  }
0xbd: {  	[dreg:$0x2] =	wrdreg s24  }
0xbe: {  	[dreg:$0x3] =	wrdreg $0x81000  }
0xbf: {  	[dreg:$0x4] =	wrdreg $0xA  }
0xc0: {  	_ =	task.clear_ibuf [dreg:s22], $0x5FFFF;
	_ =	strace $0x9000004C  }
0xc1: {  	s29 =	simm.s32 $0xA;
	_ =	strace $0x8000004E  }
0xc2: {  	_ =	swait.ge [sflag:s29], $0x1  }
0xc3: {  	[sflag:s29] =	ssyncadd.s32 $0xFFFFFFFF  }
0xc4: {  	_ =	strace $0x9000004E  }
0xc5: {  	_ =	sfence  }
0xc6: {  	s30 =	sld [smem:$0x0];
	_ =	sdelay $0x2  }
0xc7: {  	s31 =	sshll.u32 s1, $0xD;
	s1 =	sshrl.u32 s1, $0x2  }
0xc8: {  	s4 =	sand.u32 $0x4000, s31;
	s1 =	sadd.s32 s1, s30  }
0xc9: {  	s0 =	sor.u32 s4, s0;
	s1 =	sshll.u32 s1, $0x11  }
0xca: {  	s0 =	sor.u32 s1, s0  }
0xcb: {  	s0 =	sadd.s32 $0x8F2B, s0  }
0xcc: {  	[sflag:s0] =	ssyncadd.remote.s32 $0x1  }
0xcd: {  	_ =	sfence.sel $0xFFFF  }
0xce: {  	[dreg:$0x0] =	wrdreg $0xFFFFFFFF;
	(pc) =	sbr.abs _section_cstart, $3  }
0xcf: {  	[dreg:$0x1] =	wrdreg $0xFFFFFFFF  }
0xd0: {  	_ =	task.clear_ibuf [dreg:s22], $0x2FFFF;
	_ =	strace $0x9FFFFFFF  }
0xd1: {  	(tm) =	ssettm $0x7FFFFFFF  }
tec
execute0_lowered:
.L_overlay_start_1:
0x0: {  	(tag) =	ssettag $0x1  }
0x1: {  	s0 =	rddreg [dreg:$0x0]  }
0x2: {  	s2 =	rddreg [dreg:$0x1];
	s11 =	stileid.u32  }
0x3: {  	s3 =	simm.s32 $0x0;
	s1 =	srdreg.scid;
	s10 =	smul.u32 $0x50000, s11  }
0x4: {  	s28 =	simm.s32 $0x3;
	s29 =	simm.s32 $0x80;
	s25 =	smul.u32 $0x14000, s11  }
0x5: {  	s30 =	simm.s32 $0x4100;
	s31 =	simm.s32 $0x1;
	s17 =	smul.u32 $0x28000, s11  }
0x6: {  	[smem:$0x7FF] =	sst s3;
	s1 =	sand.u32 $0x1, s1;
	s19 =	smul.u32 $0x2800, s11  }
0x7: {  	s4 =	sshll.u32 s11, $0x1;
	s5 =	sadd.s32 $0x40200, s0;
	s16 =	smul.u32 $0x140000, s1  }
0x8: {  	_ =	strace $0x8000004D;
	s6 =	sor.u32 s1, s4;
	s18 =	smul.u32 $0x14000, s1  }
0x9: {  	s4 =	sadd.s32 $0x54A200, s0;
	s7 =	ssub.s32 $0x2, s1;
	s1 =	smul.u32 $0x1400, s1  }
0xa: {  	s0 =	sadd.s32 $0x7CA200, s0;
	s8 =	smul.u32 $0x1400, s6;
	s9 =	sshrl.u32 s7, $0x1  }
0xb: {  	s22 =	smul.u32 $0x14000, s6;
	s23 =	sshrl.u32 s10, $0x2;
	s12 =	sadd.s32 $0x4000, s25  }
0xc: {  	s21 =	sadd.s32 $0x8000, s25;
	s20 =	sadd.s32 s17, s4;
	s7 =	ssub.s32 s7, s9  }
0xd: {  	s6 =	sadd.s32 s23, s2;
	s13 =	sadd.s32 s16, s12;
	s14 =	sadd.s32 s16, s21  }
0xe: {  	s1 =	sadd.s32 s1, s19;
	s21 =	sadd.s32 s21, s2;
	s24 =	sshrl.u32 s8, $0x3  }
0xf: {  	s9 =	sadd.s32 s4, s22;
	s7 =	smax.u32 s7, $0x1;
	s26 =	sadd.s32 $0x4000, s6  }
0x10: {  	s22 =	sshrl.u32 s13, $0x3;
	s23 =	sshrl.u32 s14, $0x3;
	s17 =	sadd.s32 $0x8000, s6  }
0x11: {  	s19 =	sadd.s32 $0x10000, s6;
	s1 =	sor.u32 $0x80, s1;
	[dreg:$0x4] =	wrdreg s9  }
0x12: {  	s10 =	sadd.s32 s5, s24;
	s9 =	sor.u32 $0x100, s8;
	[dreg:$0x5] =	wrdreg s7  }
0x13: {  	[dreg:$0x6] =	wrdreg s26;
	s8 =	sadd.s32 s16, s25;
	s13 =	sadd.s32 s0, s22  }
0x14: {  	s22 =	sadd.s32 $0xC000, s25;
	s14 =	sadd.s32 s0, s23;
	s26 =	sadd.s32 s18, s20  }
0x15: {  	s18 =	sadd.s32 $0xC000, s6;
	s20 =	sadd.s32 s12, s2;
	s1 =	sshrl.u32 s1, $0x3  }
0x16: {  	[dreg:$0x3] =	wrdreg s10;
	s7 =	sshrl.u32 s8, $0x3;
	s24 =	sadd.s32 s16, s22  }
0x17: {  	s10 =	sadd.s32 $0x10000, s25;
	s22 =	sadd.s32 s22, s2;
	s8 =	sadd.s32 $0x800, s26  }
0x18: {  	s26 =	simm.s32 $0x100;
	s7 =	sadd.s32 s0, s7;
	s25 =	sadd.s32 s16, s10  }
0x19: {  	s23 =	sadd.s32 s10, s2;
	[dreg:$0x7] =	wrdreg s7;
	s7 =	sshrl.u32 s24, $0x3  }
0x1a: {  	s10 =	sadd.s32 s1, s5;
	s15 =	sadd.s32 s0, s7;
	s7 =	sshrl.u32 s25, $0x3  }
0x1b: {  	v0 =	vimm.f32 $0.0e+00;
	s1 =	simm.s32 $0x0;
	s16 =	sadd.s32 s0, s7;
	s0 =	simm.s32 $0x2  }
.LBB2_1:
0x1c: {  	s7 =	simm.s32 $0x0;
	s24 =	simm.s32 $0x200  }
.LBB2_2:
0x1d: {  	p0 =	sne.s32 s24, $0xFE00;
	[tilespmem:s7+$0x170] =	vst v0  }
0x1e: {  	[tilespmem:s7+$0x100] =	vst v0  }
0x1f: {  	[tilespmem:s7+$0x110] =	vst v0  }
.Ltmp0:
0x20: {  	[tilespmem:s7+$0x120] =	vst v0;
	(pc) =	sbr.rel @p0 .LBB2_2-.Ltmp0, $4  }
0x21: {  	[tilespmem:s7+$0x130] =	vst v0  }
0x22: {  	[tilespmem:s7+$0x140] =	vst v0  }
0x23: {  	[tilespmem:s7+$0x150] =	vst v0  }
0x24: {  	[tilespmem:s7+$0x160] =	vst v0;
	s7 =	sshra.s32 s24, $0x2;
	s24 =	sadd.s32 $0x200, s24  }
0x25: {  	[tilespmem:s7+$0x170] =	vst v0  }
0x26: {  	[tilespmem:s7+$0x100] =	vst v0  }
0x27: {  	[tilespmem:s7+$0x110] =	vst v0  }
0x28: {  	[tilespmem:s7+$0x120] =	vst v0  }
0x29: {  	[tilespmem:s7+$0x130] =	vst v0  }
0x2a: {  	[tilespmem:s7+$0x140] =	vst v0  }
0x2b: {  	[tilespmem:s7+$0x150] =	vst v0  }
0x2c: {  	[tilespmem:s7+$0x160] =	vst v0  }
0x2d: {  	[spmem:s6] =	stream.linear.scatter [tilespmem:s26], [sflag:$0x3], $0x4000, $0x38;
	[tilespmem:$0x1C100] =	vst v63  }
0x2e: {  	_ =	swait.ge [sflag:s28], $0x4000  }
0x2f: {  	[sflag:s28] =	ssyncset.done $0x0  }
0x30: {  	s12 =	rddreg [dreg:$0x6];
	[sflag:s28] =	ssyncadd.s32 $0xFFFFC000  }
0x31: {  	[spmem:s12] =	stream.linear.scatter [tilespmem:s26], [sflag:$0x3], $0x4000, $0x38;
	[tilespmem:$0x1C100] =	vst v63  }
0x32: {  	_ =	swait.ge [sflag:s28], $0x4000  }
0x33: {  	[sflag:s28] =	ssyncset.done $0x0  }
0x34: {  	[sflag:s28] =	ssyncadd.s32 $0xFFFFC000  }
0x35: {  	[spmem:s17] =	stream.linear.scatter [tilespmem:s26], [sflag:$0x3], $0x4000, $0x38;
	[tilespmem:$0x1C100] =	vst v63  }
0x36: {  	_ =	swait.ge [sflag:s28], $0x4000  }
0x37: {  	[sflag:s28] =	ssyncset.done $0x0  }
0x38: {  	[sflag:s28] =	ssyncadd.s32 $0xFFFFC000  }
0x39: {  	[spmem:s18] =	stream.linear.scatter [tilespmem:s26], [sflag:$0x3], $0x4000, $0x38;
	[tilespmem:$0x1C100] =	vst v63  }
0x3a: {  	_ =	swait.ge [sflag:s28], $0x4000  }
0x3b: {  	[sflag:s28] =	ssyncset.done $0x0  }
0x3c: {  	[sflag:s28] =	ssyncadd.s32 $0xFFFFC000  }
0x3d: {  	[spmem:s19] =	stream.linear.scatter [tilespmem:s26], [sflag:$0x3], $0x4000, $0x38;
	[tilespmem:$0x1C100] =	vst v63  }
0x3e: {  	_ =	swait.ge [sflag:s28], $0x4000  }
0x3f: {  	[sflag:s28] =	ssyncset.done $0x0  }
0x40: {  	[sflag:s28] =	ssyncadd.s32 $0xFFFFC000  }
0x41: {  	[bflag:$0x0] =	sbarrier.arrive $0xFFFF  }
0x42: {  	s24 =	simm.s32 $0x0;
	s11 =	rddreg [dreg:$0x3]  }
0x43: {  	[tilespmem:s24], [sflag:$0x1] =	stream.linear.gather [hbm4b:s11+s24], $0x80, $0x38;
	[tilespmem:$0x1C100] =	vst v63  }
0x44: {  	s25 =	rddreg [dreg:$0x4]  }
0x45: {  	[tilespmem:s26], [sflag:$0x1] =	stream.linear.gather [hbm4b:s25+s24], $0x4000, $0x38;
	[tilespmem:$0x1C100] =	vst v63  }
0x46: {  	_ = 	snop  }
0x47: {  	[tilespmem:s29], [sflag:$0x2] =	stream.linear.gather [hbm4b:s10+s3], $0x80, $0x38;
	[tilespmem:$0x1C100] =	vst v63  }
0x48: {  	_ = 	snop  }
0x49: {  	[tilespmem:s30], [sflag:$0x2] =	stream.linear.gather [hbm4b:s8+s3], $0x4000, $0x38;
	[tilespmem:$0x1C100] =	vst v63  }
0x4a: {  	_ =	swait.ge [sflag:s31], $0x80  }
0x4b: {  	[sflag:s31] =	ssyncset.done $0x0  }
0x4c: {  	[sflag:s31] =	ssyncadd.s32 $0xFFFFFF80  }
0x4d: {  	_ =	swait.ge [sflag:s31], $0x4000  }
0x4e: {  	s7 =	smin.u32 s24, $0x24;
	[sflag:s31] =	ssyncset.done $0x0  }
0x4f: {  	s7 =	sshll.u32 s7, $0x7;
	[sflag:s31] =	ssyncadd.s32 $0xFFFFC000  }
0x50: {  	[spmem:s2] =	stream.indirect.scatter.add.f32 [tilespmem:s26], [sflag:$0x3], $0x80, s3, s29, $0xb8;
	[tilespmem:$0x1C100] =	vst v63  }
0x51: {  	s7 =	sadd.s32 s7, s9;
	_ =	swait.ge [sflag:s28], $0x4000  }
0x52: {  	s24 =	sshrl.u32 s7, $0x3;
	[sflag:s28] =	ssyncset.done $0x0  }
0x53: {  	s7 =	sshll.u32 s7, $0x4;
	s24 =	sadd.s32 s5, s24;
	[sflag:s28] =	ssyncadd.s32 $0xFFFFC000  }
0x54: {  	[tilespmem:s3], [sflag:$0x1] =	stream.linear.gather [hbm4b:s24+s3], $0x80, $0x38;
	[tilespmem:$0x1C100] =	vst v63  }
0x55: {  	s7 =	sadd.s32 s4, s7  }
0x56: {  	[tilespmem:s26], [sflag:$0x1] =	stream.linear.gather [hbm4b:s7+s3], $0x4000, $0x38;
	[tilespmem:$0x1C100] =	vst v63  }
0x57: {  	_ =	swait.ge [sflag:s0], $0x80  }
0x58: {  	[sflag:s0] =	ssyncset.done $0x0  }
0x59: {  	[sflag:s0] =	ssyncadd.s32 $0xFFFFFF80  }
0x5a: {  	_ =	swait.ge [sflag:s0], $0x4000  }
0x5b: {  	[sflag:s0] =	ssyncset.done $0x0  }
0x5c: {  	s25 =	smov.u32 s10;
	[sflag:s0] =	ssyncadd.s32 $0xFFFFC000  }
0x5d: {  	[spmem:s2] =	stream.indirect.scatter.add.f32 [tilespmem:s30], [sflag:$0x3], $0x80, s29, s29, $0xb8;
	[tilespmem:$0x1C100] =	vst v63  }
0x5e: {  	s24 =	smov.u32 s8;
	s7 =	simm.s32 $0x2;
	_ =	swait.ge [sflag:s28], $0x4000  }
.LBB2_4:
0x5f: {  	[sflag:s28] =	ssyncset.done $0x0  }
0x60: {  	s24 =	sadd.s32 $0x1000, s24;
	s25 =	sadd.s32 $0x20, s25;
	s11 =	smov.u32 s7  }
0x61: {  	p0 =	sne.s32 s7, $0x26;
	s7 =	sadd.s32 $0x2, s7;
	[sflag:s28] =	ssyncadd.s32 $0xFFFFC000  }
0x62: {  	[tilespmem:s29], [sflag:$0x2] =	stream.linear.gather [hbm4b:s25+s3], $0x80, $0x38;
	[tilespmem:$0x1C100] =	vst v63  }
0x63: {  	_ = 	snop  }
0x64: {  	[tilespmem:s30], [sflag:$0x2] =	stream.linear.gather [hbm4b:s24+s3], $0x4000, $0x38;
	[tilespmem:$0x1C100] =	vst v63  }
0x65: {  	_ =	swait.ge [sflag:s31], $0x80  }
0x66: {  	[sflag:s31] =	ssyncset.done $0x0  }
0x67: {  	[sflag:s31] =	ssyncadd.s32 $0xFFFFFF80  }
0x68: {  	_ =	swait.ge [sflag:s31], $0x4000  }
0x69: {  	s11 =	smin.u32 s11, $0x24;
	[sflag:s31] =	ssyncset.done $0x0  }
0x6a: {  	s11 =	sshll.u32 s11, $0x7;
	[sflag:s31] =	ssyncadd.s32 $0xFFFFC000  }
0x6b: {  	[spmem:s2] =	stream.indirect.scatter.add.f32 [tilespmem:s26], [sflag:$0x3], $0x80, s3, s29, $0xb8;
	[tilespmem:$0x1C100] =	vst v63  }
0x6c: {  	s11 =	sadd.s32 s11, s9;
	_ =	swait.ge [sflag:s28], $0x4000  }
0x6d: {  	s12 =	sshrl.u32 s11, $0x3;
	s11 =	sshll.u32 s11, $0x4;
	[sflag:s28] =	ssyncset.done $0x0  }
0x6e: {  	s12 =	sadd.s32 s5, s12;
	s11 =	sadd.s32 s4, s11;
	[sflag:s28] =	ssyncadd.s32 $0xFFFFC000  }
0x6f: {  	[tilespmem:s3], [sflag:$0x1] =	stream.linear.gather [hbm4b:s12+s3], $0x80, $0x38;
	[tilespmem:$0x1C100] =	vst v63  }
0x70: {  	_ = 	snop  }
0x71: {  	[tilespmem:s26], [sflag:$0x1] =	stream.linear.gather [hbm4b:s11+s3], $0x4000, $0x38;
	[tilespmem:$0x1C100] =	vst v63  }
0x72: {  	_ =	swait.ge [sflag:s0], $0x80  }
0x73: {  	[sflag:s0] =	ssyncset.done $0x0  }
0x74: {  	[sflag:s0] =	ssyncadd.s32 $0xFFFFFF80  }
.Ltmp1:
0x75: {  	_ =	swait.ge [sflag:s0], $0x4000;
	(pc) =	sbr.rel @p0 .LBB2_4-.Ltmp1, $4  }
0x76: {  	[sflag:s0] =	ssyncset.done $0x0  }
0x77: {  	[sflag:s0] =	ssyncadd.s32 $0xFFFFC000  }
0x78: {  	[spmem:s2] =	stream.indirect.scatter.add.f32 [tilespmem:s30], [sflag:$0x3], $0x80, s29, s29, $0xb8;
	[tilespmem:$0x1C100] =	vst v63  }
0x79: {  	_ =	swait.ge [sflag:s28], $0x4000  }
0x7a: {  	[sflag:s28] =	ssyncset.done $0x0  }
0x7b: {  	[sflag:s28] =	ssyncadd.s32 $0xFFFFC000  }
0x7c: {  	_ =	swait.ge [sflag:s31], $0x80  }
0x7d: {  	[sflag:s31] =	ssyncset.done $0x0  }
0x7e: {  	[sflag:s31] =	ssyncadd.s32 $0xFFFFFF80  }
0x7f: {  	_ =	swait.ge [sflag:s31], $0x4000  }
0x80: {  	[sflag:s31] =	ssyncset.done $0x0  }
0x81: {  	[sflag:s31] =	ssyncadd.s32 $0xFFFFC000  }
0x82: {  	[bflag:$0x0] =	sbarrier.arrive $0xFFFF  }
0x83: {  	[tilespmem:s26], [sflag:$0x3] =	stream.linear.gather [spmem:s6], $0x4000, $0x38;
	[tilespmem:$0x1C100] =	vst v63  }
0x84: {  	_ =	swait.ge [sflag:s28], $0x4000  }
0x85: {  	[sflag:s28] =	ssyncset.done $0x0  }
0x86: {  	s7 =	rddreg [dreg:$0x7];
	[sflag:s28] =	ssyncadd.s32 $0xFFFFC000  }
0x87: {  	[hbm4b:s7+s3] =	stream.linear.scatter [tilespmem:s26], [sflag:$0x3], $0x4000, $0x38;
	[tilespmem:$0x1C100] =	vst v63  }
0x88: {  	_ =	swait.ge [sflag:s28], $0x4000  }
0x89: {  	[sflag:s28] =	ssyncset.done $0x0  }
0x8a: {  	[sflag:s28] =	ssyncadd.s32 $0xFFFFC000  }
0x8b: {  	[tilespmem:s26], [sflag:$0x3] =	stream.linear.gather [spmem:s20], $0x4000, $0x38;
	[tilespmem:$0x1C100] =	vst v63  }
0x8c: {  	_ =	swait.ge [sflag:s28], $0x4000  }
0x8d: {  	[sflag:s28] =	ssyncset.done $0x0  }
0x8e: {  	[sflag:s28] =	ssyncadd.s32 $0xFFFFC000  }
0x8f: {  	[hbm4b:s13+s3] =	stream.linear.scatter [tilespmem:s26], [sflag:$0x3], $0x4000, $0x38;
	[tilespmem:$0x1C100] =	vst v63  }
0x90: {  	_ =	swait.ge [sflag:s28], $0x4000  }
0x91: {  	[sflag:s28] =	ssyncset.done $0x0  }
0x92: {  	[sflag:s28] =	ssyncadd.s32 $0xFFFFC000  }
0x93: {  	[tilespmem:s26], [sflag:$0x3] =	stream.linear.gather [spmem:s21], $0x4000, $0x38;
	[tilespmem:$0x1C100] =	vst v63  }
0x94: {  	_ =	swait.ge [sflag:s28], $0x4000  }
0x95: {  	[sflag:s28] =	ssyncset.done $0x0  }
0x96: {  	[sflag:s28] =	ssyncadd.s32 $0xFFFFC000  }
0x97: {  	[hbm4b:s14+s3] =	stream.linear.scatter [tilespmem:s26], [sflag:$0x3], $0x4000, $0x38;
	[tilespmem:$0x1C100] =	vst v63  }
0x98: {  	_ =	swait.ge [sflag:s28], $0x4000  }
0x99: {  	[sflag:s28] =	ssyncset.done $0x0  }
0x9a: {  	[sflag:s28] =	ssyncadd.s32 $0xFFFFC000  }
0x9b: {  	[tilespmem:s26], [sflag:$0x3] =	stream.linear.gather [spmem:s22], $0x4000, $0x38;
	[tilespmem:$0x1C100] =	vst v63  }
0x9c: {  	_ =	swait.ge [sflag:s28], $0x4000  }
0x9d: {  	[sflag:s28] =	ssyncset.done $0x0  }
0x9e: {  	[sflag:s28] =	ssyncadd.s32 $0xFFFFC000  }
0x9f: {  	[hbm4b:s15+s3] =	stream.linear.scatter [tilespmem:s26], [sflag:$0x3], $0x4000, $0x38;
	[tilespmem:$0x1C100] =	vst v63  }
0xa0: {  	_ =	swait.ge [sflag:s28], $0x4000  }
0xa1: {  	[sflag:s28] =	ssyncset.done $0x0  }
0xa2: {  	[sflag:s28] =	ssyncadd.s32 $0xFFFFC000  }
0xa3: {  	[tilespmem:s26], [sflag:$0x3] =	stream.linear.gather [spmem:s23], $0x4000, $0x38;
	[tilespmem:$0x1C100] =	vst v63  }
0xa4: {  	_ =	swait.ge [sflag:s28], $0x4000  }
0xa5: {  	[sflag:s28] =	ssyncset.done $0x0  }
0xa6: {  	[sflag:s28] =	ssyncadd.s32 $0xFFFFC000  }
0xa7: {  	[hbm4b:s16+s3] =	stream.linear.scatter [tilespmem:s26], [sflag:$0x3], $0x4000, $0x38;
	[tilespmem:$0x1C100] =	vst v63  }
0xa8: {  	_ =	swait.ge [sflag:s28], $0x4000  }
0xa9: {  	s1 =	sadd.s32 $0x1, s1;
	s25 =	rddreg [dreg:$0x5]  }
0xaa: {  	p0 =	sne.s32 s1, s25  }
.Ltmp2:
0xab: {  	_ = 	snop;
	(pc) =	sbr.rel @p0 .LBB2_1-.Ltmp2, $3  }
0xac: {  	_ =	sdelay $0x1  }
0xad: {  	[sflag:s28] =	ssyncset.done $0x0  }
0xae: {  	[sflag:s28] =	ssyncadd.s32 $0xFFFFC000  }
0xaf: {  	_ =	sfence.sel $0x180000  }
0xb0: {  	[bflag:$0x0] =	sbarrier.arrive $0xFFFF  }
0xb1: {  	_ =	strace $0x9000004D  }
0xb2: {  	s0 =	stileid.u32;
	[bflag:$0x2] =	sbarrier.arrive $0xFFFF  }
0xb3: {  	p0 =	sne.s32 s0, $0x0;
	s0 =	rddreg [dreg:$0x2]  }
0xb4: {  	s0 =	sadd.s32 @!p0 $0x100000, s0  }
0xb5: {  	[sflag:s0] =	ssyncadd.tile.s32 @!p0 $0x1;
	_ =	shalt  }
.Lfunc_end2:
_tile_overlayer_lowered:
.L_overlay_start_2:
0xb6: {  	(tag) =	ssettag $0x2  }
0xb7: {  	s0 =	rddreg [dreg:$0x0];
	s2 =	stileid.u32  }
0xb8: {  	s1 =	rddreg [dreg:$0x1];
	p0 =	sne.s32 s2, $0x0  }
0xb9: {  	s3 =	rddreg [dreg:$0x2];
	[bflag:$0x3] =	sbarrier.arrive $0xFFFF;
	s2 =	simm.s32 @!p0 $0x1C03  }
0xba: {  	[timem:s3], [sflag:s2] =	dma.local @!p0 [hbm:s0], s1  }
0xbb: {  	s0 =	simm.s32 @!p0 $0x3  }
0xbc: {  	_ =	swait.ge @!p0 [sflag:s0], s1  }
0xbd: {  	s1 =	ssub.s32 @!p0 $0x0, s1;
	[sflag:s0] =	ssyncset.done @!p0 $0x0  }
0xbe: {  	[sflag:s0] =	ssyncadd.s32 @!p0 s1  }
0xbf: {  	[bflag:$0x3] =	sbarrier.arrive $0xFFFF  }
0xc0: {  	_ =	shalt  }

// kernel: kernel.19.cloned.1.call-start
scs
__scs_entry_jumppad:
0x0: {  	(pc) =	sbr.rel $0x88, $3  }
0x1: {  	(tag) =	ssettag $0x0;
	lr =	simm.s32 $0x1  }
0x2: {  	[smem:$0x3F92] =	sst lr;
	_ =	strace $0xD0000000  }
0x3: {  	_ = 	snop  }
0x4: {  	_ = 	snop  }
0x5: {  	_ = 	snop  }
0x6: {  	_ = 	snop  }
0x7: {  	_ = 	snop  }
__scs_overlays_trampoline_lowered:
0x8: {  	[smem:$0x3FA1] =	sst s0  }
0x9: {  	[smem:$0x3FA2] =	sst s1  }
0xa: {  	[smem:$0x3FA3] =	sst s2  }
0xb: {  	[smem:$0x3FA4] =	sst s3  }
0xc: {  	[smem:$0x3FA5] =	sst s4  }
0xd: {  	[smem:$0x3FA6] =	sst s5  }
0xe: {  	[smem:$0x3FA7] =	sst s6  }
0xf: {  	[smem:$0x3FA8] =	sst s7  }
0x10: {  	[smem:$0x3FA9] =	sst s8  }
0x11: {  	[smem:$0x3FAA] =	sst s9;
	s0 =	simm.s32 @!p0 $0x0  }
0x12: {  	s1 =	sld [smem:$0x3F90];
	s0 =	simm.s32 @p0 $0x1  }
0x13: {  	[smem:$0x3FAB] =	sst s0;
	s0 =	simm.s32 @!p1 $0x0  }
0x14: {  	s2 =	sld [smem:$0x3F8F];
	s0 =	simm.s32 @p1 $0x1  }
0x15: {  	[smem:$0x3FAC] =	sst s0;
	s0 =	simm.s32 @!p2 $0x0  }
0x16: {  	s3 =	sld [smem:$0x3FDB];
	s0 =	simm.s32 @p2 $0x1  }
0x17: {  	s4 =	simm.s32 $0x1BF5;
	[smem:$0x3FAE] =	sst s0  }
0x18: {  	s0 =	sld [smem:$0x3F91];
	_ =	swait.ge [sflag:s4], $0x0  }
0x19: {  	s7 =	sld [smem:$0x3F92]  }
0x1a: {  	s8 =	sadd.s32 $0xFFFFE003, lr  }
0x1b: {  	s9 =	sadd.s32 $0xFFFFFEF7, lr;
	s5 =	simm.s32 $0xFFFFFFFF;
	p2 =	slt.u32 s8, $0xFFFFF086  }
0x1c: {  	p1 =	slt.u32 s9, $0xF7A;
	s5 =	simm.s32 @!p2 $0x0  }
0x1d: {  	s5 =	simm.s32 @p1 $0x1;
	p0 =	seq.s32 s7, s2  }
0x1e: {  	s7 =	smul.u32 @!p0 $0xF7A, s2;
	p2 =	seq.s32 @!p0 s5, $0x0  }
0x1f: {  	s9 =	smul.u32 $0xF7A, s1;
	s8 =	simm.s32 @!p0 $0x1BF5;
	p2 =	por !p2, p0  }
0x20: {  	[sflag:s8] =	ssyncset.s32 @!p0 $0xFFFFF086;
	s6 =	sadd.s32 @!p0 s3, s7;
	s7 =	simm.s32 @!p0 $0x108  }
0x21: {  	s3 =	sadd.s32 s3, s9;
	s6 =	sadd.s32 @!p0 $0x88, s6;
	s7 =	simm.s32 @p2 $0x1082  }
0x22: {  	[simem:s7], [sflag:s8] =	dma.local @!p0 [hbm:s6], $0xF7A  }
0x23: {  	s9 =	sor.u32 $0xD0000000, s2;
	s6 =	simm.s32 $0x108;
	_ =	swait.ge @!p0 [sflag:s8], $0x0  }
0x24: {  	s3 =	sadd.s32 $0x88, s3;
	s6 =	simm.s32 @!p1 $0x1082;
	[sflag:s4] =	ssyncset.s32 $0xFFFFF086  }
0x25: {  	[simem:s6], [sflag:s4] =	dma.local [hbm:s3], $0xF7A  }
0x26: {  	[smem:$0x3F92] =	sst s1;
	(tag) =	ssettag s2;
	_ =	strace s9  }
0x27: {  	s1 =	sld [smem:$0x3FA2]  }
0x28: {  	s2 =	sld [smem:$0x3FA3]  }
0x29: {  	s4 =	sld [smem:$0x3FA5]  }
0x2a: {  	p0 =	seq.s32 s5, $0x0;
	s5 =	sld [smem:$0x3FA6]  }
0x2b: {  	s6 =	sld [smem:$0x3FA7]  }
0x2c: {  	s7 =	sld [smem:$0x3FA8]  }
0x2d: {  	s3 =	simm.s32 $0x108;
	s8 =	sld [smem:$0x3FA9]  }
0x2e: {  	s3 =	simm.s32 @!p0 $0x1082;
	s9 =	sld [smem:$0x3FAA]  }
0x2f: {  	lr =	sadd.s32 s0, s3;
	s0 =	sld [smem:$0x3FA1]  }
0x30: {  	s3 =	sld [smem:$0x3FA4]  }
0x31: {  	[smem:$0x3FAD] =	sst s10  }
0x32: {  	s10 =	sld [smem:$0x3FAB];
	_ =	sdelay $0x3  }
0x33: {  	p0 =	seq.s32 s10, $0x1;
	s10 =	sld [smem:$0x3FAD];
	_ =	sdelay $0x3  }
0x34: {  	[smem:$0x3FAD] =	sst s10  }
0x35: {  	s10 =	sld [smem:$0x3FAC];
	_ =	sdelay $0x3  }
0x36: {  	p1 =	seq.s32 s10, $0x1;
	s10 =	sld [smem:$0x3FAD];
	_ =	sdelay $0x3  }
0x37: {  	[smem:$0x3FAD] =	sst s10  }
0x38: {  	s10 =	sld [smem:$0x3FAE]  }
0x39: {  	_ = 	snop;
	(pc) =	sbr.ind lr, $3  }
0x3a: {  	_ = 	snop  }
0x3b: {  	_ = 	snop  }
0x3c: {  	p2 =	seq.s32 s10, $0x1;
	s10 =	sld [smem:$0x3FAD]  }
0x3d: {  	_ =	shalt  }
0x3e: {  	_ =	shalt  }
0x3f: {  	_ =	shalt  }
0x40: {  	_ =	shalt  }
0x41: {  	_ =	shalt  }
0x42: {  	_ =	shalt  }
0x43: {  	_ =	shalt  }
0x44: {  	_ =	shalt  }
0x45: {  	_ =	shalt  }
0x46: {  	_ =	shalt  }
0x47: {  	_ =	shalt  }
0x48: {  	_ =	shalt  }
0x49: {  	_ =	shalt  }
0x4a: {  	_ =	shalt  }
0x4b: {  	_ =	shalt  }
0x4c: {  	_ =	shalt  }
0x4d: {  	_ =	shalt  }
0x4e: {  	_ =	shalt  }
0x4f: {  	_ =	shalt  }
0x50: {  	_ =	shalt  }
0x51: {  	_ =	shalt  }
0x52: {  	_ =	shalt  }
0x53: {  	_ =	shalt  }
0x54: {  	_ =	shalt  }
0x55: {  	_ =	shalt  }
0x56: {  	_ =	shalt  }
0x57: {  	_ =	shalt  }
0x58: {  	_ =	shalt  }
0x59: {  	_ =	shalt  }
0x5a: {  	_ =	shalt  }
0x5b: {  	_ =	shalt  }
0x5c: {  	_ =	shalt  }
0x5d: {  	_ =	shalt  }
0x5e: {  	_ =	shalt  }
0x5f: {  	_ =	shalt  }
0x60: {  	_ =	shalt  }
0x61: {  	_ =	shalt  }
0x62: {  	_ =	shalt  }
0x63: {  	_ =	shalt  }
0x64: {  	_ =	shalt  }
0x65: {  	_ =	shalt  }
0x66: {  	_ =	shalt  }
0x67: {  	_ =	shalt  }
0x68: {  	_ =	shalt  }
0x69: {  	_ =	shalt  }
0x6a: {  	_ =	shalt  }
0x6b: {  	_ =	shalt  }
0x6c: {  	_ =	shalt  }
0x6d: {  	_ =	shalt  }
0x6e: {  	_ =	shalt  }
0x6f: {  	_ =	shalt  }
0x70: {  	_ =	shalt  }
0x71: {  	_ =	shalt  }
0x72: {  	_ =	shalt  }
0x73: {  	_ =	shalt  }
0x74: {  	_ =	shalt  }
0x75: {  	_ =	shalt  }
0x76: {  	_ =	shalt  }
0x77: {  	_ =	shalt  }
0x78: {  	_ =	shalt  }
0x79: {  	_ =	shalt  }
0x7a: {  	_ =	shalt  }
0x7b: {  	_ =	shalt  }
0x7c: {  	_ =	shalt  }
0x7d: {  	_ =	shalt  }
0x7e: {  	_ =	shalt  }
0x7f: {  	_ =	shalt  }
0x80: {  	_ =	shalt  }
0x81: {  	_ =	shalt  }
0x82: {  	_ =	shalt  }
0x83: {  	_ =	shalt  }
0x84: {  	_ =	shalt  }
0x85: {  	_ =	shalt  }
0x86: {  	_ =	shalt  }
0x87: {  	_ =	shalt  }
.Lfunc_end0:
.L_simem_size_0:
called_computation.3_lowered:
.L_overlay_start_0:
0x88: {  	s2 =	sld [smem:$0x3FD9]  }
0x89: {  	s3 =	sld [smem:$0x3FFE];
	_ =	sdelay $0x1  }
0x8a: {  	s1 =	srdreg.scid  }
0x8b: {  	s0 =	sand.u32 $0x1, s1  }
0x8c: {  	s17 =	sshll.u32 s0, $0xA;
	s2 =	sadd.s32 s3, s2  }
0x8d: {  	s2 =	sadd.s32 s2, s17  }
0x8e: {  	[smem:$0x3FB9] =	sst s2  }
0x8f: {  	_ = 	snop  }
0x90: {  	(tm) =	ssettm $0x1  }
0x91: {  	s18 =	sld [smem:$0x3FFB];
	_ =	sdelay $0x3  }
0x92: {  	_ =	strace s18  }
0x93: {  	s2 =	sld [smem:$0x3FFC];
	_ =	sdelay $0x3  }
0x94: {  	_ =	strace s2  }
0x95: {  	s2 =	sld [smem:$0x3FFD];
	_ =	sdelay $0x3  }
0x96: {  	_ =	strace s2  }
0x97: {  	_ =	strace $0x8FFFFFFF  }
0x98: {  	s19 =	sld [smem:$0x3FDB];
	_ =	sdelay $0x1  }
0x99: {  	s20 =	simm.s32 $_scs_section_size  }
0x9a: {  	s4 =	simm.s32 $_size__tile_overlayer_lowered;
	s5 =	simm.s32 $_tile_overlayer_lowered  }
0x9b: {  	s6 =	simm.s32 $0x1BFF;
	s21 =	sshll.u32 s5, $0x1;
	s3 =	sadd.s32 s20, s19  }
0x9c: {  	s22 =	simm.s32 $0x0;
	s4 =	sshll.u32 s4, $0x1;
	s5 =	sadd.s32 s21, s3  }
0x9d: {  	[timem:s22], [sflag:s6] =	dma.local [hbm:s5], s4  }
0x9e: {  	_ =	swait.ge [sflag:s6], s4  }
0x9f: {  	s4 =	ssub.s32 $0x0, s4;
	[sflag:s6] =	ssyncset.done $0x0  }
0xa0: {  	[sflag:s6] =	ssyncadd.s32 s4;
	_ =	sdelay $0x1  }
0xa1: {  	s23 =	simm.s32 $0x1B8B  }
0xa2: {  	_ =	swait.ge [sflag:s23], $0x1  }
0xa3: {  	[sflag:s23] =	ssyncset.done $0x0  }
0xa4: {  	[sflag:s23] =	ssyncadd.s32 $0xFFFFFFFF  }
0xa5: {  	s4 =	sld [smem:$0x0]  }
0xa6: {  	s5 =	sand.u32 $0xFFFFFFFE, s1  }
0xa7: {  	p0 =	sne.s32 s1, s5  }
0xa8: {  	s5 =	sshll.u32 @p0 s5, $0xE  }
0xa9: {  	s5 =	sadd.s32 @p0 $0x11B8D, s5;
	s6 =	sshll.u32 @p0 s4, $0x11  }
0xaa: {  	s5 =	sor.u32 @p0 s6, s5  }
0xab: {  	[sflag:s5] =	ssyncadd.remote.s32 @p0 $0x1;
	_ =	sdelay $0x1  }
0xac: {  	s5 =	simm.s32 @p0 $0x1B8D  }
0xad: {  	_ =	swait.eq @p0 [sflag:s5], $0x1  }
0xae: {  	[sflag:s5] =	ssyncadd.s32 @p0 $0xFFFFFFFF  }
0xaf: {  	s6 =	sshll.u32 @!p0 s1, $0xE  }
0xb0: {  	s6 =	sor.u32 @!p0 $0x4000, s6;
	s5 =	simm.s32 @!p0 $0x1B8D  }
0xb1: {  	s4 =	sshll.u32 @!p0 s4, $0x11;
	s6 =	sadd.s32 @!p0 $0x11B8D, s6;
	_ =	swait.eq @!p0 [sflag:s5], $0x1  }
0xb2: {  	s4 =	sor.u32 @!p0 s4, s6;
	[sflag:s5] =	ssyncadd.s32 @!p0 $0xFFFFFFFF  }
0xb3: {  	s25 =	simm.s32 $0x1B8E;
	s24 =	sld [smem:$0x3FFE];
	[sflag:s4] =	ssyncadd.remote.s32 @!p0 $0x1  }
0xb4: {  	s26 =	simm.s32 $execute0_lowered;
	[smem:$0x3FD2] =	sst s25  }
0xb5: {  	s5 =	sshll.u32 s26, $0x1;
	_ =	strace $0x8000004F;
	[dreg:$0x1] =	wrdreg $0xFFFFFFFF  }
0xb6: {  	s28 =	simm.s32 $_size_execute0_lowered;
	s3 =	sadd.s32 s3, s5;
	[dreg:$0x0] =	wrdreg $0x0  }
0xb7: {  	s5 =	sshll.u32 s28, $0x1;
	[dreg:$0x2] =	wrdreg s3  }
0xb8: {  	[dreg:$0x3] =	wrdreg s5  }
0xb9: {  	[dreg:$0x4] =	wrdreg $0xC0  }
0xba: {  	_ =	task [dreg:s22], $0x5FFFF  }
0xbb: {  	[dreg:$0x1] =	wrdreg $0xFFFFFFFF  }
0xbc: {  	[dreg:$0x0] =	wrdreg $0x60  }
0xbd: {  	[dreg:$0x2] =	wrdreg s24  }
0xbe: {  	[dreg:$0x3] =	wrdreg $0x81000  }
0xbf: {  	[dreg:$0x4] =	wrdreg $0x9  }
0xc0: {  	_ =	task.clear_ibuf [dreg:s22], $0x5FFFF;
	_ =	strace $0x9000004F  }
0xc1: {  	s29 =	simm.s32 $0x9;
	_ =	strace $0x80000051  }
0xc2: {  	_ =	swait.ge [sflag:s29], $0x1  }
0xc3: {  	[sflag:s29] =	ssyncadd.s32 $0xFFFFFFFF  }
0xc4: {  	_ =	strace $0x90000051  }
0xc5: {  	_ =	sfence  }
0xc6: {  	s30 =	sld [smem:$0x0];
	_ =	sdelay $0x2  }
0xc7: {  	s31 =	sshll.u32 s1, $0xD;
	s1 =	sshrl.u32 s1, $0x2  }
0xc8: {  	s4 =	sand.u32 $0x4000, s31;
	s1 =	sadd.s32 s1, s30  }
0xc9: {  	s0 =	sor.u32 s4, s0;
	s1 =	sshll.u32 s1, $0x11  }
0xca: {  	s0 =	sor.u32 s1, s0  }
0xcb: {  	s0 =	sadd.s32 $0x8F2B, s0  }
0xcc: {  	[sflag:s0] =	ssyncadd.remote.s32 $0x1  }
0xcd: {  	_ =	sfence.sel $0xFFFF  }
0xce: {  	[dreg:$0x0] =	wrdreg $0xFFFFFFFF;
	(pc) =	sbr.abs _section_cstart, $3  }
0xcf: {  	[dreg:$0x1] =	wrdreg $0xFFFFFFFF  }
0xd0: {  	_ =	task.clear_ibuf [dreg:s22], $0x2FFFF;
	_ =	strace $0x9FFFFFFF  }
0xd1: {  	(tm) =	ssettm $0x7FFFFFFF  }
tec
execute0_lowered:
.L_overlay_start_1:
0x0: {  	(tag) =	ssettag $0x1  }
0x1: {  	s0 =	rddreg [dreg:$0x0]  }
0x2: {  	s2 =	rddreg [dreg:$0x1];
	s3 =	simm.s32 $0x0;
	s12 =	stileid.u32  }
0x3: {  	s1 =	srdreg.scid;
	s28 =	simm.s32 $0x3;
	s10 =	smul.u32 $0x50000, s12  }
0x4: {  	s29 =	simm.s32 $0x80;
	s30 =	simm.s32 $0x4100;
	s15 =	smul.u32 $0x14000, s12  }
0x5: {  	s31 =	simm.s32 $0x1;
	s1 =	sand.u32 $0x1, s1;
	s16 =	smul.u32 $0x28000, s12  }
0x6: {  	[smem:$0x7FF] =	sst s3;
	s5 =	sshll.u32 s12, $0x1;
	s24 =	smul.u32 $0x140000, s1  }
0x7: {  	s4 =	sadd.s32 $0x4A200, s0;
	_ =	strace $0x80000050;
	s18 =	smul.u32 $0x14000, s1  }
0x8: {  	s6 =	sor.u32 s1, s5;
	s7 =	ssub.s32 $0x2, s1;
	s1 =	smul.u32 $0x1400, s1  }
0x9: {  	s5 =	sadd.s32 $0x40200, s0;
	s0 =	sadd.s32 $0x2CA200, s0;
	s8 =	smul.u32 $0x1400, s6  }
0xa: {  	s9 =	sshrl.u32 s7, $0x1;
	s11 =	smul.u32 $0x14000, s6;
	s23 =	sshrl.u32 s10, $0x2  }
0xb: {  	s21 =	sadd.s32 $0x8000, s15;
	s7 =	ssub.s32 s7, s9;
	s6 =	sadd.s32 s23, s2  }
0xc: {  	s14 =	sadd.s32 s24, s21;
	s21 =	sadd.s32 s21, s2;
	s22 =	sshrl.u32 s8, $0x3  }
0xd: {  	s25 =	sadd.s32 s4, s11;
	s7 =	smax.u32 s7, $0x1;
	s26 =	sadd.s32 $0x4000, s6  }
0xe: {  	s11 =	sadd.s32 $0x4000, s15;
	s20 =	sshrl.u32 s14, $0x3;
	[dreg:$0x4] =	wrdreg s25  }
0xf: {  	s17 =	sadd.s32 $0x8000, s6;
	s9 =	sadd.s32 s5, s22;
	[dreg:$0x5] =	wrdreg s7  }
0x10: {  	[dreg:$0x6] =	wrdreg s26;
	s13 =	sadd.s32 s24, s11;
	s22 =	sadd.s32 $0xC000, s15  }
0x11: {  	s14 =	sadd.s32 s0, s20;
	s25 =	smul.u32 $0x2800, s12;
	s20 =	sadd.s32 s11, s2  }
0x12: {  	s9 =	sadd.s32 $0x5000, s9;
	s19 =	sshrl.u32 s13, $0x3;
	s23 =	sadd.s32 s24, s22  }
0x13: {  	s22 =	sadd.s32 s22, s2;
	[dreg:$0x3] =	wrdreg s9;
	s9 =	sor.u32 $0x100, s8  }
0x14: {  	s8 =	sadd.s32 s24, s15;
	s13 =	sadd.s32 s0, s19;
	s19 =	sadd.s32 s16, s4  }
0x15: {  	s1 =	sadd.s32 s1, s25;
	s7 =	sshrl.u32 s8, $0x3;
	s26 =	sadd.s32 s18, s19  }
0x16: {  	s18 =	sadd.s32 $0xC000, s6;
	s19 =	sadd.s32 $0x10000, s6;
	s1 =	sadd.s32 $0x28080, s1  }
0x17: {  	s7 =	sadd.s32 s0, s7;
	s1 =	sshrl.u32 s1, $0x3;
	s8 =	sadd.s32 $0x800, s26  }
0x18: {  	[dreg:$0x7] =	wrdreg s7;
	s7 =	sshrl.u32 s23, $0x3;
	s23 =	sadd.s32 $0x10000, s15  }
0x19: {  	s26 =	simm.s32 $0x100;
	s10 =	sadd.s32 s1, s5;
	s24 =	sadd.s32 s24, s23  }
0x1a: {  	s1 =	simm.s32 $0x0;
	s15 =	sadd.s32 s0, s7;
	s7 =	sshrl.u32 s24, $0x3  }
0x1b: {  	v0 =	vimm.f32 $0.0e+00;
	s23 =	sadd.s32 s23, s2;
	s16 =	sadd.s32 s0, s7;
	s0 =	simm.s32 $0x2  }
.LBB2_1:
0x1c: {  	s7 =	simm.s32 $0x0;
	s24 =	simm.s32 $0x200  }
.LBB2_2:
0x1d: {  	p0 =	sne.s32 s24, $0xFE00;
	[tilespmem:s7+$0x170] =	vst v0  }
0x1e: {  	[tilespmem:s7+$0x100] =	vst v0  }
0x1f: {  	[tilespmem:s7+$0x110] =	vst v0  }
.Ltmp0:
0x20: {  	[tilespmem:s7+$0x120] =	vst v0;
	(pc) =	sbr.rel @p0 .LBB2_2-.Ltmp0, $4  }
0x21: {  	[tilespmem:s7+$0x130] =	vst v0  }
0x22: {  	[tilespmem:s7+$0x140] =	vst v0  }
0x23: {  	[tilespmem:s7+$0x150] =	vst v0  }
0x24: {  	[tilespmem:s7+$0x160] =	vst v0;
	s7 =	sshra.s32 s24, $0x2;
	s24 =	sadd.s32 $0x200, s24  }
0x25: {  	[tilespmem:s7+$0x170] =	vst v0  }
0x26: {  	[tilespmem:s7+$0x100] =	vst v0  }
0x27: {  	[tilespmem:s7+$0x110] =	vst v0  }
0x28: {  	[tilespmem:s7+$0x120] =	vst v0  }
0x29: {  	[tilespmem:s7+$0x130] =	vst v0  }
0x2a: {  	[tilespmem:s7+$0x140] =	vst v0  }
0x2b: {  	[tilespmem:s7+$0x150] =	vst v0  }
0x2c: {  	[tilespmem:s7+$0x160] =	vst v0  }
0x2d: {  	[spmem:s6] =	stream.linear.scatter [tilespmem:s26], [sflag:$0x3], $0x4000, $0x38;
	[tilespmem:$0x1C100] =	vst v63  }
0x2e: {  	_ =	swait.ge [sflag:s28], $0x4000  }
0x2f: {  	[sflag:s28] =	ssyncset.done $0x0  }
0x30: {  	s12 =	rddreg [dreg:$0x6];
	[sflag:s28] =	ssyncadd.s32 $0xFFFFC000  }
0x31: {  	[spmem:s12] =	stream.linear.scatter [tilespmem:s26], [sflag:$0x3], $0x4000, $0x38;
	[tilespmem:$0x1C100] =	vst v63  }
0x32: {  	_ =	swait.ge [sflag:s28], $0x4000  }
0x33: {  	[sflag:s28] =	ssyncset.done $0x0  }
0x34: {  	[sflag:s28] =	ssyncadd.s32 $0xFFFFC000  }
0x35: {  	[spmem:s17] =	stream.linear.scatter [tilespmem:s26], [sflag:$0x3], $0x4000, $0x38;
	[tilespmem:$0x1C100] =	vst v63  }
0x36: {  	_ =	swait.ge [sflag:s28], $0x4000  }
0x37: {  	[sflag:s28] =	ssyncset.done $0x0  }
0x38: {  	[sflag:s28] =	ssyncadd.s32 $0xFFFFC000  }
0x39: {  	[spmem:s18] =	stream.linear.scatter [tilespmem:s26], [sflag:$0x3], $0x4000, $0x38;
	[tilespmem:$0x1C100] =	vst v63  }
0x3a: {  	_ =	swait.ge [sflag:s28], $0x4000  }
0x3b: {  	[sflag:s28] =	ssyncset.done $0x0  }
0x3c: {  	[sflag:s28] =	ssyncadd.s32 $0xFFFFC000  }
0x3d: {  	[spmem:s19] =	stream.linear.scatter [tilespmem:s26], [sflag:$0x3], $0x4000, $0x38;
	[tilespmem:$0x1C100] =	vst v63  }
0x3e: {  	_ =	swait.ge [sflag:s28], $0x4000  }
0x3f: {  	[sflag:s28] =	ssyncset.done $0x0  }
0x40: {  	[sflag:s28] =	ssyncadd.s32 $0xFFFFC000  }
0x41: {  	[bflag:$0x0] =	sbarrier.arrive $0xFFFF  }
0x42: {  	s24 =	simm.s32 $0x0;
	s11 =	rddreg [dreg:$0x3]  }
0x43: {  	[tilespmem:s24], [sflag:$0x1] =	stream.linear.gather [hbm4b:s11+s24], $0x80, $0x38;
	[tilespmem:$0x1C100] =	vst v63  }
0x44: {  	s25 =	rddreg [dreg:$0x4]  }
0x45: {  	[tilespmem:s26], [sflag:$0x1] =	stream.linear.gather [hbm4b:s25+s24], $0x4000, $0x38;
	[tilespmem:$0x1C100] =	vst v63  }
0x46: {  	_ = 	snop  }
0x47: {  	[tilespmem:s29], [sflag:$0x2] =	stream.linear.gather [hbm4b:s10+s3], $0x80, $0x38;
	[tilespmem:$0x1C100] =	vst v63  }
0x48: {  	_ = 	snop  }
0x49: {  	[tilespmem:s30], [sflag:$0x2] =	stream.linear.gather [hbm4b:s8+s3], $0x4000, $0x38;
	[tilespmem:$0x1C100] =	vst v63  }
0x4a: {  	_ =	swait.ge [sflag:s31], $0x80  }
0x4b: {  	[sflag:s31] =	ssyncset.done $0x0  }
0x4c: {  	[sflag:s31] =	ssyncadd.s32 $0xFFFFFF80  }
0x4d: {  	s7 =	smin.u32 s24, $0x24;
	_ =	swait.ge [sflag:s31], $0x4000  }
0x4e: {  	s7 =	sshll.u32 s7, $0x7;
	[sflag:s31] =	ssyncset.done $0x0  }
0x4f: {  	s7 =	sadd.s32 s7, s9;
	[sflag:s31] =	ssyncadd.s32 $0xFFFFC000  }
0x50: {  	[spmem:s2] =	stream.indirect.scatter.add.f32 [tilespmem:s26], [sflag:$0x3], $0x80, s3, s29, $0xb8;
	[tilespmem:$0x1C100] =	vst v63  }
0x51: {  	s24 =	sshrl.u32 s7, $0x3;
	_ =	swait.ge [sflag:s28], $0x4000  }
0x52: {  	s24 =	sadd.s32 s5, s24;
	[sflag:s28] =	ssyncset.done $0x0  }
0x53: {  	s7 =	sshll.u32 s7, $0x4;
	s24 =	sadd.s32 $0x5000, s24;
	[sflag:s28] =	ssyncadd.s32 $0xFFFFC000  }
0x54: {  	[tilespmem:s3], [sflag:$0x1] =	stream.linear.gather [hbm4b:s24+s3], $0x80, $0x38;
	[tilespmem:$0x1C100] =	vst v63  }
0x55: {  	s7 =	sadd.s32 s4, s7  }
0x56: {  	[tilespmem:s26], [sflag:$0x1] =	stream.linear.gather [hbm4b:s7+s3], $0x4000, $0x38;
	[tilespmem:$0x1C100] =	vst v63  }
0x57: {  	_ =	swait.ge [sflag:s0], $0x80  }
0x58: {  	[sflag:s0] =	ssyncset.done $0x0  }
0x59: {  	[sflag:s0] =	ssyncadd.s32 $0xFFFFFF80  }
0x5a: {  	_ =	swait.ge [sflag:s0], $0x4000  }
0x5b: {  	[sflag:s0] =	ssyncset.done $0x0  }
0x5c: {  	s25 =	smov.u32 s10;
	[sflag:s0] =	ssyncadd.s32 $0xFFFFC000  }
0x5d: {  	[spmem:s2] =	stream.indirect.scatter.add.f32 [tilespmem:s30], [sflag:$0x3], $0x80, s29, s29, $0xb8;
	[tilespmem:$0x1C100] =	vst v63  }
0x5e: {  	s24 =	smov.u32 s8;
	s7 =	simm.s32 $0x2;
	_ =	swait.ge [sflag:s28], $0x4000  }
.LBB2_4:
0x5f: {  	[sflag:s28] =	ssyncset.done $0x0  }
0x60: {  	s24 =	sadd.s32 $0x1000, s24;
	s25 =	sadd.s32 $0x20, s25;
	s11 =	smov.u32 s7  }
0x61: {  	p0 =	sne.s32 s7, $0x26;
	s7 =	sadd.s32 $0x2, s7;
	[sflag:s28] =	ssyncadd.s32 $0xFFFFC000  }
0x62: {  	[tilespmem:s29], [sflag:$0x2] =	stream.linear.gather [hbm4b:s25+s3], $0x80, $0x38;
	[tilespmem:$0x1C100] =	vst v63  }
0x63: {  	_ = 	snop  }
0x64: {  	[tilespmem:s30], [sflag:$0x2] =	stream.linear.gather [hbm4b:s24+s3], $0x4000, $0x38;
	[tilespmem:$0x1C100] =	vst v63  }
0x65: {  	_ =	swait.ge [sflag:s31], $0x80  }
0x66: {  	[sflag:s31] =	ssyncset.done $0x0  }
0x67: {  	[sflag:s31] =	ssyncadd.s32 $0xFFFFFF80  }
0x68: {  	s11 =	smin.u32 s11, $0x24;
	_ =	swait.ge [sflag:s31], $0x4000  }
0x69: {  	s11 =	sshll.u32 s11, $0x7;
	[sflag:s31] =	ssyncset.done $0x0  }
0x6a: {  	s11 =	sadd.s32 s11, s9;
	[sflag:s31] =	ssyncadd.s32 $0xFFFFC000  }
0x6b: {  	[spmem:s2] =	stream.indirect.scatter.add.f32 [tilespmem:s26], [sflag:$0x3], $0x80, s3, s29, $0xb8;
	[tilespmem:$0x1C100] =	vst v63  }
0x6c: {  	s12 =	sshrl.u32 s11, $0x3;
	s11 =	sshll.u32 s11, $0x4;
	_ =	swait.ge [sflag:s28], $0x4000  }
0x6d: {  	s12 =	sadd.s32 s5, s12;
	[sflag:s28] =	ssyncset.done $0x0  }
0x6e: {  	s11 =	sadd.s32 s4, s11;
	s12 =	sadd.s32 $0x5000, s12;
	[sflag:s28] =	ssyncadd.s32 $0xFFFFC000  }
0x6f: {  	[tilespmem:s3], [sflag:$0x1] =	stream.linear.gather [hbm4b:s12+s3], $0x80, $0x38;
	[tilespmem:$0x1C100] =	vst v63  }
0x70: {  	_ = 	snop  }
0x71: {  	[tilespmem:s26], [sflag:$0x1] =	stream.linear.gather [hbm4b:s11+s3], $0x4000, $0x38;
	[tilespmem:$0x1C100] =	vst v63  }
0x72: {  	_ =	swait.ge [sflag:s0], $0x80  }
0x73: {  	[sflag:s0] =	ssyncset.done $0x0  }
0x74: {  	[sflag:s0] =	ssyncadd.s32 $0xFFFFFF80  }
.Ltmp1:
0x75: {  	_ =	swait.ge [sflag:s0], $0x4000;
	(pc) =	sbr.rel @p0 .LBB2_4-.Ltmp1, $4  }
0x76: {  	[sflag:s0] =	ssyncset.done $0x0  }
0x77: {  	[sflag:s0] =	ssyncadd.s32 $0xFFFFC000  }
0x78: {  	[spmem:s2] =	stream.indirect.scatter.add.f32 [tilespmem:s30], [sflag:$0x3], $0x80, s29, s29, $0xb8;
	[tilespmem:$0x1C100] =	vst v63  }
0x79: {  	_ =	swait.ge [sflag:s28], $0x4000  }
0x7a: {  	[sflag:s28] =	ssyncset.done $0x0  }
0x7b: {  	[sflag:s28] =	ssyncadd.s32 $0xFFFFC000  }
0x7c: {  	_ =	swait.ge [sflag:s31], $0x80  }
0x7d: {  	[sflag:s31] =	ssyncset.done $0x0  }
0x7e: {  	[sflag:s31] =	ssyncadd.s32 $0xFFFFFF80  }
0x7f: {  	_ =	swait.ge [sflag:s31], $0x4000  }
0x80: {  	[sflag:s31] =	ssyncset.done $0x0  }
0x81: {  	[sflag:s31] =	ssyncadd.s32 $0xFFFFC000  }
0x82: {  	[bflag:$0x0] =	sbarrier.arrive $0xFFFF  }
0x83: {  	[tilespmem:s26], [sflag:$0x3] =	stream.linear.gather [spmem:s6], $0x4000, $0x38;
	[tilespmem:$0x1C100] =	vst v63  }
0x84: {  	_ =	swait.ge [sflag:s28], $0x4000  }
0x85: {  	[sflag:s28] =	ssyncset.done $0x0  }
0x86: {  	s7 =	rddreg [dreg:$0x7];
	[sflag:s28] =	ssyncadd.s32 $0xFFFFC000  }
0x87: {  	[hbm4b:s7+s3] =	stream.linear.scatter [tilespmem:s26], [sflag:$0x3], $0x4000, $0x38;
	[tilespmem:$0x1C100] =	vst v63  }
0x88: {  	_ =	swait.ge [sflag:s28], $0x4000  }
0x89: {  	[sflag:s28] =	ssyncset.done $0x0  }
0x8a: {  	[sflag:s28] =	ssyncadd.s32 $0xFFFFC000  }
0x8b: {  	[tilespmem:s26], [sflag:$0x3] =	stream.linear.gather [spmem:s20], $0x4000, $0x38;
	[tilespmem:$0x1C100] =	vst v63  }
0x8c: {  	_ =	swait.ge [sflag:s28], $0x4000  }
0x8d: {  	[sflag:s28] =	ssyncset.done $0x0  }
0x8e: {  	[sflag:s28] =	ssyncadd.s32 $0xFFFFC000  }
0x8f: {  	[hbm4b:s13+s3] =	stream.linear.scatter [tilespmem:s26], [sflag:$0x3], $0x4000, $0x38;
	[tilespmem:$0x1C100] =	vst v63  }
0x90: {  	_ =	swait.ge [sflag:s28], $0x4000  }
0x91: {  	[sflag:s28] =	ssyncset.done $0x0  }
0x92: {  	[sflag:s28] =	ssyncadd.s32 $0xFFFFC000  }
0x93: {  	[tilespmem:s26], [sflag:$0x3] =	stream.linear.gather [spmem:s21], $0x4000, $0x38;
	[tilespmem:$0x1C100] =	vst v63  }
0x94: {  	_ =	swait.ge [sflag:s28], $0x4000  }
0x95: {  	[sflag:s28] =	ssyncset.done $0x0  }
0x96: {  	[sflag:s28] =	ssyncadd.s32 $0xFFFFC000  }
0x97: {  	[hbm4b:s14+s3] =	stream.linear.scatter [tilespmem:s26], [sflag:$0x3], $0x4000, $0x38;
	[tilespmem:$0x1C100] =	vst v63  }
0x98: {  	_ =	swait.ge [sflag:s28], $0x4000  }
0x99: {  	[sflag:s28] =	ssyncset.done $0x0  }
0x9a: {  	[sflag:s28] =	ssyncadd.s32 $0xFFFFC000  }
0x9b: {  	[tilespmem:s26], [sflag:$0x3] =	stream.linear.gather [spmem:s22], $0x4000, $0x38;
	[tilespmem:$0x1C100] =	vst v63  }
0x9c: {  	_ =	swait.ge [sflag:s28], $0x4000  }
0x9d: {  	[sflag:s28] =	ssyncset.done $0x0  }
0x9e: {  	[sflag:s28] =	ssyncadd.s32 $0xFFFFC000  }
0x9f: {  	[hbm4b:s15+s3] =	stream.linear.scatter [tilespmem:s26], [sflag:$0x3], $0x4000, $0x38;
	[tilespmem:$0x1C100] =	vst v63  }
0xa0: {  	_ =	swait.ge [sflag:s28], $0x4000  }
0xa1: {  	[sflag:s28] =	ssyncset.done $0x0  }
0xa2: {  	[sflag:s28] =	ssyncadd.s32 $0xFFFFC000  }
0xa3: {  	[tilespmem:s26], [sflag:$0x3] =	stream.linear.gather [spmem:s23], $0x4000, $0x38;
	[tilespmem:$0x1C100] =	vst v63  }
0xa4: {  	_ =	swait.ge [sflag:s28], $0x4000  }
0xa5: {  	[sflag:s28] =	ssyncset.done $0x0  }
0xa6: {  	[sflag:s28] =	ssyncadd.s32 $0xFFFFC000  }
0xa7: {  	[hbm4b:s16+s3] =	stream.linear.scatter [tilespmem:s26], [sflag:$0x3], $0x4000, $0x38;
	[tilespmem:$0x1C100] =	vst v63  }
0xa8: {  	_ =	swait.ge [sflag:s28], $0x4000  }
0xa9: {  	s1 =	sadd.s32 $0x1, s1;
	s25 =	rddreg [dreg:$0x5]  }
0xaa: {  	p0 =	sne.s32 s1, s25  }
.Ltmp2:
0xab: {  	_ = 	snop;
	(pc) =	sbr.rel @p0 .LBB2_1-.Ltmp2, $3  }
0xac: {  	_ =	sdelay $0x1  }
0xad: {  	[sflag:s28] =	ssyncset.done $0x0  }
0xae: {  	[sflag:s28] =	ssyncadd.s32 $0xFFFFC000  }
0xaf: {  	_ =	sfence.sel $0x180000  }
0xb0: {  	[bflag:$0x0] =	sbarrier.arrive $0xFFFF  }
0xb1: {  	_ =	strace $0x90000050  }
0xb2: {  	s0 =	stileid.u32;
	[bflag:$0x2] =	sbarrier.arrive $0xFFFF  }
0xb3: {  	p0 =	sne.s32 s0, $0x0;
	s0 =	rddreg [dreg:$0x2]  }
0xb4: {  	s0 =	sadd.s32 @!p0 $0x100000, s0  }
0xb5: {  	[sflag:s0] =	ssyncadd.tile.s32 @!p0 $0x1;
	_ =	shalt  }
.Lfunc_end2:
_tile_overlayer_lowered:
.L_overlay_start_2:
0xb6: {  	(tag) =	ssettag $0x2  }
0xb7: {  	s0 =	rddreg [dreg:$0x0];
	s2 =	stileid.u32  }
0xb8: {  	s1 =	rddreg [dreg:$0x1];
	p0 =	sne.s32 s2, $0x0  }
0xb9: {  	s3 =	rddreg [dreg:$0x2];
	[bflag:$0x3] =	sbarrier.arrive $0xFFFF;
	s2 =	simm.s32 @!p0 $0x1C03  }
0xba: {  	[timem:s3], [sflag:s2] =	dma.local @!p0 [hbm:s0], s1  }
0xbb: {  	s0 =	simm.s32 @!p0 $0x3  }
0xbc: {  	_ =	swait.ge @!p0 [sflag:s0], s1  }
0xbd: {  	s1 =	ssub.s32 @!p0 $0x0, s1;
	[sflag:s0] =	ssyncset.done @!p0 $0x0  }
0xbe: {  	[sflag:s0] =	ssyncadd.s32 @!p0 s1  }
0xbf: {  	[bflag:$0x3] =	sbarrier.arrive $0xFFFF  }
0xc0: {  	_ =	shalt  }

</sc_bundles>
